<compile_context>
chip_gen: v7x
topology: tpu7x:2x2x1
jax: 0.10.2.dev20260603
libtpu: 0.0.44.dev20260713+nightly
codegen_flags: <defaults>
</compile_context>

<pallas_src>
import functools

import jax
import jax.numpy as jnp
from jax import lax
from jax.experimental import pallas as pl
from jax.experimental.pallas import tpu as pltpu
from jax.experimental.pallas import tpu_sc as plsc

N_NODES = 10000
N_EDGES = 320000
D_FEAT = 128
D_EDGE = 16
N_GRAPHS = 512

NC = 2
NS = 16
EPAD = 327680
EPW = EPAD // NS
CHUNK = 64
NCHUNK = EPW // CHUNK
NPAD = 10240
HALF = NPAD // NC
ACC = HALF + 8
RPS = HALF // NS


def _sc_body(x_hbm, src_hbm, dst_hbm, attr_hbm, zx_hbm, aggx_out, comb_out,
             src_v, dst_v, rows_v, attr_raw, comb_v,
             src_b, dst_b, rows_b, attr_b, comb_b, dstm_v, dstm_b,
             aggx_sh, comb_sh, sem_ia, sem_ib, sem_ga, sem_gb,
             sem_sa, sem_sb):
    c = lax.axis_index("c")
    s = lax.axis_index("s")
    r0 = s * RPS

    pltpu.sync_copy(zx_hbm.at[pl.ds(0, CHUNK)], rows_v)
    z16 = jnp.zeros((16,), jnp.float32)
    o16 = jnp.ones((16,), jnp.float32)

    def crow(k, carry):
        for cv in (comb_v, comb_b):
            cv[k, pl.ds(0, 16)] = z16
            cv[k, pl.ds(16, 16)] = o16
            for j in range(2, 8):
                cv[k, pl.ds(16 * j, 16)] = z16
        return carry

    lax.fori_loop(0, CHUNK, crow, 0)

    for k in range(RPS // CHUNK):
        rk = r0 + k * CHUNK
        pltpu.sync_copy(rows_v, aggx_sh.at[pl.ds(rk, CHUNK)])
        pltpu.sync_copy(rows_v, comb_sh.at[pl.ds(rk, CHUNK)])

    @pl.when(s == 0)
    def _ztrash():
        pltpu.sync_copy(rows_v, aggx_sh.at[pl.ds(ACC - CHUNK, CHUNK)])
        pltpu.sync_copy(rows_v, comb_sh.at[pl.ds(ACC - CHUNK, CHUNK)])

    plsc.subcore_barrier()

    AW = CHUNK * D_EDGE // 128
    cbase = c * HALF
    EPWW = EPW * D_EDGE // 128

    def io_slices(j):
        jc = jnp.minimum(j, NCHUNK - 1)
        base = pl.multiple_of(s * EPW + jc * CHUNK, 8)
        wbase = pl.multiple_of(s * EPWW + jc * AW, 8)
        return base, wbase

    def prefetch_io(j, sv, dv, av, sem_i):
        base, wbase = io_slices(j)
        pltpu.async_copy(src_hbm.at[pl.ds(base, CHUNK)], sv, sem_i)
        pltpu.async_copy(dst_hbm.at[pl.ds(base, CHUNK)], dv, sem_i)
        pltpu.async_copy(attr_hbm.at[pl.ds(wbase, AW)], av, sem_i)

    def process(j, sv, dv, dmv, rv, av, cv, sem_i, sem_g, sem_s, first):
        base, wbase = io_slices(j)
        pltpu.make_async_copy(src_hbm.at[pl.ds(base, CHUNK)], sv, sem_i).wait()
        pltpu.make_async_copy(dst_hbm.at[pl.ds(base, CHUNK)], dv, sem_i).wait()
        pltpu.make_async_copy(attr_hbm.at[pl.ds(wbase, AW)], av, sem_i).wait()
        if not first:
            pltpu.make_async_copy(rv, aggx_sh.at[dmv], sem_s).wait()
            pltpu.make_async_copy(cv, comb_sh.at[dmv], sem_s).wait()
        pltpu.async_copy(x_hbm.at[sv], rv, sem_g)
        for t in range(CHUNK // 16):
            d = dv[pl.ds(16 * t, 16)] - cbase
            ok = (d >= 0) & (d < HALF)
            dmv[pl.ds(16 * t, 16)] = jnp.where(ok, d, HALF)
        for k in range(AW):
            for jj in range(8):
                cv[8 * k + jj, pl.ds(0, 16)] = av[k, pl.ds(16 * jj, 16)]
        pltpu.make_async_copy(x_hbm.at[sv], rv, sem_g).wait()
        pltpu.async_copy(rv, aggx_sh.at[dmv], sem_s, add=True)
        pltpu.async_copy(cv, comb_sh.at[dmv], sem_s, add=True)
        prefetch_io(j + 2, sv, dv, av, sem_i)

    bufa = (src_v, dst_v, dstm_v, rows_v, attr_raw, comb_v,
            sem_ia, sem_ga, sem_sa)
    bufb = (src_b, dst_b, dstm_b, rows_b, attr_b, comb_b,
            sem_ib, sem_gb, sem_sb)
    prefetch_io(0, src_v, dst_v, attr_raw, sem_ia)
    prefetch_io(1, src_b, dst_b, attr_b, sem_ib)
    process(0, *bufa, True)
    process(1, *bufb, True)

    def outer(jo, carry):
        process(2 * jo, *bufa, False)
        process(2 * jo + 1, *bufb, False)
        return carry

    lax.fori_loop(1, NCHUNK // 2, outer, 0)

    for sv, dv, dmv, rv, av, cv, sem_i, sem_g, sem_s in (bufa, bufb):
        base, wbase = io_slices(NCHUNK)
        pltpu.make_async_copy(rv, aggx_sh.at[dmv], sem_s).wait()
        pltpu.make_async_copy(cv, comb_sh.at[dmv], sem_s).wait()
        pltpu.make_async_copy(src_hbm.at[pl.ds(base, CHUNK)], sv, sem_i).wait()
        pltpu.make_async_copy(dst_hbm.at[pl.ds(base, CHUNK)], dv, sem_i).wait()
        pltpu.make_async_copy(attr_hbm.at[pl.ds(wbase, AW)], av, sem_i).wait()

    plsc.subcore_barrier()

    for k in range(RPS // CHUNK):
        rk = r0 + k * CHUNK
        pltpu.sync_copy(aggx_sh.at[pl.ds(rk, CHUNK)], rows_v)
        pltpu.sync_copy(rows_v, aggx_out.at[pl.ds(cbase + rk, CHUNK)])
        pltpu.sync_copy(comb_sh.at[pl.ds(rk, CHUNK)], rows_v)
        pltpu.sync_copy(rows_v, comb_out.at[pl.ds(cbase + rk, CHUNK)])


@jax.jit
def _sc_scatter(x, src, dst, attr_wide, zx):
    mesh = plsc.VectorSubcoreMesh(core_axis_name="c", subcore_axis_name="s",
                                  num_cores=NC, num_subcores=NS)
    f = pl.kernel(
        _sc_body,
        out_type=(
            jax.ShapeDtypeStruct((NPAD, D_FEAT), jnp.float32),
            jax.ShapeDtypeStruct((NPAD, 128), jnp.float32),
        ),
        mesh=mesh,
        scratch_types=[
            pltpu.VMEM((CHUNK,), jnp.int32),
            pltpu.VMEM((CHUNK,), jnp.int32),
            pltpu.VMEM((CHUNK, D_FEAT), jnp.float32),
            pltpu.VMEM((CHUNK * D_EDGE // 128, 128), jnp.float32),
            pltpu.VMEM((CHUNK, 128), jnp.float32),
            pltpu.VMEM((CHUNK,), jnp.int32),
            pltpu.VMEM((CHUNK,), jnp.int32),
            pltpu.VMEM((CHUNK, D_FEAT), jnp.float32),
            pltpu.VMEM((CHUNK * D_EDGE // 128, 128), jnp.float32),
            pltpu.VMEM((CHUNK, 128), jnp.float32),
            pltpu.VMEM((CHUNK,), jnp.int32),
            pltpu.VMEM((CHUNK,), jnp.int32),
            pltpu.VMEM_SHARED((ACC, D_FEAT), jnp.float32),
            pltpu.VMEM_SHARED((ACC, 128), jnp.float32),
            pltpu.SemaphoreType.DMA,
            pltpu.SemaphoreType.DMA,
            pltpu.SemaphoreType.DMA,
            pltpu.SemaphoreType.DMA,
            pltpu.SemaphoreType.DMA,
            pltpu.SemaphoreType.DMA,
        ],
    )
    return f(x, src, dst, attr_wide, zx)


ROWS_B = 2048
NSTEP = NPAD // ROWS_B


def _tc_body(aggx_ref, comb_ref, batch_ref, we_ref, wg_ref, bg_ref,
             w1_ref, b1_ref, w2_ref, b2_ref, z_ref, sums_ref, cnts_ref):
    i = pl.program_id(0)

    @pl.when(i == 0)
    def _init():
        sums_ref[...] = jnp.zeros_like(sums_ref)
        cnts_ref[...] = jnp.zeros_like(cnts_ref)

    aggx = aggx_ref[...]
    agge = comb_ref[:, 0:D_EDGE]
    deg = comb_ref[:, D_EDGE:D_EDGE + 1]
    agg = aggx + jnp.dot(agge, we_ref[...],
                         preferred_element_type=jnp.float32)
    agg = agg / jnp.maximum(deg, 1.0)
    h = jnp.maximum(jnp.dot(agg, wg_ref[...],
                            preferred_element_type=jnp.float32)
                    + bg_ref[...], 0.0)

    gid = lax.broadcasted_iota(jnp.int32, (ROWS_B, N_GRAPHS), 1)
    p = (batch_ref[...] == gid).astype(jnp.float32)
    dn = (((0,), (0,)), ((), ()))
    sums_ref[...] += lax.dot_general(p, h, dn,
                                     preferred_element_type=jnp.float32)
    ones = jnp.ones((ROWS_B, D_FEAT), jnp.float32)
    cnts_ref[...] += lax.dot_general(p, ones, dn,
                                     preferred_element_type=jnp.float32)

    @pl.when(i == NSTEP - 1)
    def _head():
        pooled = sums_ref[...] / jnp.maximum(cnts_ref[...], 1.0)
        z1 = jnp.maximum(jnp.dot(pooled, w1_ref[...],
                                 preferred_element_type=jnp.float32)
                         + b1_ref[...], 0.0)
        z_ref[...] = jnp.dot(z1, w2_ref[...],
                             preferred_element_type=jnp.float32) + b2_ref[...]


@jax.jit
def _tc_head(aggx_p, comb_p, batch2, W_e, W_gnn, b_gnn2, W1, b1_2,
             W2, b2_2):
    grid = (NSTEP,)
    full = lambda shape: pl.BlockSpec(shape, lambda i: (0,) * len(shape))
    return pl.pallas_call(
        _tc_body,
        grid=grid,
        in_specs=[
            pl.BlockSpec((ROWS_B, D_FEAT), lambda i: (i, 0)),
            pl.BlockSpec((ROWS_B, 128), lambda i: (i, 0)),
            pl.BlockSpec((ROWS_B, 1), lambda i: (i, 0)),
            full((D_EDGE, D_FEAT)),
            full((D_FEAT, D_FEAT)),
            full((1, D_FEAT)),
            full((D_FEAT, D_FEAT)),
            full((1, D_FEAT)),
            full((D_FEAT, D_FEAT)),
            full((1, D_FEAT)),
        ],
        out_specs=pl.BlockSpec((N_GRAPHS, D_FEAT), lambda i: (0, 0)),
        out_shape=jax.ShapeDtypeStruct((N_GRAPHS, D_FEAT), jnp.float32),
        scratch_shapes=[
            pltpu.VMEM((N_GRAPHS, D_FEAT), jnp.float32),
            pltpu.VMEM((N_GRAPHS, D_FEAT), jnp.float32),
        ],
    )(aggx_p, comb_p, batch2, W_e, W_gnn, b_gnn2, W1, b1_2, W2, b2_2)


def kernel(x, edge_index, edge_attr, batch, W_e, W_gnn, b_gnn, W1, b1, W2,
           b2):
    x = x.astype(jnp.float32)
    npadedge = EPAD - N_EDGES
    src = jnp.concatenate(
        [edge_index[0].astype(jnp.int32), jnp.zeros((npadedge,), jnp.int32)])
    dst = jnp.concatenate(
        [edge_index[1].astype(jnp.int32),
         jnp.full((npadedge,), NPAD - 1, jnp.int32)])
    attr_wide = jnp.concatenate(
        [edge_attr.astype(jnp.float32),
         jnp.zeros((npadedge, D_EDGE), jnp.float32)]).reshape(
             EPAD * D_EDGE // 128, 128)
    zx = jnp.zeros((NPAD, D_FEAT), jnp.float32)
    aggx_p, comb_p = _sc_scatter(x, src, dst, attr_wide, zx)
    batch_pad = jnp.full((NPAD, 1), N_GRAPHS, jnp.int32)
    batch_pad = batch_pad.at[:N_NODES, 0].set(batch.astype(jnp.int32))
    return _tc_head(aggx_p, comb_p, batch_pad,
                    W_e, W_gnn, b_gnn.reshape(1, D_FEAT),
                    W1, b1.reshape(1, D_FEAT), W2, b2.reshape(1, D_FEAT))

# --- scband reference (transcript-rebuilt; emitter-appended) ---
"""Pipeline reference for scband-graphcl-31997506355643 (READ-ONLY COPY).

The authoritative reference and input builder live on the scoring server;
editing this copy changes nothing except your own understanding.
"""

import jax, jax.numpy as jnp
import numpy as np

N_NODES = 10000
N_EDGES = 320000
D_FEAT = 128
D_EDGE = 16
N_GRAPHS = 512


def setup_inputs(seed: int = 0) -> dict:
    key = jax.random.key(seed)
    ks = jax.random.split(key, 12)
    x = jax.random.normal(ks[0], (N_NODES, D_FEAT), dtype=jnp.float32)
    edge_index = jax.random.randint(ks[1], (2, N_EDGES), 0, N_NODES, dtype=jnp.int64)
    edge_attr = jax.random.normal(ks[2], (N_EDGES, D_EDGE), dtype=jnp.float32)
    batch = jnp.sort(jax.random.randint(ks[3], (N_NODES,), 0, N_GRAPHS, dtype=jnp.int64))
    # gnn encoder params (single message-passing layer with edge features)
    W_e = jax.random.normal(ks[4], (D_EDGE, D_FEAT), dtype=jnp.float32) * 0.05
    W_gnn = jax.random.normal(ks[5], (D_FEAT, D_FEAT), dtype=jnp.float32) * 0.05
    b_gnn = jnp.zeros((D_FEAT,), dtype=jnp.float32)
    # projection head: Linear(128,128) -> ReLU -> Linear(128,128)
    W1 = jax.random.normal(ks[6], (D_FEAT, D_FEAT), dtype=jnp.float32) * 0.05
    b1 = jnp.zeros((D_FEAT,), dtype=jnp.float32)
    W2 = jax.random.normal(ks[7], (D_FEAT, D_FEAT), dtype=jnp.float32) * 0.05
    b2 = jnp.zeros((D_FEAT,), dtype=jnp.float32)
    return {"x": x, "edge_index": edge_index, "edge_attr": edge_attr, "batch": batch,
            "W_e": W_e, "W_gnn": W_gnn, "b_gnn": b_gnn,
            "W1": W1, "b1": b1, "W2": W2, "b2": b2}


def reference(x, edge_index, edge_attr, batch, W_e, W_gnn, b_gnn, W1, b1, W2, b2):
    x = x.astype(jnp.float32)
    src = edge_index[0]
    dst = edge_index[1]
    # gnn(x, edge_index, edge_attr): gather messages from src, mix in edge features,
    # scatter-add to dst, mean-normalize by in-degree, then linear + ReLU
    msg = jnp.take(x, src, axis=0) + edge_attr @ W_e            # gather [E, d]
    agg = jax.ops.segment_sum(msg, dst, num_segments=N_NODES)   # scatter-add
    deg = jax.ops.segment_sum(jnp.ones((msg.shape[0],), jnp.float32), dst, num_segments=N_NODES)
    h = agg / jnp.maximum(deg, 1.0)[:, None]
    h = jax.nn.relu(h @ W_gnn + b_gnn)
    # global_mean_pool(x, batch): segment mean over graph ids
    sums = jax.ops.segment_sum(h, batch, num_segments=N_GRAPHS)
    cnts = jax.ops.segment_sum(jnp.ones((h.shape[0],), jnp.float32), batch, num_segments=N_GRAPHS)
    pooled = sums / jnp.maximum(cnts, 1.0)[:, None]
    # projection head
    z = jax.nn.relu(pooled @ W1 + b1)
    z = z @ W2 + b2
    return z

if __name__ == "__main__":
    import jax
    _d = setup_inputs()
    print(jax.jit(kernel)(*tuple(_d.values())))

</pallas_src>

<mosaic_0001>
#map = affine_map<(d0, d1) -> (0, 0)>
#map1 = affine_map<(d0, d1) -> (0)>
module attributes {stable_mosaic.version = 14 : i64} {
  func.func @_sc_body(%arg0: i32, %arg1: i32, %arg2: memref<10000x128xf32, #tpu.memory_space<hbm>>, %arg3: memref<327680xi32, #tpu.memory_space<hbm>>, %arg4: memref<327680xi32, #tpu.memory_space<hbm>>, %arg5: memref<40960x128xf32, #tpu.memory_space<hbm>>, %arg6: memref<10240x128xf32, #tpu.memory_space<hbm>>, %arg7: memref<10240x128xf32, #tpu.memory_space<hbm>>, %arg8: memref<10240x128xf32, #tpu.memory_space<hbm>>, %arg9: memref<64xi32, #tpu.memory_space<vmem>>, %arg10: memref<64xi32, #tpu.memory_space<vmem>>, %arg11: memref<64x128xf32, #tpu.memory_space<vmem>>, %arg12: memref<8x128xf32, #tpu.memory_space<vmem>>, %arg13: memref<64x128xf32, #tpu.memory_space<vmem>>, %arg14: memref<64xi32, #tpu.memory_space<vmem>>, %arg15: memref<64xi32, #tpu.memory_space<vmem>>, %arg16: memref<64x128xf32, #tpu.memory_space<vmem>>, %arg17: memref<8x128xf32, #tpu.memory_space<vmem>>, %arg18: memref<64x128xf32, #tpu.memory_space<vmem>>, %arg19: memref<64xi32, #tpu.memory_space<vmem>>, %arg20: memref<64xi32, #tpu.memory_space<vmem>>, %arg21: memref<5128x128xf32, #tpu.memory_space<vmem_shared>>, %arg22: memref<5128x128xf32, #tpu.memory_space<vmem_shared>>, %arg23: memref<!tpu.dma_semaphore, #tpu.memory_space<semaphore_mem>>, %arg24: memref<!tpu.dma_semaphore, #tpu.memory_space<semaphore_mem>>, %arg25: memref<!tpu.dma_semaphore, #tpu.memory_space<semaphore_mem>>, %arg26: memref<!tpu.dma_semaphore, #tpu.memory_space<semaphore_mem>>, %arg27: memref<!tpu.dma_semaphore, #tpu.memory_space<semaphore_mem>>, %arg28: memref<!tpu.dma_semaphore, #tpu.memory_space<semaphore_mem>>) attributes {dimension_semantics = [#tpu.dimension_semantics<core_parallel>, #tpu.dimension_semantics<subcore_parallel>], iteration_bounds = array<i64: 2, 16>, scalar_prefetch = 0 : i64, scratch_operands = 20 : i64, tpu.core_type = #tpu.core_type<sc_vector_subcore>, window_params = [{transform_indices = #map}, {transform_indices = #map1}, {transform_indices = #map1}, {transform_indices = #map}, {transform_indices = #map}, {transform_indices = #map}, {transform_indices = #map}]} {
    %mul3A = arith.constant 320 : i32
    %mul3A_0 = arith.muli %arg1, %mul3A : i32
    "tpu.region"() ({
      %run_scoped3A = tpu.sem_alloc : memref<!tpu.dma_semaphore, #tpu.memory_space<semaphore_mem>>
      %dma_start3A_1817 = arith.constant 0 : i32
      %dma_start3A_1818 = arith.constant 0 : i32
      %dma_start3A_1819 = tpu.memref_slice %arg6[%dma_start3A_1817, %dma_start3A_1818] : memref<10240x128xf32, #tpu.memory_space<hbm>> -> memref<64x128xf32, #tpu.memory_space<hbm>>
      %dma_start3A_1820 = arith.constant 0 : i32
      %dma_start3A_1821 = arith.constant 0 : i32
      %dma_start3A_1822 = tpu.memref_slice %arg6[%dma_start3A_1820, %dma_start3A_1821] : memref<10240x128xf32, #tpu.memory_space<hbm>> -> memref<64x128xf32, #tpu.memory_space<hbm>>
      tpu.enqueue_dma source(%dma_start3A_1822 : memref<64x128xf32, #tpu.memory_space<hbm>>) target(%arg11 : memref<64x128xf32, #tpu.memory_space<vmem>>) target_semaphore(%run_scoped3A : memref<!tpu.dma_semaphore, #tpu.memory_space<semaphore_mem>>)
      %dma_wait3A_1823 = arith.constant 0 : i32
      %dma_wait3A_1824 = arith.constant 0 : i32
      %dma_wait3A_1825 = tpu.memref_slice %arg6[%dma_wait3A_1823, %dma_wait3A_1824] : memref<10240x128xf32, #tpu.memory_space<hbm>> -> memref<64x128xf32, #tpu.memory_space<hbm>>
      %dma_wait3A_1826 = arith.constant 0 : i32
      %dma_wait3A_1827 = arith.constant 0 : i32
      %dma_wait3A_1828 = tpu.memref_slice %arg6[%dma_wait3A_1826, %dma_wait3A_1827] : memref<10240x128xf32, #tpu.memory_space<hbm>> -> memref<64x128xf32, #tpu.memory_space<hbm>>
      tpu.wait_dma2 semaphore(%run_scoped3A : memref<!tpu.dma_semaphore, #tpu.memory_space<semaphore_mem>>) src(%dma_wait3A_1828 : memref<64x128xf32, #tpu.memory_space<hbm>>) dst(%arg11 : memref<64x128xf32, #tpu.memory_space<vmem>>)
      tpu.yield
    }) : () -> ()
    %broadcast_in_dim3A = arith.constant 0.000000e+00 : f32
    %broadcast_in_dim3A_1 = vector.broadcast %broadcast_in_dim3A : f32 to vector<16xf32>
    %broadcast_in_dim3A_2 = arith.constant 1.000000e+00 : f32
    %broadcast_in_dim3A_3 = vector.broadcast %broadcast_in_dim3A_2 : f32 to vector<16xf32>
    %scan3A = arith.constant 0 : i32
    %scan3A_4 = arith.constant 0 : i32
    %scan3A_5 = arith.constant 64 : i32
    %scan3A_6 = arith.addi %scan3A_4, %scan3A_5 : i32
    %scan3A_7 = arith.constant 1 : i32
    scf.for %scan3A_1817 = %scan3A_4 to %scan3A_6 step %scan3A_7  : i32 {
      %swap3A_1818 = arith.index_cast %scan3A_1817 : i32 to index
      %swap3A_1819 = arith.constant 0 : index
      %swap3A_1820 = tpu.vector_load %arg13[%swap3A_1818, %swap3A_1819] {strides = array<i32>} : memref<64x128xf32, #tpu.memory_space<vmem>>, vector<1x16xf32>,
      %swap3A_1821 = vector.shape_cast %swap3A_1820 : vector<1x16xf32> to vector<16xf32>
      %swap3A_1822 = vector.shape_cast %broadcast_in_dim3A_1 : vector<16xf32> to vector<1x16xf32>
      tpu.vector_store %arg13[%swap3A_1818, %swap3A_1819], %swap3A_1822 {strides = array<i32>} : memref<64x128xf32, #tpu.memory_space<vmem>>, vector<1x16xf32>,
      %swap3A_1823 = arith.index_cast %scan3A_1817 : i32 to index
      %swap3A_1824 = arith.constant 16 : index
      %swap3A_1825 = tpu.vector_load %arg13[%swap3A_1823, %swap3A_1824] {strides = array<i32>} : memref<64x128xf32, #tpu.memory_space<vmem>>, vector<1x16xf32>,
      %swap3A_1826 = vector.shape_cast %swap3A_1825 : vector<1x16xf32> to vector<16xf32>
      %swap3A_1827 = vector.shape_cast %broadcast_in_dim3A_3 : vector<16xf32> to vector<1x16xf32>
      tpu.vector_store %arg13[%swap3A_1823, %swap3A_1824], %swap3A_1827 {strides = array<i32>} : memref<64x128xf32, #tpu.memory_space<vmem>>, vector<1x16xf32>,
      %swap3A_1828 = arith.index_cast %scan3A_1817 : i32 to index
      %swap3A_1829 = arith.constant 32 : index
      %swap3A_1830 = tpu.vector_load %arg13[%swap3A_1828, %swap3A_1829] {strides = array<i32>} : memref<64x128xf32, #tpu.memory_space<vmem>>, vector<1x16xf32>,
      %swap3A_1831 = vector.shape_cast %swap3A_1830 : vector<1x16xf32> to vector<16xf32>
      %swap3A_1832 = vector.shape_cast %broadcast_in_dim3A_1 : vector<16xf32> to vector<1x16xf32>
      tpu.vector_store %arg13[%swap3A_1828, %swap3A_1829], %swap3A_1832 {strides = array<i32>} : memref<64x128xf32, #tpu.memory_space<vmem>>, vector<1x16xf32>,
      %swap3A_1833 = arith.index_cast %scan3A_1817 : i32 to index
      %swap3A_1834 = arith.constant 48 : index
      %swap3A_1835 = tpu.vector_load %arg13[%swap3A_1833, %swap3A_1834] {strides = array<i32>} : memref<64x128xf32, #tpu.memory_space<vmem>>, vector<1x16xf32>,
      %swap3A_1836 = vector.shape_cast %swap3A_1835 : vector<1x16xf32> to vector<16xf32>
      %swap3A_1837 = vector.shape_cast %broadcast_in_dim3A_1 : vector<16xf32> to vector<1x16xf32>
      tpu.vector_store %arg13[%swap3A_1833, %swap3A_1834], %swap3A_1837 {strides = array<i32>} : memref<64x128xf32, #tpu.memory_space<vmem>>, vector<1x16xf32>,
      %swap3A_1838 = arith.index_cast %scan3A_1817 : i32 to index
      %swap3A_1839 = arith.constant 64 : index
      %swap3A_1840 = tpu.vector_load %arg13[%swap3A_1838, %swap3A_1839] {strides = array<i32>} : memref<64x128xf32, #tpu.memory_space<vmem>>, vector<1x16xf32>,
      %swap3A_1841 = vector.shape_cast %swap3A_1840 : vector<1x16xf32> to vector<16xf32>
      %swap3A_1842 = vector.shape_cast %broadcast_in_dim3A_1 : vector<16xf32> to vector<1x16xf32>
      tpu.vector_store %arg13[%swap3A_1838, %swap3A_1839], %swap3A_1842 {strides = array<i32>} : memref<64x128xf32, #tpu.memory_space<vmem>>, vector<1x16xf32>,
      %swap3A_1843 = arith.index_cast %scan3A_1817 : i32 to index
      %swap3A_1844 = arith.constant 80 : index
      %swap3A_1845 = tpu.vector_load %arg13[%swap3A_1843, %swap3A_1844] {strides = array<i32>} : memref<64x128xf32, #tpu.memory_space<vmem>>, vector<1x16xf32>,
      %swap3A_1846 = vector.shape_cast %swap3A_1845 : vector<1x16xf32> to vector<16xf32>
      %swap3A_1847 = vector.shape_cast %broadcast_in_dim3A_1 : vector<16xf32> to vector<1x16xf32>
      tpu.vector_store %arg13[%swap3A_1843, %swap3A_1844], %swap3A_1847 {strides = array<i32>} : memref<64x128xf32, #tpu.memory_space<vmem>>, vector<1x16xf32>,
      %swap3A_1848 = arith.index_cast %scan3A_1817 : i32 to index
      %swap3A_1849 = arith.constant 96 : index
      %swap3A_1850 = tpu.vector_load %arg13[%swap3A_1848, %swap3A_1849] {strides = array<i32>} : memref<64x128xf32, #tpu.memory_space<vmem>>, vector<1x16xf32>,
      %swap3A_1851 = vector.shape_cast %swap3A_1850 : vector<1x16xf32> to vector<16xf32>
      %swap3A_1852 = vector.shape_cast %broadcast_in_dim3A_1 : vector<16xf32> to vector<1x16xf32>
      tpu.vector_store %arg13[%swap3A_1848, %swap3A_1849], %swap3A_1852 {strides = array<i32>} : memref<64x128xf32, #tpu.memory_space<vmem>>, vector<1x16xf32>,
      %swap3A_1853 = arith.index_cast %scan3A_1817 : i32 to index
      %swap3A_1854 = arith.constant 112 : index
      %swap3A_1855 = tpu.vector_load %arg13[%swap3A_1853, %swap3A_1854] {strides = array<i32>} : memref<64x128xf32, #tpu.memory_space<vmem>>, vector<1x16xf32>,
      %swap3A_1856 = vector.shape_cast %swap3A_1855 : vector<1x16xf32> to vector<16xf32>
      %swap3A_1857 = vector.shape_cast %broadcast_in_dim3A_1 : vector<16xf32> to vector<1x16xf32>
      tpu.vector_store %arg13[%swap3A_1853, %swap3A_1854], %swap3A_1857 {strides = array<i32>} : memref<64x128xf32, #tpu.memory_space<vmem>>, vector<1x16xf32>,
      %swap3A_1858 = arith.index_cast %scan3A_1817 : i32 to index
      %swap3A_1859 = arith.constant 0 : index
      %swap3A_1860 = tpu.vector_load %arg18[%swap3A_1858, %swap3A_1859] {strides = array<i32>} : memref<64x128xf32, #tpu.memory_space<vmem>>, vector<1x16xf32>,
      %swap3A_1861 = vector.shape_cast %swap3A_1860 : vector<1x16xf32> to vector<16xf32>
      %swap3A_1862 = vector.shape_cast %broadcast_in_dim3A_1 : vector<16xf32> to vector<1x16xf32>
      tpu.vector_store %arg18[%swap3A_1858, %swap3A_1859], %swap3A_1862 {strides = array<i32>} : memref<64x128xf32, #tpu.memory_space<vmem>>, vector<1x16xf32>,
      %swap3A_1863 = arith.index_cast %scan3A_1817 : i32 to index
      %swap3A_1864 = arith.constant 16 : index
      %swap3A_1865 = tpu.vector_load %arg18[%swap3A_1863, %swap3A_1864] {strides = array<i32>} : memref<64x128xf32, #tpu.memory_space<vmem>>, vector<1x16xf32>,
      %swap3A_1866 = vector.shape_cast %swap3A_1865 : vector<1x16xf32> to vector<16xf32>
      %swap3A_1867 = vector.shape_cast %broadcast_in_dim3A_3 : vector<16xf32> to vector<1x16xf32>
      tpu.vector_store %arg18[%swap3A_1863, %swap3A_1864], %swap3A_1867 {strides = array<i32>} : memref<64x128xf32, #tpu.memory_space<vmem>>, vector<1x16xf32>,
      %swap3A_1868 = arith.index_cast %scan3A_1817 : i32 to index
      %swap3A_1869 = arith.constant 32 : index
      %swap3A_1870 = tpu.vector_load %arg18[%swap3A_1868, %swap3A_1869] {strides = array<i32>} : memref<64x128xf32, #tpu.memory_space<vmem>>, vector<1x16xf32>,
      %swap3A_1871 = vector.shape_cast %swap3A_1870 : vector<1x16xf32> to vector<16xf32>
      %swap3A_1872 = vector.shape_cast %broadcast_in_dim3A_1 : vector<16xf32> to vector<1x16xf32>
      tpu.vector_store %arg18[%swap3A_1868, %swap3A_1869], %swap3A_1872 {strides = array<i32>} : memref<64x128xf32, #tpu.memory_space<vmem>>, vector<1x16xf32>,
      %swap3A_1873 = arith.index_cast %scan3A_1817 : i32 to index
      %swap3A_1874 = arith.constant 48 : index
      %swap3A_1875 = tpu.vector_load %arg18[%swap3A_1873, %swap3A_1874] {strides = array<i32>} : memref<64x128xf32, #tpu.memory_space<vmem>>, vector<1x16xf32>,
      %swap3A_1876 = vector.shape_cast %swap3A_1875 : vector<1x16xf32> to vector<16xf32>
      %swap3A_1877 = vector.shape_cast %broadcast_in_dim3A_1 : vector<16xf32> to vector<1x16xf32>
      tpu.vector_store %arg18[%swap3A_1873, %swap3A_1874], %swap3A_1877 {strides = array<i32>} : memref<64x128xf32, #tpu.memory_space<vmem>>, vector<1x16xf32>,
      %swap3A_1878 = arith.index_cast %scan3A_1817 : i32 to index
      %swap3A_1879 = arith.constant 64 : index
      %swap3A_1880 = tpu.vector_load %arg18[%swap3A_1878, %swap3A_1879] {strides = array<i32>} : memref<64x128xf32, #tpu.memory_space<vmem>>, vector<1x16xf32>,
      %swap3A_1881 = vector.shape_cast %swap3A_1880 : vector<1x16xf32> to vector<16xf32>
      %swap3A_1882 = vector.shape_cast %broadcast_in_dim3A_1 : vector<16xf32> to vector<1x16xf32>
      tpu.vector_store %arg18[%swap3A_1878, %swap3A_1879], %swap3A_1882 {strides = array<i32>} : memref<64x128xf32, #tpu.memory_space<vmem>>, vector<1x16xf32>,
      %swap3A_1883 = arith.index_cast %scan3A_1817 : i32 to index
      %swap3A_1884 = arith.constant 80 : index
      %swap3A_1885 = tpu.vector_load %arg18[%swap3A_1883, %swap3A_1884] {strides = array<i32>} : memref<64x128xf32, #tpu.memory_space<vmem>>, vector<1x16xf32>,
      %swap3A_1886 = vector.shape_cast %swap3A_1885 : vector<1x16xf32> to vector<16xf32>
      %swap3A_1887 = vector.shape_cast %broadcast_in_dim3A_1 : vector<16xf32> to vector<1x16xf32>
      tpu.vector_store %arg18[%swap3A_1883, %swap3A_1884], %swap3A_1887 {strides = array<i32>} : memref<64x128xf32, #tpu.memory_space<vmem>>, vector<1x16xf32>,
      %swap3A_1888 = arith.index_cast %scan3A_1817 : i32 to index
      %swap3A_1889 = arith.constant 96 : index
      %swap3A_1890 = tpu.vector_load %arg18[%swap3A_1888, %swap3A_1889] {strides = array<i32>} : memref<64x128xf32, #tpu.memory_space<vmem>>, vector<1x16xf32>,
      %swap3A_1891 = vector.shape_cast %swap3A_1890 : vector<1x16xf32> to vector<16xf32>
      %swap3A_1892 = vector.shape_cast %broadcast_in_dim3A_1 : vector<16xf32> to vector<1x16xf32>
      tpu.vector_store %arg18[%swap3A_1888, %swap3A_1889], %swap3A_1892 {strides = array<i32>} : memref<64x128xf32, #tpu.memory_space<vmem>>, vector<1x16xf32>,
      %swap3A_1893 = arith.index_cast %scan3A_1817 : i32 to index
      %swap3A_1894 = arith.constant 112 : index
      %swap3A_1895 = tpu.vector_load %arg18[%swap3A_1893, %swap3A_1894] {strides = array<i32>} : memref<64x128xf32, #tpu.memory_space<vmem>>, vector<1x16xf32>,
      %swap3A_1896 = vector.shape_cast %swap3A_1895 : vector<1x16xf32> to vector<16xf32>
      %swap3A_1897 = vector.shape_cast %broadcast_in_dim3A_1 : vector<16xf32> to vector<1x16xf32>
      tpu.vector_store %arg18[%swap3A_1893, %swap3A_1894], %swap3A_1897 {strides = array<i32>} : memref<64x128xf32, #tpu.memory_space<vmem>>, vector<1x16xf32>,
    }
    %scan3A_8 = arith.constant 64 : i32
    %add3A = arith.constant 0 : i32
    %add3A_9 = arith.addi %mul3A_0, %add3A : i32
    "tpu.region"() ({
      %run_scoped3A = tpu.sem_alloc : memref<!tpu.dma_semaphore, #tpu.memory_space<semaphore_mem>>
      %dma_start3A_1817 = arith.constant 0 : i32
      %dma_start3A_1818 = tpu.memref_slice %arg21[%add3A_9, %dma_start3A_1817] : memref<5128x128xf32, #tpu.memory_space<vmem_shared>> -> memref<64x128xf32, #tpu.memory_space<vmem_shared>>
      %dma_start3A_1819 = arith.constant 0 : i32
      %dma_start3A_1820 = tpu.memref_slice %arg21[%add3A_9, %dma_start3A_1819] : memref<5128x128xf32, #tpu.memory_space<vmem_shared>> -> memref<64x128xf32, #tpu.memory_space<vmem_shared>>
      tpu.enqueue_dma source(%arg11 : memref<64x128xf32, #tpu.memory_space<vmem>>) target(%dma_start3A_1820 : memref<64x128xf32, #tpu.memory_space<vmem_shared>>) target_semaphore(%run_scoped3A : memref<!tpu.dma_semaphore, #tpu.memory_space<semaphore_mem>>)
      %dma_wait3A_1821 = arith.constant 0 : i32
      %dma_wait3A_1822 = tpu.memref_slice %arg21[%add3A_9, %dma_wait3A_1821] : memref<5128x128xf32, #tpu.memory_space<vmem_shared>> -> memref<64x128xf32, #tpu.memory_space<vmem_shared>>
      %dma_wait3A_1823 = arith.constant 0 : i32
      %dma_wait3A_1824 = tpu.memref_slice %arg21[%add3A_9, %dma_wait3A_1823] : memref<5128x128xf32, #tpu.memory_space<vmem_shared>> -> memref<64x128xf32, #tpu.memory_space<vmem_shared>>
      tpu.wait_dma2 semaphore(%run_scoped3A : memref<!tpu.dma_semaphore, #tpu.memory_space<semaphore_mem>>) src(%arg11 : memref<64x128xf32, #tpu.memory_space<vmem>>) dst(%dma_wait3A_1824 : memref<64x128xf32, #tpu.memory_space<vmem_shared>>)
      tpu.yield
    }) : () -> ()
    "tpu.region"() ({
      %run_scoped3A = tpu.sem_alloc : memref<!tpu.dma_semaphore, #tpu.memory_space<semaphore_mem>>
      %dma_start3A_1817 = arith.constant 0 : i32
      %dma_start3A_1818 = tpu.memref_slice %arg22[%add3A_9, %dma_start3A_1817] : memref<5128x128xf32, #tpu.memory_space<vmem_shared>> -> memref<64x128xf32, #tpu.memory_space<vmem_shared>>
      %dma_start3A_1819 = arith.constant 0 : i32
      %dma_start3A_1820 = tpu.memref_slice %arg22[%add3A_9, %dma_start3A_1819] : memref<5128x128xf32, #tpu.memory_space<vmem_shared>> -> memref<64x128xf32, #tpu.memory_space<vmem_shared>>
      tpu.enqueue_dma source(%arg11 : memref<64x128xf32, #tpu.memory_space<vmem>>) target(%dma_start3A_1820 : memref<64x128xf32, #tpu.memory_space<vmem_shared>>) target_semaphore(%run_scoped3A : memref<!tpu.dma_semaphore, #tpu.memory_space<semaphore_mem>>)
      %dma_wait3A_1821 = arith.constant 0 : i32
      %dma_wait3A_1822 = tpu.memref_slice %arg22[%add3A_9, %dma_wait3A_1821] : memref<5128x128xf32, #tpu.memory_space<vmem_shared>> -> memref<64x128xf32, #tpu.memory_space<vmem_shared>>
      %dma_wait3A_1823 = arith.constant 0 : i32
      %dma_wait3A_1824 = tpu.memref_slice %arg22[%add3A_9, %dma_wait3A_1823] : memref<5128x128xf32, #tpu.memory_space<vmem_shared>> -> memref<64x128xf32, #tpu.memory_space<vmem_shared>>
      tpu.wait_dma2 semaphore(%run_scoped3A : memref<!tpu.dma_semaphore, #tpu.memory_space<semaphore_mem>>) src(%arg11 : memref<64x128xf32, #tpu.memory_space<vmem>>) dst(%dma_wait3A_1824 : memref<64x128xf32, #tpu.memory_space<vmem_shared>>)
      tpu.yield
    }) : () -> ()
    %add3A_10 = arith.constant 64 : i32
    %add3A_11 = arith.addi %mul3A_0, %add3A_10 : i32
    "tpu.region"() ({
      %run_scoped3A = tpu.sem_alloc : memref<!tpu.dma_semaphore, #tpu.memory_space<semaphore_mem>>
      %dma_start3A_1817 = arith.constant 0 : i32
      %dma_start3A_1818 = tpu.memref_slice %arg21[%add3A_11, %dma_start3A_1817] : memref<5128x128xf32, #tpu.memory_space<vmem_shared>> -> memref<64x128xf32, #tpu.memory_space<vmem_shared>>
      %dma_start3A_1819 = arith.constant 0 : i32
      %dma_start3A_1820 = tpu.memref_slice %arg21[%add3A_11, %dma_start3A_1819] : memref<5128x128xf32, #tpu.memory_space<vmem_shared>> -> memref<64x128xf32, #tpu.memory_space<vmem_shared>>
      tpu.enqueue_dma source(%arg11 : memref<64x128xf32, #tpu.memory_space<vmem>>) target(%dma_start3A_1820 : memref<64x128xf32, #tpu.memory_space<vmem_shared>>) target_semaphore(%run_scoped3A : memref<!tpu.dma_semaphore, #tpu.memory_space<semaphore_mem>>)
      %dma_wait3A_1821 = arith.constant 0 : i32
      %dma_wait3A_1822 = tpu.memref_slice %arg21[%add3A_11, %dma_wait3A_1821] : memref<5128x128xf32, #tpu.memory_space<vmem_shared>> -> memref<64x128xf32, #tpu.memory_space<vmem_shared>>
      %dma_wait3A_1823 = arith.constant 0 : i32
      %dma_wait3A_1824 = tpu.memref_slice %arg21[%add3A_11, %dma_wait3A_1823] : memref<5128x128xf32, #tpu.memory_space<vmem_shared>> -> memref<64x128xf32, #tpu.memory_space<vmem_shared>>
      tpu.wait_dma2 semaphore(%run_scoped3A : memref<!tpu.dma_semaphore, #tpu.memory_space<semaphore_mem>>) src(%arg11 : memref<64x128xf32, #tpu.memory_space<vmem>>) dst(%dma_wait3A_1824 : memref<64x128xf32, #tpu.memory_space<vmem_shared>>)
      tpu.yield
    }) : () -> ()
    "tpu.region"() ({
      %run_scoped3A = tpu.sem_alloc : memref<!tpu.dma_semaphore, #tpu.memory_space<semaphore_mem>>
      %dma_start3A_1817 = arith.constant 0 : i32
      %dma_start3A_1818 = tpu.memref_slice %arg22[%add3A_11, %dma_start3A_1817] : memref<5128x128xf32, #tpu.memory_space<vmem_shared>> -> memref<64x128xf32, #tpu.memory_space<vmem_shared>>
      %dma_start3A_1819 = arith.constant 0 : i32
      %dma_start3A_1820 = tpu.memref_slice %arg22[%add3A_11, %dma_start3A_1819] : memref<5128x128xf32, #tpu.memory_space<vmem_shared>> -> memref<64x128xf32, #tpu.memory_space<vmem_shared>>
      tpu.enqueue_dma source(%arg11 : memref<64x128xf32, #tpu.memory_space<vmem>>) target(%dma_start3A_1820 : memref<64x128xf32, #tpu.memory_space<vmem_shared>>) target_semaphore(%run_scoped3A : memref<!tpu.dma_semaphore, #tpu.memory_space<semaphore_mem>>)
      %dma_wait3A_1821 = arith.constant 0 : i32
      %dma_wait3A_1822 = tpu.memref_slice %arg22[%add3A_11, %dma_wait3A_1821] : memref<5128x128xf32, #tpu.memory_space<vmem_shared>> -> memref<64x128xf32, #tpu.memory_space<vmem_shared>>
      %dma_wait3A_1823 = arith.constant 0 : i32
      %dma_wait3A_1824 = tpu.memref_slice %arg22[%add3A_11, %dma_wait3A_1823] : memref<5128x128xf32, #tpu.memory_space<vmem_shared>> -> memref<64x128xf32, #tpu.memory_space<vmem_shared>>
      tpu.wait_dma2 semaphore(%run_scoped3A : memref<!tpu.dma_semaphore, #tpu.memory_space<semaphore_mem>>) src(%arg11 : memref<64x128xf32, #tpu.memory_space<vmem>>) dst(%dma_wait3A_1824 : memref<64x128xf32, #tpu.memory_space<vmem_shared>>)
      tpu.yield
    }) : () -> ()
    %add3A_12 = arith.constant 128 : i32
    %add3A_13 = arith.addi %mul3A_0, %add3A_12 : i32
    "tpu.region"() ({
      %run_scoped3A = tpu.sem_alloc : memref<!tpu.dma_semaphore, #tpu.memory_space<semaphore_mem>>
      %dma_start3A_1817 = arith.constant 0 : i32
      %dma_start3A_1818 = tpu.memref_slice %arg21[%add3A_13, %dma_start3A_1817] : memref<5128x128xf32, #tpu.memory_space<vmem_shared>> -> memref<64x128xf32, #tpu.memory_space<vmem_shared>>
      %dma_start3A_1819 = arith.constant 0 : i32
      %dma_start3A_1820 = tpu.memref_slice %arg21[%add3A_13, %dma_start3A_1819] : memref<5128x128xf32, #tpu.memory_space<vmem_shared>> -> memref<64x128xf32, #tpu.memory_space<vmem_shared>>
      tpu.enqueue_dma source(%arg11 : memref<64x128xf32, #tpu.memory_space<vmem>>) target(%dma_start3A_1820 : memref<64x128xf32, #tpu.memory_space<vmem_shared>>) target_semaphore(%run_scoped3A : memref<!tpu.dma_semaphore, #tpu.memory_space<semaphore_mem>>)
      %dma_wait3A_1821 = arith.constant 0 : i32
      %dma_wait3A_1822 = tpu.memref_slice %arg21[%add3A_13, %dma_wait3A_1821] : memref<5128x128xf32, #tpu.memory_space<vmem_shared>> -> memref<64x128xf32, #tpu.memory_space<vmem_shared>>
      %dma_wait3A_1823 = arith.constant 0 : i32
      %dma_wait3A_1824 = tpu.memref_slice %arg21[%add3A_13, %dma_wait3A_1823] : memref<5128x128xf32, #tpu.memory_space<vmem_shared>> -> memref<64x128xf32, #tpu.memory_space<vmem_shared>>
      tpu.wait_dma2 semaphore(%run_scoped3A : memref<!tpu.dma_semaphore, #tpu.memory_space<semaphore_mem>>) src(%arg11 : memref<64x128xf32, #tpu.memory_space<vmem>>) dst(%dma_wait3A_1824 : memref<64x128xf32, #tpu.memory_space<vmem_shared>>)
      tpu.yield
    }) : () -> ()
    "tpu.region"() ({
      %run_scoped3A = tpu.sem_alloc : memref<!tpu.dma_semaphore, #tpu.memory_space<semaphore_mem>>
      %dma_start3A_1817 = arith.constant 0 : i32
      %dma_start3A_1818 = tpu.memref_slice %arg22[%add3A_13, %dma_start3A_1817] : memref<5128x128xf32, #tpu.memory_space<vmem_shared>> -> memref<64x128xf32, #tpu.memory_space<vmem_shared>>
      %dma_start3A_1819 = arith.constant 0 : i32
      %dma_start3A_1820 = tpu.memref_slice %arg22[%add3A_13, %dma_start3A_1819] : memref<5128x128xf32, #tpu.memory_space<vmem_shared>> -> memref<64x128xf32, #tpu.memory_space<vmem_shared>>
      tpu.enqueue_dma source(%arg11 : memref<64x128xf32, #tpu.memory_space<vmem>>) target(%dma_start3A_1820 : memref<64x128xf32, #tpu.memory_space<vmem_shared>>) target_semaphore(%run_scoped3A : memref<!tpu.dma_semaphore, #tpu.memory_space<semaphore_mem>>)
      %dma_wait3A_1821 = arith.constant 0 : i32
      %dma_wait3A_1822 = tpu.memref_slice %arg22[%add3A_13, %dma_wait3A_1821] : memref<5128x128xf32, #tpu.memory_space<vmem_shared>> -> memref<64x128xf32, #tpu.memory_space<vmem_shared>>
      %dma_wait3A_1823 = arith.constant 0 : i32
      %dma_wait3A_1824 = tpu.memref_slice %arg22[%add3A_13, %dma_wait3A_1823] : memref<5128x128xf32, #tpu.memory_space<vmem_shared>> -> memref<64x128xf32, #tpu.memory_space<vmem_shared>>
      tpu.wait_dma2 semaphore(%run_scoped3A : memref<!tpu.dma_semaphore, #tpu.memory_space<semaphore_mem>>) src(%arg11 : memref<64x128xf32, #tpu.memory_space<vmem>>) dst(%dma_wait3A_1824 : memref<64x128xf32, #tpu.memory_space<vmem_shared>>)
      tpu.yield
    }) : () -> ()
    %add3A_14 = arith.constant 192 : i32
    %add3A_15 = arith.addi %mul3A_0, %add3A_14 : i32
    "tpu.region"() ({
      %run_scoped3A = tpu.sem_alloc : memref<!tpu.dma_semaphore, #tpu.memory_space<semaphore_mem>>
      %dma_start3A_1817 = arith.constant 0 : i32
      %dma_start3A_1818 = tpu.memref_slice %arg21[%add3A_15, %dma_start3A_1817] : memref<5128x128xf32, #tpu.memory_space<vmem_shared>> -> memref<64x128xf32, #tpu.memory_space<vmem_shared>>
      %dma_start3A_1819 = arith.constant 0 : i32
      %dma_start3A_1820 = tpu.memref_slice %arg21[%add3A_15, %dma_start3A_1819] : memref<5128x128xf32, #tpu.memory_space<vmem_shared>> -> memref<64x128xf32, #tpu.memory_space<vmem_shared>>
      tpu.enqueue_dma source(%arg11 : memref<64x128xf32, #tpu.memory_space<vmem>>) target(%dma_start3A_1820 : memref<64x128xf32, #tpu.memory_space<vmem_shared>>) target_semaphore(%run_scoped3A : memref<!tpu.dma_semaphore, #tpu.memory_space<semaphore_mem>>)
      %dma_wait3A_1821 = arith.constant 0 : i32
      %dma_wait3A_1822 = tpu.memref_slice %arg21[%add3A_15, %dma_wait3A_1821] : memref<5128x128xf32, #tpu.memory_space<vmem_shared>> -> memref<64x128xf32, #tpu.memory_space<vmem_shared>>
      %dma_wait3A_1823 = arith.constant 0 : i32
      %dma_wait3A_1824 = tpu.memref_slice %arg21[%add3A_15, %dma_wait3A_1823] : memref<5128x128xf32, #tpu.memory_space<vmem_shared>> -> memref<64x128xf32, #tpu.memory_space<vmem_shared>>
      tpu.wait_dma2 semaphore(%run_scoped3A : memref<!tpu.dma_semaphore, #tpu.memory_space<semaphore_mem>>) src(%arg11 : memref<64x128xf32, #tpu.memory_space<vmem>>) dst(%dma_wait3A_1824 : memref<64x128xf32, #tpu.memory_space<vmem_shared>>)
      tpu.yield
    }) : () -> ()
    "tpu.region"() ({
      %run_scoped3A = tpu.sem_alloc : memref<!tpu.dma_semaphore, #tpu.memory_space<semaphore_mem>>
      %dma_start3A_1817 = arith.constant 0 : i32
      %dma_start3A_1818 = tpu.memref_slice %arg22[%add3A_15, %dma_start3A_1817] : memref<5128x128xf32, #tpu.memory_space<vmem_shared>> -> memref<64x128xf32, #tpu.memory_space<vmem_shared>>
      %dma_start3A_1819 = arith.constant 0 : i32
      %dma_start3A_1820 = tpu.memref_slice %arg22[%add3A_15, %dma_start3A_1819] : memref<5128x128xf32, #tpu.memory_space<vmem_shared>> -> memref<64x128xf32, #tpu.memory_space<vmem_shared>>
      tpu.enqueue_dma source(%arg11 : memref<64x128xf32, #tpu.memory_space<vmem>>) target(%dma_start3A_1820 : memref<64x128xf32, #tpu.memory_space<vmem_shared>>) target_semaphore(%run_scoped3A : memref<!tpu.dma_semaphore, #tpu.memory_space<semaphore_mem>>)
      %dma_wait3A_1821 = arith.constant 0 : i32
      %dma_wait3A_1822 = tpu.memref_slice %arg22[%add3A_15, %dma_wait3A_1821] : memref<5128x128xf32, #tpu.memory_space<vmem_shared>> -> memref<64x128xf32, #tpu.memory_space<vmem_shared>>
      %dma_wait3A_1823 = arith.constant 0 : i32
      %dma_wait3A_1824 = tpu.memref_slice %arg22[%add3A_15, %dma_wait3A_1823] : memref<5128x128xf32, #tpu.memory_space<vmem_shared>> -> memref<64x128xf32, #tpu.memory_space<vmem_shared>>
      tpu.wait_dma2 semaphore(%run_scoped3A : memref<!tpu.dma_semaphore, #tpu.memory_space<semaphore_mem>>) src(%arg11 : memref<64x128xf32, #tpu.memory_space<vmem>>) dst(%dma_wait3A_1824 : memref<64x128xf32, #tpu.memory_space<vmem_shared>>)
      tpu.yield
    }) : () -> ()
    %add3A_16 = arith.constant 256 : i32
    %add3A_17 = arith.addi %mul3A_0, %add3A_16 : i32
    "tpu.region"() ({
      %run_scoped3A = tpu.sem_alloc : memref<!tpu.dma_semaphore, #tpu.memory_space<semaphore_mem>>
      %dma_start3A_1817 = arith.constant 0 : i32
      %dma_start3A_1818 = tpu.memref_slice %arg21[%add3A_17, %dma_start3A_1817] : memref<5128x128xf32, #tpu.memory_space<vmem_shared>> -> memref<64x128xf32, #tpu.memory_space<vmem_shared>>
      %dma_start3A_1819 = arith.constant 0 : i32
      %dma_start3A_1820 = tpu.memref_slice %arg21[%add3A_17, %dma_start3A_1819] : memref<5128x128xf32, #tpu.memory_space<vmem_shared>> -> memref<64x128xf32, #tpu.memory_space<vmem_shared>>
      tpu.enqueue_dma source(%arg11 : memref<64x128xf32, #tpu.memory_space<vmem>>) target(%dma_start3A_1820 : memref<64x128xf32, #tpu.memory_space<vmem_shared>>) target_semaphore(%run_scoped3A : memref<!tpu.dma_semaphore, #tpu.memory_space<semaphore_mem>>)
      %dma_wait3A_1821 = arith.constant 0 : i32
      %dma_wait3A_1822 = tpu.memref_slice %arg21[%add3A_17, %dma_wait3A_1821] : memref<5128x128xf32, #tpu.memory_space<vmem_shared>> -> memref<64x128xf32, #tpu.memory_space<vmem_shared>>
      %dma_wait3A_1823 = arith.constant 0 : i32
      %dma_wait3A_1824 = tpu.memref_slice %arg21[%add3A_17, %dma_wait3A_1823] : memref<5128x128xf32, #tpu.memory_space<vmem_shared>> -> memref<64x128xf32, #tpu.memory_space<vmem_shared>>
      tpu.wait_dma2 semaphore(%run_scoped3A : memref<!tpu.dma_semaphore, #tpu.memory_space<semaphore_mem>>) src(%arg11 : memref<64x128xf32, #tpu.memory_space<vmem>>) dst(%dma_wait3A_1824 : memref<64x128xf32, #tpu.memory_space<vmem_shared>>)
      tpu.yield
    }) : () -> ()
    "tpu.region"() ({
      %run_scoped3A = tpu.sem_alloc : memref<!tpu.dma_semaphore, #tpu.memory_space<semaphore_mem>>
      %dma_start3A_1817 = arith.constant 0 : i32
      %dma_start3A_1818 = tpu.memref_slice %arg22[%add3A_17, %dma_start3A_1817] : memref<5128x128xf32, #tpu.memory_space<vmem_shared>> -> memref<64x128xf32, #tpu.memory_space<vmem_shared>>
      %dma_start3A_1819 = arith.constant 0 : i32
      %dma_start3A_1820 = tpu.memref_slice %arg22[%add3A_17, %dma_start3A_1819] : memref<5128x128xf32, #tpu.memory_space<vmem_shared>> -> memref<64x128xf32, #tpu.memory_space<vmem_shared>>
      tpu.enqueue_dma source(%arg11 : memref<64x128xf32, #tpu.memory_space<vmem>>) target(%dma_start3A_1820 : memref<64x128xf32, #tpu.memory_space<vmem_shared>>) target_semaphore(%run_scoped3A : memref<!tpu.dma_semaphore, #tpu.memory_space<semaphore_mem>>)
      %dma_wait3A_1821 = arith.constant 0 : i32
      %dma_wait3A_1822 = tpu.memref_slice %arg22[%add3A_17, %dma_wait3A_1821] : memref<5128x128xf32, #tpu.memory_space<vmem_shared>> -> memref<64x128xf32, #tpu.memory_space<vmem_shared>>
      %dma_wait3A_1823 = arith.constant 0 : i32
      %dma_wait3A_1824 = tpu.memref_slice %arg22[%add3A_17, %dma_wait3A_1823] : memref<5128x128xf32, #tpu.memory_space<vmem_shared>> -> memref<64x128xf32, #tpu.memory_space<vmem_shared>>
      tpu.wait_dma2 semaphore(%run_scoped3A : memref<!tpu.dma_semaphore, #tpu.memory_space<semaphore_mem>>) src(%arg11 : memref<64x128xf32, #tpu.memory_space<vmem>>) dst(%dma_wait3A_1824 : memref<64x128xf32, #tpu.memory_space<vmem_shared>>)
      tpu.yield
    }) : () -> ()
    %eq3A = arith.constant 0 : i32
    %eq3A_18 = arith.cmpi eq, %arg1, %eq3A : i32
    %convert_element_type3A = arith.extui %eq3A_18 : i1 to i32
    %cond3A = arith.constant 0 : i32
    %cond3A_19 = arith.cmpi ne, %convert_element_type3A, %cond3A : i32
    scf.if %cond3A_19 {
      "tpu.region"() ({
        %run_scoped3A = tpu.sem_alloc : memref<!tpu.dma_semaphore, #tpu.memory_space<semaphore_mem>>
        %dma_start3A_1817 = arith.constant 5064 : i32
        %dma_start3A_1818 = arith.constant 0 : i32
        %dma_start3A_1819 = tpu.memref_slice %arg21[%dma_start3A_1817, %dma_start3A_1818] : memref<5128x128xf32, #tpu.memory_space<vmem_shared>> -> memref<64x128xf32, #tpu.memory_space<vmem_shared>>
        %dma_start3A_1820 = arith.constant 5064 : i32
        %dma_start3A_1821 = arith.constant 0 : i32
        %dma_start3A_1822 = tpu.memref_slice %arg21[%dma_start3A_1820, %dma_start3A_1821] : memref<5128x128xf32, #tpu.memory_space<vmem_shared>> -> memref<64x128xf32, #tpu.memory_space<vmem_shared>>
        tpu.enqueue_dma source(%arg11 : memref<64x128xf32, #tpu.memory_space<vmem>>) target(%dma_start3A_1822 : memref<64x128xf32, #tpu.memory_space<vmem_shared>>) target_semaphore(%run_scoped3A : memref<!tpu.dma_semaphore, #tpu.memory_space<semaphore_mem>>)
        %dma_wait3A_1823 = arith.constant 5064 : i32
        %dma_wait3A_1824 = arith.constant 0 : i32
        %dma_wait3A_1825 = tpu.memref_slice %arg21[%dma_wait3A_1823, %dma_wait3A_1824] : memref<5128x128xf32, #tpu.memory_space<vmem_shared>> -> memref<64x128xf32, #tpu.memory_space<vmem_shared>>
        %dma_wait3A_1826 = arith.constant 5064 : i32
        %dma_wait3A_1827 = arith.constant 0 : i32
        %dma_wait3A_1828 = tpu.memref_slice %arg21[%dma_wait3A_1826, %dma_wait3A_1827] : memref<5128x128xf32, #tpu.memory_space<vmem_shared>> -> memref<64x128xf32, #tpu.memory_space<vmem_shared>>
        tpu.wait_dma2 semaphore(%run_scoped3A : memref<!tpu.dma_semaphore, #tpu.memory_space<semaphore_mem>>) src(%arg11 : memref<64x128xf32, #tpu.memory_space<vmem>>) dst(%dma_wait3A_1828 : memref<64x128xf32, #tpu.memory_space<vmem_shared>>)
        tpu.yield
      }) : () -> ()
      "tpu.region"() ({
        %run_scoped3A = tpu.sem_alloc : memref<!tpu.dma_semaphore, #tpu.memory_space<semaphore_mem>>
        %dma_start3A_1817 = arith.constant 5064 : i32
        %dma_start3A_1818 = arith.constant 0 : i32
        %dma_start3A_1819 = tpu.memref_slice %arg22[%dma_start3A_1817, %dma_start3A_1818] : memref<5128x128xf32, #tpu.memory_space<vmem_shared>> -> memref<64x128xf32, #tpu.memory_space<vmem_shared>>
        %dma_start3A_1820 = arith.constant 5064 : i32
        %dma_start3A_1821 = arith.constant 0 : i32
        %dma_start3A_1822 = tpu.memref_slice %arg22[%dma_start3A_1820, %dma_start3A_1821] : memref<5128x128xf32, #tpu.memory_space<vmem_shared>> -> memref<64x128xf32, #tpu.memory_space<vmem_shared>>
        tpu.enqueue_dma source(%arg11 : memref<64x128xf32, #tpu.memory_space<vmem>>) target(%dma_start3A_1822 : memref<64x128xf32, #tpu.memory_space<vmem_shared>>) target_semaphore(%run_scoped3A : memref<!tpu.dma_semaphore, #tpu.memory_space<semaphore_mem>>)
        %dma_wait3A_1823 = arith.constant 5064 : i32
        %dma_wait3A_1824 = arith.constant 0 : i32
        %dma_wait3A_1825 = tpu.memref_slice %arg22[%dma_wait3A_1823, %dma_wait3A_1824] : memref<5128x128xf32, #tpu.memory_space<vmem_shared>> -> memref<64x128xf32, #tpu.memory_space<vmem_shared>>
        %dma_wait3A_1826 = arith.constant 5064 : i32
        %dma_wait3A_1827 = arith.constant 0 : i32
        %dma_wait3A_1828 = tpu.memref_slice %arg22[%dma_wait3A_1826, %dma_wait3A_1827] : memref<5128x128xf32, #tpu.memory_space<vmem_shared>> -> memref<64x128xf32, #tpu.memory_space<vmem_shared>>
        tpu.wait_dma2 semaphore(%run_scoped3A : memref<!tpu.dma_semaphore, #tpu.memory_space<semaphore_mem>>) src(%arg11 : memref<64x128xf32, #tpu.memory_space<vmem>>) dst(%dma_wait3A_1828 : memref<64x128xf32, #tpu.memory_space<vmem_shared>>)
        tpu.yield
      }) : () -> ()
    } else {
    }
    %barrier3A = arith.constant 0 : index
    tpu.barrier barrier_id(%barrier3A)
    %mul3A_20 = arith.constant 5120 : i32
    %mul3A_21 = arith.muli %arg0, %mul3A_20 : i32
    %min3A = arith.constant 0 : i32
    %min3A_22 = arith.constant 319 : i32
    %min3A_23 = arith.minsi %min3A, %min3A_22 : i32
    %mul3A_24 = arith.constant 20480 : i32
    %mul3A_25 = arith.muli %arg1, %mul3A_24 : i32
    %mul3A_26 = arith.constant 64 : i32
    %mul3A_27 = arith.muli %min3A_23, %mul3A_26 : i32
    %add3A_28 = arith.addi %mul3A_25, %mul3A_27 : i32
    %multiple_of3A = tpu.assume_multiple %add3A_28, 8 : i32
    %mul3A_29 = arith.constant 2560 : i32
    %mul3A_30 = arith.muli %arg1, %mul3A_29 : i32
    %mul3A_31 = arith.constant 8 : i32
    %mul3A_32 = arith.muli %min3A_23, %mul3A_31 : i32
    %add3A_33 = arith.addi %mul3A_30, %mul3A_32 : i32
    %multiple_of3A_34 = tpu.assume_multiple %add3A_33, 8 : i32
    %dma_start3A = tpu.memref_slice %arg3[%multiple_of3A] : memref<327680xi32, #tpu.memory_space<hbm>> -> memref<64xi32, #tpu.memory_space<hbm>>
    %dma_start3A_35 = tpu.memref_slice %arg3[%multiple_of3A] : memref<327680xi32, #tpu.memory_space<hbm>> -> memref<64xi32, #tpu.memory_space<hbm>>
    tpu.enqueue_dma source(%dma_start3A_35 : memref<64xi32, #tpu.memory_space<hbm>>) target(%arg9 : memref<64xi32, #tpu.memory_space<vmem>>) target_semaphore(%arg23 : memref<!tpu.dma_semaphore, #tpu.memory_space<semaphore_mem>>)
    %dma_start3A_36 = tpu.memref_slice %arg4[%multiple_of3A] : memref<327680xi32, #tpu.memory_space<hbm>> -> memref<64xi32, #tpu.memory_space<hbm>>
    %dma_start3A_37 = tpu.memref_slice %arg4[%multiple_of3A] : memref<327680xi32, #tpu.memory_space<hbm>> -> memref<64xi32, #tpu.memory_space<hbm>>
    tpu.enqueue_dma source(%dma_start3A_37 : memref<64xi32, #tpu.memory_space<hbm>>) target(%arg10 : memref<64xi32, #tpu.memory_space<vmem>>) target_semaphore(%arg23 : memref<!tpu.dma_semaphore, #tpu.memory_space<semaphore_mem>>)
    %dma_start3A_38 = arith.constant 0 : i32
    %dma_start3A_39 = tpu.memref_slice %arg5[%multiple_of3A_34, %dma_start3A_38] : memref<40960x128xf32, #tpu.memory_space<hbm>> -> memref<8x128xf32, #tpu.memory_space<hbm>>
    %dma_start3A_40 = arith.constant 0 : i32
    %dma_start3A_41 = tpu.memref_slice %arg5[%multiple_of3A_34, %dma_start3A_40] : memref<40960x128xf32, #tpu.memory_space<hbm>> -> memref<8x128xf32, #tpu.memory_space<hbm>>
    tpu.enqueue_dma source(%dma_start3A_41 : memref<8x128xf32, #tpu.memory_space<hbm>>) target(%arg12 : memref<8x128xf32, #tpu.memory_space<vmem>>) target_semaphore(%arg23 : memref<!tpu.dma_semaphore, #tpu.memory_space<semaphore_mem>>)
    %min3A_42 = arith.constant 1 : i32
    %min3A_43 = arith.constant 319 : i32
    %min3A_44 = arith.minsi %min3A_42, %min3A_43 : i32
    %mul3A_45 = arith.constant 20480 : i32
    %mul3A_46 = arith.muli %arg1, %mul3A_45 : i32
    %mul3A_47 = arith.constant 64 : i32
    %mul3A_48 = arith.muli %min3A_44, %mul3A_47 : i32
    %add3A_49 = arith.addi %mul3A_46, %mul3A_48 : i32
    %multiple_of3A_50 = tpu.assume_multiple %add3A_49, 8 : i32
    %mul3A_51 = arith.constant 2560 : i32
    %mul3A_52 = arith.muli %arg1, %mul3A_51 : i32
    %mul3A_53 = arith.constant 8 : i32
    %mul3A_54 = arith.muli %min3A_44, %mul3A_53 : i32
    %add3A_55 = arith.addi %mul3A_52, %mul3A_54 : i32
    %multiple_of3A_56 = tpu.assume_multiple %add3A_55, 8 : i32
    %dma_start3A_57 = tpu.memref_slice %arg3[%multiple_of3A_50] : memref<327680xi32, #tpu.memory_space<hbm>> -> memref<64xi32, #tpu.memory_space<hbm>>
    %dma_start3A_58 = tpu.memref_slice %arg3[%multiple_of3A_50] : memref<327680xi32, #tpu.memory_space<hbm>> -> memref<64xi32, #tpu.memory_space<hbm>>
    tpu.enqueue_dma source(%dma_start3A_58 : memref<64xi32, #tpu.memory_space<hbm>>) target(%arg14 : memref<64xi32, #tpu.memory_space<vmem>>) target_semaphore(%arg24 : memref<!tpu.dma_semaphore, #tpu.memory_space<semaphore_mem>>)
    %dma_start3A_59 = tpu.memref_slice %arg4[%multiple_of3A_50] : memref<327680xi32, #tpu.memory_space<hbm>> -> memref<64xi32, #tpu.memory_space<hbm>>
    %dma_start3A_60 = tpu.memref_slice %arg4[%multiple_of3A_50] : memref<327680xi32, #tpu.memory_space<hbm>> -> memref<64xi32, #tpu.memory_space<hbm>>
    tpu.enqueue_dma source(%dma_start3A_60 : memref<64xi32, #tpu.memory_space<hbm>>) target(%arg15 : memref<64xi32, #tpu.memory_space<vmem>>) target_semaphore(%arg24 : memref<!tpu.dma_semaphore, #tpu.memory_space<semaphore_mem>>)
    %dma_start3A_61 = arith.constant 0 : i32
    %dma_start3A_62 = tpu.memref_slice %arg5[%multiple_of3A_56, %dma_start3A_61] : memref<40960x128xf32, #tpu.memory_space<hbm>> -> memref<8x128xf32, #tpu.memory_space<hbm>>
    %dma_start3A_63 = arith.constant 0 : i32
    %dma_start3A_64 = tpu.memref_slice %arg5[%multiple_of3A_56, %dma_start3A_63] : memref<40960x128xf32, #tpu.memory_space<hbm>> -> memref<8x128xf32, #tpu.memory_space<hbm>>
    tpu.enqueue_dma source(%dma_start3A_64 : memref<8x128xf32, #tpu.memory_space<hbm>>) target(%arg17 : memref<8x128xf32, #tpu.memory_space<vmem>>) target_semaphore(%arg24 : memref<!tpu.dma_semaphore, #tpu.memory_space<semaphore_mem>>)
    %min3A_65 = arith.constant 0 : i32
    %min3A_66 = arith.constant 319 : i32
    %min3A_67 = arith.minsi %min3A_65, %min3A_66 : i32
    %mul3A_68 = arith.constant 20480 : i32
    %mul3A_69 = arith.muli %arg1, %mul3A_68 : i32
    %mul3A_70 = arith.constant 64 : i32
    %mul3A_71 = arith.muli %min3A_67, %mul3A_70 : i32
    %add3A_72 = arith.addi %mul3A_69, %mul3A_71 : i32
    %multiple_of3A_73 = tpu.assume_multiple %add3A_72, 8 : i32
    %mul3A_74 = arith.constant 2560 : i32
    %mul3A_75 = arith.muli %arg1, %mul3A_74 : i32
    %mul3A_76 = arith.constant 8 : i32
    %mul3A_77 = arith.muli %min3A_67, %mul3A_76 : i32
    %add3A_78 = arith.addi %mul3A_75, %mul3A_77 : i32
    %multiple_of3A_79 = tpu.assume_multiple %add3A_78, 8 : i32
    %dma_wait3A = tpu.memref_slice %arg3[%multiple_of3A_73] : memref<327680xi32, #tpu.memory_space<hbm>> -> memref<64xi32, #tpu.memory_space<hbm>>
    %dma_wait3A_80 = tpu.memref_slice %arg3[%multiple_of3A_73] : memref<327680xi32, #tpu.memory_space<hbm>> -> memref<64xi32, #tpu.memory_space<hbm>>
    tpu.wait_dma2 semaphore(%arg23 : memref<!tpu.dma_semaphore, #tpu.memory_space<semaphore_mem>>) src(%dma_wait3A_80 : memref<64xi32, #tpu.memory_space<hbm>>) dst(%arg9 : memref<64xi32, #tpu.memory_space<vmem>>)
    %dma_wait3A_81 = tpu.memref_slice %arg4[%multiple_of3A_73] : memref<327680xi32, #tpu.memory_space<hbm>> -> memref<64xi32, #tpu.memory_space<hbm>>
    %dma_wait3A_82 = tpu.memref_slice %arg4[%multiple_of3A_73] : memref<327680xi32, #tpu.memory_space<hbm>> -> memref<64xi32, #tpu.memory_space<hbm>>
    tpu.wait_dma2 semaphore(%arg23 : memref<!tpu.dma_semaphore, #tpu.memory_space<semaphore_mem>>) src(%dma_wait3A_82 : memref<64xi32, #tpu.memory_space<hbm>>) dst(%arg10 : memref<64xi32, #tpu.memory_space<vmem>>)
    %dma_wait3A_83 = arith.constant 0 : i32
    %dma_wait3A_84 = tpu.memref_slice %arg5[%multiple_of3A_79, %dma_wait3A_83] : memref<40960x128xf32, #tpu.memory_space<hbm>> -> memref<8x128xf32, #tpu.memory_space<hbm>>
    %dma_wait3A_85 = arith.constant 0 : i32
    %dma_wait3A_86 = tpu.memref_slice %arg5[%multiple_of3A_79, %dma_wait3A_85] : memref<40960x128xf32, #tpu.memory_space<hbm>> -> memref<8x128xf32, #tpu.memory_space<hbm>>
    tpu.wait_dma2 semaphore(%arg23 : memref<!tpu.dma_semaphore, #tpu.memory_space<semaphore_mem>>) src(%dma_wait3A_86 : memref<8x128xf32, #tpu.memory_space<hbm>>) dst(%arg12 : memref<8x128xf32, #tpu.memory_space<vmem>>)
    %dma_start3A_87 = arith.constant 0 : i32
    %dma_start3A_88 = arith.constant 0 : i32
    %dma_start3A_89 = tpu.memref_slice %arg2[%dma_start3A_87, %dma_start3A_88] : memref<10000x128xf32, #tpu.memory_space<hbm>> -> memref<10000x128xf32, #tpu.memory_space<hbm>>
    tpu.enqueue_indirect_dma source(%dma_start3A_89 : memref<10000x128xf32, #tpu.memory_space<hbm>>) target(%arg11 : memref<64x128xf32, #tpu.memory_space<vmem>>) offsets(%arg9 : memref<64xi32, #tpu.memory_space<vmem>>) semaphore(%arg25 : memref<!tpu.dma_semaphore, #tpu.memory_space<semaphore_mem>>)
    %get3A = arith.constant 0 : index
    %get3A_90 = tpu.vector_load %arg10[%get3A] {strides = array<i32>} : memref<64xi32, #tpu.memory_space<vmem>>, vector<16xi32>,
    %get3A_91 = vector.shape_cast %get3A_90 : vector<16xi32> to vector<16xi32>
    %sub3A = vector.broadcast %mul3A_21 : i32 to vector<16xi32>
    %sub3A_92 = arith.subi %get3A_91, %sub3A : vector<16xi32>
    %ge3A = arith.constant 0 : i32
    %ge3A_93 = vector.broadcast %ge3A : i32 to vector<16xi32>
    %ge3A_94 = arith.cmpi sge, %sub3A_92, %ge3A_93 : vector<16xi32>
    %lt3A = arith.constant 5120 : i32
    %lt3A_95 = vector.broadcast %lt3A : i32 to vector<16xi32>
    %lt3A_96 = arith.cmpi slt, %sub3A_92, %lt3A_95 : vector<16xi32>
    %and3A = arith.andi %ge3A_94, %lt3A_96 : vector<16xi1>
    %jit3A = arith.constant 5120 : i32
    %broadcast_in_dim3A_97 = vector.broadcast %jit3A : i32 to vector<16xi32>
    %select_n3A = arith.select %and3A, %sub3A_92, %broadcast_in_dim3A_97 : vector<16xi1>, vector<16xi32>
    %swap3A = arith.constant 0 : index
    %swap3A_98 = tpu.vector_load %arg19[%swap3A] {strides = array<i32>} : memref<64xi32, #tpu.memory_space<vmem>>, vector<16xi32>,
    %swap3A_99 = vector.shape_cast %swap3A_98 : vector<16xi32> to vector<16xi32>
    %swap3A_100 = vector.shape_cast %select_n3A : vector<16xi32> to vector<16xi32>
    tpu.vector_store %arg19[%swap3A], %swap3A_100 {strides = array<i32>} : memref<64xi32, #tpu.memory_space<vmem>>, vector<16xi32>,
    %get3A_101 = arith.constant 16 : index
    %get3A_102 = tpu.vector_load %arg10[%get3A_101] {strides = array<i32>} : memref<64xi32, #tpu.memory_space<vmem>>, vector<16xi32>,
    %get3A_103 = vector.shape_cast %get3A_102 : vector<16xi32> to vector<16xi32>
    %sub3A_104 = vector.broadcast %mul3A_21 : i32 to vector<16xi32>
    %sub3A_105 = arith.subi %get3A_103, %sub3A_104 : vector<16xi32>
    %ge3A_106 = arith.constant 0 : i32
    %ge3A_107 = vector.broadcast %ge3A_106 : i32 to vector<16xi32>
    %ge3A_108 = arith.cmpi sge, %sub3A_105, %ge3A_107 : vector<16xi32>
    %lt3A_109 = arith.constant 5120 : i32
    %lt3A_110 = vector.broadcast %lt3A_109 : i32 to vector<16xi32>
    %lt3A_111 = arith.cmpi slt, %sub3A_105, %lt3A_110 : vector<16xi32>
    %and3A_112 = arith.andi %ge3A_108, %lt3A_111 : vector<16xi1>
    %jit3A_113 = arith.constant 5120 : i32
    %broadcast_in_dim3A_114 = vector.broadcast %jit3A_113 : i32 to vector<16xi32>
    %select_n3A_115 = arith.select %and3A_112, %sub3A_105, %broadcast_in_dim3A_114 : vector<16xi1>, vector<16xi32>
    %swap3A_116 = arith.constant 16 : index
    %swap3A_117 = tpu.vector_load %arg19[%swap3A_116] {strides = array<i32>} : memref<64xi32, #tpu.memory_space<vmem>>, vector<16xi32>,
    %swap3A_118 = vector.shape_cast %swap3A_117 : vector<16xi32> to vector<16xi32>
    %swap3A_119 = vector.shape_cast %select_n3A_115 : vector<16xi32> to vector<16xi32>
    tpu.vector_store %arg19[%swap3A_116], %swap3A_119 {strides = array<i32>} : memref<64xi32, #tpu.memory_space<vmem>>, vector<16xi32>,
    %get3A_120 = arith.constant 32 : index
    %get3A_121 = tpu.vector_load %arg10[%get3A_120] {strides = array<i32>} : memref<64xi32, #tpu.memory_space<vmem>>, vector<16xi32>,
    %get3A_122 = vector.shape_cast %get3A_121 : vector<16xi32> to vector<16xi32>
    %sub3A_123 = vector.broadcast %mul3A_21 : i32 to vector<16xi32>
    %sub3A_124 = arith.subi %get3A_122, %sub3A_123 : vector<16xi32>
    %ge3A_125 = arith.constant 0 : i32
    %ge3A_126 = vector.broadcast %ge3A_125 : i32 to vector<16xi32>
    %ge3A_127 = arith.cmpi sge, %sub3A_124, %ge3A_126 : vector<16xi32>
    %lt3A_128 = arith.constant 5120 : i32
    %lt3A_129 = vector.broadcast %lt3A_128 : i32 to vector<16xi32>
    %lt3A_130 = arith.cmpi slt, %sub3A_124, %lt3A_129 : vector<16xi32>
    %and3A_131 = arith.andi %ge3A_127, %lt3A_130 : vector<16xi1>
    %jit3A_132 = arith.constant 5120 : i32
    %broadcast_in_dim3A_133 = vector.broadcast %jit3A_132 : i32 to vector<16xi32>
    %select_n3A_134 = arith.select %and3A_131, %sub3A_124, %broadcast_in_dim3A_133 : vector<16xi1>, vector<16xi32>
    %swap3A_135 = arith.constant 32 : index
    %swap3A_136 = tpu.vector_load %arg19[%swap3A_135] {strides = array<i32>} : memref<64xi32, #tpu.memory_space<vmem>>, vector<16xi32>,
    %swap3A_137 = vector.shape_cast %swap3A_136 : vector<16xi32> to vector<16xi32>
    %swap3A_138 = vector.shape_cast %select_n3A_134 : vector<16xi32> to vector<16xi32>
    tpu.vector_store %arg19[%swap3A_135], %swap3A_138 {strides = array<i32>} : memref<64xi32, #tpu.memory_space<vmem>>, vector<16xi32>,
    %get3A_139 = arith.constant 48 : index
    %get3A_140 = tpu.vector_load %arg10[%get3A_139] {strides = array<i32>} : memref<64xi32, #tpu.memory_space<vmem>>, vector<16xi32>,
    %get3A_141 = vector.shape_cast %get3A_140 : vector<16xi32> to vector<16xi32>
    %sub3A_142 = vector.broadcast %mul3A_21 : i32 to vector<16xi32>
    %sub3A_143 = arith.subi %get3A_141, %sub3A_142 : vector<16xi32>
    %ge3A_144 = arith.constant 0 : i32
    %ge3A_145 = vector.broadcast %ge3A_144 : i32 to vector<16xi32>
    %ge3A_146 = arith.cmpi sge, %sub3A_143, %ge3A_145 : vector<16xi32>
    %lt3A_147 = arith.constant 5120 : i32
    %lt3A_148 = vector.broadcast %lt3A_147 : i32 to vector<16xi32>
    %lt3A_149 = arith.cmpi slt, %sub3A_143, %lt3A_148 : vector<16xi32>
    %and3A_150 = arith.andi %ge3A_146, %lt3A_149 : vector<16xi1>
    %jit3A_151 = arith.constant 5120 : i32
    %broadcast_in_dim3A_152 = vector.broadcast %jit3A_151 : i32 to vector<16xi32>
    %select_n3A_153 = arith.select %and3A_150, %sub3A_143, %broadcast_in_dim3A_152 : vector<16xi1>, vector<16xi32>
    %swap3A_154 = arith.constant 48 : index
    %swap3A_155 = tpu.vector_load %arg19[%swap3A_154] {strides = array<i32>} : memref<64xi32, #tpu.memory_space<vmem>>, vector<16xi32>,
    %swap3A_156 = vector.shape_cast %swap3A_155 : vector<16xi32> to vector<16xi32>
    %swap3A_157 = vector.shape_cast %select_n3A_153 : vector<16xi32> to vector<16xi32>
    tpu.vector_store %arg19[%swap3A_154], %swap3A_157 {strides = array<i32>} : memref<64xi32, #tpu.memory_space<vmem>>, vector<16xi32>,
    %get3A_158 = arith.constant 0 : i32
    %get3A_159 = arith.index_cast %get3A_158 : i32 to index
    %get3A_160 = arith.constant 0 : index
    %get3A_161 = tpu.vector_load %arg12[%get3A_159, %get3A_160] {strides = array<i32>} : memref<8x128xf32, #tpu.memory_space<vmem>>, vector<1x16xf32>,
    %get3A_162 = vector.shape_cast %get3A_161 : vector<1x16xf32> to vector<16xf32>
    %swap3A_163 = arith.constant 0 : i32
    %swap3A_164 = arith.index_cast %swap3A_163 : i32 to index
    %swap3A_165 = arith.constant 0 : index
    %swap3A_166 = tpu.vector_load %arg13[%swap3A_164, %swap3A_165] {strides = array<i32>} : memref<64x128xf32, #tpu.memory_space<vmem>>, vector<1x16xf32>,
    %swap3A_167 = vector.shape_cast %swap3A_166 : vector<1x16xf32> to vector<16xf32>
    %swap3A_168 = vector.shape_cast %get3A_162 : vector<16xf32> to vector<1x16xf32>
    tpu.vector_store %arg13[%swap3A_164, %swap3A_165], %swap3A_168 {strides = array<i32>} : memref<64x128xf32, #tpu.memory_space<vmem>>, vector<1x16xf32>,
    %get3A_169 = arith.constant 0 : i32
    %get3A_170 = arith.index_cast %get3A_169 : i32 to index
    %get3A_171 = arith.constant 16 : index
    %get3A_172 = tpu.vector_load %arg12[%get3A_170, %get3A_171] {strides = array<i32>} : memref<8x128xf32, #tpu.memory_space<vmem>>, vector<1x16xf32>,
    %get3A_173 = vector.shape_cast %get3A_172 : vector<1x16xf32> to vector<16xf32>
    %swap3A_174 = arith.constant 1 : i32
    %swap3A_175 = arith.index_cast %swap3A_174 : i32 to index
    %swap3A_176 = arith.constant 0 : index
    %swap3A_177 = tpu.vector_load %arg13[%swap3A_175, %swap3A_176] {strides = array<i32>} : memref<64x128xf32, #tpu.memory_space<vmem>>, vector<1x16xf32>,
    %swap3A_178 = vector.shape_cast %swap3A_177 : vector<1x16xf32> to vector<16xf32>
    %swap3A_179 = vector.shape_cast %get3A_173 : vector<16xf32> to vector<1x16xf32>
    tpu.vector_store %arg13[%swap3A_175, %swap3A_176], %swap3A_179 {strides = array<i32>} : memref<64x128xf32, #tpu.memory_space<vmem>>, vector<1x16xf32>,
    %get3A_180 = arith.constant 0 : i32
    %get3A_181 = arith.index_cast %get3A_180 : i32 to index
    %get3A_182 = arith.constant 32 : index
    %get3A_183 = tpu.vector_load %arg12[%get3A_181, %get3A_182] {strides = array<i32>} : memref<8x128xf32, #tpu.memory_space<vmem>>, vector<1x16xf32>,
    %get3A_184 = vector.shape_cast %get3A_183 : vector<1x16xf32> to vector<16xf32>
    %swap3A_185 = arith.constant 2 : i32
    %swap3A_186 = arith.index_cast %swap3A_185 : i32 to index
    %swap3A_187 = arith.constant 0 : index
    %swap3A_188 = tpu.vector_load %arg13[%swap3A_186, %swap3A_187] {strides = array<i32>} : memref<64x128xf32, #tpu.memory_space<vmem>>, vector<1x16xf32>,
    %swap3A_189 = vector.shape_cast %swap3A_188 : vector<1x16xf32> to vector<16xf32>
    %swap3A_190 = vector.shape_cast %get3A_184 : vector<16xf32> to vector<1x16xf32>
    tpu.vector_store %arg13[%swap3A_186, %swap3A_187], %swap3A_190 {strides = array<i32>} : memref<64x128xf32, #tpu.memory_space<vmem>>, vector<1x16xf32>,
    %get3A_191 = arith.constant 0 : i32
    %get3A_192 = arith.index_cast %get3A_191 : i32 to index
    %get3A_193 = arith.constant 48 : index
    %get3A_194 = tpu.vector_load %arg12[%get3A_192, %get3A_193] {strides = array<i32>} : memref<8x128xf32, #tpu.memory_space<vmem>>, vector<1x16xf32>,
    %get3A_195 = vector.shape_cast %get3A_194 : vector<1x16xf32> to vector<16xf32>
    %swap3A_196 = arith.constant 3 : i32
    %swap3A_197 = arith.index_cast %swap3A_196 : i32 to index
    %swap3A_198 = arith.constant 0 : index
    %swap3A_199 = tpu.vector_load %arg13[%swap3A_197, %swap3A_198] {strides = array<i32>} : memref<64x128xf32, #tpu.memory_space<vmem>>, vector<1x16xf32>,
    %swap3A_200 = vector.shape_cast %swap3A_199 : vector<1x16xf32> to vector<16xf32>
    %swap3A_201 = vector.shape_cast %get3A_195 : vector<16xf32> to vector<1x16xf32>
    tpu.vector_store %arg13[%swap3A_197, %swap3A_198], %swap3A_201 {strides = array<i32>} : memref<64x128xf32, #tpu.memory_space<vmem>>, vector<1x16xf32>,
    %get3A_202 = arith.constant 0 : i32
    %get3A_203 = arith.index_cast %get3A_202 : i32 to index
    %get3A_204 = arith.constant 64 : index
    %get3A_205 = tpu.vector_load %arg12[%get3A_203, %get3A_204] {strides = array<i32>} : memref<8x128xf32, #tpu.memory_space<vmem>>, vector<1x16xf32>,
    %get3A_206 = vector.shape_cast %get3A_205 : vector<1x16xf32> to vector<16xf32>
    %swap3A_207 = arith.constant 4 : i32
    %swap3A_208 = arith.index_cast %swap3A_207 : i32 to index
    %swap3A_209 = arith.constant 0 : index
    %swap3A_210 = tpu.vector_load %arg13[%swap3A_208, %swap3A_209] {strides = array<i32>} : memref<64x128xf32, #tpu.memory_space<vmem>>, vector<1x16xf32>,
    %swap3A_211 = vector.shape_cast %swap3A_210 : vector<1x16xf32> to vector<16xf32>
    %swap3A_212 = vector.shape_cast %get3A_206 : vector<16xf32> to vector<1x16xf32>
    tpu.vector_store %arg13[%swap3A_208, %swap3A_209], %swap3A_212 {strides = array<i32>} : memref<64x128xf32, #tpu.memory_space<vmem>>, vector<1x16xf32>,
    %get3A_213 = arith.constant 0 : i32
    %get3A_214 = arith.index_cast %get3A_213 : i32 to index
    %get3A_215 = arith.constant 80 : index
    %get3A_216 = tpu.vector_load %arg12[%get3A_214, %get3A_215] {strides = array<i32>} : memref<8x128xf32, #tpu.memory_space<vmem>>, vector<1x16xf32>,
    %get3A_217 = vector.shape_cast %get3A_216 : vector<1x16xf32> to vector<16xf32>
    %swap3A_218 = arith.constant 5 : i32
    %swap3A_219 = arith.index_cast %swap3A_218 : i32 to index
    %swap3A_220 = arith.constant 0 : index
    %swap3A_221 = tpu.vector_load %arg13[%swap3A_219, %swap3A_220] {strides = array<i32>} : memref<64x128xf32, #tpu.memory_space<vmem>>, vector<1x16xf32>,
    %swap3A_222 = vector.shape_cast %swap3A_221 : vector<1x16xf32> to vector<16xf32>
    %swap3A_223 = vector.shape_cast %get3A_217 : vector<16xf32> to vector<1x16xf32>
    tpu.vector_store %arg13[%swap3A_219, %swap3A_220], %swap3A_223 {strides = array<i32>} : memref<64x128xf32, #tpu.memory_space<vmem>>, vector<1x16xf32>,
    %get3A_224 = arith.constant 0 : i32
    %get3A_225 = arith.index_cast %get3A_224 : i32 to index
    %get3A_226 = arith.constant 96 : index
    %get3A_227 = tpu.vector_load %arg12[%get3A_225, %get3A_226] {strides = array<i32>} : memref<8x128xf32, #tpu.memory_space<vmem>>, vector<1x16xf32>,
    %get3A_228 = vector.shape_cast %get3A_227 : vector<1x16xf32> to vector<16xf32>
    %swap3A_229 = arith.constant 6 : i32
    %swap3A_230 = arith.index_cast %swap3A_229 : i32 to index
    %swap3A_231 = arith.constant 0 : index
    %swap3A_232 = tpu.vector_load %arg13[%swap3A_230, %swap3A_231] {strides = array<i32>} : memref<64x128xf32, #tpu.memory_space<vmem>>, vector<1x16xf32>,
    %swap3A_233 = vector.shape_cast %swap3A_232 : vector<1x16xf32> to vector<16xf32>
    %swap3A_234 = vector.shape_cast %get3A_228 : vector<16xf32> to vector<1x16xf32>
    tpu.vector_store %arg13[%swap3A_230, %swap3A_231], %swap3A_234 {strides = array<i32>} : memref<64x128xf32, #tpu.memory_space<vmem>>, vector<1x16xf32>,
    %get3A_235 = arith.constant 0 : i32
    %get3A_236 = arith.index_cast %get3A_235 : i32 to index
    %get3A_237 = arith.constant 112 : index
    %get3A_238 = tpu.vector_load %arg12[%get3A_236, %get3A_237] {strides = array<i32>} : memref<8x128xf32, #tpu.memory_space<vmem>>, vector<1x16xf32>,
    %get3A_239 = vector.shape_cast %get3A_238 : vector<1x16xf32> to vector<16xf32>
    %swap3A_240 = arith.constant 7 : i32
    %swap3A_241 = arith.index_cast %swap3A_240 : i32 to index
    %swap3A_242 = arith.constant 0 : index
    %swap3A_243 = tpu.vector_load %arg13[%swap3A_241, %swap3A_242] {strides = array<i32>} : memref<64x128xf32, #tpu.memory_space<vmem>>, vector<1x16xf32>,
    %swap3A_244 = vector.shape_cast %swap3A_243 : vector<1x16xf32> to vector<16xf32>
    %swap3A_245 = vector.shape_cast %get3A_239 : vector<16xf32> to vector<1x16xf32>
    tpu.vector_store %arg13[%swap3A_241, %swap3A_242], %swap3A_245 {strides = array<i32>} : memref<64x128xf32, #tpu.memory_space<vmem>>, vector<1x16xf32>,
    %get3A_246 = arith.constant 1 : i32
    %get3A_247 = arith.index_cast %get3A_246 : i32 to index
    %get3A_248 = arith.constant 0 : index
    %get3A_249 = tpu.vector_load %arg12[%get3A_247, %get3A_248] {strides = array<i32>} : memref<8x128xf32, #tpu.memory_space<vmem>>, vector<1x16xf32>,
    %get3A_250 = vector.shape_cast %get3A_249 : vector<1x16xf32> to vector<16xf32>
    %swap3A_251 = arith.constant 8 : i32
    %swap3A_252 = arith.index_cast %swap3A_251 : i32 to index
    %swap3A_253 = arith.constant 0 : index
    %swap3A_254 = tpu.vector_load %arg13[%swap3A_252, %swap3A_253] {strides = array<i32>} : memref<64x128xf32, #tpu.memory_space<vmem>>, vector<1x16xf32>,
    %swap3A_255 = vector.shape_cast %swap3A_254 : vector<1x16xf32> to vector<16xf32>
    %swap3A_256 = vector.shape_cast %get3A_250 : vector<16xf32> to vector<1x16xf32>
    tpu.vector_store %arg13[%swap3A_252, %swap3A_253], %swap3A_256 {strides = array<i32>} : memref<64x128xf32, #tpu.memory_space<vmem>>, vector<1x16xf32>,
    %get3A_257 = arith.constant 1 : i32
    %get3A_258 = arith.index_cast %get3A_257 : i32 to index
    %get3A_259 = arith.constant 16 : index
    %get3A_260 = tpu.vector_load %arg12[%get3A_258, %get3A_259] {strides = array<i32>} : memref<8x128xf32, #tpu.memory_space<vmem>>, vector<1x16xf32>,
    %get3A_261 = vector.shape_cast %get3A_260 : vector<1x16xf32> to vector<16xf32>
    %swap3A_262 = arith.constant 9 : i32
    %swap3A_263 = arith.index_cast %swap3A_262 : i32 to index
    %swap3A_264 = arith.constant 0 : index
    %swap3A_265 = tpu.vector_load %arg13[%swap3A_263, %swap3A_264] {strides = array<i32>} : memref<64x128xf32, #tpu.memory_space<vmem>>, vector<1x16xf32>,
    %swap3A_266 = vector.shape_cast %swap3A_265 : vector<1x16xf32> to vector<16xf32>
    %swap3A_267 = vector.shape_cast %get3A_261 : vector<16xf32> to vector<1x16xf32>
    tpu.vector_store %arg13[%swap3A_263, %swap3A_264], %swap3A_267 {strides = array<i32>} : memref<64x128xf32, #tpu.memory_space<vmem>>, vector<1x16xf32>,
    %get3A_268 = arith.constant 1 : i32
    %get3A_269 = arith.index_cast %get3A_268 : i32 to index
    %get3A_270 = arith.constant 32 : index
    %get3A_271 = tpu.vector_load %arg12[%get3A_269, %get3A_270] {strides = array<i32>} : memref<8x128xf32, #tpu.memory_space<vmem>>, vector<1x16xf32>,
    %get3A_272 = vector.shape_cast %get3A_271 : vector<1x16xf32> to vector<16xf32>
    %swap3A_273 = arith.constant 10 : i32
    %swap3A_274 = arith.index_cast %swap3A_273 : i32 to index
    %swap3A_275 = arith.constant 0 : index
    %swap3A_276 = tpu.vector_load %arg13[%swap3A_274, %swap3A_275] {strides = array<i32>} : memref<64x128xf32, #tpu.memory_space<vmem>>, vector<1x16xf32>,
    %swap3A_277 = vector.shape_cast %swap3A_276 : vector<1x16xf32> to vector<16xf32>
    %swap3A_278 = vector.shape_cast %get3A_272 : vector<16xf32> to vector<1x16xf32>
    tpu.vector_store %arg13[%swap3A_274, %swap3A_275], %swap3A_278 {strides = array<i32>} : memref<64x128xf32, #tpu.memory_space<vmem>>, vector<1x16xf32>,
    %get3A_279 = arith.constant 1 : i32
    %get3A_280 = arith.index_cast %get3A_279 : i32 to index
    %get3A_281 = arith.constant 48 : index
    %get3A_282 = tpu.vector_load %arg12[%get3A_280, %get3A_281] {strides = array<i32>} : memref<8x128xf32, #tpu.memory_space<vmem>>, vector<1x16xf32>,
    %get3A_283 = vector.shape_cast %get3A_282 : vector<1x16xf32> to vector<16xf32>
    %swap3A_284 = arith.constant 11 : i32
    %swap3A_285 = arith.index_cast %swap3A_284 : i32 to index
    %swap3A_286 = arith.constant 0 : index
    %swap3A_287 = tpu.vector_load %arg13[%swap3A_285, %swap3A_286] {strides = array<i32>} : memref<64x128xf32, #tpu.memory_space<vmem>>, vector<1x16xf32>,
    %swap3A_288 = vector.shape_cast %swap3A_287 : vector<1x16xf32> to vector<16xf32>
    %swap3A_289 = vector.shape_cast %get3A_283 : vector<16xf32> to vector<1x16xf32>
    tpu.vector_store %arg13[%swap3A_285, %swap3A_286], %swap3A_289 {strides = array<i32>} : memref<64x128xf32, #tpu.memory_space<vmem>>, vector<1x16xf32>,
    %get3A_290 = arith.constant 1 : i32
    %get3A_291 = arith.index_cast %get3A_290 : i32 to index
    %get3A_292 = arith.constant 64 : index
    %get3A_293 = tpu.vector_load %arg12[%get3A_291, %get3A_292] {strides = array<i32>} : memref<8x128xf32, #tpu.memory_space<vmem>>, vector<1x16xf32>,
    %get3A_294 = vector.shape_cast %get3A_293 : vector<1x16xf32> to vector<16xf32>
    %swap3A_295 = arith.constant 12 : i32
    %swap3A_296 = arith.index_cast %swap3A_295 : i32 to index
    %swap3A_297 = arith.constant 0 : index
    %swap3A_298 = tpu.vector_load %arg13[%swap3A_296, %swap3A_297] {strides = array<i32>} : memref<64x128xf32, #tpu.memory_space<vmem>>, vector<1x16xf32>,
    %swap3A_299 = vector.shape_cast %swap3A_298 : vector<1x16xf32> to vector<16xf32>
    %swap3A_300 = vector.shape_cast %get3A_294 : vector<16xf32> to vector<1x16xf32>
    tpu.vector_store %arg13[%swap3A_296, %swap3A_297], %swap3A_300 {strides = array<i32>} : memref<64x128xf32, #tpu.memory_space<vmem>>, vector<1x16xf32>,
    %get3A_301 = arith.constant 1 : i32
    %get3A_302 = arith.index_cast %get3A_301 : i32 to index
    %get3A_303 = arith.constant 80 : index
    %get3A_304 = tpu.vector_load %arg12[%get3A_302, %get3A_303] {strides = array<i32>} : memref<8x128xf32, #tpu.memory_space<vmem>>, vector<1x16xf32>,
    %get3A_305 = vector.shape_cast %get3A_304 : vector<1x16xf32> to vector<16xf32>
    %swap3A_306 = arith.constant 13 : i32
    %swap3A_307 = arith.index_cast %swap3A_306 : i32 to index
    %swap3A_308 = arith.constant 0 : index
    %swap3A_309 = tpu.vector_load %arg13[%swap3A_307, %swap3A_308] {strides = array<i32>} : memref<64x128xf32, #tpu.memory_space<vmem>>, vector<1x16xf32>,
    %swap3A_310 = vector.shape_cast %swap3A_309 : vector<1x16xf32> to vector<16xf32>
    %swap3A_311 = vector.shape_cast %get3A_305 : vector<16xf32> to vector<1x16xf32>
    tpu.vector_store %arg13[%swap3A_307, %swap3A_308], %swap3A_311 {strides = array<i32>} : memref<64x128xf32, #tpu.memory_space<vmem>>, vector<1x16xf32>,
    %get3A_312 = arith.constant 1 : i32
    %get3A_313 = arith.index_cast %get3A_312 : i32 to index
    %get3A_314 = arith.constant 96 : index
    %get3A_315 = tpu.vector_load %arg12[%get3A_313, %get3A_314] {strides = array<i32>} : memref<8x128xf32, #tpu.memory_space<vmem>>, vector<1x16xf32>,
    %get3A_316 = vector.shape_cast %get3A_315 : vector<1x16xf32> to vector<16xf32>
    %swap3A_317 = arith.constant 14 : i32
    %swap3A_318 = arith.index_cast %swap3A_317 : i32 to index
    %swap3A_319 = arith.constant 0 : index
    %swap3A_320 = tpu.vector_load %arg13[%swap3A_318, %swap3A_319] {strides = array<i32>} : memref<64x128xf32, #tpu.memory_space<vmem>>, vector<1x16xf32>,
    %swap3A_321 = vector.shape_cast %swap3A_320 : vector<1x16xf32> to vector<16xf32>
    %swap3A_322 = vector.shape_cast %get3A_316 : vector<16xf32> to vector<1x16xf32>
    tpu.vector_store %arg13[%swap3A_318, %swap3A_319], %swap3A_322 {strides = array<i32>} : memref<64x128xf32, #tpu.memory_space<vmem>>, vector<1x16xf32>,
    %get3A_323 = arith.constant 1 : i32
    %get3A_324 = arith.index_cast %get3A_323 : i32 to index
    %get3A_325 = arith.constant 112 : index
    %get3A_326 = tpu.vector_load %arg12[%get3A_324, %get3A_325] {strides = array<i32>} : memref<8x128xf32, #tpu.memory_space<vmem>>, vector<1x16xf32>,
    %get3A_327 = vector.shape_cast %get3A_326 : vector<1x16xf32> to vector<16xf32>
    %swap3A_328 = arith.constant 15 : i32
    %swap3A_329 = arith.index_cast %swap3A_328 : i32 to index
    %swap3A_330 = arith.constant 0 : index
    %swap3A_331 = tpu.vector_load %arg13[%swap3A_329, %swap3A_330] {strides = array<i32>} : memref<64x128xf32, #tpu.memory_space<vmem>>, vector<1x16xf32>,
    %swap3A_332 = vector.shape_cast %swap3A_331 : vector<1x16xf32> to vector<16xf32>
    %swap3A_333 = vector.shape_cast %get3A_327 : vector<16xf32> to vector<1x16xf32>
    tpu.vector_store %arg13[%swap3A_329, %swap3A_330], %swap3A_333 {strides = array<i32>} : memref<64x128xf32, #tpu.memory_space<vmem>>, vector<1x16xf32>,
    %get3A_334 = arith.constant 2 : i32
    %get3A_335 = arith.index_cast %get3A_334 : i32 to index
    %get3A_336 = arith.constant 0 : index
    %get3A_337 = tpu.vector_load %arg12[%get3A_335, %get3A_336] {strides = array<i32>} : memref<8x128xf32, #tpu.memory_space<vmem>>, vector<1x16xf32>,
    %get3A_338 = vector.shape_cast %get3A_337 : vector<1x16xf32> to vector<16xf32>
    %swap3A_339 = arith.constant 16 : i32
    %swap3A_340 = arith.index_cast %swap3A_339 : i32 to index
    %swap3A_341 = arith.constant 0 : index
    %swap3A_342 = tpu.vector_load %arg13[%swap3A_340, %swap3A_341] {strides = array<i32>} : memref<64x128xf32, #tpu.memory_space<vmem>>, vector<1x16xf32>,
    %swap3A_343 = vector.shape_cast %swap3A_342 : vector<1x16xf32> to vector<16xf32>
    %swap3A_344 = vector.shape_cast %get3A_338 : vector<16xf32> to vector<1x16xf32>
    tpu.vector_store %arg13[%swap3A_340, %swap3A_341], %swap3A_344 {strides = array<i32>} : memref<64x128xf32, #tpu.memory_space<vmem>>, vector<1x16xf32>,
    %get3A_345 = arith.constant 2 : i32
    %get3A_346 = arith.index_cast %get3A_345 : i32 to index
    %get3A_347 = arith.constant 16 : index
    %get3A_348 = tpu.vector_load %arg12[%get3A_346, %get3A_347] {strides = array<i32>} : memref<8x128xf32, #tpu.memory_space<vmem>>, vector<1x16xf32>,
    %get3A_349 = vector.shape_cast %get3A_348 : vector<1x16xf32> to vector<16xf32>
    %swap3A_350 = arith.constant 17 : i32
    %swap3A_351 = arith.index_cast %swap3A_350 : i32 to index
    %swap3A_352 = arith.constant 0 : index
    %swap3A_353 = tpu.vector_load %arg13[%swap3A_351, %swap3A_352] {strides = array<i32>} : memref<64x128xf32, #tpu.memory_space<vmem>>, vector<1x16xf32>,
    %swap3A_354 = vector.shape_cast %swap3A_353 : vector<1x16xf32> to vector<16xf32>
    %swap3A_355 = vector.shape_cast %get3A_349 : vector<16xf32> to vector<1x16xf32>
    tpu.vector_store %arg13[%swap3A_351, %swap3A_352], %swap3A_355 {strides = array<i32>} : memref<64x128xf32, #tpu.memory_space<vmem>>, vector<1x16xf32>,
    %get3A_356 = arith.constant 2 : i32
    %get3A_357 = arith.index_cast %get3A_356 : i32 to index
    %get3A_358 = arith.constant 32 : index
    %get3A_359 = tpu.vector_load %arg12[%get3A_357, %get3A_358] {strides = array<i32>} : memref<8x128xf32, #tpu.memory_space<vmem>>, vector<1x16xf32>,
    %get3A_360 = vector.shape_cast %get3A_359 : vector<1x16xf32> to vector<16xf32>
    %swap3A_361 = arith.constant 18 : i32
    %swap3A_362 = arith.index_cast %swap3A_361 : i32 to index
    %swap3A_363 = arith.constant 0 : index
    %swap3A_364 = tpu.vector_load %arg13[%swap3A_362, %swap3A_363] {strides = array<i32>} : memref<64x128xf32, #tpu.memory_space<vmem>>, vector<1x16xf32>,
    %swap3A_365 = vector.shape_cast %swap3A_364 : vector<1x16xf32> to vector<16xf32>
    %swap3A_366 = vector.shape_cast %get3A_360 : vector<16xf32> to vector<1x16xf32>
    tpu.vector_store %arg13[%swap3A_362, %swap3A_363], %swap3A_366 {strides = array<i32>} : memref<64x128xf32, #tpu.memory_space<vmem>>, vector<1x16xf32>,
    %get3A_367 = arith.constant 2 : i32
    %get3A_368 = arith.index_cast %get3A_367 : i32 to index
    %get3A_369 = arith.constant 48 : index
    %get3A_370 = tpu.vector_load %arg12[%get3A_368, %get3A_369] {strides = array<i32>} : memref<8x128xf32, #tpu.memory_space<vmem>>, vector<1x16xf32>,
    %get3A_371 = vector.shape_cast %get3A_370 : vector<1x16xf32> to vector<16xf32>
    %swap3A_372 = arith.constant 19 : i32
    %swap3A_373 = arith.index_cast %swap3A_372 : i32 to index
    %swap3A_374 = arith.constant 0 : index
    %swap3A_375 = tpu.vector_load %arg13[%swap3A_373, %swap3A_374] {strides = array<i32>} : memref<64x128xf32, #tpu.memory_space<vmem>>, vector<1x16xf32>,
    %swap3A_376 = vector.shape_cast %swap3A_375 : vector<1x16xf32> to vector<16xf32>
    %swap3A_377 = vector.shape_cast %get3A_371 : vector<16xf32> to vector<1x16xf32>
    tpu.vector_store %arg13[%swap3A_373, %swap3A_374], %swap3A_377 {strides = array<i32>} : memref<64x128xf32, #tpu.memory_space<vmem>>, vector<1x16xf32>,
    %get3A_378 = arith.constant 2 : i32
    %get3A_379 = arith.index_cast %get3A_378 : i32 to index
    %get3A_380 = arith.constant 64 : index
    %get3A_381 = tpu.vector_load %arg12[%get3A_379, %get3A_380] {strides = array<i32>} : memref<8x128xf32, #tpu.memory_space<vmem>>, vector<1x16xf32>,
    %get3A_382 = vector.shape_cast %get3A_381 : vector<1x16xf32> to vector<16xf32>
    %swap3A_383 = arith.constant 20 : i32
    %swap3A_384 = arith.index_cast %swap3A_383 : i32 to index
    %swap3A_385 = arith.constant 0 : index
    %swap3A_386 = tpu.vector_load %arg13[%swap3A_384, %swap3A_385] {strides = array<i32>} : memref<64x128xf32, #tpu.memory_space<vmem>>, vector<1x16xf32>,
    %swap3A_387 = vector.shape_cast %swap3A_386 : vector<1x16xf32> to vector<16xf32>
    %swap3A_388 = vector.shape_cast %get3A_382 : vector<16xf32> to vector<1x16xf32>
    tpu.vector_store %arg13[%swap3A_384, %swap3A_385], %swap3A_388 {strides = array<i32>} : memref<64x128xf32, #tpu.memory_space<vmem>>, vector<1x16xf32>,
    %get3A_389 = arith.constant 2 : i32
    %get3A_390 = arith.index_cast %get3A_389 : i32 to index
    %get3A_391 = arith.constant 80 : index
    %get3A_392 = tpu.vector_load %arg12[%get3A_390, %get3A_391] {strides = array<i32>} : memref<8x128xf32, #tpu.memory_space<vmem>>, vector<1x16xf32>,
    %get3A_393 = vector.shape_cast %get3A_392 : vector<1x16xf32> to vector<16xf32>
    %swap3A_394 = arith.constant 21 : i32
    %swap3A_395 = arith.index_cast %swap3A_394 : i32 to index
    %swap3A_396 = arith.constant 0 : index
    %swap3A_397 = tpu.vector_load %arg13[%swap3A_395, %swap3A_396] {strides = array<i32>} : memref<64x128xf32, #tpu.memory_space<vmem>>, vector<1x16xf32>,
    %swap3A_398 = vector.shape_cast %swap3A_397 : vector<1x16xf32> to vector<16xf32>
    %swap3A_399 = vector.shape_cast %get3A_393 : vector<16xf32> to vector<1x16xf32>
    tpu.vector_store %arg13[%swap3A_395, %swap3A_396], %swap3A_399 {strides = array<i32>} : memref<64x128xf32, #tpu.memory_space<vmem>>, vector<1x16xf32>,
    %get3A_400 = arith.constant 2 : i32
    %get3A_401 = arith.index_cast %get3A_400 : i32 to index
    %get3A_402 = arith.constant 96 : index
    %get3A_403 = tpu.vector_load %arg12[%get3A_401, %get3A_402] {strides = array<i32>} : memref<8x128xf32, #tpu.memory_space<vmem>>, vector<1x16xf32>,
    %get3A_404 = vector.shape_cast %get3A_403 : vector<1x16xf32> to vector<16xf32>
    %swap3A_405 = arith.constant 22 : i32
    %swap3A_406 = arith.index_cast %swap3A_405 : i32 to index
    %swap3A_407 = arith.constant 0 : index
    %swap3A_408 = tpu.vector_load %arg13[%swap3A_406, %swap3A_407] {strides = array<i32>} : memref<64x128xf32, #tpu.memory_space<vmem>>, vector<1x16xf32>,
    %swap3A_409 = vector.shape_cast %swap3A_408 : vector<1x16xf32> to vector<16xf32>
    %swap3A_410 = vector.shape_cast %get3A_404 : vector<16xf32> to vector<1x16xf32>
    tpu.vector_store %arg13[%swap3A_406, %swap3A_407], %swap3A_410 {strides = array<i32>} : memref<64x128xf32, #tpu.memory_space<vmem>>, vector<1x16xf32>,
    %get3A_411 = arith.constant 2 : i32
    %get3A_412 = arith.index_cast %get3A_411 : i32 to index
    %get3A_413 = arith.constant 112 : index
    %get3A_414 = tpu.vector_load %arg12[%get3A_412, %get3A_413] {strides = array<i32>} : memref<8x128xf32, #tpu.memory_space<vmem>>, vector<1x16xf32>,
    %get3A_415 = vector.shape_cast %get3A_414 : vector<1x16xf32> to vector<16xf32>
    %swap3A_416 = arith.constant 23 : i32
    %swap3A_417 = arith.index_cast %swap3A_416 : i32 to index
    %swap3A_418 = arith.constant 0 : index
    %swap3A_419 = tpu.vector_load %arg13[%swap3A_417, %swap3A_418] {strides = array<i32>} : memref<64x128xf32, #tpu.memory_space<vmem>>, vector<1x16xf32>,
    %swap3A_420 = vector.shape_cast %swap3A_419 : vector<1x16xf32> to vector<16xf32>
    %swap3A_421 = vector.shape_cast %get3A_415 : vector<16xf32> to vector<1x16xf32>
    tpu.vector_store %arg13[%swap3A_417, %swap3A_418], %swap3A_421 {strides = array<i32>} : memref<64x128xf32, #tpu.memory_space<vmem>>, vector<1x16xf32>,
    %get3A_422 = arith.constant 3 : i32
    %get3A_423 = arith.index_cast %get3A_422 : i32 to index
    %get3A_424 = arith.constant 0 : index
    %get3A_425 = tpu.vector_load %arg12[%get3A_423, %get3A_424] {strides = array<i32>} : memref<8x128xf32, #tpu.memory_space<vmem>>, vector<1x16xf32>,
    %get3A_426 = vector.shape_cast %get3A_425 : vector<1x16xf32> to vector<16xf32>
    %swap3A_427 = arith.constant 24 : i32
    %swap3A_428 = arith.index_cast %swap3A_427 : i32 to index
    %swap3A_429 = arith.constant 0 : index
    %swap3A_430 = tpu.vector_load %arg13[%swap3A_428, %swap3A_429] {strides = array<i32>} : memref<64x128xf32, #tpu.memory_space<vmem>>, vector<1x16xf32>,
    %swap3A_431 = vector.shape_cast %swap3A_430 : vector<1x16xf32> to vector<16xf32>
    %swap3A_432 = vector.shape_cast %get3A_426 : vector<16xf32> to vector<1x16xf32>
    tpu.vector_store %arg13[%swap3A_428, %swap3A_429], %swap3A_432 {strides = array<i32>} : memref<64x128xf32, #tpu.memory_space<vmem>>, vector<1x16xf32>,
    %get3A_433 = arith.constant 3 : i32
    %get3A_434 = arith.index_cast %get3A_433 : i32 to index
    %get3A_435 = arith.constant 16 : index
    %get3A_436 = tpu.vector_load %arg12[%get3A_434, %get3A_435] {strides = array<i32>} : memref<8x128xf32, #tpu.memory_space<vmem>>, vector<1x16xf32>,
    %get3A_437 = vector.shape_cast %get3A_436 : vector<1x16xf32> to vector<16xf32>
    %swap3A_438 = arith.constant 25 : i32
    %swap3A_439 = arith.index_cast %swap3A_438 : i32 to index
    %swap3A_440 = arith.constant 0 : index
    %swap3A_441 = tpu.vector_load %arg13[%swap3A_439, %swap3A_440] {strides = array<i32>} : memref<64x128xf32, #tpu.memory_space<vmem>>, vector<1x16xf32>,
    %swap3A_442 = vector.shape_cast %swap3A_441 : vector<1x16xf32> to vector<16xf32>
    %swap3A_443 = vector.shape_cast %get3A_437 : vector<16xf32> to vector<1x16xf32>
    tpu.vector_store %arg13[%swap3A_439, %swap3A_440], %swap3A_443 {strides = array<i32>} : memref<64x128xf32, #tpu.memory_space<vmem>>, vector<1x16xf32>,
    %get3A_444 = arith.constant 3 : i32
    %get3A_445 = arith.index_cast %get3A_444 : i32 to index
    %get3A_446 = arith.constant 32 : index
    %get3A_447 = tpu.vector_load %arg12[%get3A_445, %get3A_446] {strides = array<i32>} : memref<8x128xf32, #tpu.memory_space<vmem>>, vector<1x16xf32>,
    %get3A_448 = vector.shape_cast %get3A_447 : vector<1x16xf32> to vector<16xf32>
    %swap3A_449 = arith.constant 26 : i32
    %swap3A_450 = arith.index_cast %swap3A_449 : i32 to index
    %swap3A_451 = arith.constant 0 : index
    %swap3A_452 = tpu.vector_load %arg13[%swap3A_450, %swap3A_451] {strides = array<i32>} : memref<64x128xf32, #tpu.memory_space<vmem>>, vector<1x16xf32>,
    %swap3A_453 = vector.shape_cast %swap3A_452 : vector<1x16xf32> to vector<16xf32>
    %swap3A_454 = vector.shape_cast %get3A_448 : vector<16xf32> to vector<1x16xf32>
    tpu.vector_store %arg13[%swap3A_450, %swap3A_451], %swap3A_454 {strides = array<i32>} : memref<64x128xf32, #tpu.memory_space<vmem>>, vector<1x16xf32>,
    %get3A_455 = arith.constant 3 : i32
    %get3A_456 = arith.index_cast %get3A_455 : i32 to index
    %get3A_457 = arith.constant 48 : index
    %get3A_458 = tpu.vector_load %arg12[%get3A_456, %get3A_457] {strides = array<i32>} : memref<8x128xf32, #tpu.memory_space<vmem>>, vector<1x16xf32>,
    %get3A_459 = vector.shape_cast %get3A_458 : vector<1x16xf32> to vector<16xf32>
    %swap3A_460 = arith.constant 27 : i32
    %swap3A_461 = arith.index_cast %swap3A_460 : i32 to index
    %swap3A_462 = arith.constant 0 : index
    %swap3A_463 = tpu.vector_load %arg13[%swap3A_461, %swap3A_462] {strides = array<i32>} : memref<64x128xf32, #tpu.memory_space<vmem>>, vector<1x16xf32>,
    %swap3A_464 = vector.shape_cast %swap3A_463 : vector<1x16xf32> to vector<16xf32>
    %swap3A_465 = vector.shape_cast %get3A_459 : vector<16xf32> to vector<1x16xf32>
    tpu.vector_store %arg13[%swap3A_461, %swap3A_462], %swap3A_465 {strides = array<i32>} : memref<64x128xf32, #tpu.memory_space<vmem>>, vector<1x16xf32>,
    %get3A_466 = arith.constant 3 : i32
    %get3A_467 = arith.index_cast %get3A_466 : i32 to index
    %get3A_468 = arith.constant 64 : index
    %get3A_469 = tpu.vector_load %arg12[%get3A_467, %get3A_468] {strides = array<i32>} : memref<8x128xf32, #tpu.memory_space<vmem>>, vector<1x16xf32>,
    %get3A_470 = vector.shape_cast %get3A_469 : vector<1x16xf32> to vector<16xf32>
    %swap3A_471 = arith.constant 28 : i32
    %swap3A_472 = arith.index_cast %swap3A_471 : i32 to index
    %swap3A_473 = arith.constant 0 : index
    %swap3A_474 = tpu.vector_load %arg13[%swap3A_472, %swap3A_473] {strides = array<i32>} : memref<64x128xf32, #tpu.memory_space<vmem>>, vector<1x16xf32>,
    %swap3A_475 = vector.shape_cast %swap3A_474 : vector<1x16xf32> to vector<16xf32>
    %swap3A_476 = vector.shape_cast %get3A_470 : vector<16xf32> to vector<1x16xf32>
    tpu.vector_store %arg13[%swap3A_472, %swap3A_473], %swap3A_476 {strides = array<i32>} : memref<64x128xf32, #tpu.memory_space<vmem>>, vector<1x16xf32>,
    %get3A_477 = arith.constant 3 : i32
    %get3A_478 = arith.index_cast %get3A_477 : i32 to index
    %get3A_479 = arith.constant 80 : index
    %get3A_480 = tpu.vector_load %arg12[%get3A_478, %get3A_479] {strides = array<i32>} : memref<8x128xf32, #tpu.memory_space<vmem>>, vector<1x16xf32>,
    %get3A_481 = vector.shape_cast %get3A_480 : vector<1x16xf32> to vector<16xf32>
    %swap3A_482 = arith.constant 29 : i32
    %swap3A_483 = arith.index_cast %swap3A_482 : i32 to index
    %swap3A_484 = arith.constant 0 : index
    %swap3A_485 = tpu.vector_load %arg13[%swap3A_483, %swap3A_484] {strides = array<i32>} : memref<64x128xf32, #tpu.memory_space<vmem>>, vector<1x16xf32>,
    %swap3A_486 = vector.shape_cast %swap3A_485 : vector<1x16xf32> to vector<16xf32>
    %swap3A_487 = vector.shape_cast %get3A_481 : vector<16xf32> to vector<1x16xf32>
    tpu.vector_store %arg13[%swap3A_483, %swap3A_484], %swap3A_487 {strides = array<i32>} : memref<64x128xf32, #tpu.memory_space<vmem>>, vector<1x16xf32>,
    %get3A_488 = arith.constant 3 : i32
    %get3A_489 = arith.index_cast %get3A_488 : i32 to index
    %get3A_490 = arith.constant 96 : index
    %get3A_491 = tpu.vector_load %arg12[%get3A_489, %get3A_490] {strides = array<i32>} : memref<8x128xf32, #tpu.memory_space<vmem>>, vector<1x16xf32>,
    %get3A_492 = vector.shape_cast %get3A_491 : vector<1x16xf32> to vector<16xf32>
    %swap3A_493 = arith.constant 30 : i32
    %swap3A_494 = arith.index_cast %swap3A_493 : i32 to index
    %swap3A_495 = arith.constant 0 : index
    %swap3A_496 = tpu.vector_load %arg13[%swap3A_494, %swap3A_495] {strides = array<i32>} : memref<64x128xf32, #tpu.memory_space<vmem>>, vector<1x16xf32>,
    %swap3A_497 = vector.shape_cast %swap3A_496 : vector<1x16xf32> to vector<16xf32>
    %swap3A_498 = vector.shape_cast %get3A_492 : vector<16xf32> to vector<1x16xf32>
    tpu.vector_store %arg13[%swap3A_494, %swap3A_495], %swap3A_498 {strides = array<i32>} : memref<64x128xf32, #tpu.memory_space<vmem>>, vector<1x16xf32>,
    %get3A_499 = arith.constant 3 : i32
    %get3A_500 = arith.index_cast %get3A_499 : i32 to index
    %get3A_501 = arith.constant 112 : index
    %get3A_502 = tpu.vector_load %arg12[%get3A_500, %get3A_501] {strides = array<i32>} : memref<8x128xf32, #tpu.memory_space<vmem>>, vector<1x16xf32>,
    %get3A_503 = vector.shape_cast %get3A_502 : vector<1x16xf32> to vector<16xf32>
    %swap3A_504 = arith.constant 31 : i32
    %swap3A_505 = arith.index_cast %swap3A_504 : i32 to index
    %swap3A_506 = arith.constant 0 : index
    %swap3A_507 = tpu.vector_load %arg13[%swap3A_505, %swap3A_506] {strides = array<i32>} : memref<64x128xf32, #tpu.memory_space<vmem>>, vector<1x16xf32>,
    %swap3A_508 = vector.shape_cast %swap3A_507 : vector<1x16xf32> to vector<16xf32>
    %swap3A_509 = vector.shape_cast %get3A_503 : vector<16xf32> to vector<1x16xf32>
    tpu.vector_store %arg13[%swap3A_505, %swap3A_506], %swap3A_509 {strides = array<i32>} : memref<64x128xf32, #tpu.memory_space<vmem>>, vector<1x16xf32>,
    %get3A_510 = arith.constant 4 : i32
    %get3A_511 = arith.index_cast %get3A_510 : i32 to index
    %get3A_512 = arith.constant 0 : index
    %get3A_513 = tpu.vector_load %arg12[%get3A_511, %get3A_512] {strides = array<i32>} : memref<8x128xf32, #tpu.memory_space<vmem>>, vector<1x16xf32>,
    %get3A_514 = vector.shape_cast %get3A_513 : vector<1x16xf32> to vector<16xf32>
    %swap3A_515 = arith.constant 32 : i32
    %swap3A_516 = arith.index_cast %swap3A_515 : i32 to index
    %swap3A_517 = arith.constant 0 : index
    %swap3A_518 = tpu.vector_load %arg13[%swap3A_516, %swap3A_517] {strides = array<i32>} : memref<64x128xf32, #tpu.memory_space<vmem>>, vector<1x16xf32>,
    %swap3A_519 = vector.shape_cast %swap3A_518 : vector<1x16xf32> to vector<16xf32>
    %swap3A_520 = vector.shape_cast %get3A_514 : vector<16xf32> to vector<1x16xf32>
    tpu.vector_store %arg13[%swap3A_516, %swap3A_517], %swap3A_520 {strides = array<i32>} : memref<64x128xf32, #tpu.memory_space<vmem>>, vector<1x16xf32>,
    %get3A_521 = arith.constant 4 : i32
    %get3A_522 = arith.index_cast %get3A_521 : i32 to index
    %get3A_523 = arith.constant 16 : index
    %get3A_524 = tpu.vector_load %arg12[%get3A_522, %get3A_523] {strides = array<i32>} : memref<8x128xf32, #tpu.memory_space<vmem>>, vector<1x16xf32>,
    %get3A_525 = vector.shape_cast %get3A_524 : vector<1x16xf32> to vector<16xf32>
    %swap3A_526 = arith.constant 33 : i32
    %swap3A_527 = arith.index_cast %swap3A_526 : i32 to index
    %swap3A_528 = arith.constant 0 : index
    %swap3A_529 = tpu.vector_load %arg13[%swap3A_527, %swap3A_528] {strides = array<i32>} : memref<64x128xf32, #tpu.memory_space<vmem>>, vector<1x16xf32>,
    %swap3A_530 = vector.shape_cast %swap3A_529 : vector<1x16xf32> to vector<16xf32>
    %swap3A_531 = vector.shape_cast %get3A_525 : vector<16xf32> to vector<1x16xf32>
    tpu.vector_store %arg13[%swap3A_527, %swap3A_528], %swap3A_531 {strides = array<i32>} : memref<64x128xf32, #tpu.memory_space<vmem>>, vector<1x16xf32>,
    %get3A_532 = arith.constant 4 : i32
    %get3A_533 = arith.index_cast %get3A_532 : i32 to index
    %get3A_534 = arith.constant 32 : index
    %get3A_535 = tpu.vector_load %arg12[%get3A_533, %get3A_534] {strides = array<i32>} : memref<8x128xf32, #tpu.memory_space<vmem>>, vector<1x16xf32>,
    %get3A_536 = vector.shape_cast %get3A_535 : vector<1x16xf32> to vector<16xf32>
    %swap3A_537 = arith.constant 34 : i32
    %swap3A_538 = arith.index_cast %swap3A_537 : i32 to index
    %swap3A_539 = arith.constant 0 : index
    %swap3A_540 = tpu.vector_load %arg13[%swap3A_538, %swap3A_539] {strides = array<i32>} : memref<64x128xf32, #tpu.memory_space<vmem>>, vector<1x16xf32>,
    %swap3A_541 = vector.shape_cast %swap3A_540 : vector<1x16xf32> to vector<16xf32>
    %swap3A_542 = vector.shape_cast %get3A_536 : vector<16xf32> to vector<1x16xf32>
    tpu.vector_store %arg13[%swap3A_538, %swap3A_539], %swap3A_542 {strides = array<i32>} : memref<64x128xf32, #tpu.memory_space<vmem>>, vector<1x16xf32>,
    %get3A_543 = arith.constant 4 : i32
    %get3A_544 = arith.index_cast %get3A_543 : i32 to index
    %get3A_545 = arith.constant 48 : index
    %get3A_546 = tpu.vector_load %arg12[%get3A_544, %get3A_545] {strides = array<i32>} : memref<8x128xf32, #tpu.memory_space<vmem>>, vector<1x16xf32>,
    %get3A_547 = vector.shape_cast %get3A_546 : vector<1x16xf32> to vector<16xf32>
    %swap3A_548 = arith.constant 35 : i32
    %swap3A_549 = arith.index_cast %swap3A_548 : i32 to index
    %swap3A_550 = arith.constant 0 : index
    %swap3A_551 = tpu.vector_load %arg13[%swap3A_549, %swap3A_550] {strides = array<i32>} : memref<64x128xf32, #tpu.memory_space<vmem>>, vector<1x16xf32>,
    %swap3A_552 = vector.shape_cast %swap3A_551 : vector<1x16xf32> to vector<16xf32>
    %swap3A_553 = vector.shape_cast %get3A_547 : vector<16xf32> to vector<1x16xf32>
    tpu.vector_store %arg13[%swap3A_549, %swap3A_550], %swap3A_553 {strides = array<i32>} : memref<64x128xf32, #tpu.memory_space<vmem>>, vector<1x16xf32>,
    %get3A_554 = arith.constant 4 : i32
    %get3A_555 = arith.index_cast %get3A_554 : i32 to index
    %get3A_556 = arith.constant 64 : index
    %get3A_557 = tpu.vector_load %arg12[%get3A_555, %get3A_556] {strides = array<i32>} : memref<8x128xf32, #tpu.memory_space<vmem>>, vector<1x16xf32>,
    %get3A_558 = vector.shape_cast %get3A_557 : vector<1x16xf32> to vector<16xf32>
    %swap3A_559 = arith.constant 36 : i32
    %swap3A_560 = arith.index_cast %swap3A_559 : i32 to index
    %swap3A_561 = arith.constant 0 : index
    %swap3A_562 = tpu.vector_load %arg13[%swap3A_560, %swap3A_561] {strides = array<i32>} : memref<64x128xf32, #tpu.memory_space<vmem>>, vector<1x16xf32>,
    %swap3A_563 = vector.shape_cast %swap3A_562 : vector<1x16xf32> to vector<16xf32>
    %swap3A_564 = vector.shape_cast %get3A_558 : vector<16xf32> to vector<1x16xf32>
    tpu.vector_store %arg13[%swap3A_560, %swap3A_561], %swap3A_564 {strides = array<i32>} : memref<64x128xf32, #tpu.memory_space<vmem>>, vector<1x16xf32>,
    %get3A_565 = arith.constant 4 : i32
    %get3A_566 = arith.index_cast %get3A_565 : i32 to index
    %get3A_567 = arith.constant 80 : index
    %get3A_568 = tpu.vector_load %arg12[%get3A_566, %get3A_567] {strides = array<i32>} : memref<8x128xf32, #tpu.memory_space<vmem>>, vector<1x16xf32>,
    %get3A_569 = vector.shape_cast %get3A_568 : vector<1x16xf32> to vector<16xf32>
    %swap3A_570 = arith.constant 37 : i32
    %swap3A_571 = arith.index_cast %swap3A_570 : i32 to index
    %swap3A_572 = arith.constant 0 : index
    %swap3A_573 = tpu.vector_load %arg13[%swap3A_571, %swap3A_572] {strides = array<i32>} : memref<64x128xf32, #tpu.memory_space<vmem>>, vector<1x16xf32>,
    %swap3A_574 = vector.shape_cast %swap3A_573 : vector<1x16xf32> to vector<16xf32>
    %swap3A_575 = vector.shape_cast %get3A_569 : vector<16xf32> to vector<1x16xf32>
    tpu.vector_store %arg13[%swap3A_571, %swap3A_572], %swap3A_575 {strides = array<i32>} : memref<64x128xf32, #tpu.memory_space<vmem>>, vector<1x16xf32>,
    %get3A_576 = arith.constant 4 : i32
    %get3A_577 = arith.index_cast %get3A_576 : i32 to index
    %get3A_578 = arith.constant 96 : index
    %get3A_579 = tpu.vector_load %arg12[%get3A_577, %get3A_578] {strides = array<i32>} : memref<8x128xf32, #tpu.memory_space<vmem>>, vector<1x16xf32>,
    %get3A_580 = vector.shape_cast %get3A_579 : vector<1x16xf32> to vector<16xf32>
    %swap3A_581 = arith.constant 38 : i32
    %swap3A_582 = arith.index_cast %swap3A_581 : i32 to index
    %swap3A_583 = arith.constant 0 : index
    %swap3A_584 = tpu.vector_load %arg13[%swap3A_582, %swap3A_583] {strides = array<i32>} : memref<64x128xf32, #tpu.memory_space<vmem>>, vector<1x16xf32>,
    %swap3A_585 = vector.shape_cast %swap3A_584 : vector<1x16xf32> to vector<16xf32>
    %swap3A_586 = vector.shape_cast %get3A_580 : vector<16xf32> to vector<1x16xf32>
    tpu.vector_store %arg13[%swap3A_582, %swap3A_583], %swap3A_586 {strides = array<i32>} : memref<64x128xf32, #tpu.memory_space<vmem>>, vector<1x16xf32>,
    %get3A_587 = arith.constant 4 : i32
    %get3A_588 = arith.index_cast %get3A_587 : i32 to index
    %get3A_589 = arith.constant 112 : index
    %get3A_590 = tpu.vector_load %arg12[%get3A_588, %get3A_589] {strides = array<i32>} : memref<8x128xf32, #tpu.memory_space<vmem>>, vector<1x16xf32>,
    %get3A_591 = vector.shape_cast %get3A_590 : vector<1x16xf32> to vector<16xf32>
    %swap3A_592 = arith.constant 39 : i32
    %swap3A_593 = arith.index_cast %swap3A_592 : i32 to index
    %swap3A_594 = arith.constant 0 : index
    %swap3A_595 = tpu.vector_load %arg13[%swap3A_593, %swap3A_594] {strides = array<i32>} : memref<64x128xf32, #tpu.memory_space<vmem>>, vector<1x16xf32>,
    %swap3A_596 = vector.shape_cast %swap3A_595 : vector<1x16xf32> to vector<16xf32>
    %swap3A_597 = vector.shape_cast %get3A_591 : vector<16xf32> to vector<1x16xf32>
    tpu.vector_store %arg13[%swap3A_593, %swap3A_594], %swap3A_597 {strides = array<i32>} : memref<64x128xf32, #tpu.memory_space<vmem>>, vector<1x16xf32>,
    %get3A_598 = arith.constant 5 : i32
    %get3A_599 = arith.index_cast %get3A_598 : i32 to index
    %get3A_600 = arith.constant 0 : index
    %get3A_601 = tpu.vector_load %arg12[%get3A_599, %get3A_600] {strides = array<i32>} : memref<8x128xf32, #tpu.memory_space<vmem>>, vector<1x16xf32>,
    %get3A_602 = vector.shape_cast %get3A_601 : vector<1x16xf32> to vector<16xf32>
    %swap3A_603 = arith.constant 40 : i32
    %swap3A_604 = arith.index_cast %swap3A_603 : i32 to index
    %swap3A_605 = arith.constant 0 : index
    %swap3A_606 = tpu.vector_load %arg13[%swap3A_604, %swap3A_605] {strides = array<i32>} : memref<64x128xf32, #tpu.memory_space<vmem>>, vector<1x16xf32>,
    %swap3A_607 = vector.shape_cast %swap3A_606 : vector<1x16xf32> to vector<16xf32>
    %swap3A_608 = vector.shape_cast %get3A_602 : vector<16xf32> to vector<1x16xf32>
    tpu.vector_store %arg13[%swap3A_604, %swap3A_605], %swap3A_608 {strides = array<i32>} : memref<64x128xf32, #tpu.memory_space<vmem>>, vector<1x16xf32>,
    %get3A_609 = arith.constant 5 : i32
    %get3A_610 = arith.index_cast %get3A_609 : i32 to index
    %get3A_611 = arith.constant 16 : index
    %get3A_612 = tpu.vector_load %arg12[%get3A_610, %get3A_611] {strides = array<i32>} : memref<8x128xf32, #tpu.memory_space<vmem>>, vector<1x16xf32>,
    %get3A_613 = vector.shape_cast %get3A_612 : vector<1x16xf32> to vector<16xf32>
    %swap3A_614 = arith.constant 41 : i32
    %swap3A_615 = arith.index_cast %swap3A_614 : i32 to index
    %swap3A_616 = arith.constant 0 : index
    %swap3A_617 = tpu.vector_load %arg13[%swap3A_615, %swap3A_616] {strides = array<i32>} : memref<64x128xf32, #tpu.memory_space<vmem>>, vector<1x16xf32>,
    %swap3A_618 = vector.shape_cast %swap3A_617 : vector<1x16xf32> to vector<16xf32>
    %swap3A_619 = vector.shape_cast %get3A_613 : vector<16xf32> to vector<1x16xf32>
    tpu.vector_store %arg13[%swap3A_615, %swap3A_616], %swap3A_619 {strides = array<i32>} : memref<64x128xf32, #tpu.memory_space<vmem>>, vector<1x16xf32>,
    %get3A_620 = arith.constant 5 : i32
    %get3A_621 = arith.index_cast %get3A_620 : i32 to index
    %get3A_622 = arith.constant 32 : index
    %get3A_623 = tpu.vector_load %arg12[%get3A_621, %get3A_622] {strides = array<i32>} : memref<8x128xf32, #tpu.memory_space<vmem>>, vector<1x16xf32>,
    %get3A_624 = vector.shape_cast %get3A_623 : vector<1x16xf32> to vector<16xf32>
    %swap3A_625 = arith.constant 42 : i32
    %swap3A_626 = arith.index_cast %swap3A_625 : i32 to index
    %swap3A_627 = arith.constant 0 : index
    %swap3A_628 = tpu.vector_load %arg13[%swap3A_626, %swap3A_627] {strides = array<i32>} : memref<64x128xf32, #tpu.memory_space<vmem>>, vector<1x16xf32>,
    %swap3A_629 = vector.shape_cast %swap3A_628 : vector<1x16xf32> to vector<16xf32>
    %swap3A_630 = vector.shape_cast %get3A_624 : vector<16xf32> to vector<1x16xf32>
    tpu.vector_store %arg13[%swap3A_626, %swap3A_627], %swap3A_630 {strides = array<i32>} : memref<64x128xf32, #tpu.memory_space<vmem>>, vector<1x16xf32>,
    %get3A_631 = arith.constant 5 : i32
    %get3A_632 = arith.index_cast %get3A_631 : i32 to index
    %get3A_633 = arith.constant 48 : index
    %get3A_634 = tpu.vector_load %arg12[%get3A_632, %get3A_633] {strides = array<i32>} : memref<8x128xf32, #tpu.memory_space<vmem>>, vector<1x16xf32>,
    %get3A_635 = vector.shape_cast %get3A_634 : vector<1x16xf32> to vector<16xf32>
    %swap3A_636 = arith.constant 43 : i32
    %swap3A_637 = arith.index_cast %swap3A_636 : i32 to index
    %swap3A_638 = arith.constant 0 : index
    %swap3A_639 = tpu.vector_load %arg13[%swap3A_637, %swap3A_638] {strides = array<i32>} : memref<64x128xf32, #tpu.memory_space<vmem>>, vector<1x16xf32>,
    %swap3A_640 = vector.shape_cast %swap3A_639 : vector<1x16xf32> to vector<16xf32>
    %swap3A_641 = vector.shape_cast %get3A_635 : vector<16xf32> to vector<1x16xf32>
    tpu.vector_store %arg13[%swap3A_637, %swap3A_638], %swap3A_641 {strides = array<i32>} : memref<64x128xf32, #tpu.memory_space<vmem>>, vector<1x16xf32>,
    %get3A_642 = arith.constant 5 : i32
    %get3A_643 = arith.index_cast %get3A_642 : i32 to index
    %get3A_644 = arith.constant 64 : index
    %get3A_645 = tpu.vector_load %arg12[%get3A_643, %get3A_644] {strides = array<i32>} : memref<8x128xf32, #tpu.memory_space<vmem>>, vector<1x16xf32>,
    %get3A_646 = vector.shape_cast %get3A_645 : vector<1x16xf32> to vector<16xf32>
    %swap3A_647 = arith.constant 44 : i32
    %swap3A_648 = arith.index_cast %swap3A_647 : i32 to index
    %swap3A_649 = arith.constant 0 : index
    %swap3A_650 = tpu.vector_load %arg13[%swap3A_648, %swap3A_649] {strides = array<i32>} : memref<64x128xf32, #tpu.memory_space<vmem>>, vector<1x16xf32>,
    %swap3A_651 = vector.shape_cast %swap3A_650 : vector<1x16xf32> to vector<16xf32>
    %swap3A_652 = vector.shape_cast %get3A_646 : vector<16xf32> to vector<1x16xf32>
    tpu.vector_store %arg13[%swap3A_648, %swap3A_649], %swap3A_652 {strides = array<i32>} : memref<64x128xf32, #tpu.memory_space<vmem>>, vector<1x16xf32>,
    %get3A_653 = arith.constant 5 : i32
    %get3A_654 = arith.index_cast %get3A_653 : i32 to index
    %get3A_655 = arith.constant 80 : index
    %get3A_656 = tpu.vector_load %arg12[%get3A_654, %get3A_655] {strides = array<i32>} : memref<8x128xf32, #tpu.memory_space<vmem>>, vector<1x16xf32>,
    %get3A_657 = vector.shape_cast %get3A_656 : vector<1x16xf32> to vector<16xf32>
    %swap3A_658 = arith.constant 45 : i32
    %swap3A_659 = arith.index_cast %swap3A_658 : i32 to index
    %swap3A_660 = arith.constant 0 : index
    %swap3A_661 = tpu.vector_load %arg13[%swap3A_659, %swap3A_660] {strides = array<i32>} : memref<64x128xf32, #tpu.memory_space<vmem>>, vector<1x16xf32>,
    %swap3A_662 = vector.shape_cast %swap3A_661 : vector<1x16xf32> to vector<16xf32>
    %swap3A_663 = vector.shape_cast %get3A_657 : vector<16xf32> to vector<1x16xf32>
    tpu.vector_store %arg13[%swap3A_659, %swap3A_660], %swap3A_663 {strides = array<i32>} : memref<64x128xf32, #tpu.memory_space<vmem>>, vector<1x16xf32>,
    %get3A_664 = arith.constant 5 : i32
    %get3A_665 = arith.index_cast %get3A_664 : i32 to index
    %get3A_666 = arith.constant 96 : index
    %get3A_667 = tpu.vector_load %arg12[%get3A_665, %get3A_666] {strides = array<i32>} : memref<8x128xf32, #tpu.memory_space<vmem>>, vector<1x16xf32>,
    %get3A_668 = vector.shape_cast %get3A_667 : vector<1x16xf32> to vector<16xf32>
    %swap3A_669 = arith.constant 46 : i32
    %swap3A_670 = arith.index_cast %swap3A_669 : i32 to index
    %swap3A_671 = arith.constant 0 : index
    %swap3A_672 = tpu.vector_load %arg13[%swap3A_670, %swap3A_671] {strides = array<i32>} : memref<64x128xf32, #tpu.memory_space<vmem>>, vector<1x16xf32>,
    %swap3A_673 = vector.shape_cast %swap3A_672 : vector<1x16xf32> to vector<16xf32>
    %swap3A_674 = vector.shape_cast %get3A_668 : vector<16xf32> to vector<1x16xf32>
    tpu.vector_store %arg13[%swap3A_670, %swap3A_671], %swap3A_674 {strides = array<i32>} : memref<64x128xf32, #tpu.memory_space<vmem>>, vector<1x16xf32>,
    %get3A_675 = arith.constant 5 : i32
    %get3A_676 = arith.index_cast %get3A_675 : i32 to index
    %get3A_677 = arith.constant 112 : index
    %get3A_678 = tpu.vector_load %arg12[%get3A_676, %get3A_677] {strides = array<i32>} : memref<8x128xf32, #tpu.memory_space<vmem>>, vector<1x16xf32>,
    %get3A_679 = vector.shape_cast %get3A_678 : vector<1x16xf32> to vector<16xf32>
    %swap3A_680 = arith.constant 47 : i32
    %swap3A_681 = arith.index_cast %swap3A_680 : i32 to index
    %swap3A_682 = arith.constant 0 : index
    %swap3A_683 = tpu.vector_load %arg13[%swap3A_681, %swap3A_682] {strides = array<i32>} : memref<64x128xf32, #tpu.memory_space<vmem>>, vector<1x16xf32>,
    %swap3A_684 = vector.shape_cast %swap3A_683 : vector<1x16xf32> to vector<16xf32>
    %swap3A_685 = vector.shape_cast %get3A_679 : vector<16xf32> to vector<1x16xf32>
    tpu.vector_store %arg13[%swap3A_681, %swap3A_682], %swap3A_685 {strides = array<i32>} : memref<64x128xf32, #tpu.memory_space<vmem>>, vector<1x16xf32>,
    %get3A_686 = arith.constant 6 : i32
    %get3A_687 = arith.index_cast %get3A_686 : i32 to index
    %get3A_688 = arith.constant 0 : index
    %get3A_689 = tpu.vector_load %arg12[%get3A_687, %get3A_688] {strides = array<i32>} : memref<8x128xf32, #tpu.memory_space<vmem>>, vector<1x16xf32>,
    %get3A_690 = vector.shape_cast %get3A_689 : vector<1x16xf32> to vector<16xf32>
    %swap3A_691 = arith.constant 48 : i32
    %swap3A_692 = arith.index_cast %swap3A_691 : i32 to index
    %swap3A_693 = arith.constant 0 : index
    %swap3A_694 = tpu.vector_load %arg13[%swap3A_692, %swap3A_693] {strides = array<i32>} : memref<64x128xf32, #tpu.memory_space<vmem>>, vector<1x16xf32>,
    %swap3A_695 = vector.shape_cast %swap3A_694 : vector<1x16xf32> to vector<16xf32>
    %swap3A_696 = vector.shape_cast %get3A_690 : vector<16xf32> to vector<1x16xf32>
    tpu.vector_store %arg13[%swap3A_692, %swap3A_693], %swap3A_696 {strides = array<i32>} : memref<64x128xf32, #tpu.memory_space<vmem>>, vector<1x16xf32>,
    %get3A_697 = arith.constant 6 : i32
    %get3A_698 = arith.index_cast %get3A_697 : i32 to index
    %get3A_699 = arith.constant 16 : index
    %get3A_700 = tpu.vector_load %arg12[%get3A_698, %get3A_699] {strides = array<i32>} : memref<8x128xf32, #tpu.memory_space<vmem>>, vector<1x16xf32>,
    %get3A_701 = vector.shape_cast %get3A_700 : vector<1x16xf32> to vector<16xf32>
    %swap3A_702 = arith.constant 49 : i32
    %swap3A_703 = arith.index_cast %swap3A_702 : i32 to index
    %swap3A_704 = arith.constant 0 : index
    %swap3A_705 = tpu.vector_load %arg13[%swap3A_703, %swap3A_704] {strides = array<i32>} : memref<64x128xf32, #tpu.memory_space<vmem>>, vector<1x16xf32>,
    %swap3A_706 = vector.shape_cast %swap3A_705 : vector<1x16xf32> to vector<16xf32>
    %swap3A_707 = vector.shape_cast %get3A_701 : vector<16xf32> to vector<1x16xf32>
    tpu.vector_store %arg13[%swap3A_703, %swap3A_704], %swap3A_707 {strides = array<i32>} : memref<64x128xf32, #tpu.memory_space<vmem>>, vector<1x16xf32>,
    %get3A_708 = arith.constant 6 : i32
    %get3A_709 = arith.index_cast %get3A_708 : i32 to index
    %get3A_710 = arith.constant 32 : index
    %get3A_711 = tpu.vector_load %arg12[%get3A_709, %get3A_710] {strides = array<i32>} : memref<8x128xf32, #tpu.memory_space<vmem>>, vector<1x16xf32>,
    %get3A_712 = vector.shape_cast %get3A_711 : vector<1x16xf32> to vector<16xf32>
    %swap3A_713 = arith.constant 50 : i32
    %swap3A_714 = arith.index_cast %swap3A_713 : i32 to index
    %swap3A_715 = arith.constant 0 : index
    %swap3A_716 = tpu.vector_load %arg13[%swap3A_714, %swap3A_715] {strides = array<i32>} : memref<64x128xf32, #tpu.memory_space<vmem>>, vector<1x16xf32>,
    %swap3A_717 = vector.shape_cast %swap3A_716 : vector<1x16xf32> to vector<16xf32>
    %swap3A_718 = vector.shape_cast %get3A_712 : vector<16xf32> to vector<1x16xf32>
    tpu.vector_store %arg13[%swap3A_714, %swap3A_715], %swap3A_718 {strides = array<i32>} : memref<64x128xf32, #tpu.memory_space<vmem>>, vector<1x16xf32>,
    %get3A_719 = arith.constant 6 : i32
    %get3A_720 = arith.index_cast %get3A_719 : i32 to index
    %get3A_721 = arith.constant 48 : index
    %get3A_722 = tpu.vector_load %arg12[%get3A_720, %get3A_721] {strides = array<i32>} : memref<8x128xf32, #tpu.memory_space<vmem>>, vector<1x16xf32>,
    %get3A_723 = vector.shape_cast %get3A_722 : vector<1x16xf32> to vector<16xf32>
    %swap3A_724 = arith.constant 51 : i32
    %swap3A_725 = arith.index_cast %swap3A_724 : i32 to index
    %swap3A_726 = arith.constant 0 : index
    %swap3A_727 = tpu.vector_load %arg13[%swap3A_725, %swap3A_726] {strides = array<i32>} : memref<64x128xf32, #tpu.memory_space<vmem>>, vector<1x16xf32>,
    %swap3A_728 = vector.shape_cast %swap3A_727 : vector<1x16xf32> to vector<16xf32>
    %swap3A_729 = vector.shape_cast %get3A_723 : vector<16xf32> to vector<1x16xf32>
    tpu.vector_store %arg13[%swap3A_725, %swap3A_726], %swap3A_729 {strides = array<i32>} : memref<64x128xf32, #tpu.memory_space<vmem>>, vector<1x16xf32>,
    %get3A_730 = arith.constant 6 : i32
    %get3A_731 = arith.index_cast %get3A_730 : i32 to index
    %get3A_732 = arith.constant 64 : index
    %get3A_733 = tpu.vector_load %arg12[%get3A_731, %get3A_732] {strides = array<i32>} : memref<8x128xf32, #tpu.memory_space<vmem>>, vector<1x16xf32>,
    %get3A_734 = vector.shape_cast %get3A_733 : vector<1x16xf32> to vector<16xf32>
    %swap3A_735 = arith.constant 52 : i32
    %swap3A_736 = arith.index_cast %swap3A_735 : i32 to index
    %swap3A_737 = arith.constant 0 : index
    %swap3A_738 = tpu.vector_load %arg13[%swap3A_736, %swap3A_737] {strides = array<i32>} : memref<64x128xf32, #tpu.memory_space<vmem>>, vector<1x16xf32>,
    %swap3A_739 = vector.shape_cast %swap3A_738 : vector<1x16xf32> to vector<16xf32>
    %swap3A_740 = vector.shape_cast %get3A_734 : vector<16xf32> to vector<1x16xf32>
    tpu.vector_store %arg13[%swap3A_736, %swap3A_737], %swap3A_740 {strides = array<i32>} : memref<64x128xf32, #tpu.memory_space<vmem>>, vector<1x16xf32>,
    %get3A_741 = arith.constant 6 : i32
    %get3A_742 = arith.index_cast %get3A_741 : i32 to index
    %get3A_743 = arith.constant 80 : index
    %get3A_744 = tpu.vector_load %arg12[%get3A_742, %get3A_743] {strides = array<i32>} : memref<8x128xf32, #tpu.memory_space<vmem>>, vector<1x16xf32>,
    %get3A_745 = vector.shape_cast %get3A_744 : vector<1x16xf32> to vector<16xf32>
    %swap3A_746 = arith.constant 53 : i32
    %swap3A_747 = arith.index_cast %swap3A_746 : i32 to index
    %swap3A_748 = arith.constant 0 : index
    %swap3A_749 = tpu.vector_load %arg13[%swap3A_747, %swap3A_748] {strides = array<i32>} : memref<64x128xf32, #tpu.memory_space<vmem>>, vector<1x16xf32>,
    %swap3A_750 = vector.shape_cast %swap3A_749 : vector<1x16xf32> to vector<16xf32>
    %swap3A_751 = vector.shape_cast %get3A_745 : vector<16xf32> to vector<1x16xf32>
    tpu.vector_store %arg13[%swap3A_747, %swap3A_748], %swap3A_751 {strides = array<i32>} : memref<64x128xf32, #tpu.memory_space<vmem>>, vector<1x16xf32>,
    %get3A_752 = arith.constant 6 : i32
    %get3A_753 = arith.index_cast %get3A_752 : i32 to index
    %get3A_754 = arith.constant 96 : index
    %get3A_755 = tpu.vector_load %arg12[%get3A_753, %get3A_754] {strides = array<i32>} : memref<8x128xf32, #tpu.memory_space<vmem>>, vector<1x16xf32>,
    %get3A_756 = vector.shape_cast %get3A_755 : vector<1x16xf32> to vector<16xf32>
    %swap3A_757 = arith.constant 54 : i32
    %swap3A_758 = arith.index_cast %swap3A_757 : i32 to index
    %swap3A_759 = arith.constant 0 : index
    %swap3A_760 = tpu.vector_load %arg13[%swap3A_758, %swap3A_759] {strides = array<i32>} : memref<64x128xf32, #tpu.memory_space<vmem>>, vector<1x16xf32>,
    %swap3A_761 = vector.shape_cast %swap3A_760 : vector<1x16xf32> to vector<16xf32>
    %swap3A_762 = vector.shape_cast %get3A_756 : vector<16xf32> to vector<1x16xf32>
    tpu.vector_store %arg13[%swap3A_758, %swap3A_759], %swap3A_762 {strides = array<i32>} : memref<64x128xf32, #tpu.memory_space<vmem>>, vector<1x16xf32>,
    %get3A_763 = arith.constant 6 : i32
    %get3A_764 = arith.index_cast %get3A_763 : i32 to index
    %get3A_765 = arith.constant 112 : index
    %get3A_766 = tpu.vector_load %arg12[%get3A_764, %get3A_765] {strides = array<i32>} : memref<8x128xf32, #tpu.memory_space<vmem>>, vector<1x16xf32>,
    %get3A_767 = vector.shape_cast %get3A_766 : vector<1x16xf32> to vector<16xf32>
    %swap3A_768 = arith.constant 55 : i32
    %swap3A_769 = arith.index_cast %swap3A_768 : i32 to index
    %swap3A_770 = arith.constant 0 : index
    %swap3A_771 = tpu.vector_load %arg13[%swap3A_769, %swap3A_770] {strides = array<i32>} : memref<64x128xf32, #tpu.memory_space<vmem>>, vector<1x16xf32>,
    %swap3A_772 = vector.shape_cast %swap3A_771 : vector<1x16xf32> to vector<16xf32>
    %swap3A_773 = vector.shape_cast %get3A_767 : vector<16xf32> to vector<1x16xf32>
    tpu.vector_store %arg13[%swap3A_769, %swap3A_770], %swap3A_773 {strides = array<i32>} : memref<64x128xf32, #tpu.memory_space<vmem>>, vector<1x16xf32>,
    %get3A_774 = arith.constant 7 : i32
    %get3A_775 = arith.index_cast %get3A_774 : i32 to index
    %get3A_776 = arith.constant 0 : index
    %get3A_777 = tpu.vector_load %arg12[%get3A_775, %get3A_776] {strides = array<i32>} : memref<8x128xf32, #tpu.memory_space<vmem>>, vector<1x16xf32>,
    %get3A_778 = vector.shape_cast %get3A_777 : vector<1x16xf32> to vector<16xf32>
    %swap3A_779 = arith.constant 56 : i32
    %swap3A_780 = arith.index_cast %swap3A_779 : i32 to index
    %swap3A_781 = arith.constant 0 : index
    %swap3A_782 = tpu.vector_load %arg13[%swap3A_780, %swap3A_781] {strides = array<i32>} : memref<64x128xf32, #tpu.memory_space<vmem>>, vector<1x16xf32>,
    %swap3A_783 = vector.shape_cast %swap3A_782 : vector<1x16xf32> to vector<16xf32>
    %swap3A_784 = vector.shape_cast %get3A_778 : vector<16xf32> to vector<1x16xf32>
    tpu.vector_store %arg13[%swap3A_780, %swap3A_781], %swap3A_784 {strides = array<i32>} : memref<64x128xf32, #tpu.memory_space<vmem>>, vector<1x16xf32>,
    %get3A_785 = arith.constant 7 : i32
    %get3A_786 = arith.index_cast %get3A_785 : i32 to index
    %get3A_787 = arith.constant 16 : index
    %get3A_788 = tpu.vector_load %arg12[%get3A_786, %get3A_787] {strides = array<i32>} : memref<8x128xf32, #tpu.memory_space<vmem>>, vector<1x16xf32>,
    %get3A_789 = vector.shape_cast %get3A_788 : vector<1x16xf32> to vector<16xf32>
    %swap3A_790 = arith.constant 57 : i32
    %swap3A_791 = arith.index_cast %swap3A_790 : i32 to index
    %swap3A_792 = arith.constant 0 : index
    %swap3A_793 = tpu.vector_load %arg13[%swap3A_791, %swap3A_792] {strides = array<i32>} : memref<64x128xf32, #tpu.memory_space<vmem>>, vector<1x16xf32>,
    %swap3A_794 = vector.shape_cast %swap3A_793 : vector<1x16xf32> to vector<16xf32>
    %swap3A_795 = vector.shape_cast %get3A_789 : vector<16xf32> to vector<1x16xf32>
    tpu.vector_store %arg13[%swap3A_791, %swap3A_792], %swap3A_795 {strides = array<i32>} : memref<64x128xf32, #tpu.memory_space<vmem>>, vector<1x16xf32>,
    %get3A_796 = arith.constant 7 : i32
    %get3A_797 = arith.index_cast %get3A_796 : i32 to index
    %get3A_798 = arith.constant 32 : index
    %get3A_799 = tpu.vector_load %arg12[%get3A_797, %get3A_798] {strides = array<i32>} : memref<8x128xf32, #tpu.memory_space<vmem>>, vector<1x16xf32>,
    %get3A_800 = vector.shape_cast %get3A_799 : vector<1x16xf32> to vector<16xf32>
    %swap3A_801 = arith.constant 58 : i32
    %swap3A_802 = arith.index_cast %swap3A_801 : i32 to index
    %swap3A_803 = arith.constant 0 : index
    %swap3A_804 = tpu.vector_load %arg13[%swap3A_802, %swap3A_803] {strides = array<i32>} : memref<64x128xf32, #tpu.memory_space<vmem>>, vector<1x16xf32>,
    %swap3A_805 = vector.shape_cast %swap3A_804 : vector<1x16xf32> to vector<16xf32>
    %swap3A_806 = vector.shape_cast %get3A_800 : vector<16xf32> to vector<1x16xf32>
    tpu.vector_store %arg13[%swap3A_802, %swap3A_803], %swap3A_806 {strides = array<i32>} : memref<64x128xf32, #tpu.memory_space<vmem>>, vector<1x16xf32>,
    %get3A_807 = arith.constant 7 : i32
    %get3A_808 = arith.index_cast %get3A_807 : i32 to index
    %get3A_809 = arith.constant 48 : index
    %get3A_810 = tpu.vector_load %arg12[%get3A_808, %get3A_809] {strides = array<i32>} : memref<8x128xf32, #tpu.memory_space<vmem>>, vector<1x16xf32>,
    %get3A_811 = vector.shape_cast %get3A_810 : vector<1x16xf32> to vector<16xf32>
    %swap3A_812 = arith.constant 59 : i32
    %swap3A_813 = arith.index_cast %swap3A_812 : i32 to index
    %swap3A_814 = arith.constant 0 : index
    %swap3A_815 = tpu.vector_load %arg13[%swap3A_813, %swap3A_814] {strides = array<i32>} : memref<64x128xf32, #tpu.memory_space<vmem>>, vector<1x16xf32>,
    %swap3A_816 = vector.shape_cast %swap3A_815 : vector<1x16xf32> to vector<16xf32>
    %swap3A_817 = vector.shape_cast %get3A_811 : vector<16xf32> to vector<1x16xf32>
    tpu.vector_store %arg13[%swap3A_813, %swap3A_814], %swap3A_817 {strides = array<i32>} : memref<64x128xf32, #tpu.memory_space<vmem>>, vector<1x16xf32>,
    %get3A_818 = arith.constant 7 : i32
    %get3A_819 = arith.index_cast %get3A_818 : i32 to index
    %get3A_820 = arith.constant 64 : index
    %get3A_821 = tpu.vector_load %arg12[%get3A_819, %get3A_820] {strides = array<i32>} : memref<8x128xf32, #tpu.memory_space<vmem>>, vector<1x16xf32>,
    %get3A_822 = vector.shape_cast %get3A_821 : vector<1x16xf32> to vector<16xf32>
    %swap3A_823 = arith.constant 60 : i32
    %swap3A_824 = arith.index_cast %swap3A_823 : i32 to index
    %swap3A_825 = arith.constant 0 : index
    %swap3A_826 = tpu.vector_load %arg13[%swap3A_824, %swap3A_825] {strides = array<i32>} : memref<64x128xf32, #tpu.memory_space<vmem>>, vector<1x16xf32>,
    %swap3A_827 = vector.shape_cast %swap3A_826 : vector<1x16xf32> to vector<16xf32>
    %swap3A_828 = vector.shape_cast %get3A_822 : vector<16xf32> to vector<1x16xf32>
    tpu.vector_store %arg13[%swap3A_824, %swap3A_825], %swap3A_828 {strides = array<i32>} : memref<64x128xf32, #tpu.memory_space<vmem>>, vector<1x16xf32>,
    %get3A_829 = arith.constant 7 : i32
    %get3A_830 = arith.index_cast %get3A_829 : i32 to index
    %get3A_831 = arith.constant 80 : index
    %get3A_832 = tpu.vector_load %arg12[%get3A_830, %get3A_831] {strides = array<i32>} : memref<8x128xf32, #tpu.memory_space<vmem>>, vector<1x16xf32>,
    %get3A_833 = vector.shape_cast %get3A_832 : vector<1x16xf32> to vector<16xf32>
    %swap3A_834 = arith.constant 61 : i32
    %swap3A_835 = arith.index_cast %swap3A_834 : i32 to index
    %swap3A_836 = arith.constant 0 : index
    %swap3A_837 = tpu.vector_load %arg13[%swap3A_835, %swap3A_836] {strides = array<i32>} : memref<64x128xf32, #tpu.memory_space<vmem>>, vector<1x16xf32>,
    %swap3A_838 = vector.shape_cast %swap3A_837 : vector<1x16xf32> to vector<16xf32>
    %swap3A_839 = vector.shape_cast %get3A_833 : vector<16xf32> to vector<1x16xf32>
    tpu.vector_store %arg13[%swap3A_835, %swap3A_836], %swap3A_839 {strides = array<i32>} : memref<64x128xf32, #tpu.memory_space<vmem>>, vector<1x16xf32>,
    %get3A_840 = arith.constant 7 : i32
    %get3A_841 = arith.index_cast %get3A_840 : i32 to index
    %get3A_842 = arith.constant 96 : index
    %get3A_843 = tpu.vector_load %arg12[%get3A_841, %get3A_842] {strides = array<i32>} : memref<8x128xf32, #tpu.memory_space<vmem>>, vector<1x16xf32>,
    %get3A_844 = vector.shape_cast %get3A_843 : vector<1x16xf32> to vector<16xf32>
    %swap3A_845 = arith.constant 62 : i32
    %swap3A_846 = arith.index_cast %swap3A_845 : i32 to index
    %swap3A_847 = arith.constant 0 : index
    %swap3A_848 = tpu.vector_load %arg13[%swap3A_846, %swap3A_847] {strides = array<i32>} : memref<64x128xf32, #tpu.memory_space<vmem>>, vector<1x16xf32>,
    %swap3A_849 = vector.shape_cast %swap3A_848 : vector<1x16xf32> to vector<16xf32>
    %swap3A_850 = vector.shape_cast %get3A_844 : vector<16xf32> to vector<1x16xf32>
    tpu.vector_store %arg13[%swap3A_846, %swap3A_847], %swap3A_850 {strides = array<i32>} : memref<64x128xf32, #tpu.memory_space<vmem>>, vector<1x16xf32>,
    %get3A_851 = arith.constant 7 : i32
    %get3A_852 = arith.index_cast %get3A_851 : i32 to index
    %get3A_853 = arith.constant 112 : index
    %get3A_854 = tpu.vector_load %arg12[%get3A_852, %get3A_853] {strides = array<i32>} : memref<8x128xf32, #tpu.memory_space<vmem>>, vector<1x16xf32>,
    %get3A_855 = vector.shape_cast %get3A_854 : vector<1x16xf32> to vector<16xf32>
    %swap3A_856 = arith.constant 63 : i32
    %swap3A_857 = arith.index_cast %swap3A_856 : i32 to index
    %swap3A_858 = arith.constant 0 : index
    %swap3A_859 = tpu.vector_load %arg13[%swap3A_857, %swap3A_858] {strides = array<i32>} : memref<64x128xf32, #tpu.memory_space<vmem>>, vector<1x16xf32>,
    %swap3A_860 = vector.shape_cast %swap3A_859 : vector<1x16xf32> to vector<16xf32>
    %swap3A_861 = vector.shape_cast %get3A_855 : vector<16xf32> to vector<1x16xf32>
    tpu.vector_store %arg13[%swap3A_857, %swap3A_858], %swap3A_861 {strides = array<i32>} : memref<64x128xf32, #tpu.memory_space<vmem>>, vector<1x16xf32>,
    %dma_wait3A_862 = arith.constant 0 : i32
    %dma_wait3A_863 = arith.constant 0 : i32
    %dma_wait3A_864 = tpu.memref_slice %arg2[%dma_wait3A_862, %dma_wait3A_863] : memref<10000x128xf32, #tpu.memory_space<hbm>> -> memref<10000x128xf32, #tpu.memory_space<hbm>>
    tpu.wait_indirect_dma semaphore(%arg25 : memref<!tpu.dma_semaphore, #tpu.memory_space<semaphore_mem>>) src(%dma_wait3A_864 : memref<10000x128xf32, #tpu.memory_space<hbm>>) dst(%arg11 : memref<64x128xf32, #tpu.memory_space<vmem>>)
    %dma_start3A_865 = arith.constant 0 : i32
    %dma_start3A_866 = arith.constant 0 : i32
    %dma_start3A_867 = tpu.memref_slice %arg21[%dma_start3A_865, %dma_start3A_866] : memref<5128x128xf32, #tpu.memory_space<vmem_shared>> -> memref<5128x128xf32, #tpu.memory_space<vmem_shared>>
    tpu.enqueue_indirect_dma source(%arg11 : memref<64x128xf32, #tpu.memory_space<vmem>>) target(%dma_start3A_867 : memref<5128x128xf32, #tpu.memory_space<vmem_shared>>) offsets(%arg19 : memref<64xi32, #tpu.memory_space<vmem>>) semaphore(%arg27 : memref<!tpu.dma_semaphore, #tpu.memory_space<semaphore_mem>>) {add = true}
    %dma_start3A_868 = arith.constant 0 : i32
    %dma_start3A_869 = arith.constant 0 : i32
    %dma_start3A_870 = tpu.memref_slice %arg22[%dma_start3A_868, %dma_start3A_869] : memref<5128x128xf32, #tpu.memory_space<vmem_shared>> -> memref<5128x128xf32, #tpu.memory_space<vmem_shared>>
    tpu.enqueue_indirect_dma source(%arg13 : memref<64x128xf32, #tpu.memory_space<vmem>>) target(%dma_start3A_870 : memref<5128x128xf32, #tpu.memory_space<vmem_shared>>) offsets(%arg19 : memref<64xi32, #tpu.memory_space<vmem>>) semaphore(%arg27 : memref<!tpu.dma_semaphore, #tpu.memory_space<semaphore_mem>>) {add = true}
    %min3A_871 = arith.constant 2 : i32
    %min3A_872 = arith.constant 319 : i32
    %min3A_873 = arith.minsi %min3A_871, %min3A_872 : i32
    %mul3A_874 = arith.constant 20480 : i32
    %mul3A_875 = arith.muli %arg1, %mul3A_874 : i32
    %mul3A_876 = arith.constant 64 : i32
    %mul3A_877 = arith.muli %min3A_873, %mul3A_876 : i32
    %add3A_878 = arith.addi %mul3A_875, %mul3A_877 : i32
    %multiple_of3A_879 = tpu.assume_multiple %add3A_878, 8 : i32
    %mul3A_880 = arith.constant 2560 : i32
    %mul3A_881 = arith.muli %arg1, %mul3A_880 : i32
    %mul3A_882 = arith.constant 8 : i32
    %mul3A_883 = arith.muli %min3A_873, %mul3A_882 : i32
    %add3A_884 = arith.addi %mul3A_881, %mul3A_883 : i32
    %multiple_of3A_885 = tpu.assume_multiple %add3A_884, 8 : i32
    %dma_start3A_886 = tpu.memref_slice %arg3[%multiple_of3A_879] : memref<327680xi32, #tpu.memory_space<hbm>> -> memref<64xi32, #tpu.memory_space<hbm>>
    %dma_start3A_887 = tpu.memref_slice %arg3[%multiple_of3A_879] : memref<327680xi32, #tpu.memory_space<hbm>> -> memref<64xi32, #tpu.memory_space<hbm>>
    tpu.enqueue_dma source(%dma_start3A_887 : memref<64xi32, #tpu.memory_space<hbm>>) target(%arg9 : memref<64xi32, #tpu.memory_space<vmem>>) target_semaphore(%arg23 : memref<!tpu.dma_semaphore, #tpu.memory_space<semaphore_mem>>)
    %dma_start3A_888 = tpu.memref_slice %arg4[%multiple_of3A_879] : memref<327680xi32, #tpu.memory_space<hbm>> -> memref<64xi32, #tpu.memory_space<hbm>>
    %dma_start3A_889 = tpu.memref_slice %arg4[%multiple_of3A_879] : memref<327680xi32, #tpu.memory_space<hbm>> -> memref<64xi32, #tpu.memory_space<hbm>>
    tpu.enqueue_dma source(%dma_start3A_889 : memref<64xi32, #tpu.memory_space<hbm>>) target(%arg10 : memref<64xi32, #tpu.memory_space<vmem>>) target_semaphore(%arg23 : memref<!tpu.dma_semaphore, #tpu.memory_space<semaphore_mem>>)
    %dma_start3A_890 = arith.constant 0 : i32
    %dma_start3A_891 = tpu.memref_slice %arg5[%multiple_of3A_885, %dma_start3A_890] : memref<40960x128xf32, #tpu.memory_space<hbm>> -> memref<8x128xf32, #tpu.memory_space<hbm>>
    %dma_start3A_892 = arith.constant 0 : i32
    %dma_start3A_893 = tpu.memref_slice %arg5[%multiple_of3A_885, %dma_start3A_892] : memref<40960x128xf32, #tpu.memory_space<hbm>> -> memref<8x128xf32, #tpu.memory_space<hbm>>
    tpu.enqueue_dma source(%dma_start3A_893 : memref<8x128xf32, #tpu.memory_space<hbm>>) target(%arg12 : memref<8x128xf32, #tpu.memory_space<vmem>>) target_semaphore(%arg23 : memref<!tpu.dma_semaphore, #tpu.memory_space<semaphore_mem>>)
    %min3A_894 = arith.constant 1 : i32
    %min3A_895 = arith.constant 319 : i32
    %min3A_896 = arith.minsi %min3A_894, %min3A_895 : i32
    %mul3A_897 = arith.constant 20480 : i32
    %mul3A_898 = arith.muli %arg1, %mul3A_897 : i32
    %mul3A_899 = arith.constant 64 : i32
    %mul3A_900 = arith.muli %min3A_896, %mul3A_899 : i32
    %add3A_901 = arith.addi %mul3A_898, %mul3A_900 : i32
    %multiple_of3A_902 = tpu.assume_multiple %add3A_901, 8 : i32
    %mul3A_903 = arith.constant 2560 : i32
    %mul3A_904 = arith.muli %arg1, %mul3A_903 : i32
    %mul3A_905 = arith.constant 8 : i32
    %mul3A_906 = arith.muli %min3A_896, %mul3A_905 : i32
    %add3A_907 = arith.addi %mul3A_904, %mul3A_906 : i32
    %multiple_of3A_908 = tpu.assume_multiple %add3A_907, 8 : i32
    %dma_wait3A_909 = tpu.memref_slice %arg3[%multiple_of3A_902] : memref<327680xi32, #tpu.memory_space<hbm>> -> memref<64xi32, #tpu.memory_space<hbm>>
    %dma_wait3A_910 = tpu.memref_slice %arg3[%multiple_of3A_902] : memref<327680xi32, #tpu.memory_space<hbm>> -> memref<64xi32, #tpu.memory_space<hbm>>
    tpu.wait_dma2 semaphore(%arg24 : memref<!tpu.dma_semaphore, #tpu.memory_space<semaphore_mem>>) src(%dma_wait3A_910 : memref<64xi32, #tpu.memory_space<hbm>>) dst(%arg14 : memref<64xi32, #tpu.memory_space<vmem>>)
    %dma_wait3A_911 = tpu.memref_slice %arg4[%multiple_of3A_902] : memref<327680xi32, #tpu.memory_space<hbm>> -> memref<64xi32, #tpu.memory_space<hbm>>
    %dma_wait3A_912 = tpu.memref_slice %arg4[%multiple_of3A_902] : memref<327680xi32, #tpu.memory_space<hbm>> -> memref<64xi32, #tpu.memory_space<hbm>>
    tpu.wait_dma2 semaphore(%arg24 : memref<!tpu.dma_semaphore, #tpu.memory_space<semaphore_mem>>) src(%dma_wait3A_912 : memref<64xi32, #tpu.memory_space<hbm>>) dst(%arg15 : memref<64xi32, #tpu.memory_space<vmem>>)
    %dma_wait3A_913 = arith.constant 0 : i32
    %dma_wait3A_914 = tpu.memref_slice %arg5[%multiple_of3A_908, %dma_wait3A_913] : memref<40960x128xf32, #tpu.memory_space<hbm>> -> memref<8x128xf32, #tpu.memory_space<hbm>>
    %dma_wait3A_915 = arith.constant 0 : i32
    %dma_wait3A_916 = tpu.memref_slice %arg5[%multiple_of3A_908, %dma_wait3A_915] : memref<40960x128xf32, #tpu.memory_space<hbm>> -> memref<8x128xf32, #tpu.memory_space<hbm>>
    tpu.wait_dma2 semaphore(%arg24 : memref<!tpu.dma_semaphore, #tpu.memory_space<semaphore_mem>>) src(%dma_wait3A_916 : memref<8x128xf32, #tpu.memory_space<hbm>>) dst(%arg17 : memref<8x128xf32, #tpu.memory_space<vmem>>)
    %dma_start3A_917 = arith.constant 0 : i32
    %dma_start3A_918 = arith.constant 0 : i32
    %dma_start3A_919 = tpu.memref_slice %arg2[%dma_start3A_917, %dma_start3A_918] : memref<10000x128xf32, #tpu.memory_space<hbm>> -> memref<10000x128xf32, #tpu.memory_space<hbm>>
    tpu.enqueue_indirect_dma source(%dma_start3A_919 : memref<10000x128xf32, #tpu.memory_space<hbm>>) target(%arg16 : memref<64x128xf32, #tpu.memory_space<vmem>>) offsets(%arg14 : memref<64xi32, #tpu.memory_space<vmem>>) semaphore(%arg26 : memref<!tpu.dma_semaphore, #tpu.memory_space<semaphore_mem>>)
    %get3A_920 = arith.constant 0 : index
    %get3A_921 = tpu.vector_load %arg15[%get3A_920] {strides = array<i32>} : memref<64xi32, #tpu.memory_space<vmem>>, vector<16xi32>,
    %get3A_922 = vector.shape_cast %get3A_921 : vector<16xi32> to vector<16xi32>
    %sub3A_923 = vector.broadcast %mul3A_21 : i32 to vector<16xi32>
    %sub3A_924 = arith.subi %get3A_922, %sub3A_923 : vector<16xi32>
    %ge3A_925 = arith.constant 0 : i32
    %ge3A_926 = vector.broadcast %ge3A_925 : i32 to vector<16xi32>
    %ge3A_927 = arith.cmpi sge, %sub3A_924, %ge3A_926 : vector<16xi32>
    %lt3A_928 = arith.constant 5120 : i32
    %lt3A_929 = vector.broadcast %lt3A_928 : i32 to vector<16xi32>
    %lt3A_930 = arith.cmpi slt, %sub3A_924, %lt3A_929 : vector<16xi32>
    %and3A_931 = arith.andi %ge3A_927, %lt3A_930 : vector<16xi1>
    %jit3A_932 = arith.constant 5120 : i32
    %broadcast_in_dim3A_933 = vector.broadcast %jit3A_932 : i32 to vector<16xi32>
    %select_n3A_934 = arith.select %and3A_931, %sub3A_924, %broadcast_in_dim3A_933 : vector<16xi1>, vector<16xi32>
    %swap3A_935 = arith.constant 0 : index
    %swap3A_936 = tpu.vector_load %arg20[%swap3A_935] {strides = array<i32>} : memref<64xi32, #tpu.memory_space<vmem>>, vector<16xi32>,
    %swap3A_937 = vector.shape_cast %swap3A_936 : vector<16xi32> to vector<16xi32>
    %swap3A_938 = vector.shape_cast %select_n3A_934 : vector<16xi32> to vector<16xi32>
    tpu.vector_store %arg20[%swap3A_935], %swap3A_938 {strides = array<i32>} : memref<64xi32, #tpu.memory_space<vmem>>, vector<16xi32>,
    %get3A_939 = arith.constant 16 : index
    %get3A_940 = tpu.vector_load %arg15[%get3A_939] {strides = array<i32>} : memref<64xi32, #tpu.memory_space<vmem>>, vector<16xi32>,
    %get3A_941 = vector.shape_cast %get3A_940 : vector<16xi32> to vector<16xi32>
    %sub3A_942 = vector.broadcast %mul3A_21 : i32 to vector<16xi32>
    %sub3A_943 = arith.subi %get3A_941, %sub3A_942 : vector<16xi32>
    %ge3A_944 = arith.constant 0 : i32
    %ge3A_945 = vector.broadcast %ge3A_944 : i32 to vector<16xi32>
    %ge3A_946 = arith.cmpi sge, %sub3A_943, %ge3A_945 : vector<16xi32>
    %lt3A_947 = arith.constant 5120 : i32
    %lt3A_948 = vector.broadcast %lt3A_947 : i32 to vector<16xi32>
    %lt3A_949 = arith.cmpi slt, %sub3A_943, %lt3A_948 : vector<16xi32>
    %and3A_950 = arith.andi %ge3A_946, %lt3A_949 : vector<16xi1>
    %jit3A_951 = arith.constant 5120 : i32
    %broadcast_in_dim3A_952 = vector.broadcast %jit3A_951 : i32 to vector<16xi32>
    %select_n3A_953 = arith.select %and3A_950, %sub3A_943, %broadcast_in_dim3A_952 : vector<16xi1>, vector<16xi32>
    %swap3A_954 = arith.constant 16 : index
    %swap3A_955 = tpu.vector_load %arg20[%swap3A_954] {strides = array<i32>} : memref<64xi32, #tpu.memory_space<vmem>>, vector<16xi32>,
    %swap3A_956 = vector.shape_cast %swap3A_955 : vector<16xi32> to vector<16xi32>
    %swap3A_957 = vector.shape_cast %select_n3A_953 : vector<16xi32> to vector<16xi32>
    tpu.vector_store %arg20[%swap3A_954], %swap3A_957 {strides = array<i32>} : memref<64xi32, #tpu.memory_space<vmem>>, vector<16xi32>,
    %get3A_958 = arith.constant 32 : index
    %get3A_959 = tpu.vector_load %arg15[%get3A_958] {strides = array<i32>} : memref<64xi32, #tpu.memory_space<vmem>>, vector<16xi32>,
    %get3A_960 = vector.shape_cast %get3A_959 : vector<16xi32> to vector<16xi32>
    %sub3A_961 = vector.broadcast %mul3A_21 : i32 to vector<16xi32>
    %sub3A_962 = arith.subi %get3A_960, %sub3A_961 : vector<16xi32>
    %ge3A_963 = arith.constant 0 : i32
    %ge3A_964 = vector.broadcast %ge3A_963 : i32 to vector<16xi32>
    %ge3A_965 = arith.cmpi sge, %sub3A_962, %ge3A_964 : vector<16xi32>
    %lt3A_966 = arith.constant 5120 : i32
    %lt3A_967 = vector.broadcast %lt3A_966 : i32 to vector<16xi32>
    %lt3A_968 = arith.cmpi slt, %sub3A_962, %lt3A_967 : vector<16xi32>
    %and3A_969 = arith.andi %ge3A_965, %lt3A_968 : vector<16xi1>
    %jit3A_970 = arith.constant 5120 : i32
    %broadcast_in_dim3A_971 = vector.broadcast %jit3A_970 : i32 to vector<16xi32>
    %select_n3A_972 = arith.select %and3A_969, %sub3A_962, %broadcast_in_dim3A_971 : vector<16xi1>, vector<16xi32>
    %swap3A_973 = arith.constant 32 : index
    %swap3A_974 = tpu.vector_load %arg20[%swap3A_973] {strides = array<i32>} : memref<64xi32, #tpu.memory_space<vmem>>, vector<16xi32>,
    %swap3A_975 = vector.shape_cast %swap3A_974 : vector<16xi32> to vector<16xi32>
    %swap3A_976 = vector.shape_cast %select_n3A_972 : vector<16xi32> to vector<16xi32>
    tpu.vector_store %arg20[%swap3A_973], %swap3A_976 {strides = array<i32>} : memref<64xi32, #tpu.memory_space<vmem>>, vector<16xi32>,
    %get3A_977 = arith.constant 48 : index
    %get3A_978 = tpu.vector_load %arg15[%get3A_977] {strides = array<i32>} : memref<64xi32, #tpu.memory_space<vmem>>, vector<16xi32>,
    %get3A_979 = vector.shape_cast %get3A_978 : vector<16xi32> to vector<16xi32>
    %sub3A_980 = vector.broadcast %mul3A_21 : i32 to vector<16xi32>
    %sub3A_981 = arith.subi %get3A_979, %sub3A_980 : vector<16xi32>
    %ge3A_982 = arith.constant 0 : i32
    %ge3A_983 = vector.broadcast %ge3A_982 : i32 to vector<16xi32>
    %ge3A_984 = arith.cmpi sge, %sub3A_981, %ge3A_983 : vector<16xi32>
    %lt3A_985 = arith.constant 5120 : i32
    %lt3A_986 = vector.broadcast %lt3A_985 : i32 to vector<16xi32>
    %lt3A_987 = arith.cmpi slt, %sub3A_981, %lt3A_986 : vector<16xi32>
    %and3A_988 = arith.andi %ge3A_984, %lt3A_987 : vector<16xi1>
    %jit3A_989 = arith.constant 5120 : i32
    %broadcast_in_dim3A_990 = vector.broadcast %jit3A_989 : i32 to vector<16xi32>
    %select_n3A_991 = arith.select %and3A_988, %sub3A_981, %broadcast_in_dim3A_990 : vector<16xi1>, vector<16xi32>
    %swap3A_992 = arith.constant 48 : index
    %swap3A_993 = tpu.vector_load %arg20[%swap3A_992] {strides = array<i32>} : memref<64xi32, #tpu.memory_space<vmem>>, vector<16xi32>,
    %swap3A_994 = vector.shape_cast %swap3A_993 : vector<16xi32> to vector<16xi32>
    %swap3A_995 = vector.shape_cast %select_n3A_991 : vector<16xi32> to vector<16xi32>
    tpu.vector_store %arg20[%swap3A_992], %swap3A_995 {strides = array<i32>} : memref<64xi32, #tpu.memory_space<vmem>>, vector<16xi32>,
    %get3A_996 = arith.constant 0 : i32
    %get3A_997 = arith.index_cast %get3A_996 : i32 to index
    %get3A_998 = arith.constant 0 : index
    %get3A_999 = tpu.vector_load %arg17[%get3A_997, %get3A_998] {strides = array<i32>} : memref<8x128xf32, #tpu.memory_space<vmem>>, vector<1x16xf32>,
    %get3A_1000 = vector.shape_cast %get3A_999 : vector<1x16xf32> to vector<16xf32>
    %swap3A_1001 = arith.constant 0 : i32
    %swap3A_1002 = arith.index_cast %swap3A_1001 : i32 to index
    %swap3A_1003 = arith.constant 0 : index
    %swap3A_1004 = tpu.vector_load %arg18[%swap3A_1002, %swap3A_1003] {strides = array<i32>} : memref<64x128xf32, #tpu.memory_space<vmem>>, vector<1x16xf32>,
    %swap3A_1005 = vector.shape_cast %swap3A_1004 : vector<1x16xf32> to vector<16xf32>
    %swap3A_1006 = vector.shape_cast %get3A_1000 : vector<16xf32> to vector<1x16xf32>
    tpu.vector_store %arg18[%swap3A_1002, %swap3A_1003], %swap3A_1006 {strides = array<i32>} : memref<64x128xf32, #tpu.memory_space<vmem>>, vector<1x16xf32>,
    %get3A_1007 = arith.constant 0 : i32
    %get3A_1008 = arith.index_cast %get3A_1007 : i32 to index
    %get3A_1009 = arith.constant 16 : index
    %get3A_1010 = tpu.vector_load %arg17[%get3A_1008, %get3A_1009] {strides = array<i32>} : memref<8x128xf32, #tpu.memory_space<vmem>>, vector<1x16xf32>,
    %get3A_1011 = vector.shape_cast %get3A_1010 : vector<1x16xf32> to vector<16xf32>
    %swap3A_1012 = arith.constant 1 : i32
    %swap3A_1013 = arith.index_cast %swap3A_1012 : i32 to index
    %swap3A_1014 = arith.constant 0 : index
    %swap3A_1015 = tpu.vector_load %arg18[%swap3A_1013, %swap3A_1014] {strides = array<i32>} : memref<64x128xf32, #tpu.memory_space<vmem>>, vector<1x16xf32>,
    %swap3A_1016 = vector.shape_cast %swap3A_1015 : vector<1x16xf32> to vector<16xf32>
    %swap3A_1017 = vector.shape_cast %get3A_1011 : vector<16xf32> to vector<1x16xf32>
    tpu.vector_store %arg18[%swap3A_1013, %swap3A_1014], %swap3A_1017 {strides = array<i32>} : memref<64x128xf32, #tpu.memory_space<vmem>>, vector<1x16xf32>,
    %get3A_1018 = arith.constant 0 : i32
    %get3A_1019 = arith.index_cast %get3A_1018 : i32 to index
    %get3A_1020 = arith.constant 32 : index
    %get3A_1021 = tpu.vector_load %arg17[%get3A_1019, %get3A_1020] {strides = array<i32>} : memref<8x128xf32, #tpu.memory_space<vmem>>, vector<1x16xf32>,
    %get3A_1022 = vector.shape_cast %get3A_1021 : vector<1x16xf32> to vector<16xf32>
    %swap3A_1023 = arith.constant 2 : i32
    %swap3A_1024 = arith.index_cast %swap3A_1023 : i32 to index
    %swap3A_1025 = arith.constant 0 : index
    %swap3A_1026 = tpu.vector_load %arg18[%swap3A_1024, %swap3A_1025] {strides = array<i32>} : memref<64x128xf32, #tpu.memory_space<vmem>>, vector<1x16xf32>,
    %swap3A_1027 = vector.shape_cast %swap3A_1026 : vector<1x16xf32> to vector<16xf32>
    %swap3A_1028 = vector.shape_cast %get3A_1022 : vector<16xf32> to vector<1x16xf32>
    tpu.vector_store %arg18[%swap3A_1024, %swap3A_1025], %swap3A_1028 {strides = array<i32>} : memref<64x128xf32, #tpu.memory_space<vmem>>, vector<1x16xf32>,
    %get3A_1029 = arith.constant 0 : i32
    %get3A_1030 = arith.index_cast %get3A_1029 : i32 to index
    %get3A_1031 = arith.constant 48 : index
    %get3A_1032 = tpu.vector_load %arg17[%get3A_1030, %get3A_1031] {strides = array<i32>} : memref<8x128xf32, #tpu.memory_space<vmem>>, vector<1x16xf32>,
    %get3A_1033 = vector.shape_cast %get3A_1032 : vector<1x16xf32> to vector<16xf32>
    %swap3A_1034 = arith.constant 3 : i32
    %swap3A_1035 = arith.index_cast %swap3A_1034 : i32 to index
    %swap3A_1036 = arith.constant 0 : index
    %swap3A_1037 = tpu.vector_load %arg18[%swap3A_1035, %swap3A_1036] {strides = array<i32>} : memref<64x128xf32, #tpu.memory_space<vmem>>, vector<1x16xf32>,
    %swap3A_1038 = vector.shape_cast %swap3A_1037 : vector<1x16xf32> to vector<16xf32>
    %swap3A_1039 = vector.shape_cast %get3A_1033 : vector<16xf32> to vector<1x16xf32>
    tpu.vector_store %arg18[%swap3A_1035, %swap3A_1036], %swap3A_1039 {strides = array<i32>} : memref<64x128xf32, #tpu.memory_space<vmem>>, vector<1x16xf32>,
    %get3A_1040 = arith.constant 0 : i32
    %get3A_1041 = arith.index_cast %get3A_1040 : i32 to index
    %get3A_1042 = arith.constant 64 : index
    %get3A_1043 = tpu.vector_load %arg17[%get3A_1041, %get3A_1042] {strides = array<i32>} : memref<8x128xf32, #tpu.memory_space<vmem>>, vector<1x16xf32>,
    %get3A_1044 = vector.shape_cast %get3A_1043 : vector<1x16xf32> to vector<16xf32>
    %swap3A_1045 = arith.constant 4 : i32
    %swap3A_1046 = arith.index_cast %swap3A_1045 : i32 to index
    %swap3A_1047 = arith.constant 0 : index
    %swap3A_1048 = tpu.vector_load %arg18[%swap3A_1046, %swap3A_1047] {strides = array<i32>} : memref<64x128xf32, #tpu.memory_space<vmem>>, vector<1x16xf32>,
    %swap3A_1049 = vector.shape_cast %swap3A_1048 : vector<1x16xf32> to vector<16xf32>
    %swap3A_1050 = vector.shape_cast %get3A_1044 : vector<16xf32> to vector<1x16xf32>
    tpu.vector_store %arg18[%swap3A_1046, %swap3A_1047], %swap3A_1050 {strides = array<i32>} : memref<64x128xf32, #tpu.memory_space<vmem>>, vector<1x16xf32>,
    %get3A_1051 = arith.constant 0 : i32
    %get3A_1052 = arith.index_cast %get3A_1051 : i32 to index
    %get3A_1053 = arith.constant 80 : index
    %get3A_1054 = tpu.vector_load %arg17[%get3A_1052, %get3A_1053] {strides = array<i32>} : memref<8x128xf32, #tpu.memory_space<vmem>>, vector<1x16xf32>,
    %get3A_1055 = vector.shape_cast %get3A_1054 : vector<1x16xf32> to vector<16xf32>
    %swap3A_1056 = arith.constant 5 : i32
    %swap3A_1057 = arith.index_cast %swap3A_1056 : i32 to index
    %swap3A_1058 = arith.constant 0 : index
    %swap3A_1059 = tpu.vector_load %arg18[%swap3A_1057, %swap3A_1058] {strides = array<i32>} : memref<64x128xf32, #tpu.memory_space<vmem>>, vector<1x16xf32>,
    %swap3A_1060 = vector.shape_cast %swap3A_1059 : vector<1x16xf32> to vector<16xf32>
    %swap3A_1061 = vector.shape_cast %get3A_1055 : vector<16xf32> to vector<1x16xf32>
    tpu.vector_store %arg18[%swap3A_1057, %swap3A_1058], %swap3A_1061 {strides = array<i32>} : memref<64x128xf32, #tpu.memory_space<vmem>>, vector<1x16xf32>,
    %get3A_1062 = arith.constant 0 : i32
    %get3A_1063 = arith.index_cast %get3A_1062 : i32 to index
    %get3A_1064 = arith.constant 96 : index
    %get3A_1065 = tpu.vector_load %arg17[%get3A_1063, %get3A_1064] {strides = array<i32>} : memref<8x128xf32, #tpu.memory_space<vmem>>, vector<1x16xf32>,
    %get3A_1066 = vector.shape_cast %get3A_1065 : vector<1x16xf32> to vector<16xf32>
    %swap3A_1067 = arith.constant 6 : i32
    %swap3A_1068 = arith.index_cast %swap3A_1067 : i32 to index
    %swap3A_1069 = arith.constant 0 : index
    %swap3A_1070 = tpu.vector_load %arg18[%swap3A_1068, %swap3A_1069] {strides = array<i32>} : memref<64x128xf32, #tpu.memory_space<vmem>>, vector<1x16xf32>,
    %swap3A_1071 = vector.shape_cast %swap3A_1070 : vector<1x16xf32> to vector<16xf32>
    %swap3A_1072 = vector.shape_cast %get3A_1066 : vector<16xf32> to vector<1x16xf32>
    tpu.vector_store %arg18[%swap3A_1068, %swap3A_1069], %swap3A_1072 {strides = array<i32>} : memref<64x128xf32, #tpu.memory_space<vmem>>, vector<1x16xf32>,
    %get3A_1073 = arith.constant 0 : i32
    %get3A_1074 = arith.index_cast %get3A_1073 : i32 to index
    %get3A_1075 = arith.constant 112 : index
    %get3A_1076 = tpu.vector_load %arg17[%get3A_1074, %get3A_1075] {strides = array<i32>} : memref<8x128xf32, #tpu.memory_space<vmem>>, vector<1x16xf32>,
    %get3A_1077 = vector.shape_cast %get3A_1076 : vector<1x16xf32> to vector<16xf32>
    %swap3A_1078 = arith.constant 7 : i32
    %swap3A_1079 = arith.index_cast %swap3A_1078 : i32 to index
    %swap3A_1080 = arith.constant 0 : index
    %swap3A_1081 = tpu.vector_load %arg18[%swap3A_1079, %swap3A_1080] {strides = array<i32>} : memref<64x128xf32, #tpu.memory_space<vmem>>, vector<1x16xf32>,
    %swap3A_1082 = vector.shape_cast %swap3A_1081 : vector<1x16xf32> to vector<16xf32>
    %swap3A_1083 = vector.shape_cast %get3A_1077 : vector<16xf32> to vector<1x16xf32>
    tpu.vector_store %arg18[%swap3A_1079, %swap3A_1080], %swap3A_1083 {strides = array<i32>} : memref<64x128xf32, #tpu.memory_space<vmem>>, vector<1x16xf32>,
    %get3A_1084 = arith.constant 1 : i32
    %get3A_1085 = arith.index_cast %get3A_1084 : i32 to index
    %get3A_1086 = arith.constant 0 : index
    %get3A_1087 = tpu.vector_load %arg17[%get3A_1085, %get3A_1086] {strides = array<i32>} : memref<8x128xf32, #tpu.memory_space<vmem>>, vector<1x16xf32>,
    %get3A_1088 = vector.shape_cast %get3A_1087 : vector<1x16xf32> to vector<16xf32>
    %swap3A_1089 = arith.constant 8 : i32
    %swap3A_1090 = arith.index_cast %swap3A_1089 : i32 to index
    %swap3A_1091 = arith.constant 0 : index
    %swap3A_1092 = tpu.vector_load %arg18[%swap3A_1090, %swap3A_1091] {strides = array<i32>} : memref<64x128xf32, #tpu.memory_space<vmem>>, vector<1x16xf32>,
    %swap3A_1093 = vector.shape_cast %swap3A_1092 : vector<1x16xf32> to vector<16xf32>
    %swap3A_1094 = vector.shape_cast %get3A_1088 : vector<16xf32> to vector<1x16xf32>
    tpu.vector_store %arg18[%swap3A_1090, %swap3A_1091], %swap3A_1094 {strides = array<i32>} : memref<64x128xf32, #tpu.memory_space<vmem>>, vector<1x16xf32>,
    %get3A_1095 = arith.constant 1 : i32
    %get3A_1096 = arith.index_cast %get3A_1095 : i32 to index
    %get3A_1097 = arith.constant 16 : index
    %get3A_1098 = tpu.vector_load %arg17[%get3A_1096, %get3A_1097] {strides = array<i32>} : memref<8x128xf32, #tpu.memory_space<vmem>>, vector<1x16xf32>,
    %get3A_1099 = vector.shape_cast %get3A_1098 : vector<1x16xf32> to vector<16xf32>
    %swap3A_1100 = arith.constant 9 : i32
    %swap3A_1101 = arith.index_cast %swap3A_1100 : i32 to index
    %swap3A_1102 = arith.constant 0 : index
    %swap3A_1103 = tpu.vector_load %arg18[%swap3A_1101, %swap3A_1102] {strides = array<i32>} : memref<64x128xf32, #tpu.memory_space<vmem>>, vector<1x16xf32>,
    %swap3A_1104 = vector.shape_cast %swap3A_1103 : vector<1x16xf32> to vector<16xf32>
    %swap3A_1105 = vector.shape_cast %get3A_1099 : vector<16xf32> to vector<1x16xf32>
    tpu.vector_store %arg18[%swap3A_1101, %swap3A_1102], %swap3A_1105 {strides = array<i32>} : memref<64x128xf32, #tpu.memory_space<vmem>>, vector<1x16xf32>,
    %get3A_1106 = arith.constant 1 : i32
    %get3A_1107 = arith.index_cast %get3A_1106 : i32 to index
    %get3A_1108 = arith.constant 32 : index
    %get3A_1109 = tpu.vector_load %arg17[%get3A_1107, %get3A_1108] {strides = array<i32>} : memref<8x128xf32, #tpu.memory_space<vmem>>, vector<1x16xf32>,
    %get3A_1110 = vector.shape_cast %get3A_1109 : vector<1x16xf32> to vector<16xf32>
    %swap3A_1111 = arith.constant 10 : i32
    %swap3A_1112 = arith.index_cast %swap3A_1111 : i32 to index
    %swap3A_1113 = arith.constant 0 : index
    %swap3A_1114 = tpu.vector_load %arg18[%swap3A_1112, %swap3A_1113] {strides = array<i32>} : memref<64x128xf32, #tpu.memory_space<vmem>>, vector<1x16xf32>,
    %swap3A_1115 = vector.shape_cast %swap3A_1114 : vector<1x16xf32> to vector<16xf32>
    %swap3A_1116 = vector.shape_cast %get3A_1110 : vector<16xf32> to vector<1x16xf32>
    tpu.vector_store %arg18[%swap3A_1112, %swap3A_1113], %swap3A_1116 {strides = array<i32>} : memref<64x128xf32, #tpu.memory_space<vmem>>, vector<1x16xf32>,
    %get3A_1117 = arith.constant 1 : i32
    %get3A_1118 = arith.index_cast %get3A_1117 : i32 to index
    %get3A_1119 = arith.constant 48 : index
    %get3A_1120 = tpu.vector_load %arg17[%get3A_1118, %get3A_1119] {strides = array<i32>} : memref<8x128xf32, #tpu.memory_space<vmem>>, vector<1x16xf32>,
    %get3A_1121 = vector.shape_cast %get3A_1120 : vector<1x16xf32> to vector<16xf32>
    %swap3A_1122 = arith.constant 11 : i32
    %swap3A_1123 = arith.index_cast %swap3A_1122 : i32 to index
    %swap3A_1124 = arith.constant 0 : index
    %swap3A_1125 = tpu.vector_load %arg18[%swap3A_1123, %swap3A_1124] {strides = array<i32>} : memref<64x128xf32, #tpu.memory_space<vmem>>, vector<1x16xf32>,
    %swap3A_1126 = vector.shape_cast %swap3A_1125 : vector<1x16xf32> to vector<16xf32>
    %swap3A_1127 = vector.shape_cast %get3A_1121 : vector<16xf32> to vector<1x16xf32>
    tpu.vector_store %arg18[%swap3A_1123, %swap3A_1124], %swap3A_1127 {strides = array<i32>} : memref<64x128xf32, #tpu.memory_space<vmem>>, vector<1x16xf32>,
    %get3A_1128 = arith.constant 1 : i32
    %get3A_1129 = arith.index_cast %get3A_1128 : i32 to index
    %get3A_1130 = arith.constant 64 : index
    %get3A_1131 = tpu.vector_load %arg17[%get3A_1129, %get3A_1130] {strides = array<i32>} : memref<8x128xf32, #tpu.memory_space<vmem>>, vector<1x16xf32>,
    %get3A_1132 = vector.shape_cast %get3A_1131 : vector<1x16xf32> to vector<16xf32>
    %swap3A_1133 = arith.constant 12 : i32
    %swap3A_1134 = arith.index_cast %swap3A_1133 : i32 to index
    %swap3A_1135 = arith.constant 0 : index
    %swap3A_1136 = tpu.vector_load %arg18[%swap3A_1134, %swap3A_1135] {strides = array<i32>} : memref<64x128xf32, #tpu.memory_space<vmem>>, vector<1x16xf32>,
    %swap3A_1137 = vector.shape_cast %swap3A_1136 : vector<1x16xf32> to vector<16xf32>
    %swap3A_1138 = vector.shape_cast %get3A_1132 : vector<16xf32> to vector<1x16xf32>
    tpu.vector_store %arg18[%swap3A_1134, %swap3A_1135], %swap3A_1138 {strides = array<i32>} : memref<64x128xf32, #tpu.memory_space<vmem>>, vector<1x16xf32>,
    %get3A_1139 = arith.constant 1 : i32
    %get3A_1140 = arith.index_cast %get3A_1139 : i32 to index
    %get3A_1141 = arith.constant 80 : index
    %get3A_1142 = tpu.vector_load %arg17[%get3A_1140, %get3A_1141] {strides = array<i32>} : memref<8x128xf32, #tpu.memory_space<vmem>>, vector<1x16xf32>,
    %get3A_1143 = vector.shape_cast %get3A_1142 : vector<1x16xf32> to vector<16xf32>
    %swap3A_1144 = arith.constant 13 : i32
    %swap3A_1145 = arith.index_cast %swap3A_1144 : i32 to index
    %swap3A_1146 = arith.constant 0 : index
    %swap3A_1147 = tpu.vector_load %arg18[%swap3A_1145, %swap3A_1146] {strides = array<i32>} : memref<64x128xf32, #tpu.memory_space<vmem>>, vector<1x16xf32>,
    %swap3A_1148 = vector.shape_cast %swap3A_1147 : vector<1x16xf32> to vector<16xf32>
    %swap3A_1149 = vector.shape_cast %get3A_1143 : vector<16xf32> to vector<1x16xf32>
    tpu.vector_store %arg18[%swap3A_1145, %swap3A_1146], %swap3A_1149 {strides = array<i32>} : memref<64x128xf32, #tpu.memory_space<vmem>>, vector<1x16xf32>,
    %get3A_1150 = arith.constant 1 : i32
    %get3A_1151 = arith.index_cast %get3A_1150 : i32 to index
    %get3A_1152 = arith.constant 96 : index
    %get3A_1153 = tpu.vector_load %arg17[%get3A_1151, %get3A_1152] {strides = array<i32>} : memref<8x128xf32, #tpu.memory_space<vmem>>, vector<1x16xf32>,
    %get3A_1154 = vector.shape_cast %get3A_1153 : vector<1x16xf32> to vector<16xf32>
    %swap3A_1155 = arith.constant 14 : i32
    %swap3A_1156 = arith.index_cast %swap3A_1155 : i32 to index
    %swap3A_1157 = arith.constant 0 : index
    %swap3A_1158 = tpu.vector_load %arg18[%swap3A_1156, %swap3A_1157] {strides = array<i32>} : memref<64x128xf32, #tpu.memory_space<vmem>>, vector<1x16xf32>,
    %swap3A_1159 = vector.shape_cast %swap3A_1158 : vector<1x16xf32> to vector<16xf32>
    %swap3A_1160 = vector.shape_cast %get3A_1154 : vector<16xf32> to vector<1x16xf32>
    tpu.vector_store %arg18[%swap3A_1156, %swap3A_1157], %swap3A_1160 {strides = array<i32>} : memref<64x128xf32, #tpu.memory_space<vmem>>, vector<1x16xf32>,
    %get3A_1161 = arith.constant 1 : i32
    %get3A_1162 = arith.index_cast %get3A_1161 : i32 to index
    %get3A_1163 = arith.constant 112 : index
    %get3A_1164 = tpu.vector_load %arg17[%get3A_1162, %get3A_1163] {strides = array<i32>} : memref<8x128xf32, #tpu.memory_space<vmem>>, vector<1x16xf32>,
    %get3A_1165 = vector.shape_cast %get3A_1164 : vector<1x16xf32> to vector<16xf32>
    %swap3A_1166 = arith.constant 15 : i32
    %swap3A_1167 = arith.index_cast %swap3A_1166 : i32 to index
    %swap3A_1168 = arith.constant 0 : index
    %swap3A_1169 = tpu.vector_load %arg18[%swap3A_1167, %swap3A_1168] {strides = array<i32>} : memref<64x128xf32, #tpu.memory_space<vmem>>, vector<1x16xf32>,
    %swap3A_1170 = vector.shape_cast %swap3A_1169 : vector<1x16xf32> to vector<16xf32>
    %swap3A_1171 = vector.shape_cast %get3A_1165 : vector<16xf32> to vector<1x16xf32>
    tpu.vector_store %arg18[%swap3A_1167, %swap3A_1168], %swap3A_1171 {strides = array<i32>} : memref<64x128xf32, #tpu.memory_space<vmem>>, vector<1x16xf32>,
    %get3A_1172 = arith.constant 2 : i32
    %get3A_1173 = arith.index_cast %get3A_1172 : i32 to index
    %get3A_1174 = arith.constant 0 : index
    %get3A_1175 = tpu.vector_load %arg17[%get3A_1173, %get3A_1174] {strides = array<i32>} : memref<8x128xf32, #tpu.memory_space<vmem>>, vector<1x16xf32>,
    %get3A_1176 = vector.shape_cast %get3A_1175 : vector<1x16xf32> to vector<16xf32>
    %swap3A_1177 = arith.constant 16 : i32
    %swap3A_1178 = arith.index_cast %swap3A_1177 : i32 to index
    %swap3A_1179 = arith.constant 0 : index
    %swap3A_1180 = tpu.vector_load %arg18[%swap3A_1178, %swap3A_1179] {strides = array<i32>} : memref<64x128xf32, #tpu.memory_space<vmem>>, vector<1x16xf32>,
    %swap3A_1181 = vector.shape_cast %swap3A_1180 : vector<1x16xf32> to vector<16xf32>
    %swap3A_1182 = vector.shape_cast %get3A_1176 : vector<16xf32> to vector<1x16xf32>
    tpu.vector_store %arg18[%swap3A_1178, %swap3A_1179], %swap3A_1182 {strides = array<i32>} : memref<64x128xf32, #tpu.memory_space<vmem>>, vector<1x16xf32>,
    %get3A_1183 = arith.constant 2 : i32
    %get3A_1184 = arith.index_cast %get3A_1183 : i32 to index
    %get3A_1185 = arith.constant 16 : index
    %get3A_1186 = tpu.vector_load %arg17[%get3A_1184, %get3A_1185] {strides = array<i32>} : memref<8x128xf32, #tpu.memory_space<vmem>>, vector<1x16xf32>,
    %get3A_1187 = vector.shape_cast %get3A_1186 : vector<1x16xf32> to vector<16xf32>
    %swap3A_1188 = arith.constant 17 : i32
    %swap3A_1189 = arith.index_cast %swap3A_1188 : i32 to index
    %swap3A_1190 = arith.constant 0 : index
    %swap3A_1191 = tpu.vector_load %arg18[%swap3A_1189, %swap3A_1190] {strides = array<i32>} : memref<64x128xf32, #tpu.memory_space<vmem>>, vector<1x16xf32>,
    %swap3A_1192 = vector.shape_cast %swap3A_1191 : vector<1x16xf32> to vector<16xf32>
    %swap3A_1193 = vector.shape_cast %get3A_1187 : vector<16xf32> to vector<1x16xf32>
    tpu.vector_store %arg18[%swap3A_1189, %swap3A_1190], %swap3A_1193 {strides = array<i32>} : memref<64x128xf32, #tpu.memory_space<vmem>>, vector<1x16xf32>,
    %get3A_1194 = arith.constant 2 : i32
    %get3A_1195 = arith.index_cast %get3A_1194 : i32 to index
    %get3A_1196 = arith.constant 32 : index
    %get3A_1197 = tpu.vector_load %arg17[%get3A_1195, %get3A_1196] {strides = array<i32>} : memref<8x128xf32, #tpu.memory_space<vmem>>, vector<1x16xf32>,
    %get3A_1198 = vector.shape_cast %get3A_1197 : vector<1x16xf32> to vector<16xf32>
    %swap3A_1199 = arith.constant 18 : i32
    %swap3A_1200 = arith.index_cast %swap3A_1199 : i32 to index
    %swap3A_1201 = arith.constant 0 : index
    %swap3A_1202 = tpu.vector_load %arg18[%swap3A_1200, %swap3A_1201] {strides = array<i32>} : memref<64x128xf32, #tpu.memory_space<vmem>>, vector<1x16xf32>,
    %swap3A_1203 = vector.shape_cast %swap3A_1202 : vector<1x16xf32> to vector<16xf32>
    %swap3A_1204 = vector.shape_cast %get3A_1198 : vector<16xf32> to vector<1x16xf32>
    tpu.vector_store %arg18[%swap3A_1200, %swap3A_1201], %swap3A_1204 {strides = array<i32>} : memref<64x128xf32, #tpu.memory_space<vmem>>, vector<1x16xf32>,
    %get3A_1205 = arith.constant 2 : i32
    %get3A_1206 = arith.index_cast %get3A_1205 : i32 to index
    %get3A_1207 = arith.constant 48 : index
    %get3A_1208 = tpu.vector_load %arg17[%get3A_1206, %get3A_1207] {strides = array<i32>} : memref<8x128xf32, #tpu.memory_space<vmem>>, vector<1x16xf32>,
    %get3A_1209 = vector.shape_cast %get3A_1208 : vector<1x16xf32> to vector<16xf32>
    %swap3A_1210 = arith.constant 19 : i32
    %swap3A_1211 = arith.index_cast %swap3A_1210 : i32 to index
    %swap3A_1212 = arith.constant 0 : index
    %swap3A_1213 = tpu.vector_load %arg18[%swap3A_1211, %swap3A_1212] {strides = array<i32>} : memref<64x128xf32, #tpu.memory_space<vmem>>, vector<1x16xf32>,
    %swap3A_1214 = vector.shape_cast %swap3A_1213 : vector<1x16xf32> to vector<16xf32>
    %swap3A_1215 = vector.shape_cast %get3A_1209 : vector<16xf32> to vector<1x16xf32>
    tpu.vector_store %arg18[%swap3A_1211, %swap3A_1212], %swap3A_1215 {strides = array<i32>} : memref<64x128xf32, #tpu.memory_space<vmem>>, vector<1x16xf32>,
    %get3A_1216 = arith.constant 2 : i32
    %get3A_1217 = arith.index_cast %get3A_1216 : i32 to index
    %get3A_1218 = arith.constant 64 : index
    %get3A_1219 = tpu.vector_load %arg17[%get3A_1217, %get3A_1218] {strides = array<i32>} : memref<8x128xf32, #tpu.memory_space<vmem>>, vector<1x16xf32>,
    %get3A_1220 = vector.shape_cast %get3A_1219 : vector<1x16xf32> to vector<16xf32>
    %swap3A_1221 = arith.constant 20 : i32
    %swap3A_1222 = arith.index_cast %swap3A_1221 : i32 to index
    %swap3A_1223 = arith.constant 0 : index
    %swap3A_1224 = tpu.vector_load %arg18[%swap3A_1222, %swap3A_1223] {strides = array<i32>} : memref<64x128xf32, #tpu.memory_space<vmem>>, vector<1x16xf32>,
    %swap3A_1225 = vector.shape_cast %swap3A_1224 : vector<1x16xf32> to vector<16xf32>
    %swap3A_1226 = vector.shape_cast %get3A_1220 : vector<16xf32> to vector<1x16xf32>
    tpu.vector_store %arg18[%swap3A_1222, %swap3A_1223], %swap3A_1226 {strides = array<i32>} : memref<64x128xf32, #tpu.memory_space<vmem>>, vector<1x16xf32>,
    %get3A_1227 = arith.constant 2 : i32
    %get3A_1228 = arith.index_cast %get3A_1227 : i32 to index
    %get3A_1229 = arith.constant 80 : index
    %get3A_1230 = tpu.vector_load %arg17[%get3A_1228, %get3A_1229] {strides = array<i32>} : memref<8x128xf32, #tpu.memory_space<vmem>>, vector<1x16xf32>,
    %get3A_1231 = vector.shape_cast %get3A_1230 : vector<1x16xf32> to vector<16xf32>
    %swap3A_1232 = arith.constant 21 : i32
    %swap3A_1233 = arith.index_cast %swap3A_1232 : i32 to index
    %swap3A_1234 = arith.constant 0 : index
    %swap3A_1235 = tpu.vector_load %arg18[%swap3A_1233, %swap3A_1234] {strides = array<i32>} : memref<64x128xf32, #tpu.memory_space<vmem>>, vector<1x16xf32>,
    %swap3A_1236 = vector.shape_cast %swap3A_1235 : vector<1x16xf32> to vector<16xf32>
    %swap3A_1237 = vector.shape_cast %get3A_1231 : vector<16xf32> to vector<1x16xf32>
    tpu.vector_store %arg18[%swap3A_1233, %swap3A_1234], %swap3A_1237 {strides = array<i32>} : memref<64x128xf32, #tpu.memory_space<vmem>>, vector<1x16xf32>,
    %get3A_1238 = arith.constant 2 : i32
    %get3A_1239 = arith.index_cast %get3A_1238 : i32 to index
    %get3A_1240 = arith.constant 96 : index
    %get3A_1241 = tpu.vector_load %arg17[%get3A_1239, %get3A_1240] {strides = array<i32>} : memref<8x128xf32, #tpu.memory_space<vmem>>, vector<1x16xf32>,
    %get3A_1242 = vector.shape_cast %get3A_1241 : vector<1x16xf32> to vector<16xf32>
    %swap3A_1243 = arith.constant 22 : i32
    %swap3A_1244 = arith.index_cast %swap3A_1243 : i32 to index
    %swap3A_1245 = arith.constant 0 : index
    %swap3A_1246 = tpu.vector_load %arg18[%swap3A_1244, %swap3A_1245] {strides = array<i32>} : memref<64x128xf32, #tpu.memory_space<vmem>>, vector<1x16xf32>,
    %swap3A_1247 = vector.shape_cast %swap3A_1246 : vector<1x16xf32> to vector<16xf32>
    %swap3A_1248 = vector.shape_cast %get3A_1242 : vector<16xf32> to vector<1x16xf32>
    tpu.vector_store %arg18[%swap3A_1244, %swap3A_1245], %swap3A_1248 {strides = array<i32>} : memref<64x128xf32, #tpu.memory_space<vmem>>, vector<1x16xf32>,
    %get3A_1249 = arith.constant 2 : i32
    %get3A_1250 = arith.index_cast %get3A_1249 : i32 to index
    %get3A_1251 = arith.constant 112 : index
    %get3A_1252 = tpu.vector_load %arg17[%get3A_1250, %get3A_1251] {strides = array<i32>} : memref<8x128xf32, #tpu.memory_space<vmem>>, vector<1x16xf32>,
    %get3A_1253 = vector.shape_cast %get3A_1252 : vector<1x16xf32> to vector<16xf32>
    %swap3A_1254 = arith.constant 23 : i32
    %swap3A_1255 = arith.index_cast %swap3A_1254 : i32 to index
    %swap3A_1256 = arith.constant 0 : index
    %swap3A_1257 = tpu.vector_load %arg18[%swap3A_1255, %swap3A_1256] {strides = array<i32>} : memref<64x128xf32, #tpu.memory_space<vmem>>, vector<1x16xf32>,
    %swap3A_1258 = vector.shape_cast %swap3A_1257 : vector<1x16xf32> to vector<16xf32>
    %swap3A_1259 = vector.shape_cast %get3A_1253 : vector<16xf32> to vector<1x16xf32>
    tpu.vector_store %arg18[%swap3A_1255, %swap3A_1256], %swap3A_1259 {strides = array<i32>} : memref<64x128xf32, #tpu.memory_space<vmem>>, vector<1x16xf32>,
    %get3A_1260 = arith.constant 3 : i32
    %get3A_1261 = arith.index_cast %get3A_1260 : i32 to index
    %get3A_1262 = arith.constant 0 : index
    %get3A_1263 = tpu.vector_load %arg17[%get3A_1261, %get3A_1262] {strides = array<i32>} : memref<8x128xf32, #tpu.memory_space<vmem>>, vector<1x16xf32>,
    %get3A_1264 = vector.shape_cast %get3A_1263 : vector<1x16xf32> to vector<16xf32>
    %swap3A_1265 = arith.constant 24 : i32
    %swap3A_1266 = arith.index_cast %swap3A_1265 : i32 to index
    %swap3A_1267 = arith.constant 0 : index
    %swap3A_1268 = tpu.vector_load %arg18[%swap3A_1266, %swap3A_1267] {strides = array<i32>} : memref<64x128xf32, #tpu.memory_space<vmem>>, vector<1x16xf32>,
    %swap3A_1269 = vector.shape_cast %swap3A_1268 : vector<1x16xf32> to vector<16xf32>
    %swap3A_1270 = vector.shape_cast %get3A_1264 : vector<16xf32> to vector<1x16xf32>
    tpu.vector_store %arg18[%swap3A_1266, %swap3A_1267], %swap3A_1270 {strides = array<i32>} : memref<64x128xf32, #tpu.memory_space<vmem>>, vector<1x16xf32>,
    %get3A_1271 = arith.constant 3 : i32
    %get3A_1272 = arith.index_cast %get3A_1271 : i32 to index
    %get3A_1273 = arith.constant 16 : index
    %get3A_1274 = tpu.vector_load %arg17[%get3A_1272, %get3A_1273] {strides = array<i32>} : memref<8x128xf32, #tpu.memory_space<vmem>>, vector<1x16xf32>,
    %get3A_1275 = vector.shape_cast %get3A_1274 : vector<1x16xf32> to vector<16xf32>
    %swap3A_1276 = arith.constant 25 : i32
    %swap3A_1277 = arith.index_cast %swap3A_1276 : i32 to index
    %swap3A_1278 = arith.constant 0 : index
    %swap3A_1279 = tpu.vector_load %arg18[%swap3A_1277, %swap3A_1278] {strides = array<i32>} : memref<64x128xf32, #tpu.memory_space<vmem>>, vector<1x16xf32>,
    %swap3A_1280 = vector.shape_cast %swap3A_1279 : vector<1x16xf32> to vector<16xf32>
    %swap3A_1281 = vector.shape_cast %get3A_1275 : vector<16xf32> to vector<1x16xf32>
    tpu.vector_store %arg18[%swap3A_1277, %swap3A_1278], %swap3A_1281 {strides = array<i32>} : memref<64x128xf32, #tpu.memory_space<vmem>>, vector<1x16xf32>,
    %get3A_1282 = arith.constant 3 : i32
    %get3A_1283 = arith.index_cast %get3A_1282 : i32 to index
    %get3A_1284 = arith.constant 32 : index
    %get3A_1285 = tpu.vector_load %arg17[%get3A_1283, %get3A_1284] {strides = array<i32>} : memref<8x128xf32, #tpu.memory_space<vmem>>, vector<1x16xf32>,
    %get3A_1286 = vector.shape_cast %get3A_1285 : vector<1x16xf32> to vector<16xf32>
    %swap3A_1287 = arith.constant 26 : i32
    %swap3A_1288 = arith.index_cast %swap3A_1287 : i32 to index
    %swap3A_1289 = arith.constant 0 : index
    %swap3A_1290 = tpu.vector_load %arg18[%swap3A_1288, %swap3A_1289] {strides = array<i32>} : memref<64x128xf32, #tpu.memory_space<vmem>>, vector<1x16xf32>,
    %swap3A_1291 = vector.shape_cast %swap3A_1290 : vector<1x16xf32> to vector<16xf32>
    %swap3A_1292 = vector.shape_cast %get3A_1286 : vector<16xf32> to vector<1x16xf32>
    tpu.vector_store %arg18[%swap3A_1288, %swap3A_1289], %swap3A_1292 {strides = array<i32>} : memref<64x128xf32, #tpu.memory_space<vmem>>, vector<1x16xf32>,
    %get3A_1293 = arith.constant 3 : i32
    %get3A_1294 = arith.index_cast %get3A_1293 : i32 to index
    %get3A_1295 = arith.constant 48 : index
    %get3A_1296 = tpu.vector_load %arg17[%get3A_1294, %get3A_1295] {strides = array<i32>} : memref<8x128xf32, #tpu.memory_space<vmem>>, vector<1x16xf32>,
    %get3A_1297 = vector.shape_cast %get3A_1296 : vector<1x16xf32> to vector<16xf32>
    %swap3A_1298 = arith.constant 27 : i32
    %swap3A_1299 = arith.index_cast %swap3A_1298 : i32 to index
    %swap3A_1300 = arith.constant 0 : index
    %swap3A_1301 = tpu.vector_load %arg18[%swap3A_1299, %swap3A_1300] {strides = array<i32>} : memref<64x128xf32, #tpu.memory_space<vmem>>, vector<1x16xf32>,
    %swap3A_1302 = vector.shape_cast %swap3A_1301 : vector<1x16xf32> to vector<16xf32>
    %swap3A_1303 = vector.shape_cast %get3A_1297 : vector<16xf32> to vector<1x16xf32>
    tpu.vector_store %arg18[%swap3A_1299, %swap3A_1300], %swap3A_1303 {strides = array<i32>} : memref<64x128xf32, #tpu.memory_space<vmem>>, vector<1x16xf32>,
    %get3A_1304 = arith.constant 3 : i32
    %get3A_1305 = arith.index_cast %get3A_1304 : i32 to index
    %get3A_1306 = arith.constant 64 : index
    %get3A_1307 = tpu.vector_load %arg17[%get3A_1305, %get3A_1306] {strides = array<i32>} : memref<8x128xf32, #tpu.memory_space<vmem>>, vector<1x16xf32>,
    %get3A_1308 = vector.shape_cast %get3A_1307 : vector<1x16xf32> to vector<16xf32>
    %swap3A_1309 = arith.constant 28 : i32
    %swap3A_1310 = arith.index_cast %swap3A_1309 : i32 to index
    %swap3A_1311 = arith.constant 0 : index
    %swap3A_1312 = tpu.vector_load %arg18[%swap3A_1310, %swap3A_1311] {strides = array<i32>} : memref<64x128xf32, #tpu.memory_space<vmem>>, vector<1x16xf32>,
    %swap3A_1313 = vector.shape_cast %swap3A_1312 : vector<1x16xf32> to vector<16xf32>
    %swap3A_1314 = vector.shape_cast %get3A_1308 : vector<16xf32> to vector<1x16xf32>
    tpu.vector_store %arg18[%swap3A_1310, %swap3A_1311], %swap3A_1314 {strides = array<i32>} : memref<64x128xf32, #tpu.memory_space<vmem>>, vector<1x16xf32>,
    %get3A_1315 = arith.constant 3 : i32
    %get3A_1316 = arith.index_cast %get3A_1315 : i32 to index
    %get3A_1317 = arith.constant 80 : index
    %get3A_1318 = tpu.vector_load %arg17[%get3A_1316, %get3A_1317] {strides = array<i32>} : memref<8x128xf32, #tpu.memory_space<vmem>>, vector<1x16xf32>,
    %get3A_1319 = vector.shape_cast %get3A_1318 : vector<1x16xf32> to vector<16xf32>
    %swap3A_1320 = arith.constant 29 : i32
    %swap3A_1321 = arith.index_cast %swap3A_1320 : i32 to index
    %swap3A_1322 = arith.constant 0 : index
    %swap3A_1323 = tpu.vector_load %arg18[%swap3A_1321, %swap3A_1322] {strides = array<i32>} : memref<64x128xf32, #tpu.memory_space<vmem>>, vector<1x16xf32>,
    %swap3A_1324 = vector.shape_cast %swap3A_1323 : vector<1x16xf32> to vector<16xf32>
    %swap3A_1325 = vector.shape_cast %get3A_1319 : vector<16xf32> to vector<1x16xf32>
    tpu.vector_store %arg18[%swap3A_1321, %swap3A_1322], %swap3A_1325 {strides = array<i32>} : memref<64x128xf32, #tpu.memory_space<vmem>>, vector<1x16xf32>,
    %get3A_1326 = arith.constant 3 : i32
    %get3A_1327 = arith.index_cast %get3A_1326 : i32 to index
    %get3A_1328 = arith.constant 96 : index
    %get3A_1329 = tpu.vector_load %arg17[%get3A_1327, %get3A_1328] {strides = array<i32>} : memref<8x128xf32, #tpu.memory_space<vmem>>, vector<1x16xf32>,
    %get3A_1330 = vector.shape_cast %get3A_1329 : vector<1x16xf32> to vector<16xf32>
    %swap3A_1331 = arith.constant 30 : i32
    %swap3A_1332 = arith.index_cast %swap3A_1331 : i32 to index
    %swap3A_1333 = arith.constant 0 : index
    %swap3A_1334 = tpu.vector_load %arg18[%swap3A_1332, %swap3A_1333] {strides = array<i32>} : memref<64x128xf32, #tpu.memory_space<vmem>>, vector<1x16xf32>,
    %swap3A_1335 = vector.shape_cast %swap3A_1334 : vector<1x16xf32> to vector<16xf32>
    %swap3A_1336 = vector.shape_cast %get3A_1330 : vector<16xf32> to vector<1x16xf32>
    tpu.vector_store %arg18[%swap3A_1332, %swap3A_1333], %swap3A_1336 {strides = array<i32>} : memref<64x128xf32, #tpu.memory_space<vmem>>, vector<1x16xf32>,
    %get3A_1337 = arith.constant 3 : i32
    %get3A_1338 = arith.index_cast %get3A_1337 : i32 to index
    %get3A_1339 = arith.constant 112 : index
    %get3A_1340 = tpu.vector_load %arg17[%get3A_1338, %get3A_1339] {strides = array<i32>} : memref<8x128xf32, #tpu.memory_space<vmem>>, vector<1x16xf32>,
    %get3A_1341 = vector.shape_cast %get3A_1340 : vector<1x16xf32> to vector<16xf32>
    %swap3A_1342 = arith.constant 31 : i32
    %swap3A_1343 = arith.index_cast %swap3A_1342 : i32 to index
    %swap3A_1344 = arith.constant 0 : index
    %swap3A_1345 = tpu.vector_load %arg18[%swap3A_1343, %swap3A_1344] {strides = array<i32>} : memref<64x128xf32, #tpu.memory_space<vmem>>, vector<1x16xf32>,
    %swap3A_1346 = vector.shape_cast %swap3A_1345 : vector<1x16xf32> to vector<16xf32>
    %swap3A_1347 = vector.shape_cast %get3A_1341 : vector<16xf32> to vector<1x16xf32>
    tpu.vector_store %arg18[%swap3A_1343, %swap3A_1344], %swap3A_1347 {strides = array<i32>} : memref<64x128xf32, #tpu.memory_space<vmem>>, vector<1x16xf32>,
    %get3A_1348 = arith.constant 4 : i32
    %get3A_1349 = arith.index_cast %get3A_1348 : i32 to index
    %get3A_1350 = arith.constant 0 : index
    %get3A_1351 = tpu.vector_load %arg17[%get3A_1349, %get3A_1350] {strides = array<i32>} : memref<8x128xf32, #tpu.memory_space<vmem>>, vector<1x16xf32>,
    %get3A_1352 = vector.shape_cast %get3A_1351 : vector<1x16xf32> to vector<16xf32>
    %swap3A_1353 = arith.constant 32 : i32
    %swap3A_1354 = arith.index_cast %swap3A_1353 : i32 to index
    %swap3A_1355 = arith.constant 0 : index
    %swap3A_1356 = tpu.vector_load %arg18[%swap3A_1354, %swap3A_1355] {strides = array<i32>} : memref<64x128xf32, #tpu.memory_space<vmem>>, vector<1x16xf32>,
    %swap3A_1357 = vector.shape_cast %swap3A_1356 : vector<1x16xf32> to vector<16xf32>
    %swap3A_1358 = vector.shape_cast %get3A_1352 : vector<16xf32> to vector<1x16xf32>
    tpu.vector_store %arg18[%swap3A_1354, %swap3A_1355], %swap3A_1358 {strides = array<i32>} : memref<64x128xf32, #tpu.memory_space<vmem>>, vector<1x16xf32>,
    %get3A_1359 = arith.constant 4 : i32
    %get3A_1360 = arith.index_cast %get3A_1359 : i32 to index
    %get3A_1361 = arith.constant 16 : index
    %get3A_1362 = tpu.vector_load %arg17[%get3A_1360, %get3A_1361] {strides = array<i32>} : memref<8x128xf32, #tpu.memory_space<vmem>>, vector<1x16xf32>,
    %get3A_1363 = vector.shape_cast %get3A_1362 : vector<1x16xf32> to vector<16xf32>
    %swap3A_1364 = arith.constant 33 : i32
    %swap3A_1365 = arith.index_cast %swap3A_1364 : i32 to index
    %swap3A_1366 = arith.constant 0 : index
    %swap3A_1367 = tpu.vector_load %arg18[%swap3A_1365, %swap3A_1366] {strides = array<i32>} : memref<64x128xf32, #tpu.memory_space<vmem>>, vector<1x16xf32>,
    %swap3A_1368 = vector.shape_cast %swap3A_1367 : vector<1x16xf32> to vector<16xf32>
    %swap3A_1369 = vector.shape_cast %get3A_1363 : vector<16xf32> to vector<1x16xf32>
    tpu.vector_store %arg18[%swap3A_1365, %swap3A_1366], %swap3A_1369 {strides = array<i32>} : memref<64x128xf32, #tpu.memory_space<vmem>>, vector<1x16xf32>,
    %get3A_1370 = arith.constant 4 : i32
    %get3A_1371 = arith.index_cast %get3A_1370 : i32 to index
    %get3A_1372 = arith.constant 32 : index
    %get3A_1373 = tpu.vector_load %arg17[%get3A_1371, %get3A_1372] {strides = array<i32>} : memref<8x128xf32, #tpu.memory_space<vmem>>, vector<1x16xf32>,
    %get3A_1374 = vector.shape_cast %get3A_1373 : vector<1x16xf32> to vector<16xf32>
    %swap3A_1375 = arith.constant 34 : i32
    %swap3A_1376 = arith.index_cast %swap3A_1375 : i32 to index
    %swap3A_1377 = arith.constant 0 : index
    %swap3A_1378 = tpu.vector_load %arg18[%swap3A_1376, %swap3A_1377] {strides = array<i32>} : memref<64x128xf32, #tpu.memory_space<vmem>>, vector<1x16xf32>,
    %swap3A_1379 = vector.shape_cast %swap3A_1378 : vector<1x16xf32> to vector<16xf32>
    %swap3A_1380 = vector.shape_cast %get3A_1374 : vector<16xf32> to vector<1x16xf32>
    tpu.vector_store %arg18[%swap3A_1376, %swap3A_1377], %swap3A_1380 {strides = array<i32>} : memref<64x128xf32, #tpu.memory_space<vmem>>, vector<1x16xf32>,
    %get3A_1381 = arith.constant 4 : i32
    %get3A_1382 = arith.index_cast %get3A_1381 : i32 to index
    %get3A_1383 = arith.constant 48 : index
    %get3A_1384 = tpu.vector_load %arg17[%get3A_1382, %get3A_1383] {strides = array<i32>} : memref<8x128xf32, #tpu.memory_space<vmem>>, vector<1x16xf32>,
    %get3A_1385 = vector.shape_cast %get3A_1384 : vector<1x16xf32> to vector<16xf32>
    %swap3A_1386 = arith.constant 35 : i32
    %swap3A_1387 = arith.index_cast %swap3A_1386 : i32 to index
    %swap3A_1388 = arith.constant 0 : index
    %swap3A_1389 = tpu.vector_load %arg18[%swap3A_1387, %swap3A_1388] {strides = array<i32>} : memref<64x128xf32, #tpu.memory_space<vmem>>, vector<1x16xf32>,
    %swap3A_1390 = vector.shape_cast %swap3A_1389 : vector<1x16xf32> to vector<16xf32>
    %swap3A_1391 = vector.shape_cast %get3A_1385 : vector<16xf32> to vector<1x16xf32>
    tpu.vector_store %arg18[%swap3A_1387, %swap3A_1388], %swap3A_1391 {strides = array<i32>} : memref<64x128xf32, #tpu.memory_space<vmem>>, vector<1x16xf32>,
    %get3A_1392 = arith.constant 4 : i32
    %get3A_1393 = arith.index_cast %get3A_1392 : i32 to index
    %get3A_1394 = arith.constant 64 : index
    %get3A_1395 = tpu.vector_load %arg17[%get3A_1393, %get3A_1394] {strides = array<i32>} : memref<8x128xf32, #tpu.memory_space<vmem>>, vector<1x16xf32>,
    %get3A_1396 = vector.shape_cast %get3A_1395 : vector<1x16xf32> to vector<16xf32>
    %swap3A_1397 = arith.constant 36 : i32
    %swap3A_1398 = arith.index_cast %swap3A_1397 : i32 to index
    %swap3A_1399 = arith.constant 0 : index
    %swap3A_1400 = tpu.vector_load %arg18[%swap3A_1398, %swap3A_1399] {strides = array<i32>} : memref<64x128xf32, #tpu.memory_space<vmem>>, vector<1x16xf32>,
    %swap3A_1401 = vector.shape_cast %swap3A_1400 : vector<1x16xf32> to vector<16xf32>
    %swap3A_1402 = vector.shape_cast %get3A_1396 : vector<16xf32> to vector<1x16xf32>
    tpu.vector_store %arg18[%swap3A_1398, %swap3A_1399], %swap3A_1402 {strides = array<i32>} : memref<64x128xf32, #tpu.memory_space<vmem>>, vector<1x16xf32>,
    %get3A_1403 = arith.constant 4 : i32
    %get3A_1404 = arith.index_cast %get3A_1403 : i32 to index
    %get3A_1405 = arith.constant 80 : index
    %get3A_1406 = tpu.vector_load %arg17[%get3A_1404, %get3A_1405] {strides = array<i32>} : memref<8x128xf32, #tpu.memory_space<vmem>>, vector<1x16xf32>,
    %get3A_1407 = vector.shape_cast %get3A_1406 : vector<1x16xf32> to vector<16xf32>
    %swap3A_1408 = arith.constant 37 : i32
    %swap3A_1409 = arith.index_cast %swap3A_1408 : i32 to index
    %swap3A_1410 = arith.constant 0 : index
    %swap3A_1411 = tpu.vector_load %arg18[%swap3A_1409, %swap3A_1410] {strides = array<i32>} : memref<64x128xf32, #tpu.memory_space<vmem>>, vector<1x16xf32>,
    %swap3A_1412 = vector.shape_cast %swap3A_1411 : vector<1x16xf32> to vector<16xf32>
    %swap3A_1413 = vector.shape_cast %get3A_1407 : vector<16xf32> to vector<1x16xf32>
    tpu.vector_store %arg18[%swap3A_1409, %swap3A_1410], %swap3A_1413 {strides = array<i32>} : memref<64x128xf32, #tpu.memory_space<vmem>>, vector<1x16xf32>,
    %get3A_1414 = arith.constant 4 : i32
    %get3A_1415 = arith.index_cast %get3A_1414 : i32 to index
    %get3A_1416 = arith.constant 96 : index
    %get3A_1417 = tpu.vector_load %arg17[%get3A_1415, %get3A_1416] {strides = array<i32>} : memref<8x128xf32, #tpu.memory_space<vmem>>, vector<1x16xf32>,
    %get3A_1418 = vector.shape_cast %get3A_1417 : vector<1x16xf32> to vector<16xf32>
    %swap3A_1419 = arith.constant 38 : i32
    %swap3A_1420 = arith.index_cast %swap3A_1419 : i32 to index
    %swap3A_1421 = arith.constant 0 : index
    %swap3A_1422 = tpu.vector_load %arg18[%swap3A_1420, %swap3A_1421] {strides = array<i32>} : memref<64x128xf32, #tpu.memory_space<vmem>>, vector<1x16xf32>,
    %swap3A_1423 = vector.shape_cast %swap3A_1422 : vector<1x16xf32> to vector<16xf32>
    %swap3A_1424 = vector.shape_cast %get3A_1418 : vector<16xf32> to vector<1x16xf32>
    tpu.vector_store %arg18[%swap3A_1420, %swap3A_1421], %swap3A_1424 {strides = array<i32>} : memref<64x128xf32, #tpu.memory_space<vmem>>, vector<1x16xf32>,
    %get3A_1425 = arith.constant 4 : i32
    %get3A_1426 = arith.index_cast %get3A_1425 : i32 to index
    %get3A_1427 = arith.constant 112 : index
    %get3A_1428 = tpu.vector_load %arg17[%get3A_1426, %get3A_1427] {strides = array<i32>} : memref<8x128xf32, #tpu.memory_space<vmem>>, vector<1x16xf32>,
    %get3A_1429 = vector.shape_cast %get3A_1428 : vector<1x16xf32> to vector<16xf32>
    %swap3A_1430 = arith.constant 39 : i32
    %swap3A_1431 = arith.index_cast %swap3A_1430 : i32 to index
    %swap3A_1432 = arith.constant 0 : index
    %swap3A_1433 = tpu.vector_load %arg18[%swap3A_1431, %swap3A_1432] {strides = array<i32>} : memref<64x128xf32, #tpu.memory_space<vmem>>, vector<1x16xf32>,
    %swap3A_1434 = vector.shape_cast %swap3A_1433 : vector<1x16xf32> to vector<16xf32>
    %swap3A_1435 = vector.shape_cast %get3A_1429 : vector<16xf32> to vector<1x16xf32>
    tpu.vector_store %arg18[%swap3A_1431, %swap3A_1432], %swap3A_1435 {strides = array<i32>} : memref<64x128xf32, #tpu.memory_space<vmem>>, vector<1x16xf32>,
    %get3A_1436 = arith.constant 5 : i32
    %get3A_1437 = arith.index_cast %get3A_1436 : i32 to index
    %get3A_1438 = arith.constant 0 : index
    %get3A_1439 = tpu.vector_load %arg17[%get3A_1437, %get3A_1438] {strides = array<i32>} : memref<8x128xf32, #tpu.memory_space<vmem>>, vector<1x16xf32>,
    %get3A_1440 = vector.shape_cast %get3A_1439 : vector<1x16xf32> to vector<16xf32>
    %swap3A_1441 = arith.constant 40 : i32
    %swap3A_1442 = arith.index_cast %swap3A_1441 : i32 to index
    %swap3A_1443 = arith.constant 0 : index
    %swap3A_1444 = tpu.vector_load %arg18[%swap3A_1442, %swap3A_1443] {strides = array<i32>} : memref<64x128xf32, #tpu.memory_space<vmem>>, vector<1x16xf32>,
    %swap3A_1445 = vector.shape_cast %swap3A_1444 : vector<1x16xf32> to vector<16xf32>
    %swap3A_1446 = vector.shape_cast %get3A_1440 : vector<16xf32> to vector<1x16xf32>
    tpu.vector_store %arg18[%swap3A_1442, %swap3A_1443], %swap3A_1446 {strides = array<i32>} : memref<64x128xf32, #tpu.memory_space<vmem>>, vector<1x16xf32>,
    %get3A_1447 = arith.constant 5 : i32
    %get3A_1448 = arith.index_cast %get3A_1447 : i32 to index
    %get3A_1449 = arith.constant 16 : index
    %get3A_1450 = tpu.vector_load %arg17[%get3A_1448, %get3A_1449] {strides = array<i32>} : memref<8x128xf32, #tpu.memory_space<vmem>>, vector<1x16xf32>,
    %get3A_1451 = vector.shape_cast %get3A_1450 : vector<1x16xf32> to vector<16xf32>
    %swap3A_1452 = arith.constant 41 : i32
    %swap3A_1453 = arith.index_cast %swap3A_1452 : i32 to index
    %swap3A_1454 = arith.constant 0 : index
    %swap3A_1455 = tpu.vector_load %arg18[%swap3A_1453, %swap3A_1454] {strides = array<i32>} : memref<64x128xf32, #tpu.memory_space<vmem>>, vector<1x16xf32>,
    %swap3A_1456 = vector.shape_cast %swap3A_1455 : vector<1x16xf32> to vector<16xf32>
    %swap3A_1457 = vector.shape_cast %get3A_1451 : vector<16xf32> to vector<1x16xf32>
    tpu.vector_store %arg18[%swap3A_1453, %swap3A_1454], %swap3A_1457 {strides = array<i32>} : memref<64x128xf32, #tpu.memory_space<vmem>>, vector<1x16xf32>,
    %get3A_1458 = arith.constant 5 : i32
    %get3A_1459 = arith.index_cast %get3A_1458 : i32 to index
    %get3A_1460 = arith.constant 32 : index
    %get3A_1461 = tpu.vector_load %arg17[%get3A_1459, %get3A_1460] {strides = array<i32>} : memref<8x128xf32, #tpu.memory_space<vmem>>, vector<1x16xf32>,
    %get3A_1462 = vector.shape_cast %get3A_1461 : vector<1x16xf32> to vector<16xf32>
    %swap3A_1463 = arith.constant 42 : i32
    %swap3A_1464 = arith.index_cast %swap3A_1463 : i32 to index
    %swap3A_1465 = arith.constant 0 : index
    %swap3A_1466 = tpu.vector_load %arg18[%swap3A_1464, %swap3A_1465] {strides = array<i32>} : memref<64x128xf32, #tpu.memory_space<vmem>>, vector<1x16xf32>,
    %swap3A_1467 = vector.shape_cast %swap3A_1466 : vector<1x16xf32> to vector<16xf32>
    %swap3A_1468 = vector.shape_cast %get3A_1462 : vector<16xf32> to vector<1x16xf32>
    tpu.vector_store %arg18[%swap3A_1464, %swap3A_1465], %swap3A_1468 {strides = array<i32>} : memref<64x128xf32, #tpu.memory_space<vmem>>, vector<1x16xf32>,
    %get3A_1469 = arith.constant 5 : i32
    %get3A_1470 = arith.index_cast %get3A_1469 : i32 to index
    %get3A_1471 = arith.constant 48 : index
    %get3A_1472 = tpu.vector_load %arg17[%get3A_1470, %get3A_1471] {strides = array<i32>} : memref<8x128xf32, #tpu.memory_space<vmem>>, vector<1x16xf32>,
    %get3A_1473 = vector.shape_cast %get3A_1472 : vector<1x16xf32> to vector<16xf32>
    %swap3A_1474 = arith.constant 43 : i32
    %swap3A_1475 = arith.index_cast %swap3A_1474 : i32 to index
    %swap3A_1476 = arith.constant 0 : index
    %swap3A_1477 = tpu.vector_load %arg18[%swap3A_1475, %swap3A_1476] {strides = array<i32>} : memref<64x128xf32, #tpu.memory_space<vmem>>, vector<1x16xf32>,
    %swap3A_1478 = vector.shape_cast %swap3A_1477 : vector<1x16xf32> to vector<16xf32>
    %swap3A_1479 = vector.shape_cast %get3A_1473 : vector<16xf32> to vector<1x16xf32>
    tpu.vector_store %arg18[%swap3A_1475, %swap3A_1476], %swap3A_1479 {strides = array<i32>} : memref<64x128xf32, #tpu.memory_space<vmem>>, vector<1x16xf32>,
    %get3A_1480 = arith.constant 5 : i32
    %get3A_1481 = arith.index_cast %get3A_1480 : i32 to index
    %get3A_1482 = arith.constant 64 : index
    %get3A_1483 = tpu.vector_load %arg17[%get3A_1481, %get3A_1482] {strides = array<i32>} : memref<8x128xf32, #tpu.memory_space<vmem>>, vector<1x16xf32>,
    %get3A_1484 = vector.shape_cast %get3A_1483 : vector<1x16xf32> to vector<16xf32>
    %swap3A_1485 = arith.constant 44 : i32
    %swap3A_1486 = arith.index_cast %swap3A_1485 : i32 to index
    %swap3A_1487 = arith.constant 0 : index
    %swap3A_1488 = tpu.vector_load %arg18[%swap3A_1486, %swap3A_1487] {strides = array<i32>} : memref<64x128xf32, #tpu.memory_space<vmem>>, vector<1x16xf32>,
    %swap3A_1489 = vector.shape_cast %swap3A_1488 : vector<1x16xf32> to vector<16xf32>
    %swap3A_1490 = vector.shape_cast %get3A_1484 : vector<16xf32> to vector<1x16xf32>
    tpu.vector_store %arg18[%swap3A_1486, %swap3A_1487], %swap3A_1490 {strides = array<i32>} : memref<64x128xf32, #tpu.memory_space<vmem>>, vector<1x16xf32>,
    %get3A_1491 = arith.constant 5 : i32
    %get3A_1492 = arith.index_cast %get3A_1491 : i32 to index
    %get3A_1493 = arith.constant 80 : index
    %get3A_1494 = tpu.vector_load %arg17[%get3A_1492, %get3A_1493] {strides = array<i32>} : memref<8x128xf32, #tpu.memory_space<vmem>>, vector<1x16xf32>,
    %get3A_1495 = vector.shape_cast %get3A_1494 : vector<1x16xf32> to vector<16xf32>
    %swap3A_1496 = arith.constant 45 : i32
    %swap3A_1497 = arith.index_cast %swap3A_1496 : i32 to index
    %swap3A_1498 = arith.constant 0 : index
    %swap3A_1499 = tpu.vector_load %arg18[%swap3A_1497, %swap3A_1498] {strides = array<i32>} : memref<64x128xf32, #tpu.memory_space<vmem>>, vector<1x16xf32>,
    %swap3A_1500 = vector.shape_cast %swap3A_1499 : vector<1x16xf32> to vector<16xf32>
    %swap3A_1501 = vector.shape_cast %get3A_1495 : vector<16xf32> to vector<1x16xf32>
    tpu.vector_store %arg18[%swap3A_1497, %swap3A_1498], %swap3A_1501 {strides = array<i32>} : memref<64x128xf32, #tpu.memory_space<vmem>>, vector<1x16xf32>,
    %get3A_1502 = arith.constant 5 : i32
    %get3A_1503 = arith.index_cast %get3A_1502 : i32 to index
    %get3A_1504 = arith.constant 96 : index
    %get3A_1505 = tpu.vector_load %arg17[%get3A_1503, %get3A_1504] {strides = array<i32>} : memref<8x128xf32, #tpu.memory_space<vmem>>, vector<1x16xf32>,
    %get3A_1506 = vector.shape_cast %get3A_1505 : vector<1x16xf32> to vector<16xf32>
    %swap3A_1507 = arith.constant 46 : i32
    %swap3A_1508 = arith.index_cast %swap3A_1507 : i32 to index
    %swap3A_1509 = arith.constant 0 : index
    %swap3A_1510 = tpu.vector_load %arg18[%swap3A_1508, %swap3A_1509] {strides = array<i32>} : memref<64x128xf32, #tpu.memory_space<vmem>>, vector<1x16xf32>,
    %swap3A_1511 = vector.shape_cast %swap3A_1510 : vector<1x16xf32> to vector<16xf32>
    %swap3A_1512 = vector.shape_cast %get3A_1506 : vector<16xf32> to vector<1x16xf32>
    tpu.vector_store %arg18[%swap3A_1508, %swap3A_1509], %swap3A_1512 {strides = array<i32>} : memref<64x128xf32, #tpu.memory_space<vmem>>, vector<1x16xf32>,
    %get3A_1513 = arith.constant 5 : i32
    %get3A_1514 = arith.index_cast %get3A_1513 : i32 to index
    %get3A_1515 = arith.constant 112 : index
    %get3A_1516 = tpu.vector_load %arg17[%get3A_1514, %get3A_1515] {strides = array<i32>} : memref<8x128xf32, #tpu.memory_space<vmem>>, vector<1x16xf32>,
    %get3A_1517 = vector.shape_cast %get3A_1516 : vector<1x16xf32> to vector<16xf32>
    %swap3A_1518 = arith.constant 47 : i32
    %swap3A_1519 = arith.index_cast %swap3A_1518 : i32 to index
    %swap3A_1520 = arith.constant 0 : index
    %swap3A_1521 = tpu.vector_load %arg18[%swap3A_1519, %swap3A_1520] {strides = array<i32>} : memref<64x128xf32, #tpu.memory_space<vmem>>, vector<1x16xf32>,
    %swap3A_1522 = vector.shape_cast %swap3A_1521 : vector<1x16xf32> to vector<16xf32>
    %swap3A_1523 = vector.shape_cast %get3A_1517 : vector<16xf32> to vector<1x16xf32>
    tpu.vector_store %arg18[%swap3A_1519, %swap3A_1520], %swap3A_1523 {strides = array<i32>} : memref<64x128xf32, #tpu.memory_space<vmem>>, vector<1x16xf32>,
    %get3A_1524 = arith.constant 6 : i32
    %get3A_1525 = arith.index_cast %get3A_1524 : i32 to index
    %get3A_1526 = arith.constant 0 : index
    %get3A_1527 = tpu.vector_load %arg17[%get3A_1525, %get3A_1526] {strides = array<i32>} : memref<8x128xf32, #tpu.memory_space<vmem>>, vector<1x16xf32>,
    %get3A_1528 = vector.shape_cast %get3A_1527 : vector<1x16xf32> to vector<16xf32>
    %swap3A_1529 = arith.constant 48 : i32
    %swap3A_1530 = arith.index_cast %swap3A_1529 : i32 to index
    %swap3A_1531 = arith.constant 0 : index
    %swap3A_1532 = tpu.vector_load %arg18[%swap3A_1530, %swap3A_1531] {strides = array<i32>} : memref<64x128xf32, #tpu.memory_space<vmem>>, vector<1x16xf32>,
    %swap3A_1533 = vector.shape_cast %swap3A_1532 : vector<1x16xf32> to vector<16xf32>
    %swap3A_1534 = vector.shape_cast %get3A_1528 : vector<16xf32> to vector<1x16xf32>
    tpu.vector_store %arg18[%swap3A_1530, %swap3A_1531], %swap3A_1534 {strides = array<i32>} : memref<64x128xf32, #tpu.memory_space<vmem>>, vector<1x16xf32>,
    %get3A_1535 = arith.constant 6 : i32
    %get3A_1536 = arith.index_cast %get3A_1535 : i32 to index
    %get3A_1537 = arith.constant 16 : index
    %get3A_1538 = tpu.vector_load %arg17[%get3A_1536, %get3A_1537] {strides = array<i32>} : memref<8x128xf32, #tpu.memory_space<vmem>>, vector<1x16xf32>,
    %get3A_1539 = vector.shape_cast %get3A_1538 : vector<1x16xf32> to vector<16xf32>
    %swap3A_1540 = arith.constant 49 : i32
    %swap3A_1541 = arith.index_cast %swap3A_1540 : i32 to index
    %swap3A_1542 = arith.constant 0 : index
    %swap3A_1543 = tpu.vector_load %arg18[%swap3A_1541, %swap3A_1542] {strides = array<i32>} : memref<64x128xf32, #tpu.memory_space<vmem>>, vector<1x16xf32>,
    %swap3A_1544 = vector.shape_cast %swap3A_1543 : vector<1x16xf32> to vector<16xf32>
    %swap3A_1545 = vector.shape_cast %get3A_1539 : vector<16xf32> to vector<1x16xf32>
    tpu.vector_store %arg18[%swap3A_1541, %swap3A_1542], %swap3A_1545 {strides = array<i32>} : memref<64x128xf32, #tpu.memory_space<vmem>>, vector<1x16xf32>,
    %get3A_1546 = arith.constant 6 : i32
    %get3A_1547 = arith.index_cast %get3A_1546 : i32 to index
    %get3A_1548 = arith.constant 32 : index
    %get3A_1549 = tpu.vector_load %arg17[%get3A_1547, %get3A_1548] {strides = array<i32>} : memref<8x128xf32, #tpu.memory_space<vmem>>, vector<1x16xf32>,
    %get3A_1550 = vector.shape_cast %get3A_1549 : vector<1x16xf32> to vector<16xf32>
    %swap3A_1551 = arith.constant 50 : i32
    %swap3A_1552 = arith.index_cast %swap3A_1551 : i32 to index
    %swap3A_1553 = arith.constant 0 : index
    %swap3A_1554 = tpu.vector_load %arg18[%swap3A_1552, %swap3A_1553] {strides = array<i32>} : memref<64x128xf32, #tpu.memory_space<vmem>>, vector<1x16xf32>,
    %swap3A_1555 = vector.shape_cast %swap3A_1554 : vector<1x16xf32> to vector<16xf32>
    %swap3A_1556 = vector.shape_cast %get3A_1550 : vector<16xf32> to vector<1x16xf32>
    tpu.vector_store %arg18[%swap3A_1552, %swap3A_1553], %swap3A_1556 {strides = array<i32>} : memref<64x128xf32, #tpu.memory_space<vmem>>, vector<1x16xf32>,
    %get3A_1557 = arith.constant 6 : i32
    %get3A_1558 = arith.index_cast %get3A_1557 : i32 to index
    %get3A_1559 = arith.constant 48 : index
    %get3A_1560 = tpu.vector_load %arg17[%get3A_1558, %get3A_1559] {strides = array<i32>} : memref<8x128xf32, #tpu.memory_space<vmem>>, vector<1x16xf32>,
    %get3A_1561 = vector.shape_cast %get3A_1560 : vector<1x16xf32> to vector<16xf32>
    %swap3A_1562 = arith.constant 51 : i32
    %swap3A_1563 = arith.index_cast %swap3A_1562 : i32 to index
    %swap3A_1564 = arith.constant 0 : index
    %swap3A_1565 = tpu.vector_load %arg18[%swap3A_1563, %swap3A_1564] {strides = array<i32>} : memref<64x128xf32, #tpu.memory_space<vmem>>, vector<1x16xf32>,
    %swap3A_1566 = vector.shape_cast %swap3A_1565 : vector<1x16xf32> to vector<16xf32>
    %swap3A_1567 = vector.shape_cast %get3A_1561 : vector<16xf32> to vector<1x16xf32>
    tpu.vector_store %arg18[%swap3A_1563, %swap3A_1564], %swap3A_1567 {strides = array<i32>} : memref<64x128xf32, #tpu.memory_space<vmem>>, vector<1x16xf32>,
    %get3A_1568 = arith.constant 6 : i32
    %get3A_1569 = arith.index_cast %get3A_1568 : i32 to index
    %get3A_1570 = arith.constant 64 : index
    %get3A_1571 = tpu.vector_load %arg17[%get3A_1569, %get3A_1570] {strides = array<i32>} : memref<8x128xf32, #tpu.memory_space<vmem>>, vector<1x16xf32>,
    %get3A_1572 = vector.shape_cast %get3A_1571 : vector<1x16xf32> to vector<16xf32>
    %swap3A_1573 = arith.constant 52 : i32
    %swap3A_1574 = arith.index_cast %swap3A_1573 : i32 to index
    %swap3A_1575 = arith.constant 0 : index
    %swap3A_1576 = tpu.vector_load %arg18[%swap3A_1574, %swap3A_1575] {strides = array<i32>} : memref<64x128xf32, #tpu.memory_space<vmem>>, vector<1x16xf32>,
    %swap3A_1577 = vector.shape_cast %swap3A_1576 : vector<1x16xf32> to vector<16xf32>
    %swap3A_1578 = vector.shape_cast %get3A_1572 : vector<16xf32> to vector<1x16xf32>
    tpu.vector_store %arg18[%swap3A_1574, %swap3A_1575], %swap3A_1578 {strides = array<i32>} : memref<64x128xf32, #tpu.memory_space<vmem>>, vector<1x16xf32>,
    %get3A_1579 = arith.constant 6 : i32
    %get3A_1580 = arith.index_cast %get3A_1579 : i32 to index
    %get3A_1581 = arith.constant 80 : index
    %get3A_1582 = tpu.vector_load %arg17[%get3A_1580, %get3A_1581] {strides = array<i32>} : memref<8x128xf32, #tpu.memory_space<vmem>>, vector<1x16xf32>,
    %get3A_1583 = vector.shape_cast %get3A_1582 : vector<1x16xf32> to vector<16xf32>
    %swap3A_1584 = arith.constant 53 : i32
    %swap3A_1585 = arith.index_cast %swap3A_1584 : i32 to index
    %swap3A_1586 = arith.constant 0 : index
    %swap3A_1587 = tpu.vector_load %arg18[%swap3A_1585, %swap3A_1586] {strides = array<i32>} : memref<64x128xf32, #tpu.memory_space<vmem>>, vector<1x16xf32>,
    %swap3A_1588 = vector.shape_cast %swap3A_1587 : vector<1x16xf32> to vector<16xf32>
    %swap3A_1589 = vector.shape_cast %get3A_1583 : vector<16xf32> to vector<1x16xf32>
    tpu.vector_store %arg18[%swap3A_1585, %swap3A_1586], %swap3A_1589 {strides = array<i32>} : memref<64x128xf32, #tpu.memory_space<vmem>>, vector<1x16xf32>,
    %get3A_1590 = arith.constant 6 : i32
    %get3A_1591 = arith.index_cast %get3A_1590 : i32 to index
    %get3A_1592 = arith.constant 96 : index
    %get3A_1593 = tpu.vector_load %arg17[%get3A_1591, %get3A_1592] {strides = array<i32>} : memref<8x128xf32, #tpu.memory_space<vmem>>, vector<1x16xf32>,
    %get3A_1594 = vector.shape_cast %get3A_1593 : vector<1x16xf32> to vector<16xf32>
    %swap3A_1595 = arith.constant 54 : i32
    %swap3A_1596 = arith.index_cast %swap3A_1595 : i32 to index
    %swap3A_1597 = arith.constant 0 : index
    %swap3A_1598 = tpu.vector_load %arg18[%swap3A_1596, %swap3A_1597] {strides = array<i32>} : memref<64x128xf32, #tpu.memory_space<vmem>>, vector<1x16xf32>,
    %swap3A_1599 = vector.shape_cast %swap3A_1598 : vector<1x16xf32> to vector<16xf32>
    %swap3A_1600 = vector.shape_cast %get3A_1594 : vector<16xf32> to vector<1x16xf32>
    tpu.vector_store %arg18[%swap3A_1596, %swap3A_1597], %swap3A_1600 {strides = array<i32>} : memref<64x128xf32, #tpu.memory_space<vmem>>, vector<1x16xf32>,
    %get3A_1601 = arith.constant 6 : i32
    %get3A_1602 = arith.index_cast %get3A_1601 : i32 to index
    %get3A_1603 = arith.constant 112 : index
    %get3A_1604 = tpu.vector_load %arg17[%get3A_1602, %get3A_1603] {strides = array<i32>} : memref<8x128xf32, #tpu.memory_space<vmem>>, vector<1x16xf32>,
    %get3A_1605 = vector.shape_cast %get3A_1604 : vector<1x16xf32> to vector<16xf32>
    %swap3A_1606 = arith.constant 55 : i32
    %swap3A_1607 = arith.index_cast %swap3A_1606 : i32 to index
    %swap3A_1608 = arith.constant 0 : index
    %swap3A_1609 = tpu.vector_load %arg18[%swap3A_1607, %swap3A_1608] {strides = array<i32>} : memref<64x128xf32, #tpu.memory_space<vmem>>, vector<1x16xf32>,
    %swap3A_1610 = vector.shape_cast %swap3A_1609 : vector<1x16xf32> to vector<16xf32>
    %swap3A_1611 = vector.shape_cast %get3A_1605 : vector<16xf32> to vector<1x16xf32>
    tpu.vector_store %arg18[%swap3A_1607, %swap3A_1608], %swap3A_1611 {strides = array<i32>} : memref<64x128xf32, #tpu.memory_space<vmem>>, vector<1x16xf32>,
    %get3A_1612 = arith.constant 7 : i32
    %get3A_1613 = arith.index_cast %get3A_1612 : i32 to index
    %get3A_1614 = arith.constant 0 : index
    %get3A_1615 = tpu.vector_load %arg17[%get3A_1613, %get3A_1614] {strides = array<i32>} : memref<8x128xf32, #tpu.memory_space<vmem>>, vector<1x16xf32>,
    %get3A_1616 = vector.shape_cast %get3A_1615 : vector<1x16xf32> to vector<16xf32>
    %swap3A_1617 = arith.constant 56 : i32
    %swap3A_1618 = arith.index_cast %swap3A_1617 : i32 to index
    %swap3A_1619 = arith.constant 0 : index
    %swap3A_1620 = tpu.vector_load %arg18[%swap3A_1618, %swap3A_1619] {strides = array<i32>} : memref<64x128xf32, #tpu.memory_space<vmem>>, vector<1x16xf32>,
    %swap3A_1621 = vector.shape_cast %swap3A_1620 : vector<1x16xf32> to vector<16xf32>
    %swap3A_1622 = vector.shape_cast %get3A_1616 : vector<16xf32> to vector<1x16xf32>
    tpu.vector_store %arg18[%swap3A_1618, %swap3A_1619], %swap3A_1622 {strides = array<i32>} : memref<64x128xf32, #tpu.memory_space<vmem>>, vector<1x16xf32>,
    %get3A_1623 = arith.constant 7 : i32
    %get3A_1624 = arith.index_cast %get3A_1623 : i32 to index
    %get3A_1625 = arith.constant 16 : index
    %get3A_1626 = tpu.vector_load %arg17[%get3A_1624, %get3A_1625] {strides = array<i32>} : memref<8x128xf32, #tpu.memory_space<vmem>>, vector<1x16xf32>,
    %get3A_1627 = vector.shape_cast %get3A_1626 : vector<1x16xf32> to vector<16xf32>
    %swap3A_1628 = arith.constant 57 : i32
    %swap3A_1629 = arith.index_cast %swap3A_1628 : i32 to index
    %swap3A_1630 = arith.constant 0 : index
    %swap3A_1631 = tpu.vector_load %arg18[%swap3A_1629, %swap3A_1630] {strides = array<i32>} : memref<64x128xf32, #tpu.memory_space<vmem>>, vector<1x16xf32>,
    %swap3A_1632 = vector.shape_cast %swap3A_1631 : vector<1x16xf32> to vector<16xf32>
    %swap3A_1633 = vector.shape_cast %get3A_1627 : vector<16xf32> to vector<1x16xf32>
    tpu.vector_store %arg18[%swap3A_1629, %swap3A_1630], %swap3A_1633 {strides = array<i32>} : memref<64x128xf32, #tpu.memory_space<vmem>>, vector<1x16xf32>,
    %get3A_1634 = arith.constant 7 : i32
    %get3A_1635 = arith.index_cast %get3A_1634 : i32 to index
    %get3A_1636 = arith.constant 32 : index
    %get3A_1637 = tpu.vector_load %arg17[%get3A_1635, %get3A_1636] {strides = array<i32>} : memref<8x128xf32, #tpu.memory_space<vmem>>, vector<1x16xf32>,
    %get3A_1638 = vector.shape_cast %get3A_1637 : vector<1x16xf32> to vector<16xf32>
    %swap3A_1639 = arith.constant 58 : i32
    %swap3A_1640 = arith.index_cast %swap3A_1639 : i32 to index
    %swap3A_1641 = arith.constant 0 : index
    %swap3A_1642 = tpu.vector_load %arg18[%swap3A_1640, %swap3A_1641] {strides = array<i32>} : memref<64x128xf32, #tpu.memory_space<vmem>>, vector<1x16xf32>,
    %swap3A_1643 = vector.shape_cast %swap3A_1642 : vector<1x16xf32> to vector<16xf32>
    %swap3A_1644 = vector.shape_cast %get3A_1638 : vector<16xf32> to vector<1x16xf32>
    tpu.vector_store %arg18[%swap3A_1640, %swap3A_1641], %swap3A_1644 {strides = array<i32>} : memref<64x128xf32, #tpu.memory_space<vmem>>, vector<1x16xf32>,
    %get3A_1645 = arith.constant 7 : i32
    %get3A_1646 = arith.index_cast %get3A_1645 : i32 to index
    %get3A_1647 = arith.constant 48 : index
    %get3A_1648 = tpu.vector_load %arg17[%get3A_1646, %get3A_1647] {strides = array<i32>} : memref<8x128xf32, #tpu.memory_space<vmem>>, vector<1x16xf32>,
    %get3A_1649 = vector.shape_cast %get3A_1648 : vector<1x16xf32> to vector<16xf32>
    %swap3A_1650 = arith.constant 59 : i32
    %swap3A_1651 = arith.index_cast %swap3A_1650 : i32 to index
    %swap3A_1652 = arith.constant 0 : index
    %swap3A_1653 = tpu.vector_load %arg18[%swap3A_1651, %swap3A_1652] {strides = array<i32>} : memref<64x128xf32, #tpu.memory_space<vmem>>, vector<1x16xf32>,
    %swap3A_1654 = vector.shape_cast %swap3A_1653 : vector<1x16xf32> to vector<16xf32>
    %swap3A_1655 = vector.shape_cast %get3A_1649 : vector<16xf32> to vector<1x16xf32>
    tpu.vector_store %arg18[%swap3A_1651, %swap3A_1652], %swap3A_1655 {strides = array<i32>} : memref<64x128xf32, #tpu.memory_space<vmem>>, vector<1x16xf32>,
    %get3A_1656 = arith.constant 7 : i32
    %get3A_1657 = arith.index_cast %get3A_1656 : i32 to index
    %get3A_1658 = arith.constant 64 : index
    %get3A_1659 = tpu.vector_load %arg17[%get3A_1657, %get3A_1658] {strides = array<i32>} : memref<8x128xf32, #tpu.memory_space<vmem>>, vector<1x16xf32>,
    %get3A_1660 = vector.shape_cast %get3A_1659 : vector<1x16xf32> to vector<16xf32>
    %swap3A_1661 = arith.constant 60 : i32
    %swap3A_1662 = arith.index_cast %swap3A_1661 : i32 to index
    %swap3A_1663 = arith.constant 0 : index
    %swap3A_1664 = tpu.vector_load %arg18[%swap3A_1662, %swap3A_1663] {strides = array<i32>} : memref<64x128xf32, #tpu.memory_space<vmem>>, vector<1x16xf32>,
    %swap3A_1665 = vector.shape_cast %swap3A_1664 : vector<1x16xf32> to vector<16xf32>
    %swap3A_1666 = vector.shape_cast %get3A_1660 : vector<16xf32> to vector<1x16xf32>
    tpu.vector_store %arg18[%swap3A_1662, %swap3A_1663], %swap3A_1666 {strides = array<i32>} : memref<64x128xf32, #tpu.memory_space<vmem>>, vector<1x16xf32>,
    %get3A_1667 = arith.constant 7 : i32
    %get3A_1668 = arith.index_cast %get3A_1667 : i32 to index
    %get3A_1669 = arith.constant 80 : index
    %get3A_1670 = tpu.vector_load %arg17[%get3A_1668, %get3A_1669] {strides = array<i32>} : memref<8x128xf32, #tpu.memory_space<vmem>>, vector<1x16xf32>,
    %get3A_1671 = vector.shape_cast %get3A_1670 : vector<1x16xf32> to vector<16xf32>
    %swap3A_1672 = arith.constant 61 : i32
    %swap3A_1673 = arith.index_cast %swap3A_1672 : i32 to index
    %swap3A_1674 = arith.constant 0 : index
    %swap3A_1675 = tpu.vector_load %arg18[%swap3A_1673, %swap3A_1674] {strides = array<i32>} : memref<64x128xf32, #tpu.memory_space<vmem>>, vector<1x16xf32>,
    %swap3A_1676 = vector.shape_cast %swap3A_1675 : vector<1x16xf32> to vector<16xf32>
    %swap3A_1677 = vector.shape_cast %get3A_1671 : vector<16xf32> to vector<1x16xf32>
    tpu.vector_store %arg18[%swap3A_1673, %swap3A_1674], %swap3A_1677 {strides = array<i32>} : memref<64x128xf32, #tpu.memory_space<vmem>>, vector<1x16xf32>,
    %get3A_1678 = arith.constant 7 : i32
    %get3A_1679 = arith.index_cast %get3A_1678 : i32 to index
    %get3A_1680 = arith.constant 96 : index
    %get3A_1681 = tpu.vector_load %arg17[%get3A_1679, %get3A_1680] {strides = array<i32>} : memref<8x128xf32, #tpu.memory_space<vmem>>, vector<1x16xf32>,
    %get3A_1682 = vector.shape_cast %get3A_1681 : vector<1x16xf32> to vector<16xf32>
    %swap3A_1683 = arith.constant 62 : i32
    %swap3A_1684 = arith.index_cast %swap3A_1683 : i32 to index
    %swap3A_1685 = arith.constant 0 : index
    %swap3A_1686 = tpu.vector_load %arg18[%swap3A_1684, %swap3A_1685] {strides = array<i32>} : memref<64x128xf32, #tpu.memory_space<vmem>>, vector<1x16xf32>,
    %swap3A_1687 = vector.shape_cast %swap3A_1686 : vector<1x16xf32> to vector<16xf32>
    %swap3A_1688 = vector.shape_cast %get3A_1682 : vector<16xf32> to vector<1x16xf32>
    tpu.vector_store %arg18[%swap3A_1684, %swap3A_1685], %swap3A_1688 {strides = array<i32>} : memref<64x128xf32, #tpu.memory_space<vmem>>, vector<1x16xf32>,
    %get3A_1689 = arith.constant 7 : i32
    %get3A_1690 = arith.index_cast %get3A_1689 : i32 to index
    %get3A_1691 = arith.constant 112 : index
    %get3A_1692 = tpu.vector_load %arg17[%get3A_1690, %get3A_1691] {strides = array<i32>} : memref<8x128xf32, #tpu.memory_space<vmem>>, vector<1x16xf32>,
    %get3A_1693 = vector.shape_cast %get3A_1692 : vector<1x16xf32> to vector<16xf32>
    %swap3A_1694 = arith.constant 63 : i32
    %swap3A_1695 = arith.index_cast %swap3A_1694 : i32 to index
    %swap3A_1696 = arith.constant 0 : index
    %swap3A_1697 = tpu.vector_load %arg18[%swap3A_1695, %swap3A_1696] {strides = array<i32>} : memref<64x128xf32, #tpu.memory_space<vmem>>, vector<1x16xf32>,
    %swap3A_1698 = vector.shape_cast %swap3A_1697 : vector<1x16xf32> to vector<16xf32>
    %swap3A_1699 = vector.shape_cast %get3A_1693 : vector<16xf32> to vector<1x16xf32>
    tpu.vector_store %arg18[%swap3A_1695, %swap3A_1696], %swap3A_1699 {strides = array<i32>} : memref<64x128xf32, #tpu.memory_space<vmem>>, vector<1x16xf32>,
    %dma_wait3A_1700 = arith.constant 0 : i32
    %dma_wait3A_1701 = arith.constant 0 : i32
    %dma_wait3A_1702 = tpu.memref_slice %arg2[%dma_wait3A_1700, %dma_wait3A_1701] : memref<10000x128xf32, #tpu.memory_space<hbm>> -> memref<10000x128xf32, #tpu.memory_space<hbm>>
    tpu.wait_indirect_dma semaphore(%arg26 : memref<!tpu.dma_semaphore, #tpu.memory_space<semaphore_mem>>) src(%dma_wait3A_1702 : memref<10000x128xf32, #tpu.memory_space<hbm>>) dst(%arg16 : memref<64x128xf32, #tpu.memory_space<vmem>>)
    %dma_start3A_1703 = arith.constant 0 : i32
    %dma_start3A_1704 = arith.constant 0 : i32
    %dma_start3A_1705 = tpu.memref_slice %arg21[%dma_start3A_1703, %dma_start3A_1704] : memref<5128x128xf32, #tpu.memory_space<vmem_shared>> -> memref<5128x128xf32, #tpu.memory_space<vmem_shared>>
    tpu.enqueue_indirect_dma source(%arg16 : memref<64x128xf32, #tpu.memory_space<vmem>>) target(%dma_start3A_1705 : memref<5128x128xf32, #tpu.memory_space<vmem_shared>>) offsets(%arg20 : memref<64xi32, #tpu.memory_space<vmem>>) semaphore(%arg28 : memref<!tpu.dma_semaphore, #tpu.memory_space<semaphore_mem>>) {add = true}
    %dma_start3A_1706 = arith.constant 0 : i32
    %dma_start3A_1707 = arith.constant 0 : i32
    %dma_start3A_1708 = tpu.memref_slice %arg22[%dma_start3A_1706, %dma_start3A_1707] : memref<5128x128xf32, #tpu.memory_space<vmem_shared>> -> memref<5128x128xf32, #tpu.memory_space<vmem_shared>>
    tpu.enqueue_indirect_dma source(%arg18 : memref<64x128xf32, #tpu.memory_space<vmem>>) target(%dma_start3A_1708 : memref<5128x128xf32, #tpu.memory_space<vmem_shared>>) offsets(%arg20 : memref<64xi32, #tpu.memory_space<vmem>>) semaphore(%arg28 : memref<!tpu.dma_semaphore, #tpu.memory_space<semaphore_mem>>) {add = true}
    %min3A_1709 = arith.constant 3 : i32
    %min3A_1710 = arith.constant 319 : i32
    %min3A_1711 = arith.minsi %min3A_1709, %min3A_1710 : i32
    %mul3A_1712 = arith.constant 20480 : i32
    %mul3A_1713 = arith.muli %arg1, %mul3A_1712 : i32
    %mul3A_1714 = arith.constant 64 : i32
    %mul3A_1715 = arith.muli %min3A_1711, %mul3A_1714 : i32
    %add3A_1716 = arith.addi %mul3A_1713, %mul3A_1715 : i32
    %multiple_of3A_1717 = tpu.assume_multiple %add3A_1716, 8 : i32
    %mul3A_1718 = arith.constant 2560 : i32
    %mul3A_1719 = arith.muli %arg1, %mul3A_1718 : i32
    %mul3A_1720 = arith.constant 8 : i32
    %mul3A_1721 = arith.muli %min3A_1711, %mul3A_1720 : i32
    %add3A_1722 = arith.addi %mul3A_1719, %mul3A_1721 : i32
    %multiple_of3A_1723 = tpu.assume_multiple %add3A_1722, 8 : i32
    %dma_start3A_1724 = tpu.memref_slice %arg3[%multiple_of3A_1717] : memref<327680xi32, #tpu.memory_space<hbm>> -> memref<64xi32, #tpu.memory_space<hbm>>
    %dma_start3A_1725 = tpu.memref_slice %arg3[%multiple_of3A_1717] : memref<327680xi32, #tpu.memory_space<hbm>> -> memref<64xi32, #tpu.memory_space<hbm>>
    tpu.enqueue_dma source(%dma_start3A_1725 : memref<64xi32, #tpu.memory_space<hbm>>) target(%arg14 : memref<64xi32, #tpu.memory_space<vmem>>) target_semaphore(%arg24 : memref<!tpu.dma_semaphore, #tpu.memory_space<semaphore_mem>>)
    %dma_start3A_1726 = tpu.memref_slice %arg4[%multiple_of3A_1717] : memref<327680xi32, #tpu.memory_space<hbm>> -> memref<64xi32, #tpu.memory_space<hbm>>
    %dma_start3A_1727 = tpu.memref_slice %arg4[%multiple_of3A_1717] : memref<327680xi32, #tpu.memory_space<hbm>> -> memref<64xi32, #tpu.memory_space<hbm>>
    tpu.enqueue_dma source(%dma_start3A_1727 : memref<64xi32, #tpu.memory_space<hbm>>) target(%arg15 : memref<64xi32, #tpu.memory_space<vmem>>) target_semaphore(%arg24 : memref<!tpu.dma_semaphore, #tpu.memory_space<semaphore_mem>>)
    %dma_start3A_1728 = arith.constant 0 : i32
    %dma_start3A_1729 = tpu.memref_slice %arg5[%multiple_of3A_1723, %dma_start3A_1728] : memref<40960x128xf32, #tpu.memory_space<hbm>> -> memref<8x128xf32, #tpu.memory_space<hbm>>
    %dma_start3A_1730 = arith.constant 0 : i32
    %dma_start3A_1731 = tpu.memref_slice %arg5[%multiple_of3A_1723, %dma_start3A_1730] : memref<40960x128xf32, #tpu.memory_space<hbm>> -> memref<8x128xf32, #tpu.memory_space<hbm>>
    tpu.enqueue_dma source(%dma_start3A_1731 : memref<8x128xf32, #tpu.memory_space<hbm>>) target(%arg17 : memref<8x128xf32, #tpu.memory_space<vmem>>) target_semaphore(%arg24 : memref<!tpu.dma_semaphore, #tpu.memory_space<semaphore_mem>>)
    %scan3A_1732 = arith.constant 0 : i32
    %scan3A_1733 = arith.constant 1 : i32
    %scan3A_1734 = arith.constant 159 : i32
    %scan3A_1735 = arith.addi %scan3A_1733, %scan3A_1734 : i32
    %scan3A_1736 = arith.constant 1 : i32
    scf.for %scan3A_1817 = %scan3A_1733 to %scan3A_1735 step %scan3A_1736  : i32 {
      %mul3A_1818 = arith.constant 2 : i32
      %mul3A_1819 = arith.muli %mul3A_1818, %scan3A_1817 : i32
      %min3A_1820 = arith.constant 319 : i32
      %min3A_1821 = arith.minsi %mul3A_1819, %min3A_1820 : i32
      %mul3A_1822 = arith.constant 20480 : i32
      %mul3A_1823 = arith.muli %arg1, %mul3A_1822 : i32
      %mul3A_1824 = arith.constant 64 : i32
      %mul3A_1825 = arith.muli %min3A_1821, %mul3A_1824 : i32
      %add3A_1826 = arith.addi %mul3A_1823, %mul3A_1825 : i32
      %multiple_of3A_1827 = tpu.assume_multiple %add3A_1826, 8 : i32
      %mul3A_1828 = arith.constant 2560 : i32
      %mul3A_1829 = arith.muli %arg1, %mul3A_1828 : i32
      %mul3A_1830 = arith.constant 8 : i32
      %mul3A_1831 = arith.muli %min3A_1821, %mul3A_1830 : i32
      %add3A_1832 = arith.addi %mul3A_1829, %mul3A_1831 : i32
      %multiple_of3A_1833 = tpu.assume_multiple %add3A_1832, 8 : i32
      %dma_wait3A_1834 = tpu.memref_slice %arg3[%multiple_of3A_1827] : memref<327680xi32, #tpu.memory_space<hbm>> -> memref<64xi32, #tpu.memory_space<hbm>>
      %dma_wait3A_1835 = tpu.memref_slice %arg3[%multiple_of3A_1827] : memref<327680xi32, #tpu.memory_space<hbm>> -> memref<64xi32, #tpu.memory_space<hbm>>
      tpu.wait_dma2 semaphore(%arg23 : memref<!tpu.dma_semaphore, #tpu.memory_space<semaphore_mem>>) src(%dma_wait3A_1835 : memref<64xi32, #tpu.memory_space<hbm>>) dst(%arg9 : memref<64xi32, #tpu.memory_space<vmem>>)
      %dma_wait3A_1836 = tpu.memref_slice %arg4[%multiple_of3A_1827] : memref<327680xi32, #tpu.memory_space<hbm>> -> memref<64xi32, #tpu.memory_space<hbm>>
      %dma_wait3A_1837 = tpu.memref_slice %arg4[%multiple_of3A_1827] : memref<327680xi32, #tpu.memory_space<hbm>> -> memref<64xi32, #tpu.memory_space<hbm>>
      tpu.wait_dma2 semaphore(%arg23 : memref<!tpu.dma_semaphore, #tpu.memory_space<semaphore_mem>>) src(%dma_wait3A_1837 : memref<64xi32, #tpu.memory_space<hbm>>) dst(%arg10 : memref<64xi32, #tpu.memory_space<vmem>>)
      %dma_wait3A_1838 = arith.constant 0 : i32
      %dma_wait3A_1839 = tpu.memref_slice %arg5[%multiple_of3A_1833, %dma_wait3A_1838] : memref<40960x128xf32, #tpu.memory_space<hbm>> -> memref<8x128xf32, #tpu.memory_space<hbm>>
      %dma_wait3A_1840 = arith.constant 0 : i32
      %dma_wait3A_1841 = tpu.memref_slice %arg5[%multiple_of3A_1833, %dma_wait3A_1840] : memref<40960x128xf32, #tpu.memory_space<hbm>> -> memref<8x128xf32, #tpu.memory_space<hbm>>
      tpu.wait_dma2 semaphore(%arg23 : memref<!tpu.dma_semaphore, #tpu.memory_space<semaphore_mem>>) src(%dma_wait3A_1841 : memref<8x128xf32, #tpu.memory_space<hbm>>) dst(%arg12 : memref<8x128xf32, #tpu.memory_space<vmem>>)
      %dma_wait3A_1842 = arith.constant 0 : i32
      %dma_wait3A_1843 = arith.constant 0 : i32
      %dma_wait3A_1844 = tpu.memref_slice %arg21[%dma_wait3A_1842, %dma_wait3A_1843] : memref<5128x128xf32, #tpu.memory_space<vmem_shared>> -> memref<5128x128xf32, #tpu.memory_space<vmem_shared>>
      tpu.wait_indirect_dma semaphore(%arg27 : memref<!tpu.dma_semaphore, #tpu.memory_space<semaphore_mem>>) src(%arg11 : memref<64x128xf32, #tpu.memory_space<vmem>>) dst(%dma_wait3A_1844 : memref<5128x128xf32, #tpu.memory_space<vmem_shared>>)
      %dma_wait3A_1845 = arith.constant 0 : i32
      %dma_wait3A_1846 = arith.constant 0 : i32
      %dma_wait3A_1847 = tpu.memref_slice %arg22[%dma_wait3A_1845, %dma_wait3A_1846] : memref<5128x128xf32, #tpu.memory_space<vmem_shared>> -> memref<5128x128xf32, #tpu.memory_space<vmem_shared>>
      tpu.wait_indirect_dma semaphore(%arg27 : memref<!tpu.dma_semaphore, #tpu.memory_space<semaphore_mem>>) src(%arg13 : memref<64x128xf32, #tpu.memory_space<vmem>>) dst(%dma_wait3A_1847 : memref<5128x128xf32, #tpu.memory_space<vmem_shared>>)
      %dma_start3A_1848 = arith.constant 0 : i32
      %dma_start3A_1849 = arith.constant 0 : i32
      %dma_start3A_1850 = tpu.memref_slice %arg2[%dma_start3A_1848, %dma_start3A_1849] : memref<10000x128xf32, #tpu.memory_space<hbm>> -> memref<10000x128xf32, #tpu.memory_space<hbm>>
      tpu.enqueue_indirect_dma source(%dma_start3A_1850 : memref<10000x128xf32, #tpu.memory_space<hbm>>) target(%arg11 : memref<64x128xf32, #tpu.memory_space<vmem>>) offsets(%arg9 : memref<64xi32, #tpu.memory_space<vmem>>) semaphore(%arg25 : memref<!tpu.dma_semaphore, #tpu.memory_space<semaphore_mem>>)
      %get3A_1851 = arith.constant 0 : index
      %get3A_1852 = tpu.vector_load %arg10[%get3A_1851] {strides = array<i32>} : memref<64xi32, #tpu.memory_space<vmem>>, vector<16xi32>,
      %get3A_1853 = vector.shape_cast %get3A_1852 : vector<16xi32> to vector<16xi32>
      %sub3A_1854 = vector.broadcast %mul3A_21 : i32 to vector<16xi32>
      %sub3A_1855 = arith.subi %get3A_1853, %sub3A_1854 : vector<16xi32>
      %ge3A_1856 = arith.constant 0 : i32
      %ge3A_1857 = vector.broadcast %ge3A_1856 : i32 to vector<16xi32>
      %ge3A_1858 = arith.cmpi sge, %sub3A_1855, %ge3A_1857 : vector<16xi32>
      %lt3A_1859 = arith.constant 5120 : i32
      %lt3A_1860 = vector.broadcast %lt3A_1859 : i32 to vector<16xi32>
      %lt3A_1861 = arith.cmpi slt, %sub3A_1855, %lt3A_1860 : vector<16xi32>
      %and3A_1862 = arith.andi %ge3A_1858, %lt3A_1861 : vector<16xi1>
      %jit3A_1863 = arith.constant 5120 : i32
      %broadcast_in_dim3A_1864 = vector.broadcast %jit3A_1863 : i32 to vector<16xi32>
      %select_n3A_1865 = arith.select %and3A_1862, %sub3A_1855, %broadcast_in_dim3A_1864 : vector<16xi1>, vector<16xi32>
      %swap3A_1866 = arith.constant 0 : index
      %swap3A_1867 = tpu.vector_load %arg19[%swap3A_1866] {strides = array<i32>} : memref<64xi32, #tpu.memory_space<vmem>>, vector<16xi32>,
      %swap3A_1868 = vector.shape_cast %swap3A_1867 : vector<16xi32> to vector<16xi32>
      %swap3A_1869 = vector.shape_cast %select_n3A_1865 : vector<16xi32> to vector<16xi32>
      tpu.vector_store %arg19[%swap3A_1866], %swap3A_1869 {strides = array<i32>} : memref<64xi32, #tpu.memory_space<vmem>>, vector<16xi32>,
      %get3A_1870 = arith.constant 16 : index
      %get3A_1871 = tpu.vector_load %arg10[%get3A_1870] {strides = array<i32>} : memref<64xi32, #tpu.memory_space<vmem>>, vector<16xi32>,
      %get3A_1872 = vector.shape_cast %get3A_1871 : vector<16xi32> to vector<16xi32>
      %sub3A_1873 = vector.broadcast %mul3A_21 : i32 to vector<16xi32>
      %sub3A_1874 = arith.subi %get3A_1872, %sub3A_1873 : vector<16xi32>
      %ge3A_1875 = arith.constant 0 : i32
      %ge3A_1876 = vector.broadcast %ge3A_1875 : i32 to vector<16xi32>
      %ge3A_1877 = arith.cmpi sge, %sub3A_1874, %ge3A_1876 : vector<16xi32>
      %lt3A_1878 = arith.constant 5120 : i32
      %lt3A_1879 = vector.broadcast %lt3A_1878 : i32 to vector<16xi32>
      %lt3A_1880 = arith.cmpi slt, %sub3A_1874, %lt3A_1879 : vector<16xi32>
      %and3A_1881 = arith.andi %ge3A_1877, %lt3A_1880 : vector<16xi1>
      %jit3A_1882 = arith.constant 5120 : i32
      %broadcast_in_dim3A_1883 = vector.broadcast %jit3A_1882 : i32 to vector<16xi32>
      %select_n3A_1884 = arith.select %and3A_1881, %sub3A_1874, %broadcast_in_dim3A_1883 : vector<16xi1>, vector<16xi32>
      %swap3A_1885 = arith.constant 16 : index
      %swap3A_1886 = tpu.vector_load %arg19[%swap3A_1885] {strides = array<i32>} : memref<64xi32, #tpu.memory_space<vmem>>, vector<16xi32>,
      %swap3A_1887 = vector.shape_cast %swap3A_1886 : vector<16xi32> to vector<16xi32>
      %swap3A_1888 = vector.shape_cast %select_n3A_1884 : vector<16xi32> to vector<16xi32>
      tpu.vector_store %arg19[%swap3A_1885], %swap3A_1888 {strides = array<i32>} : memref<64xi32, #tpu.memory_space<vmem>>, vector<16xi32>,
      %get3A_1889 = arith.constant 32 : index
      %get3A_1890 = tpu.vector_load %arg10[%get3A_1889] {strides = array<i32>} : memref<64xi32, #tpu.memory_space<vmem>>, vector<16xi32>,
      %get3A_1891 = vector.shape_cast %get3A_1890 : vector<16xi32> to vector<16xi32>
      %sub3A_1892 = vector.broadcast %mul3A_21 : i32 to vector<16xi32>
      %sub3A_1893 = arith.subi %get3A_1891, %sub3A_1892 : vector<16xi32>
      %ge3A_1894 = arith.constant 0 : i32
      %ge3A_1895 = vector.broadcast %ge3A_1894 : i32 to vector<16xi32>
      %ge3A_1896 = arith.cmpi sge, %sub3A_1893, %ge3A_1895 : vector<16xi32>
      %lt3A_1897 = arith.constant 5120 : i32
      %lt3A_1898 = vector.broadcast %lt3A_1897 : i32 to vector<16xi32>
      %lt3A_1899 = arith.cmpi slt, %sub3A_1893, %lt3A_1898 : vector<16xi32>
      %and3A_1900 = arith.andi %ge3A_1896, %lt3A_1899 : vector<16xi1>
      %jit3A_1901 = arith.constant 5120 : i32
      %broadcast_in_dim3A_1902 = vector.broadcast %jit3A_1901 : i32 to vector<16xi32>
      %select_n3A_1903 = arith.select %and3A_1900, %sub3A_1893, %broadcast_in_dim3A_1902 : vector<16xi1>, vector<16xi32>
      %swap3A_1904 = arith.constant 32 : index
      %swap3A_1905 = tpu.vector_load %arg19[%swap3A_1904] {strides = array<i32>} : memref<64xi32, #tpu.memory_space<vmem>>, vector<16xi32>,
      %swap3A_1906 = vector.shape_cast %swap3A_1905 : vector<16xi32> to vector<16xi32>
      %swap3A_1907 = vector.shape_cast %select_n3A_1903 : vector<16xi32> to vector<16xi32>
      tpu.vector_store %arg19[%swap3A_1904], %swap3A_1907 {strides = array<i32>} : memref<64xi32, #tpu.memory_space<vmem>>, vector<16xi32>,
      %get3A_1908 = arith.constant 48 : index
      %get3A_1909 = tpu.vector_load %arg10[%get3A_1908] {strides = array<i32>} : memref<64xi32, #tpu.memory_space<vmem>>, vector<16xi32>,
      %get3A_1910 = vector.shape_cast %get3A_1909 : vector<16xi32> to vector<16xi32>
      %sub3A_1911 = vector.broadcast %mul3A_21 : i32 to vector<16xi32>
      %sub3A_1912 = arith.subi %get3A_1910, %sub3A_1911 : vector<16xi32>
      %ge3A_1913 = arith.constant 0 : i32
      %ge3A_1914 = vector.broadcast %ge3A_1913 : i32 to vector<16xi32>
      %ge3A_1915 = arith.cmpi sge, %sub3A_1912, %ge3A_1914 : vector<16xi32>
      %lt3A_1916 = arith.constant 5120 : i32
      %lt3A_1917 = vector.broadcast %lt3A_1916 : i32 to vector<16xi32>
      %lt3A_1918 = arith.cmpi slt, %sub3A_1912, %lt3A_1917 : vector<16xi32>
      %and3A_1919 = arith.andi %ge3A_1915, %lt3A_1918 : vector<16xi1>
      %jit3A_1920 = arith.constant 5120 : i32
      %broadcast_in_dim3A_1921 = vector.broadcast %jit3A_1920 : i32 to vector<16xi32>
      %select_n3A_1922 = arith.select %and3A_1919, %sub3A_1912, %broadcast_in_dim3A_1921 : vector<16xi1>, vector<16xi32>
      %swap3A_1923 = arith.constant 48 : index
      %swap3A_1924 = tpu.vector_load %arg19[%swap3A_1923] {strides = array<i32>} : memref<64xi32, #tpu.memory_space<vmem>>, vector<16xi32>,
      %swap3A_1925 = vector.shape_cast %swap3A_1924 : vector<16xi32> to vector<16xi32>
      %swap3A_1926 = vector.shape_cast %select_n3A_1922 : vector<16xi32> to vector<16xi32>
      tpu.vector_store %arg19[%swap3A_1923], %swap3A_1926 {strides = array<i32>} : memref<64xi32, #tpu.memory_space<vmem>>, vector<16xi32>,
      %get3A_1927 = arith.constant 0 : i32
      %get3A_1928 = arith.index_cast %get3A_1927 : i32 to index
      %get3A_1929 = arith.constant 0 : index
      %get3A_1930 = tpu.vector_load %arg12[%get3A_1928, %get3A_1929] {strides = array<i32>} : memref<8x128xf32, #tpu.memory_space<vmem>>, vector<1x16xf32>,
      %get3A_1931 = vector.shape_cast %get3A_1930 : vector<1x16xf32> to vector<16xf32>
      %swap3A_1932 = arith.constant 0 : i32
      %swap3A_1933 = arith.index_cast %swap3A_1932 : i32 to index
      %swap3A_1934 = arith.constant 0 : index
      %swap3A_1935 = tpu.vector_load %arg13[%swap3A_1933, %swap3A_1934] {strides = array<i32>} : memref<64x128xf32, #tpu.memory_space<vmem>>, vector<1x16xf32>,
      %swap3A_1936 = vector.shape_cast %swap3A_1935 : vector<1x16xf32> to vector<16xf32>
      %swap3A_1937 = vector.shape_cast %get3A_1931 : vector<16xf32> to vector<1x16xf32>
      tpu.vector_store %arg13[%swap3A_1933, %swap3A_1934], %swap3A_1937 {strides = array<i32>} : memref<64x128xf32, #tpu.memory_space<vmem>>, vector<1x16xf32>,
      %get3A_1938 = arith.constant 0 : i32
      %get3A_1939 = arith.index_cast %get3A_1938 : i32 to index
      %get3A_1940 = arith.constant 16 : index
      %get3A_1941 = tpu.vector_load %arg12[%get3A_1939, %get3A_1940] {strides = array<i32>} : memref<8x128xf32, #tpu.memory_space<vmem>>, vector<1x16xf32>,
      %get3A_1942 = vector.shape_cast %get3A_1941 : vector<1x16xf32> to vector<16xf32>
      %swap3A_1943 = arith.constant 1 : i32
      %swap3A_1944 = arith.index_cast %swap3A_1943 : i32 to index
      %swap3A_1945 = arith.constant 0 : index
      %swap3A_1946 = tpu.vector_load %arg13[%swap3A_1944, %swap3A_1945] {strides = array<i32>} : memref<64x128xf32, #tpu.memory_space<vmem>>, vector<1x16xf32>,
      %swap3A_1947 = vector.shape_cast %swap3A_1946 : vector<1x16xf32> to vector<16xf32>
      %swap3A_1948 = vector.shape_cast %get3A_1942 : vector<16xf32> to vector<1x16xf32>
      tpu.vector_store %arg13[%swap3A_1944, %swap3A_1945], %swap3A_1948 {strides = array<i32>} : memref<64x128xf32, #tpu.memory_space<vmem>>, vector<1x16xf32>,
      %get3A_1949 = arith.constant 0 : i32
      %get3A_1950 = arith.index_cast %get3A_1949 : i32 to index
      %get3A_1951 = arith.constant 32 : index
      %get3A_1952 = tpu.vector_load %arg12[%get3A_1950, %get3A_1951] {strides = array<i32>} : memref<8x128xf32, #tpu.memory_space<vmem>>, vector<1x16xf32>,
      %get3A_1953 = vector.shape_cast %get3A_1952 : vector<1x16xf32> to vector<16xf32>
      %swap3A_1954 = arith.constant 2 : i32
      %swap3A_1955 = arith.index_cast %swap3A_1954 : i32 to index
      %swap3A_1956 = arith.constant 0 : index
      %swap3A_1957 = tpu.vector_load %arg13[%swap3A_1955, %swap3A_1956] {strides = array<i32>} : memref<64x128xf32, #tpu.memory_space<vmem>>, vector<1x16xf32>,
      %swap3A_1958 = vector.shape_cast %swap3A_1957 : vector<1x16xf32> to vector<16xf32>
      %swap3A_1959 = vector.shape_cast %get3A_1953 : vector<16xf32> to vector<1x16xf32>
      tpu.vector_store %arg13[%swap3A_1955, %swap3A_1956], %swap3A_1959 {strides = array<i32>} : memref<64x128xf32, #tpu.memory_space<vmem>>, vector<1x16xf32>,
      %get3A_1960 = arith.constant 0 : i32
      %get3A_1961 = arith.index_cast %get3A_1960 : i32 to index
      %get3A_1962 = arith.constant 48 : index
      %get3A_1963 = tpu.vector_load %arg12[%get3A_1961, %get3A_1962] {strides = array<i32>} : memref<8x128xf32, #tpu.memory_space<vmem>>, vector<1x16xf32>,
      %get3A_1964 = vector.shape_cast %get3A_1963 : vector<1x16xf32> to vector<16xf32>
      %swap3A_1965 = arith.constant 3 : i32
      %swap3A_1966 = arith.index_cast %swap3A_1965 : i32 to index
      %swap3A_1967 = arith.constant 0 : index
      %swap3A_1968 = tpu.vector_load %arg13[%swap3A_1966, %swap3A_1967] {strides = array<i32>} : memref<64x128xf32, #tpu.memory_space<vmem>>, vector<1x16xf32>,
      %swap3A_1969 = vector.shape_cast %swap3A_1968 : vector<1x16xf32> to vector<16xf32>
      %swap3A_1970 = vector.shape_cast %get3A_1964 : vector<16xf32> to vector<1x16xf32>
      tpu.vector_store %arg13[%swap3A_1966, %swap3A_1967], %swap3A_1970 {strides = array<i32>} : memref<64x128xf32, #tpu.memory_space<vmem>>, vector<1x16xf32>,
      %get3A_1971 = arith.constant 0 : i32
      %get3A_1972 = arith.index_cast %get3A_1971 : i32 to index
      %get3A_1973 = arith.constant 64 : index
      %get3A_1974 = tpu.vector_load %arg12[%get3A_1972, %get3A_1973] {strides = array<i32>} : memref<8x128xf32, #tpu.memory_space<vmem>>, vector<1x16xf32>,
      %get3A_1975 = vector.shape_cast %get3A_1974 : vector<1x16xf32> to vector<16xf32>
      %swap3A_1976 = arith.constant 4 : i32
      %swap3A_1977 = arith.index_cast %swap3A_1976 : i32 to index
      %swap3A_1978 = arith.constant 0 : index
      %swap3A_1979 = tpu.vector_load %arg13[%swap3A_1977, %swap3A_1978] {strides = array<i32>} : memref<64x128xf32, #tpu.memory_space<vmem>>, vector<1x16xf32>,
      %swap3A_1980 = vector.shape_cast %swap3A_1979 : vector<1x16xf32> to vector<16xf32>
      %swap3A_1981 = vector.shape_cast %get3A_1975 : vector<16xf32> to vector<1x16xf32>
      tpu.vector_store %arg13[%swap3A_1977, %swap3A_1978], %swap3A_1981 {strides = array<i32>} : memref<64x128xf32, #tpu.memory_space<vmem>>, vector<1x16xf32>,
      %get3A_1982 = arith.constant 0 : i32
      %get3A_1983 = arith.index_cast %get3A_1982 : i32 to index
      %get3A_1984 = arith.constant 80 : index
      %get3A_1985 = tpu.vector_load %arg12[%get3A_1983, %get3A_1984] {strides = array<i32>} : memref<8x128xf32, #tpu.memory_space<vmem>>, vector<1x16xf32>,
      %get3A_1986 = vector.shape_cast %get3A_1985 : vector<1x16xf32> to vector<16xf32>
      %swap3A_1987 = arith.constant 5 : i32
      %swap3A_1988 = arith.index_cast %swap3A_1987 : i32 to index
      %swap3A_1989 = arith.constant 0 : index
      %swap3A_1990 = tpu.vector_load %arg13[%swap3A_1988, %swap3A_1989] {strides = array<i32>} : memref<64x128xf32, #tpu.memory_space<vmem>>, vector<1x16xf32>,
      %swap3A_1991 = vector.shape_cast %swap3A_1990 : vector<1x16xf32> to vector<16xf32>
      %swap3A_1992 = vector.shape_cast %get3A_1986 : vector<16xf32> to vector<1x16xf32>
      tpu.vector_store %arg13[%swap3A_1988, %swap3A_1989], %swap3A_1992 {strides = array<i32>} : memref<64x128xf32, #tpu.memory_space<vmem>>, vector<1x16xf32>,
      %get3A_1993 = arith.constant 0 : i32
      %get3A_1994 = arith.index_cast %get3A_1993 : i32 to index
      %get3A_1995 = arith.constant 96 : index
      %get3A_1996 = tpu.vector_load %arg12[%get3A_1994, %get3A_1995] {strides = array<i32>} : memref<8x128xf32, #tpu.memory_space<vmem>>, vector<1x16xf32>,
      %get3A_1997 = vector.shape_cast %get3A_1996 : vector<1x16xf32> to vector<16xf32>
      %swap3A_1998 = arith.constant 6 : i32
      %swap3A_1999 = arith.index_cast %swap3A_1998 : i32 to index
      %swap3A_2000 = arith.constant 0 : index
      %swap3A_2001 = tpu.vector_load %arg13[%swap3A_1999, %swap3A_2000] {strides = array<i32>} : memref<64x128xf32, #tpu.memory_space<vmem>>, vector<1x16xf32>,
      %swap3A_2002 = vector.shape_cast %swap3A_2001 : vector<1x16xf32> to vector<16xf32>
      %swap3A_2003 = vector.shape_cast %get3A_1997 : vector<16xf32> to vector<1x16xf32>
      tpu.vector_store %arg13[%swap3A_1999, %swap3A_2000], %swap3A_2003 {strides = array<i32>} : memref<64x128xf32, #tpu.memory_space<vmem>>, vector<1x16xf32>,
      %get3A_2004 = arith.constant 0 : i32
      %get3A_2005 = arith.index_cast %get3A_2004 : i32 to index
      %get3A_2006 = arith.constant 112 : index
      %get3A_2007 = tpu.vector_load %arg12[%get3A_2005, %get3A_2006] {strides = array<i32>} : memref<8x128xf32, #tpu.memory_space<vmem>>, vector<1x16xf32>,
      %get3A_2008 = vector.shape_cast %get3A_2007 : vector<1x16xf32> to vector<16xf32>
      %swap3A_2009 = arith.constant 7 : i32
      %swap3A_2010 = arith.index_cast %swap3A_2009 : i32 to index
      %swap3A_2011 = arith.constant 0 : index
      %swap3A_2012 = tpu.vector_load %arg13[%swap3A_2010, %swap3A_2011] {strides = array<i32>} : memref<64x128xf32, #tpu.memory_space<vmem>>, vector<1x16xf32>,
      %swap3A_2013 = vector.shape_cast %swap3A_2012 : vector<1x16xf32> to vector<16xf32>
      %swap3A_2014 = vector.shape_cast %get3A_2008 : vector<16xf32> to vector<1x16xf32>
      tpu.vector_store %arg13[%swap3A_2010, %swap3A_2011], %swap3A_2014 {strides = array<i32>} : memref<64x128xf32, #tpu.memory_space<vmem>>, vector<1x16xf32>,
      %get3A_2015 = arith.constant 1 : i32
      %get3A_2016 = arith.index_cast %get3A_2015 : i32 to index
      %get3A_2017 = arith.constant 0 : index
      %get3A_2018 = tpu.vector_load %arg12[%get3A_2016, %get3A_2017] {strides = array<i32>} : memref<8x128xf32, #tpu.memory_space<vmem>>, vector<1x16xf32>,
      %get3A_2019 = vector.shape_cast %get3A_2018 : vector<1x16xf32> to vector<16xf32>
      %swap3A_2020 = arith.constant 8 : i32
      %swap3A_2021 = arith.index_cast %swap3A_2020 : i32 to index
      %swap3A_2022 = arith.constant 0 : index
      %swap3A_2023 = tpu.vector_load %arg13[%swap3A_2021, %swap3A_2022] {strides = array<i32>} : memref<64x128xf32, #tpu.memory_space<vmem>>, vector<1x16xf32>,
      %swap3A_2024 = vector.shape_cast %swap3A_2023 : vector<1x16xf32> to vector<16xf32>
      %swap3A_2025 = vector.shape_cast %get3A_2019 : vector<16xf32> to vector<1x16xf32>
      tpu.vector_store %arg13[%swap3A_2021, %swap3A_2022], %swap3A_2025 {strides = array<i32>} : memref<64x128xf32, #tpu.memory_space<vmem>>, vector<1x16xf32>,
      %get3A_2026 = arith.constant 1 : i32
      %get3A_2027 = arith.index_cast %get3A_2026 : i32 to index
      %get3A_2028 = arith.constant 16 : index
      %get3A_2029 = tpu.vector_load %arg12[%get3A_2027, %get3A_2028] {strides = array<i32>} : memref<8x128xf32, #tpu.memory_space<vmem>>, vector<1x16xf32>,
      %get3A_2030 = vector.shape_cast %get3A_2029 : vector<1x16xf32> to vector<16xf32>
      %swap3A_2031 = arith.constant 9 : i32
      %swap3A_2032 = arith.index_cast %swap3A_2031 : i32 to index
      %swap3A_2033 = arith.constant 0 : index
      %swap3A_2034 = tpu.vector_load %arg13[%swap3A_2032, %swap3A_2033] {strides = array<i32>} : memref<64x128xf32, #tpu.memory_space<vmem>>, vector<1x16xf32>,
      %swap3A_2035 = vector.shape_cast %swap3A_2034 : vector<1x16xf32> to vector<16xf32>
      %swap3A_2036 = vector.shape_cast %get3A_2030 : vector<16xf32> to vector<1x16xf32>
      tpu.vector_store %arg13[%swap3A_2032, %swap3A_2033], %swap3A_2036 {strides = array<i32>} : memref<64x128xf32, #tpu.memory_space<vmem>>, vector<1x16xf32>,
      %get3A_2037 = arith.constant 1 : i32
      %get3A_2038 = arith.index_cast %get3A_2037 : i32 to index
      %get3A_2039 = arith.constant 32 : index
      %get3A_2040 = tpu.vector_load %arg12[%get3A_2038, %get3A_2039] {strides = array<i32>} : memref<8x128xf32, #tpu.memory_space<vmem>>, vector<1x16xf32>,
      %get3A_2041 = vector.shape_cast %get3A_2040 : vector<1x16xf32> to vector<16xf32>
      %swap3A_2042 = arith.constant 10 : i32
      %swap3A_2043 = arith.index_cast %swap3A_2042 : i32 to index
      %swap3A_2044 = arith.constant 0 : index
      %swap3A_2045 = tpu.vector_load %arg13[%swap3A_2043, %swap3A_2044] {strides = array<i32>} : memref<64x128xf32, #tpu.memory_space<vmem>>, vector<1x16xf32>,
      %swap3A_2046 = vector.shape_cast %swap3A_2045 : vector<1x16xf32> to vector<16xf32>
      %swap3A_2047 = vector.shape_cast %get3A_2041 : vector<16xf32> to vector<1x16xf32>
      tpu.vector_store %arg13[%swap3A_2043, %swap3A_2044], %swap3A_2047 {strides = array<i32>} : memref<64x128xf32, #tpu.memory_space<vmem>>, vector<1x16xf32>,
      %get3A_2048 = arith.constant 1 : i32
      %get3A_2049 = arith.index_cast %get3A_2048 : i32 to index
      %get3A_2050 = arith.constant 48 : index
      %get3A_2051 = tpu.vector_load %arg12[%get3A_2049, %get3A_2050] {strides = array<i32>} : memref<8x128xf32, #tpu.memory_space<vmem>>, vector<1x16xf32>,
      %get3A_2052 = vector.shape_cast %get3A_2051 : vector<1x16xf32> to vector<16xf32>
      %swap3A_2053 = arith.constant 11 : i32
      %swap3A_2054 = arith.index_cast %swap3A_2053 : i32 to index
      %swap3A_2055 = arith.constant 0 : index
      %swap3A_2056 = tpu.vector_load %arg13[%swap3A_2054, %swap3A_2055] {strides = array<i32>} : memref<64x128xf32, #tpu.memory_space<vmem>>, vector<1x16xf32>,
      %swap3A_2057 = vector.shape_cast %swap3A_2056 : vector<1x16xf32> to vector<16xf32>
      %swap3A_2058 = vector.shape_cast %get3A_2052 : vector<16xf32> to vector<1x16xf32>
      tpu.vector_store %arg13[%swap3A_2054, %swap3A_2055], %swap3A_2058 {strides = array<i32>} : memref<64x128xf32, #tpu.memory_space<vmem>>, vector<1x16xf32>,
      %get3A_2059 = arith.constant 1 : i32
      %get3A_2060 = arith.index_cast %get3A_2059 : i32 to index
      %get3A_2061 = arith.constant 64 : index
      %get3A_2062 = tpu.vector_load %arg12[%get3A_2060, %get3A_2061] {strides = array<i32>} : memref<8x128xf32, #tpu.memory_space<vmem>>, vector<1x16xf32>,
      %get3A_2063 = vector.shape_cast %get3A_2062 : vector<1x16xf32> to vector<16xf32>
      %swap3A_2064 = arith.constant 12 : i32
      %swap3A_2065 = arith.index_cast %swap3A_2064 : i32 to index
      %swap3A_2066 = arith.constant 0 : index
      %swap3A_2067 = tpu.vector_load %arg13[%swap3A_2065, %swap3A_2066] {strides = array<i32>} : memref<64x128xf32, #tpu.memory_space<vmem>>, vector<1x16xf32>,
      %swap3A_2068 = vector.shape_cast %swap3A_2067 : vector<1x16xf32> to vector<16xf32>
      %swap3A_2069 = vector.shape_cast %get3A_2063 : vector<16xf32> to vector<1x16xf32>
      tpu.vector_store %arg13[%swap3A_2065, %swap3A_2066], %swap3A_2069 {strides = array<i32>} : memref<64x128xf32, #tpu.memory_space<vmem>>, vector<1x16xf32>,
      %get3A_2070 = arith.constant 1 : i32
      %get3A_2071 = arith.index_cast %get3A_2070 : i32 to index
      %get3A_2072 = arith.constant 80 : index
      %get3A_2073 = tpu.vector_load %arg12[%get3A_2071, %get3A_2072] {strides = array<i32>} : memref<8x128xf32, #tpu.memory_space<vmem>>, vector<1x16xf32>,
      %get3A_2074 = vector.shape_cast %get3A_2073 : vector<1x16xf32> to vector<16xf32>
      %swap3A_2075 = arith.constant 13 : i32
      %swap3A_2076 = arith.index_cast %swap3A_2075 : i32 to index
      %swap3A_2077 = arith.constant 0 : index
      %swap3A_2078 = tpu.vector_load %arg13[%swap3A_2076, %swap3A_2077] {strides = array<i32>} : memref<64x128xf32, #tpu.memory_space<vmem>>, vector<1x16xf32>,
      %swap3A_2079 = vector.shape_cast %swap3A_2078 : vector<1x16xf32> to vector<16xf32>
      %swap3A_2080 = vector.shape_cast %get3A_2074 : vector<16xf32> to vector<1x16xf32>
      tpu.vector_store %arg13[%swap3A_2076, %swap3A_2077], %swap3A_2080 {strides = array<i32>} : memref<64x128xf32, #tpu.memory_space<vmem>>, vector<1x16xf32>,
      %get3A_2081 = arith.constant 1 : i32
      %get3A_2082 = arith.index_cast %get3A_2081 : i32 to index
      %get3A_2083 = arith.constant 96 : index
      %get3A_2084 = tpu.vector_load %arg12[%get3A_2082, %get3A_2083] {strides = array<i32>} : memref<8x128xf32, #tpu.memory_space<vmem>>, vector<1x16xf32>,
      %get3A_2085 = vector.shape_cast %get3A_2084 : vector<1x16xf32> to vector<16xf32>
      %swap3A_2086 = arith.constant 14 : i32
      %swap3A_2087 = arith.index_cast %swap3A_2086 : i32 to index
      %swap3A_2088 = arith.constant 0 : index
      %swap3A_2089 = tpu.vector_load %arg13[%swap3A_2087, %swap3A_2088] {strides = array<i32>} : memref<64x128xf32, #tpu.memory_space<vmem>>, vector<1x16xf32>,
      %swap3A_2090 = vector.shape_cast %swap3A_2089 : vector<1x16xf32> to vector<16xf32>
      %swap3A_2091 = vector.shape_cast %get3A_2085 : vector<16xf32> to vector<1x16xf32>
      tpu.vector_store %arg13[%swap3A_2087, %swap3A_2088], %swap3A_2091 {strides = array<i32>} : memref<64x128xf32, #tpu.memory_space<vmem>>, vector<1x16xf32>,
      %get3A_2092 = arith.constant 1 : i32
      %get3A_2093 = arith.index_cast %get3A_2092 : i32 to index
      %get3A_2094 = arith.constant 112 : index
      %get3A_2095 = tpu.vector_load %arg12[%get3A_2093, %get3A_2094] {strides = array<i32>} : memref<8x128xf32, #tpu.memory_space<vmem>>, vector<1x16xf32>,
      %get3A_2096 = vector.shape_cast %get3A_2095 : vector<1x16xf32> to vector<16xf32>
      %swap3A_2097 = arith.constant 15 : i32
      %swap3A_2098 = arith.index_cast %swap3A_2097 : i32 to index
      %swap3A_2099 = arith.constant 0 : index
      %swap3A_2100 = tpu.vector_load %arg13[%swap3A_2098, %swap3A_2099] {strides = array<i32>} : memref<64x128xf32, #tpu.memory_space<vmem>>, vector<1x16xf32>,
      %swap3A_2101 = vector.shape_cast %swap3A_2100 : vector<1x16xf32> to vector<16xf32>
      %swap3A_2102 = vector.shape_cast %get3A_2096 : vector<16xf32> to vector<1x16xf32>
      tpu.vector_store %arg13[%swap3A_2098, %swap3A_2099], %swap3A_2102 {strides = array<i32>} : memref<64x128xf32, #tpu.memory_space<vmem>>, vector<1x16xf32>,
      %get3A_2103 = arith.constant 2 : i32
      %get3A_2104 = arith.index_cast %get3A_2103 : i32 to index
      %get3A_2105 = arith.constant 0 : index
      %get3A_2106 = tpu.vector_load %arg12[%get3A_2104, %get3A_2105] {strides = array<i32>} : memref<8x128xf32, #tpu.memory_space<vmem>>, vector<1x16xf32>,
      %get3A_2107 = vector.shape_cast %get3A_2106 : vector<1x16xf32> to vector<16xf32>
      %swap3A_2108 = arith.constant 16 : i32
      %swap3A_2109 = arith.index_cast %swap3A_2108 : i32 to index
      %swap3A_2110 = arith.constant 0 : index
      %swap3A_2111 = tpu.vector_load %arg13[%swap3A_2109, %swap3A_2110] {strides = array<i32>} : memref<64x128xf32, #tpu.memory_space<vmem>>, vector<1x16xf32>,
      %swap3A_2112 = vector.shape_cast %swap3A_2111 : vector<1x16xf32> to vector<16xf32>
      %swap3A_2113 = vector.shape_cast %get3A_2107 : vector<16xf32> to vector<1x16xf32>
      tpu.vector_store %arg13[%swap3A_2109, %swap3A_2110], %swap3A_2113 {strides = array<i32>} : memref<64x128xf32, #tpu.memory_space<vmem>>, vector<1x16xf32>,
      %get3A_2114 = arith.constant 2 : i32
      %get3A_2115 = arith.index_cast %get3A_2114 : i32 to index
      %get3A_2116 = arith.constant 16 : index
      %get3A_2117 = tpu.vector_load %arg12[%get3A_2115, %get3A_2116] {strides = array<i32>} : memref<8x128xf32, #tpu.memory_space<vmem>>, vector<1x16xf32>,
      %get3A_2118 = vector.shape_cast %get3A_2117 : vector<1x16xf32> to vector<16xf32>
      %swap3A_2119 = arith.constant 17 : i32
      %swap3A_2120 = arith.index_cast %swap3A_2119 : i32 to index
      %swap3A_2121 = arith.constant 0 : index
      %swap3A_2122 = tpu.vector_load %arg13[%swap3A_2120, %swap3A_2121] {strides = array<i32>} : memref<64x128xf32, #tpu.memory_space<vmem>>, vector<1x16xf32>,
      %swap3A_2123 = vector.shape_cast %swap3A_2122 : vector<1x16xf32> to vector<16xf32>
      %swap3A_2124 = vector.shape_cast %get3A_2118 : vector<16xf32> to vector<1x16xf32>
      tpu.vector_store %arg13[%swap3A_2120, %swap3A_2121], %swap3A_2124 {strides = array<i32>} : memref<64x128xf32, #tpu.memory_space<vmem>>, vector<1x16xf32>,
      %get3A_2125 = arith.constant 2 : i32
      %get3A_2126 = arith.index_cast %get3A_2125 : i32 to index
      %get3A_2127 = arith.constant 32 : index
      %get3A_2128 = tpu.vector_load %arg12[%get3A_2126, %get3A_2127] {strides = array<i32>} : memref<8x128xf32, #tpu.memory_space<vmem>>, vector<1x16xf32>,
      %get3A_2129 = vector.shape_cast %get3A_2128 : vector<1x16xf32> to vector<16xf32>
      %swap3A_2130 = arith.constant 18 : i32
      %swap3A_2131 = arith.index_cast %swap3A_2130 : i32 to index
      %swap3A_2132 = arith.constant 0 : index
      %swap3A_2133 = tpu.vector_load %arg13[%swap3A_2131, %swap3A_2132] {strides = array<i32>} : memref<64x128xf32, #tpu.memory_space<vmem>>, vector<1x16xf32>,
      %swap3A_2134 = vector.shape_cast %swap3A_2133 : vector<1x16xf32> to vector<16xf32>
      %swap3A_2135 = vector.shape_cast %get3A_2129 : vector<16xf32> to vector<1x16xf32>
      tpu.vector_store %arg13[%swap3A_2131, %swap3A_2132], %swap3A_2135 {strides = array<i32>} : memref<64x128xf32, #tpu.memory_space<vmem>>, vector<1x16xf32>,
      %get3A_2136 = arith.constant 2 : i32
      %get3A_2137 = arith.index_cast %get3A_2136 : i32 to index
      %get3A_2138 = arith.constant 48 : index
      %get3A_2139 = tpu.vector_load %arg12[%get3A_2137, %get3A_2138] {strides = array<i32>} : memref<8x128xf32, #tpu.memory_space<vmem>>, vector<1x16xf32>,
      %get3A_2140 = vector.shape_cast %get3A_2139 : vector<1x16xf32> to vector<16xf32>
      %swap3A_2141 = arith.constant 19 : i32
      %swap3A_2142 = arith.index_cast %swap3A_2141 : i32 to index
      %swap3A_2143 = arith.constant 0 : index
      %swap3A_2144 = tpu.vector_load %arg13[%swap3A_2142, %swap3A_2143] {strides = array<i32>} : memref<64x128xf32, #tpu.memory_space<vmem>>, vector<1x16xf32>,
      %swap3A_2145 = vector.shape_cast %swap3A_2144 : vector<1x16xf32> to vector<16xf32>
      %swap3A_2146 = vector.shape_cast %get3A_2140 : vector<16xf32> to vector<1x16xf32>
      tpu.vector_store %arg13[%swap3A_2142, %swap3A_2143], %swap3A_2146 {strides = array<i32>} : memref<64x128xf32, #tpu.memory_space<vmem>>, vector<1x16xf32>,
      %get3A_2147 = arith.constant 2 : i32
      %get3A_2148 = arith.index_cast %get3A_2147 : i32 to index
      %get3A_2149 = arith.constant 64 : index
      %get3A_2150 = tpu.vector_load %arg12[%get3A_2148, %get3A_2149] {strides = array<i32>} : memref<8x128xf32, #tpu.memory_space<vmem>>, vector<1x16xf32>,
      %get3A_2151 = vector.shape_cast %get3A_2150 : vector<1x16xf32> to vector<16xf32>
      %swap3A_2152 = arith.constant 20 : i32
      %swap3A_2153 = arith.index_cast %swap3A_2152 : i32 to index
      %swap3A_2154 = arith.constant 0 : index
      %swap3A_2155 = tpu.vector_load %arg13[%swap3A_2153, %swap3A_2154] {strides = array<i32>} : memref<64x128xf32, #tpu.memory_space<vmem>>, vector<1x16xf32>,
      %swap3A_2156 = vector.shape_cast %swap3A_2155 : vector<1x16xf32> to vector<16xf32>
      %swap3A_2157 = vector.shape_cast %get3A_2151 : vector<16xf32> to vector<1x16xf32>
      tpu.vector_store %arg13[%swap3A_2153, %swap3A_2154], %swap3A_2157 {strides = array<i32>} : memref<64x128xf32, #tpu.memory_space<vmem>>, vector<1x16xf32>,
      %get3A_2158 = arith.constant 2 : i32
      %get3A_2159 = arith.index_cast %get3A_2158 : i32 to index
      %get3A_2160 = arith.constant 80 : index
      %get3A_2161 = tpu.vector_load %arg12[%get3A_2159, %get3A_2160] {strides = array<i32>} : memref<8x128xf32, #tpu.memory_space<vmem>>, vector<1x16xf32>,
      %get3A_2162 = vector.shape_cast %get3A_2161 : vector<1x16xf32> to vector<16xf32>
      %swap3A_2163 = arith.constant 21 : i32
      %swap3A_2164 = arith.index_cast %swap3A_2163 : i32 to index
      %swap3A_2165 = arith.constant 0 : index
      %swap3A_2166 = tpu.vector_load %arg13[%swap3A_2164, %swap3A_2165] {strides = array<i32>} : memref<64x128xf32, #tpu.memory_space<vmem>>, vector<1x16xf32>,
      %swap3A_2167 = vector.shape_cast %swap3A_2166 : vector<1x16xf32> to vector<16xf32>
      %swap3A_2168 = vector.shape_cast %get3A_2162 : vector<16xf32> to vector<1x16xf32>
      tpu.vector_store %arg13[%swap3A_2164, %swap3A_2165], %swap3A_2168 {strides = array<i32>} : memref<64x128xf32, #tpu.memory_space<vmem>>, vector<1x16xf32>,
      %get3A_2169 = arith.constant 2 : i32
      %get3A_2170 = arith.index_cast %get3A_2169 : i32 to index
      %get3A_2171 = arith.constant 96 : index
      %get3A_2172 = tpu.vector_load %arg12[%get3A_2170, %get3A_2171] {strides = array<i32>} : memref<8x128xf32, #tpu.memory_space<vmem>>, vector<1x16xf32>,
      %get3A_2173 = vector.shape_cast %get3A_2172 : vector<1x16xf32> to vector<16xf32>
      %swap3A_2174 = arith.constant 22 : i32
      %swap3A_2175 = arith.index_cast %swap3A_2174 : i32 to index
      %swap3A_2176 = arith.constant 0 : index
      %swap3A_2177 = tpu.vector_load %arg13[%swap3A_2175, %swap3A_2176] {strides = array<i32>} : memref<64x128xf32, #tpu.memory_space<vmem>>, vector<1x16xf32>,
      %swap3A_2178 = vector.shape_cast %swap3A_2177 : vector<1x16xf32> to vector<16xf32>
      %swap3A_2179 = vector.shape_cast %get3A_2173 : vector<16xf32> to vector<1x16xf32>
      tpu.vector_store %arg13[%swap3A_2175, %swap3A_2176], %swap3A_2179 {strides = array<i32>} : memref<64x128xf32, #tpu.memory_space<vmem>>, vector<1x16xf32>,
      %get3A_2180 = arith.constant 2 : i32
      %get3A_2181 = arith.index_cast %get3A_2180 : i32 to index
      %get3A_2182 = arith.constant 112 : index
      %get3A_2183 = tpu.vector_load %arg12[%get3A_2181, %get3A_2182] {strides = array<i32>} : memref<8x128xf32, #tpu.memory_space<vmem>>, vector<1x16xf32>,
      %get3A_2184 = vector.shape_cast %get3A_2183 : vector<1x16xf32> to vector<16xf32>
      %swap3A_2185 = arith.constant 23 : i32
      %swap3A_2186 = arith.index_cast %swap3A_2185 : i32 to index
      %swap3A_2187 = arith.constant 0 : index
      %swap3A_2188 = tpu.vector_load %arg13[%swap3A_2186, %swap3A_2187] {strides = array<i32>} : memref<64x128xf32, #tpu.memory_space<vmem>>, vector<1x16xf32>,
      %swap3A_2189 = vector.shape_cast %swap3A_2188 : vector<1x16xf32> to vector<16xf32>
      %swap3A_2190 = vector.shape_cast %get3A_2184 : vector<16xf32> to vector<1x16xf32>
      tpu.vector_store %arg13[%swap3A_2186, %swap3A_2187], %swap3A_2190 {strides = array<i32>} : memref<64x128xf32, #tpu.memory_space<vmem>>, vector<1x16xf32>,
      %get3A_2191 = arith.constant 3 : i32
      %get3A_2192 = arith.index_cast %get3A_2191 : i32 to index
      %get3A_2193 = arith.constant 0 : index
      %get3A_2194 = tpu.vector_load %arg12[%get3A_2192, %get3A_2193] {strides = array<i32>} : memref<8x128xf32, #tpu.memory_space<vmem>>, vector<1x16xf32>,
      %get3A_2195 = vector.shape_cast %get3A_2194 : vector<1x16xf32> to vector<16xf32>
      %swap3A_2196 = arith.constant 24 : i32
      %swap3A_2197 = arith.index_cast %swap3A_2196 : i32 to index
      %swap3A_2198 = arith.constant 0 : index
      %swap3A_2199 = tpu.vector_load %arg13[%swap3A_2197, %swap3A_2198] {strides = array<i32>} : memref<64x128xf32, #tpu.memory_space<vmem>>, vector<1x16xf32>,
      %swap3A_2200 = vector.shape_cast %swap3A_2199 : vector<1x16xf32> to vector<16xf32>
      %swap3A_2201 = vector.shape_cast %get3A_2195 : vector<16xf32> to vector<1x16xf32>
      tpu.vector_store %arg13[%swap3A_2197, %swap3A_2198], %swap3A_2201 {strides = array<i32>} : memref<64x128xf32, #tpu.memory_space<vmem>>, vector<1x16xf32>,
      %get3A_2202 = arith.constant 3 : i32
      %get3A_2203 = arith.index_cast %get3A_2202 : i32 to index
      %get3A_2204 = arith.constant 16 : index
      %get3A_2205 = tpu.vector_load %arg12[%get3A_2203, %get3A_2204] {strides = array<i32>} : memref<8x128xf32, #tpu.memory_space<vmem>>, vector<1x16xf32>,
      %get3A_2206 = vector.shape_cast %get3A_2205 : vector<1x16xf32> to vector<16xf32>
      %swap3A_2207 = arith.constant 25 : i32
      %swap3A_2208 = arith.index_cast %swap3A_2207 : i32 to index
      %swap3A_2209 = arith.constant 0 : index
      %swap3A_2210 = tpu.vector_load %arg13[%swap3A_2208, %swap3A_2209] {strides = array<i32>} : memref<64x128xf32, #tpu.memory_space<vmem>>, vector<1x16xf32>,
      %swap3A_2211 = vector.shape_cast %swap3A_2210 : vector<1x16xf32> to vector<16xf32>
      %swap3A_2212 = vector.shape_cast %get3A_2206 : vector<16xf32> to vector<1x16xf32>
      tpu.vector_store %arg13[%swap3A_2208, %swap3A_2209], %swap3A_2212 {strides = array<i32>} : memref<64x128xf32, #tpu.memory_space<vmem>>, vector<1x16xf32>,
      %get3A_2213 = arith.constant 3 : i32
      %get3A_2214 = arith.index_cast %get3A_2213 : i32 to index
      %get3A_2215 = arith.constant 32 : index
      %get3A_2216 = tpu.vector_load %arg12[%get3A_2214, %get3A_2215] {strides = array<i32>} : memref<8x128xf32, #tpu.memory_space<vmem>>, vector<1x16xf32>,
      %get3A_2217 = vector.shape_cast %get3A_2216 : vector<1x16xf32> to vector<16xf32>
      %swap3A_2218 = arith.constant 26 : i32
      %swap3A_2219 = arith.index_cast %swap3A_2218 : i32 to index
      %swap3A_2220 = arith.constant 0 : index
      %swap3A_2221 = tpu.vector_load %arg13[%swap3A_2219, %swap3A_2220] {strides = array<i32>} : memref<64x128xf32, #tpu.memory_space<vmem>>, vector<1x16xf32>,
      %swap3A_2222 = vector.shape_cast %swap3A_2221 : vector<1x16xf32> to vector<16xf32>
      %swap3A_2223 = vector.shape_cast %get3A_2217 : vector<16xf32> to vector<1x16xf32>
      tpu.vector_store %arg13[%swap3A_2219, %swap3A_2220], %swap3A_2223 {strides = array<i32>} : memref<64x128xf32, #tpu.memory_space<vmem>>, vector<1x16xf32>,
      %get3A_2224 = arith.constant 3 : i32
      %get3A_2225 = arith.index_cast %get3A_2224 : i32 to index
      %get3A_2226 = arith.constant 48 : index
      %get3A_2227 = tpu.vector_load %arg12[%get3A_2225, %get3A_2226] {strides = array<i32>} : memref<8x128xf32, #tpu.memory_space<vmem>>, vector<1x16xf32>,
      %get3A_2228 = vector.shape_cast %get3A_2227 : vector<1x16xf32> to vector<16xf32>
      %swap3A_2229 = arith.constant 27 : i32
      %swap3A_2230 = arith.index_cast %swap3A_2229 : i32 to index
      %swap3A_2231 = arith.constant 0 : index
      %swap3A_2232 = tpu.vector_load %arg13[%swap3A_2230, %swap3A_2231] {strides = array<i32>} : memref<64x128xf32, #tpu.memory_space<vmem>>, vector<1x16xf32>,
      %swap3A_2233 = vector.shape_cast %swap3A_2232 : vector<1x16xf32> to vector<16xf32>
      %swap3A_2234 = vector.shape_cast %get3A_2228 : vector<16xf32> to vector<1x16xf32>
      tpu.vector_store %arg13[%swap3A_2230, %swap3A_2231], %swap3A_2234 {strides = array<i32>} : memref<64x128xf32, #tpu.memory_space<vmem>>, vector<1x16xf32>,
      %get3A_2235 = arith.constant 3 : i32
      %get3A_2236 = arith.index_cast %get3A_2235 : i32 to index
      %get3A_2237 = arith.constant 64 : index
      %get3A_2238 = tpu.vector_load %arg12[%get3A_2236, %get3A_2237] {strides = array<i32>} : memref<8x128xf32, #tpu.memory_space<vmem>>, vector<1x16xf32>,
      %get3A_2239 = vector.shape_cast %get3A_2238 : vector<1x16xf32> to vector<16xf32>
      %swap3A_2240 = arith.constant 28 : i32
      %swap3A_2241 = arith.index_cast %swap3A_2240 : i32 to index
      %swap3A_2242 = arith.constant 0 : index
      %swap3A_2243 = tpu.vector_load %arg13[%swap3A_2241, %swap3A_2242] {strides = array<i32>} : memref<64x128xf32, #tpu.memory_space<vmem>>, vector<1x16xf32>,
      %swap3A_2244 = vector.shape_cast %swap3A_2243 : vector<1x16xf32> to vector<16xf32>
      %swap3A_2245 = vector.shape_cast %get3A_2239 : vector<16xf32> to vector<1x16xf32>
      tpu.vector_store %arg13[%swap3A_2241, %swap3A_2242], %swap3A_2245 {strides = array<i32>} : memref<64x128xf32, #tpu.memory_space<vmem>>, vector<1x16xf32>,
      %get3A_2246 = arith.constant 3 : i32
      %get3A_2247 = arith.index_cast %get3A_2246 : i32 to index
      %get3A_2248 = arith.constant 80 : index
      %get3A_2249 = tpu.vector_load %arg12[%get3A_2247, %get3A_2248] {strides = array<i32>} : memref<8x128xf32, #tpu.memory_space<vmem>>, vector<1x16xf32>,
      %get3A_2250 = vector.shape_cast %get3A_2249 : vector<1x16xf32> to vector<16xf32>
      %swap3A_2251 = arith.constant 29 : i32
      %swap3A_2252 = arith.index_cast %swap3A_2251 : i32 to index
      %swap3A_2253 = arith.constant 0 : index
      %swap3A_2254 = tpu.vector_load %arg13[%swap3A_2252, %swap3A_2253] {strides = array<i32>} : memref<64x128xf32, #tpu.memory_space<vmem>>, vector<1x16xf32>,
      %swap3A_2255 = vector.shape_cast %swap3A_2254 : vector<1x16xf32> to vector<16xf32>
      %swap3A_2256 = vector.shape_cast %get3A_2250 : vector<16xf32> to vector<1x16xf32>
      tpu.vector_store %arg13[%swap3A_2252, %swap3A_2253], %swap3A_2256 {strides = array<i32>} : memref<64x128xf32, #tpu.memory_space<vmem>>, vector<1x16xf32>,
      %get3A_2257 = arith.constant 3 : i32
      %get3A_2258 = arith.index_cast %get3A_2257 : i32 to index
      %get3A_2259 = arith.constant 96 : index
      %get3A_2260 = tpu.vector_load %arg12[%get3A_2258, %get3A_2259] {strides = array<i32>} : memref<8x128xf32, #tpu.memory_space<vmem>>, vector<1x16xf32>,
      %get3A_2261 = vector.shape_cast %get3A_2260 : vector<1x16xf32> to vector<16xf32>
      %swap3A_2262 = arith.constant 30 : i32
      %swap3A_2263 = arith.index_cast %swap3A_2262 : i32 to index
      %swap3A_2264 = arith.constant 0 : index
      %swap3A_2265 = tpu.vector_load %arg13[%swap3A_2263, %swap3A_2264] {strides = array<i32>} : memref<64x128xf32, #tpu.memory_space<vmem>>, vector<1x16xf32>,
      %swap3A_2266 = vector.shape_cast %swap3A_2265 : vector<1x16xf32> to vector<16xf32>
      %swap3A_2267 = vector.shape_cast %get3A_2261 : vector<16xf32> to vector<1x16xf32>
      tpu.vector_store %arg13[%swap3A_2263, %swap3A_2264], %swap3A_2267 {strides = array<i32>} : memref<64x128xf32, #tpu.memory_space<vmem>>, vector<1x16xf32>,
      %get3A_2268 = arith.constant 3 : i32
      %get3A_2269 = arith.index_cast %get3A_2268 : i32 to index
      %get3A_2270 = arith.constant 112 : index
      %get3A_2271 = tpu.vector_load %arg12[%get3A_2269, %get3A_2270] {strides = array<i32>} : memref<8x128xf32, #tpu.memory_space<vmem>>, vector<1x16xf32>,
      %get3A_2272 = vector.shape_cast %get3A_2271 : vector<1x16xf32> to vector<16xf32>
      %swap3A_2273 = arith.constant 31 : i32
      %swap3A_2274 = arith.index_cast %swap3A_2273 : i32 to index
      %swap3A_2275 = arith.constant 0 : index
      %swap3A_2276 = tpu.vector_load %arg13[%swap3A_2274, %swap3A_2275] {strides = array<i32>} : memref<64x128xf32, #tpu.memory_space<vmem>>, vector<1x16xf32>,
      %swap3A_2277 = vector.shape_cast %swap3A_2276 : vector<1x16xf32> to vector<16xf32>
      %swap3A_2278 = vector.shape_cast %get3A_2272 : vector<16xf32> to vector<1x16xf32>
      tpu.vector_store %arg13[%swap3A_2274, %swap3A_2275], %swap3A_2278 {strides = array<i32>} : memref<64x128xf32, #tpu.memory_space<vmem>>, vector<1x16xf32>,
      %get3A_2279 = arith.constant 4 : i32
      %get3A_2280 = arith.index_cast %get3A_2279 : i32 to index
      %get3A_2281 = arith.constant 0 : index
      %get3A_2282 = tpu.vector_load %arg12[%get3A_2280, %get3A_2281] {strides = array<i32>} : memref<8x128xf32, #tpu.memory_space<vmem>>, vector<1x16xf32>,
      %get3A_2283 = vector.shape_cast %get3A_2282 : vector<1x16xf32> to vector<16xf32>
      %swap3A_2284 = arith.constant 32 : i32
      %swap3A_2285 = arith.index_cast %swap3A_2284 : i32 to index
      %swap3A_2286 = arith.constant 0 : index
      %swap3A_2287 = tpu.vector_load %arg13[%swap3A_2285, %swap3A_2286] {strides = array<i32>} : memref<64x128xf32, #tpu.memory_space<vmem>>, vector<1x16xf32>,
      %swap3A_2288 = vector.shape_cast %swap3A_2287 : vector<1x16xf32> to vector<16xf32>
      %swap3A_2289 = vector.shape_cast %get3A_2283 : vector<16xf32> to vector<1x16xf32>
      tpu.vector_store %arg13[%swap3A_2285, %swap3A_2286], %swap3A_2289 {strides = array<i32>} : memref<64x128xf32, #tpu.memory_space<vmem>>, vector<1x16xf32>,
      %get3A_2290 = arith.constant 4 : i32
      %get3A_2291 = arith.index_cast %get3A_2290 : i32 to index
      %get3A_2292 = arith.constant 16 : index
      %get3A_2293 = tpu.vector_load %arg12[%get3A_2291, %get3A_2292] {strides = array<i32>} : memref<8x128xf32, #tpu.memory_space<vmem>>, vector<1x16xf32>,
      %get3A_2294 = vector.shape_cast %get3A_2293 : vector<1x16xf32> to vector<16xf32>
      %swap3A_2295 = arith.constant 33 : i32
      %swap3A_2296 = arith.index_cast %swap3A_2295 : i32 to index
      %swap3A_2297 = arith.constant 0 : index
      %swap3A_2298 = tpu.vector_load %arg13[%swap3A_2296, %swap3A_2297] {strides = array<i32>} : memref<64x128xf32, #tpu.memory_space<vmem>>, vector<1x16xf32>,
      %swap3A_2299 = vector.shape_cast %swap3A_2298 : vector<1x16xf32> to vector<16xf32>
      %swap3A_2300 = vector.shape_cast %get3A_2294 : vector<16xf32> to vector<1x16xf32>
      tpu.vector_store %arg13[%swap3A_2296, %swap3A_2297], %swap3A_2300 {strides = array<i32>} : memref<64x128xf32, #tpu.memory_space<vmem>>, vector<1x16xf32>,
      %get3A_2301 = arith.constant 4 : i32
      %get3A_2302 = arith.index_cast %get3A_2301 : i32 to index
      %get3A_2303 = arith.constant 32 : index
      %get3A_2304 = tpu.vector_load %arg12[%get3A_2302, %get3A_2303] {strides = array<i32>} : memref<8x128xf32, #tpu.memory_space<vmem>>, vector<1x16xf32>,
      %get3A_2305 = vector.shape_cast %get3A_2304 : vector<1x16xf32> to vector<16xf32>
      %swap3A_2306 = arith.constant 34 : i32
      %swap3A_2307 = arith.index_cast %swap3A_2306 : i32 to index
      %swap3A_2308 = arith.constant 0 : index
      %swap3A_2309 = tpu.vector_load %arg13[%swap3A_2307, %swap3A_2308] {strides = array<i32>} : memref<64x128xf32, #tpu.memory_space<vmem>>, vector<1x16xf32>,
      %swap3A_2310 = vector.shape_cast %swap3A_2309 : vector<1x16xf32> to vector<16xf32>
      %swap3A_2311 = vector.shape_cast %get3A_2305 : vector<16xf32> to vector<1x16xf32>
      tpu.vector_store %arg13[%swap3A_2307, %swap3A_2308], %swap3A_2311 {strides = array<i32>} : memref<64x128xf32, #tpu.memory_space<vmem>>, vector<1x16xf32>,
      %get3A_2312 = arith.constant 4 : i32
      %get3A_2313 = arith.index_cast %get3A_2312 : i32 to index
      %get3A_2314 = arith.constant 48 : index
      %get3A_2315 = tpu.vector_load %arg12[%get3A_2313, %get3A_2314] {strides = array<i32>} : memref<8x128xf32, #tpu.memory_space<vmem>>, vector<1x16xf32>,
      %get3A_2316 = vector.shape_cast %get3A_2315 : vector<1x16xf32> to vector<16xf32>
      %swap3A_2317 = arith.constant 35 : i32
      %swap3A_2318 = arith.index_cast %swap3A_2317 : i32 to index
      %swap3A_2319 = arith.constant 0 : index
      %swap3A_2320 = tpu.vector_load %arg13[%swap3A_2318, %swap3A_2319] {strides = array<i32>} : memref<64x128xf32, #tpu.memory_space<vmem>>, vector<1x16xf32>,
      %swap3A_2321 = vector.shape_cast %swap3A_2320 : vector<1x16xf32> to vector<16xf32>
      %swap3A_2322 = vector.shape_cast %get3A_2316 : vector<16xf32> to vector<1x16xf32>
      tpu.vector_store %arg13[%swap3A_2318, %swap3A_2319], %swap3A_2322 {strides = array<i32>} : memref<64x128xf32, #tpu.memory_space<vmem>>, vector<1x16xf32>,
      %get3A_2323 = arith.constant 4 : i32
      %get3A_2324 = arith.index_cast %get3A_2323 : i32 to index
      %get3A_2325 = arith.constant 64 : index
      %get3A_2326 = tpu.vector_load %arg12[%get3A_2324, %get3A_2325] {strides = array<i32>} : memref<8x128xf32, #tpu.memory_space<vmem>>, vector<1x16xf32>,
      %get3A_2327 = vector.shape_cast %get3A_2326 : vector<1x16xf32> to vector<16xf32>
      %swap3A_2328 = arith.constant 36 : i32
      %swap3A_2329 = arith.index_cast %swap3A_2328 : i32 to index
      %swap3A_2330 = arith.constant 0 : index
      %swap3A_2331 = tpu.vector_load %arg13[%swap3A_2329, %swap3A_2330] {strides = array<i32>} : memref<64x128xf32, #tpu.memory_space<vmem>>, vector<1x16xf32>,
      %swap3A_2332 = vector.shape_cast %swap3A_2331 : vector<1x16xf32> to vector<16xf32>
      %swap3A_2333 = vector.shape_cast %get3A_2327 : vector<16xf32> to vector<1x16xf32>
      tpu.vector_store %arg13[%swap3A_2329, %swap3A_2330], %swap3A_2333 {strides = array<i32>} : memref<64x128xf32, #tpu.memory_space<vmem>>, vector<1x16xf32>,
      %get3A_2334 = arith.constant 4 : i32
      %get3A_2335 = arith.index_cast %get3A_2334 : i32 to index
      %get3A_2336 = arith.constant 80 : index
      %get3A_2337 = tpu.vector_load %arg12[%get3A_2335, %get3A_2336] {strides = array<i32>} : memref<8x128xf32, #tpu.memory_space<vmem>>, vector<1x16xf32>,
      %get3A_2338 = vector.shape_cast %get3A_2337 : vector<1x16xf32> to vector<16xf32>
      %swap3A_2339 = arith.constant 37 : i32
      %swap3A_2340 = arith.index_cast %swap3A_2339 : i32 to index
      %swap3A_2341 = arith.constant 0 : index
      %swap3A_2342 = tpu.vector_load %arg13[%swap3A_2340, %swap3A_2341] {strides = array<i32>} : memref<64x128xf32, #tpu.memory_space<vmem>>, vector<1x16xf32>,
      %swap3A_2343 = vector.shape_cast %swap3A_2342 : vector<1x16xf32> to vector<16xf32>
      %swap3A_2344 = vector.shape_cast %get3A_2338 : vector<16xf32> to vector<1x16xf32>
      tpu.vector_store %arg13[%swap3A_2340, %swap3A_2341], %swap3A_2344 {strides = array<i32>} : memref<64x128xf32, #tpu.memory_space<vmem>>, vector<1x16xf32>,
      %get3A_2345 = arith.constant 4 : i32
      %get3A_2346 = arith.index_cast %get3A_2345 : i32 to index
      %get3A_2347 = arith.constant 96 : index
      %get3A_2348 = tpu.vector_load %arg12[%get3A_2346, %get3A_2347] {strides = array<i32>} : memref<8x128xf32, #tpu.memory_space<vmem>>, vector<1x16xf32>,
      %get3A_2349 = vector.shape_cast %get3A_2348 : vector<1x16xf32> to vector<16xf32>
      %swap3A_2350 = arith.constant 38 : i32
      %swap3A_2351 = arith.index_cast %swap3A_2350 : i32 to index
      %swap3A_2352 = arith.constant 0 : index
      %swap3A_2353 = tpu.vector_load %arg13[%swap3A_2351, %swap3A_2352] {strides = array<i32>} : memref<64x128xf32, #tpu.memory_space<vmem>>, vector<1x16xf32>,
      %swap3A_2354 = vector.shape_cast %swap3A_2353 : vector<1x16xf32> to vector<16xf32>
      %swap3A_2355 = vector.shape_cast %get3A_2349 : vector<16xf32> to vector<1x16xf32>
      tpu.vector_store %arg13[%swap3A_2351, %swap3A_2352], %swap3A_2355 {strides = array<i32>} : memref<64x128xf32, #tpu.memory_space<vmem>>, vector<1x16xf32>,
      %get3A_2356 = arith.constant 4 : i32
      %get3A_2357 = arith.index_cast %get3A_2356 : i32 to index
      %get3A_2358 = arith.constant 112 : index
      %get3A_2359 = tpu.vector_load %arg12[%get3A_2357, %get3A_2358] {strides = array<i32>} : memref<8x128xf32, #tpu.memory_space<vmem>>, vector<1x16xf32>,
      %get3A_2360 = vector.shape_cast %get3A_2359 : vector<1x16xf32> to vector<16xf32>
      %swap3A_2361 = arith.constant 39 : i32
      %swap3A_2362 = arith.index_cast %swap3A_2361 : i32 to index
      %swap3A_2363 = arith.constant 0 : index
      %swap3A_2364 = tpu.vector_load %arg13[%swap3A_2362, %swap3A_2363] {strides = array<i32>} : memref<64x128xf32, #tpu.memory_space<vmem>>, vector<1x16xf32>,
      %swap3A_2365 = vector.shape_cast %swap3A_2364 : vector<1x16xf32> to vector<16xf32>
      %swap3A_2366 = vector.shape_cast %get3A_2360 : vector<16xf32> to vector<1x16xf32>
      tpu.vector_store %arg13[%swap3A_2362, %swap3A_2363], %swap3A_2366 {strides = array<i32>} : memref<64x128xf32, #tpu.memory_space<vmem>>, vector<1x16xf32>,
      %get3A_2367 = arith.constant 5 : i32
      %get3A_2368 = arith.index_cast %get3A_2367 : i32 to index
      %get3A_2369 = arith.constant 0 : index
      %get3A_2370 = tpu.vector_load %arg12[%get3A_2368, %get3A_2369] {strides = array<i32>} : memref<8x128xf32, #tpu.memory_space<vmem>>, vector<1x16xf32>,
      %get3A_2371 = vector.shape_cast %get3A_2370 : vector<1x16xf32> to vector<16xf32>
      %swap3A_2372 = arith.constant 40 : i32
      %swap3A_2373 = arith.index_cast %swap3A_2372 : i32 to index
      %swap3A_2374 = arith.constant 0 : index
      %swap3A_2375 = tpu.vector_load %arg13[%swap3A_2373, %swap3A_2374] {strides = array<i32>} : memref<64x128xf32, #tpu.memory_space<vmem>>, vector<1x16xf32>,
      %swap3A_2376 = vector.shape_cast %swap3A_2375 : vector<1x16xf32> to vector<16xf32>
      %swap3A_2377 = vector.shape_cast %get3A_2371 : vector<16xf32> to vector<1x16xf32>
      tpu.vector_store %arg13[%swap3A_2373, %swap3A_2374], %swap3A_2377 {strides = array<i32>} : memref<64x128xf32, #tpu.memory_space<vmem>>, vector<1x16xf32>,
      %get3A_2378 = arith.constant 5 : i32
      %get3A_2379 = arith.index_cast %get3A_2378 : i32 to index
      %get3A_2380 = arith.constant 16 : index
      %get3A_2381 = tpu.vector_load %arg12[%get3A_2379, %get3A_2380] {strides = array<i32>} : memref<8x128xf32, #tpu.memory_space<vmem>>, vector<1x16xf32>,
      %get3A_2382 = vector.shape_cast %get3A_2381 : vector<1x16xf32> to vector<16xf32>
      %swap3A_2383 = arith.constant 41 : i32
      %swap3A_2384 = arith.index_cast %swap3A_2383 : i32 to index
      %swap3A_2385 = arith.constant 0 : index
      %swap3A_2386 = tpu.vector_load %arg13[%swap3A_2384, %swap3A_2385] {strides = array<i32>} : memref<64x128xf32, #tpu.memory_space<vmem>>, vector<1x16xf32>,
      %swap3A_2387 = vector.shape_cast %swap3A_2386 : vector<1x16xf32> to vector<16xf32>
      %swap3A_2388 = vector.shape_cast %get3A_2382 : vector<16xf32> to vector<1x16xf32>
      tpu.vector_store %arg13[%swap3A_2384, %swap3A_2385], %swap3A_2388 {strides = array<i32>} : memref<64x128xf32, #tpu.memory_space<vmem>>, vector<1x16xf32>,
      %get3A_2389 = arith.constant 5 : i32
      %get3A_2390 = arith.index_cast %get3A_2389 : i32 to index
      %get3A_2391 = arith.constant 32 : index
      %get3A_2392 = tpu.vector_load %arg12[%get3A_2390, %get3A_2391] {strides = array<i32>} : memref<8x128xf32, #tpu.memory_space<vmem>>, vector<1x16xf32>,
      %get3A_2393 = vector.shape_cast %get3A_2392 : vector<1x16xf32> to vector<16xf32>
      %swap3A_2394 = arith.constant 42 : i32
      %swap3A_2395 = arith.index_cast %swap3A_2394 : i32 to index
      %swap3A_2396 = arith.constant 0 : index
      %swap3A_2397 = tpu.vector_load %arg13[%swap3A_2395, %swap3A_2396] {strides = array<i32>} : memref<64x128xf32, #tpu.memory_space<vmem>>, vector<1x16xf32>,
      %swap3A_2398 = vector.shape_cast %swap3A_2397 : vector<1x16xf32> to vector<16xf32>
      %swap3A_2399 = vector.shape_cast %get3A_2393 : vector<16xf32> to vector<1x16xf32>
      tpu.vector_store %arg13[%swap3A_2395, %swap3A_2396], %swap3A_2399 {strides = array<i32>} : memref<64x128xf32, #tpu.memory_space<vmem>>, vector<1x16xf32>,
      %get3A_2400 = arith.constant 5 : i32
      %get3A_2401 = arith.index_cast %get3A_2400 : i32 to index
      %get3A_2402 = arith.constant 48 : index
      %get3A_2403 = tpu.vector_load %arg12[%get3A_2401, %get3A_2402] {strides = array<i32>} : memref<8x128xf32, #tpu.memory_space<vmem>>, vector<1x16xf32>,
      %get3A_2404 = vector.shape_cast %get3A_2403 : vector<1x16xf32> to vector<16xf32>
      %swap3A_2405 = arith.constant 43 : i32
      %swap3A_2406 = arith.index_cast %swap3A_2405 : i32 to index
      %swap3A_2407 = arith.constant 0 : index
      %swap3A_2408 = tpu.vector_load %arg13[%swap3A_2406, %swap3A_2407] {strides = array<i32>} : memref<64x128xf32, #tpu.memory_space<vmem>>, vector<1x16xf32>,
      %swap3A_2409 = vector.shape_cast %swap3A_2408 : vector<1x16xf32> to vector<16xf32>
      %swap3A_2410 = vector.shape_cast %get3A_2404 : vector<16xf32> to vector<1x16xf32>
      tpu.vector_store %arg13[%swap3A_2406, %swap3A_2407], %swap3A_2410 {strides = array<i32>} : memref<64x128xf32, #tpu.memory_space<vmem>>, vector<1x16xf32>,
      %get3A_2411 = arith.constant 5 : i32
      %get3A_2412 = arith.index_cast %get3A_2411 : i32 to index
      %get3A_2413 = arith.constant 64 : index
      %get3A_2414 = tpu.vector_load %arg12[%get3A_2412, %get3A_2413] {strides = array<i32>} : memref<8x128xf32, #tpu.memory_space<vmem>>, vector<1x16xf32>,
      %get3A_2415 = vector.shape_cast %get3A_2414 : vector<1x16xf32> to vector<16xf32>
      %swap3A_2416 = arith.constant 44 : i32
      %swap3A_2417 = arith.index_cast %swap3A_2416 : i32 to index
      %swap3A_2418 = arith.constant 0 : index
      %swap3A_2419 = tpu.vector_load %arg13[%swap3A_2417, %swap3A_2418] {strides = array<i32>} : memref<64x128xf32, #tpu.memory_space<vmem>>, vector<1x16xf32>,
      %swap3A_2420 = vector.shape_cast %swap3A_2419 : vector<1x16xf32> to vector<16xf32>
      %swap3A_2421 = vector.shape_cast %get3A_2415 : vector<16xf32> to vector<1x16xf32>
      tpu.vector_store %arg13[%swap3A_2417, %swap3A_2418], %swap3A_2421 {strides = array<i32>} : memref<64x128xf32, #tpu.memory_space<vmem>>, vector<1x16xf32>,
      %get3A_2422 = arith.constant 5 : i32
      %get3A_2423 = arith.index_cast %get3A_2422 : i32 to index
      %get3A_2424 = arith.constant 80 : index
      %get3A_2425 = tpu.vector_load %arg12[%get3A_2423, %get3A_2424] {strides = array<i32>} : memref<8x128xf32, #tpu.memory_space<vmem>>, vector<1x16xf32>,
      %get3A_2426 = vector.shape_cast %get3A_2425 : vector<1x16xf32> to vector<16xf32>
      %swap3A_2427 = arith.constant 45 : i32
      %swap3A_2428 = arith.index_cast %swap3A_2427 : i32 to index
      %swap3A_2429 = arith.constant 0 : index
      %swap3A_2430 = tpu.vector_load %arg13[%swap3A_2428, %swap3A_2429] {strides = array<i32>} : memref<64x128xf32, #tpu.memory_space<vmem>>, vector<1x16xf32>,
      %swap3A_2431 = vector.shape_cast %swap3A_2430 : vector<1x16xf32> to vector<16xf32>
      %swap3A_2432 = vector.shape_cast %get3A_2426 : vector<16xf32> to vector<1x16xf32>
      tpu.vector_store %arg13[%swap3A_2428, %swap3A_2429], %swap3A_2432 {strides = array<i32>} : memref<64x128xf32, #tpu.memory_space<vmem>>, vector<1x16xf32>,
      %get3A_2433 = arith.constant 5 : i32
      %get3A_2434 = arith.index_cast %get3A_2433 : i32 to index
      %get3A_2435 = arith.constant 96 : index
      %get3A_2436 = tpu.vector_load %arg12[%get3A_2434, %get3A_2435] {strides = array<i32>} : memref<8x128xf32, #tpu.memory_space<vmem>>, vector<1x16xf32>,
      %get3A_2437 = vector.shape_cast %get3A_2436 : vector<1x16xf32> to vector<16xf32>
      %swap3A_2438 = arith.constant 46 : i32
      %swap3A_2439 = arith.index_cast %swap3A_2438 : i32 to index
      %swap3A_2440 = arith.constant 0 : index
      %swap3A_2441 = tpu.vector_load %arg13[%swap3A_2439, %swap3A_2440] {strides = array<i32>} : memref<64x128xf32, #tpu.memory_space<vmem>>, vector<1x16xf32>,
      %swap3A_2442 = vector.shape_cast %swap3A_2441 : vector<1x16xf32> to vector<16xf32>
      %swap3A_2443 = vector.shape_cast %get3A_2437 : vector<16xf32> to vector<1x16xf32>
      tpu.vector_store %arg13[%swap3A_2439, %swap3A_2440], %swap3A_2443 {strides = array<i32>} : memref<64x128xf32, #tpu.memory_space<vmem>>, vector<1x16xf32>,
      %get3A_2444 = arith.constant 5 : i32
      %get3A_2445 = arith.index_cast %get3A_2444 : i32 to index
      %get3A_2446 = arith.constant 112 : index
      %get3A_2447 = tpu.vector_load %arg12[%get3A_2445, %get3A_2446] {strides = array<i32>} : memref<8x128xf32, #tpu.memory_space<vmem>>, vector<1x16xf32>,
      %get3A_2448 = vector.shape_cast %get3A_2447 : vector<1x16xf32> to vector<16xf32>
      %swap3A_2449 = arith.constant 47 : i32
      %swap3A_2450 = arith.index_cast %swap3A_2449 : i32 to index
      %swap3A_2451 = arith.constant 0 : index
      %swap3A_2452 = tpu.vector_load %arg13[%swap3A_2450, %swap3A_2451] {strides = array<i32>} : memref<64x128xf32, #tpu.memory_space<vmem>>, vector<1x16xf32>,
      %swap3A_2453 = vector.shape_cast %swap3A_2452 : vector<1x16xf32> to vector<16xf32>
      %swap3A_2454 = vector.shape_cast %get3A_2448 : vector<16xf32> to vector<1x16xf32>
      tpu.vector_store %arg13[%swap3A_2450, %swap3A_2451], %swap3A_2454 {strides = array<i32>} : memref<64x128xf32, #tpu.memory_space<vmem>>, vector<1x16xf32>,
      %get3A_2455 = arith.constant 6 : i32
      %get3A_2456 = arith.index_cast %get3A_2455 : i32 to index
      %get3A_2457 = arith.constant 0 : index
      %get3A_2458 = tpu.vector_load %arg12[%get3A_2456, %get3A_2457] {strides = array<i32>} : memref<8x128xf32, #tpu.memory_space<vmem>>, vector<1x16xf32>,
      %get3A_2459 = vector.shape_cast %get3A_2458 : vector<1x16xf32> to vector<16xf32>
      %swap3A_2460 = arith.constant 48 : i32
      %swap3A_2461 = arith.index_cast %swap3A_2460 : i32 to index
      %swap3A_2462 = arith.constant 0 : index
      %swap3A_2463 = tpu.vector_load %arg13[%swap3A_2461, %swap3A_2462] {strides = array<i32>} : memref<64x128xf32, #tpu.memory_space<vmem>>, vector<1x16xf32>,
      %swap3A_2464 = vector.shape_cast %swap3A_2463 : vector<1x16xf32> to vector<16xf32>
      %swap3A_2465 = vector.shape_cast %get3A_2459 : vector<16xf32> to vector<1x16xf32>
      tpu.vector_store %arg13[%swap3A_2461, %swap3A_2462], %swap3A_2465 {strides = array<i32>} : memref<64x128xf32, #tpu.memory_space<vmem>>, vector<1x16xf32>,
      %get3A_2466 = arith.constant 6 : i32
      %get3A_2467 = arith.index_cast %get3A_2466 : i32 to index
      %get3A_2468 = arith.constant 16 : index
      %get3A_2469 = tpu.vector_load %arg12[%get3A_2467, %get3A_2468] {strides = array<i32>} : memref<8x128xf32, #tpu.memory_space<vmem>>, vector<1x16xf32>,
      %get3A_2470 = vector.shape_cast %get3A_2469 : vector<1x16xf32> to vector<16xf32>
      %swap3A_2471 = arith.constant 49 : i32
      %swap3A_2472 = arith.index_cast %swap3A_2471 : i32 to index
      %swap3A_2473 = arith.constant 0 : index
      %swap3A_2474 = tpu.vector_load %arg13[%swap3A_2472, %swap3A_2473] {strides = array<i32>} : memref<64x128xf32, #tpu.memory_space<vmem>>, vector<1x16xf32>,
      %swap3A_2475 = vector.shape_cast %swap3A_2474 : vector<1x16xf32> to vector<16xf32>
      %swap3A_2476 = vector.shape_cast %get3A_2470 : vector<16xf32> to vector<1x16xf32>
      tpu.vector_store %arg13[%swap3A_2472, %swap3A_2473], %swap3A_2476 {strides = array<i32>} : memref<64x128xf32, #tpu.memory_space<vmem>>, vector<1x16xf32>,
      %get3A_2477 = arith.constant 6 : i32
      %get3A_2478 = arith.index_cast %get3A_2477 : i32 to index
      %get3A_2479 = arith.constant 32 : index
      %get3A_2480 = tpu.vector_load %arg12[%get3A_2478, %get3A_2479] {strides = array<i32>} : memref<8x128xf32, #tpu.memory_space<vmem>>, vector<1x16xf32>,
      %get3A_2481 = vector.shape_cast %get3A_2480 : vector<1x16xf32> to vector<16xf32>
      %swap3A_2482 = arith.constant 50 : i32
      %swap3A_2483 = arith.index_cast %swap3A_2482 : i32 to index
      %swap3A_2484 = arith.constant 0 : index
      %swap3A_2485 = tpu.vector_load %arg13[%swap3A_2483, %swap3A_2484] {strides = array<i32>} : memref<64x128xf32, #tpu.memory_space<vmem>>, vector<1x16xf32>,
      %swap3A_2486 = vector.shape_cast %swap3A_2485 : vector<1x16xf32> to vector<16xf32>
      %swap3A_2487 = vector.shape_cast %get3A_2481 : vector<16xf32> to vector<1x16xf32>
      tpu.vector_store %arg13[%swap3A_2483, %swap3A_2484], %swap3A_2487 {strides = array<i32>} : memref<64x128xf32, #tpu.memory_space<vmem>>, vector<1x16xf32>,
      %get3A_2488 = arith.constant 6 : i32
      %get3A_2489 = arith.index_cast %get3A_2488 : i32 to index
      %get3A_2490 = arith.constant 48 : index
      %get3A_2491 = tpu.vector_load %arg12[%get3A_2489, %get3A_2490] {strides = array<i32>} : memref<8x128xf32, #tpu.memory_space<vmem>>, vector<1x16xf32>,
      %get3A_2492 = vector.shape_cast %get3A_2491 : vector<1x16xf32> to vector<16xf32>
      %swap3A_2493 = arith.constant 51 : i32
      %swap3A_2494 = arith.index_cast %swap3A_2493 : i32 to index
      %swap3A_2495 = arith.constant 0 : index
      %swap3A_2496 = tpu.vector_load %arg13[%swap3A_2494, %swap3A_2495] {strides = array<i32>} : memref<64x128xf32, #tpu.memory_space<vmem>>, vector<1x16xf32>,
      %swap3A_2497 = vector.shape_cast %swap3A_2496 : vector<1x16xf32> to vector<16xf32>
      %swap3A_2498 = vector.shape_cast %get3A_2492 : vector<16xf32> to vector<1x16xf32>
      tpu.vector_store %arg13[%swap3A_2494, %swap3A_2495], %swap3A_2498 {strides = array<i32>} : memref<64x128xf32, #tpu.memory_space<vmem>>, vector<1x16xf32>,
      %get3A_2499 = arith.constant 6 : i32
      %get3A_2500 = arith.index_cast %get3A_2499 : i32 to index
      %get3A_2501 = arith.constant 64 : index
      %get3A_2502 = tpu.vector_load %arg12[%get3A_2500, %get3A_2501] {strides = array<i32>} : memref<8x128xf32, #tpu.memory_space<vmem>>, vector<1x16xf32>,
      %get3A_2503 = vector.shape_cast %get3A_2502 : vector<1x16xf32> to vector<16xf32>
      %swap3A_2504 = arith.constant 52 : i32
      %swap3A_2505 = arith.index_cast %swap3A_2504 : i32 to index
      %swap3A_2506 = arith.constant 0 : index
      %swap3A_2507 = tpu.vector_load %arg13[%swap3A_2505, %swap3A_2506] {strides = array<i32>} : memref<64x128xf32, #tpu.memory_space<vmem>>, vector<1x16xf32>,
      %swap3A_2508 = vector.shape_cast %swap3A_2507 : vector<1x16xf32> to vector<16xf32>
      %swap3A_2509 = vector.shape_cast %get3A_2503 : vector<16xf32> to vector<1x16xf32>
      tpu.vector_store %arg13[%swap3A_2505, %swap3A_2506], %swap3A_2509 {strides = array<i32>} : memref<64x128xf32, #tpu.memory_space<vmem>>, vector<1x16xf32>,
      %get3A_2510 = arith.constant 6 : i32
      %get3A_2511 = arith.index_cast %get3A_2510 : i32 to index
      %get3A_2512 = arith.constant 80 : index
      %get3A_2513 = tpu.vector_load %arg12[%get3A_2511, %get3A_2512] {strides = array<i32>} : memref<8x128xf32, #tpu.memory_space<vmem>>, vector<1x16xf32>,
      %get3A_2514 = vector.shape_cast %get3A_2513 : vector<1x16xf32> to vector<16xf32>
      %swap3A_2515 = arith.constant 53 : i32
      %swap3A_2516 = arith.index_cast %swap3A_2515 : i32 to index
      %swap3A_2517 = arith.constant 0 : index
      %swap3A_2518 = tpu.vector_load %arg13[%swap3A_2516, %swap3A_2517] {strides = array<i32>} : memref<64x128xf32, #tpu.memory_space<vmem>>, vector<1x16xf32>,
      %swap3A_2519 = vector.shape_cast %swap3A_2518 : vector<1x16xf32> to vector<16xf32>
      %swap3A_2520 = vector.shape_cast %get3A_2514 : vector<16xf32> to vector<1x16xf32>
      tpu.vector_store %arg13[%swap3A_2516, %swap3A_2517], %swap3A_2520 {strides = array<i32>} : memref<64x128xf32, #tpu.memory_space<vmem>>, vector<1x16xf32>,
      %get3A_2521 = arith.constant 6 : i32
      %get3A_2522 = arith.index_cast %get3A_2521 : i32 to index
      %get3A_2523 = arith.constant 96 : index
      %get3A_2524 = tpu.vector_load %arg12[%get3A_2522, %get3A_2523] {strides = array<i32>} : memref<8x128xf32, #tpu.memory_space<vmem>>, vector<1x16xf32>,
      %get3A_2525 = vector.shape_cast %get3A_2524 : vector<1x16xf32> to vector<16xf32>
      %swap3A_2526 = arith.constant 54 : i32
      %swap3A_2527 = arith.index_cast %swap3A_2526 : i32 to index
      %swap3A_2528 = arith.constant 0 : index
      %swap3A_2529 = tpu.vector_load %arg13[%swap3A_2527, %swap3A_2528] {strides = array<i32>} : memref<64x128xf32, #tpu.memory_space<vmem>>, vector<1x16xf32>,
      %swap3A_2530 = vector.shape_cast %swap3A_2529 : vector<1x16xf32> to vector<16xf32>
      %swap3A_2531 = vector.shape_cast %get3A_2525 : vector<16xf32> to vector<1x16xf32>
      tpu.vector_store %arg13[%swap3A_2527, %swap3A_2528], %swap3A_2531 {strides = array<i32>} : memref<64x128xf32, #tpu.memory_space<vmem>>, vector<1x16xf32>,
      %get3A_2532 = arith.constant 6 : i32
      %get3A_2533 = arith.index_cast %get3A_2532 : i32 to index
      %get3A_2534 = arith.constant 112 : index
      %get3A_2535 = tpu.vector_load %arg12[%get3A_2533, %get3A_2534] {strides = array<i32>} : memref<8x128xf32, #tpu.memory_space<vmem>>, vector<1x16xf32>,
      %get3A_2536 = vector.shape_cast %get3A_2535 : vector<1x16xf32> to vector<16xf32>
      %swap3A_2537 = arith.constant 55 : i32
      %swap3A_2538 = arith.index_cast %swap3A_2537 : i32 to index
      %swap3A_2539 = arith.constant 0 : index
      %swap3A_2540 = tpu.vector_load %arg13[%swap3A_2538, %swap3A_2539] {strides = array<i32>} : memref<64x128xf32, #tpu.memory_space<vmem>>, vector<1x16xf32>,
      %swap3A_2541 = vector.shape_cast %swap3A_2540 : vector<1x16xf32> to vector<16xf32>
      %swap3A_2542 = vector.shape_cast %get3A_2536 : vector<16xf32> to vector<1x16xf32>
      tpu.vector_store %arg13[%swap3A_2538, %swap3A_2539], %swap3A_2542 {strides = array<i32>} : memref<64x128xf32, #tpu.memory_space<vmem>>, vector<1x16xf32>,
      %get3A_2543 = arith.constant 7 : i32
      %get3A_2544 = arith.index_cast %get3A_2543 : i32 to index
      %get3A_2545 = arith.constant 0 : index
      %get3A_2546 = tpu.vector_load %arg12[%get3A_2544, %get3A_2545] {strides = array<i32>} : memref<8x128xf32, #tpu.memory_space<vmem>>, vector<1x16xf32>,
      %get3A_2547 = vector.shape_cast %get3A_2546 : vector<1x16xf32> to vector<16xf32>
      %swap3A_2548 = arith.constant 56 : i32
      %swap3A_2549 = arith.index_cast %swap3A_2548 : i32 to index
      %swap3A_2550 = arith.constant 0 : index
      %swap3A_2551 = tpu.vector_load %arg13[%swap3A_2549, %swap3A_2550] {strides = array<i32>} : memref<64x128xf32, #tpu.memory_space<vmem>>, vector<1x16xf32>,
      %swap3A_2552 = vector.shape_cast %swap3A_2551 : vector<1x16xf32> to vector<16xf32>
      %swap3A_2553 = vector.shape_cast %get3A_2547 : vector<16xf32> to vector<1x16xf32>
      tpu.vector_store %arg13[%swap3A_2549, %swap3A_2550], %swap3A_2553 {strides = array<i32>} : memref<64x128xf32, #tpu.memory_space<vmem>>, vector<1x16xf32>,
      %get3A_2554 = arith.constant 7 : i32
      %get3A_2555 = arith.index_cast %get3A_2554 : i32 to index
      %get3A_2556 = arith.constant 16 : index
      %get3A_2557 = tpu.vector_load %arg12[%get3A_2555, %get3A_2556] {strides = array<i32>} : memref<8x128xf32, #tpu.memory_space<vmem>>, vector<1x16xf32>,
      %get3A_2558 = vector.shape_cast %get3A_2557 : vector<1x16xf32> to vector<16xf32>
      %swap3A_2559 = arith.constant 57 : i32
      %swap3A_2560 = arith.index_cast %swap3A_2559 : i32 to index
      %swap3A_2561 = arith.constant 0 : index
      %swap3A_2562 = tpu.vector_load %arg13[%swap3A_2560, %swap3A_2561] {strides = array<i32>} : memref<64x128xf32, #tpu.memory_space<vmem>>, vector<1x16xf32>,
      %swap3A_2563 = vector.shape_cast %swap3A_2562 : vector<1x16xf32> to vector<16xf32>
      %swap3A_2564 = vector.shape_cast %get3A_2558 : vector<16xf32> to vector<1x16xf32>
      tpu.vector_store %arg13[%swap3A_2560, %swap3A_2561], %swap3A_2564 {strides = array<i32>} : memref<64x128xf32, #tpu.memory_space<vmem>>, vector<1x16xf32>,
      %get3A_2565 = arith.constant 7 : i32
      %get3A_2566 = arith.index_cast %get3A_2565 : i32 to index
      %get3A_2567 = arith.constant 32 : index
      %get3A_2568 = tpu.vector_load %arg12[%get3A_2566, %get3A_2567] {strides = array<i32>} : memref<8x128xf32, #tpu.memory_space<vmem>>, vector<1x16xf32>,
      %get3A_2569 = vector.shape_cast %get3A_2568 : vector<1x16xf32> to vector<16xf32>
      %swap3A_2570 = arith.constant 58 : i32
      %swap3A_2571 = arith.index_cast %swap3A_2570 : i32 to index
      %swap3A_2572 = arith.constant 0 : index
      %swap3A_2573 = tpu.vector_load %arg13[%swap3A_2571, %swap3A_2572] {strides = array<i32>} : memref<64x128xf32, #tpu.memory_space<vmem>>, vector<1x16xf32>,
      %swap3A_2574 = vector.shape_cast %swap3A_2573 : vector<1x16xf32> to vector<16xf32>
      %swap3A_2575 = vector.shape_cast %get3A_2569 : vector<16xf32> to vector<1x16xf32>
      tpu.vector_store %arg13[%swap3A_2571, %swap3A_2572], %swap3A_2575 {strides = array<i32>} : memref<64x128xf32, #tpu.memory_space<vmem>>, vector<1x16xf32>,
      %get3A_2576 = arith.constant 7 : i32
      %get3A_2577 = arith.index_cast %get3A_2576 : i32 to index
      %get3A_2578 = arith.constant 48 : index
      %get3A_2579 = tpu.vector_load %arg12[%get3A_2577, %get3A_2578] {strides = array<i32>} : memref<8x128xf32, #tpu.memory_space<vmem>>, vector<1x16xf32>,
      %get3A_2580 = vector.shape_cast %get3A_2579 : vector<1x16xf32> to vector<16xf32>
      %swap3A_2581 = arith.constant 59 : i32
      %swap3A_2582 = arith.index_cast %swap3A_2581 : i32 to index
      %swap3A_2583 = arith.constant 0 : index
      %swap3A_2584 = tpu.vector_load %arg13[%swap3A_2582, %swap3A_2583] {strides = array<i32>} : memref<64x128xf32, #tpu.memory_space<vmem>>, vector<1x16xf32>,
      %swap3A_2585 = vector.shape_cast %swap3A_2584 : vector<1x16xf32> to vector<16xf32>
      %swap3A_2586 = vector.shape_cast %get3A_2580 : vector<16xf32> to vector<1x16xf32>
      tpu.vector_store %arg13[%swap3A_2582, %swap3A_2583], %swap3A_2586 {strides = array<i32>} : memref<64x128xf32, #tpu.memory_space<vmem>>, vector<1x16xf32>,
      %get3A_2587 = arith.constant 7 : i32
      %get3A_2588 = arith.index_cast %get3A_2587 : i32 to index
      %get3A_2589 = arith.constant 64 : index
      %get3A_2590 = tpu.vector_load %arg12[%get3A_2588, %get3A_2589] {strides = array<i32>} : memref<8x128xf32, #tpu.memory_space<vmem>>, vector<1x16xf32>,
      %get3A_2591 = vector.shape_cast %get3A_2590 : vector<1x16xf32> to vector<16xf32>
      %swap3A_2592 = arith.constant 60 : i32
      %swap3A_2593 = arith.index_cast %swap3A_2592 : i32 to index
      %swap3A_2594 = arith.constant 0 : index
      %swap3A_2595 = tpu.vector_load %arg13[%swap3A_2593, %swap3A_2594] {strides = array<i32>} : memref<64x128xf32, #tpu.memory_space<vmem>>, vector<1x16xf32>,
      %swap3A_2596 = vector.shape_cast %swap3A_2595 : vector<1x16xf32> to vector<16xf32>
      %swap3A_2597 = vector.shape_cast %get3A_2591 : vector<16xf32> to vector<1x16xf32>
      tpu.vector_store %arg13[%swap3A_2593, %swap3A_2594], %swap3A_2597 {strides = array<i32>} : memref<64x128xf32, #tpu.memory_space<vmem>>, vector<1x16xf32>,
      %get3A_2598 = arith.constant 7 : i32
      %get3A_2599 = arith.index_cast %get3A_2598 : i32 to index
      %get3A_2600 = arith.constant 80 : index
      %get3A_2601 = tpu.vector_load %arg12[%get3A_2599, %get3A_2600] {strides = array<i32>} : memref<8x128xf32, #tpu.memory_space<vmem>>, vector<1x16xf32>,
      %get3A_2602 = vector.shape_cast %get3A_2601 : vector<1x16xf32> to vector<16xf32>
      %swap3A_2603 = arith.constant 61 : i32
      %swap3A_2604 = arith.index_cast %swap3A_2603 : i32 to index
      %swap3A_2605 = arith.constant 0 : index
      %swap3A_2606 = tpu.vector_load %arg13[%swap3A_2604, %swap3A_2605] {strides = array<i32>} : memref<64x128xf32, #tpu.memory_space<vmem>>, vector<1x16xf32>,
      %swap3A_2607 = vector.shape_cast %swap3A_2606 : vector<1x16xf32> to vector<16xf32>
      %swap3A_2608 = vector.shape_cast %get3A_2602 : vector<16xf32> to vector<1x16xf32>
      tpu.vector_store %arg13[%swap3A_2604, %swap3A_2605], %swap3A_2608 {strides = array<i32>} : memref<64x128xf32, #tpu.memory_space<vmem>>, vector<1x16xf32>,
      %get3A_2609 = arith.constant 7 : i32
      %get3A_2610 = arith.index_cast %get3A_2609 : i32 to index
      %get3A_2611 = arith.constant 96 : index
      %get3A_2612 = tpu.vector_load %arg12[%get3A_2610, %get3A_2611] {strides = array<i32>} : memref<8x128xf32, #tpu.memory_space<vmem>>, vector<1x16xf32>,
      %get3A_2613 = vector.shape_cast %get3A_2612 : vector<1x16xf32> to vector<16xf32>
      %swap3A_2614 = arith.constant 62 : i32
      %swap3A_2615 = arith.index_cast %swap3A_2614 : i32 to index
      %swap3A_2616 = arith.constant 0 : index
      %swap3A_2617 = tpu.vector_load %arg13[%swap3A_2615, %swap3A_2616] {strides = array<i32>} : memref<64x128xf32, #tpu.memory_space<vmem>>, vector<1x16xf32>,
      %swap3A_2618 = vector.shape_cast %swap3A_2617 : vector<1x16xf32> to vector<16xf32>
      %swap3A_2619 = vector.shape_cast %get3A_2613 : vector<16xf32> to vector<1x16xf32>
      tpu.vector_store %arg13[%swap3A_2615, %swap3A_2616], %swap3A_2619 {strides = array<i32>} : memref<64x128xf32, #tpu.memory_space<vmem>>, vector<1x16xf32>,
      %get3A_2620 = arith.constant 7 : i32
      %get3A_2621 = arith.index_cast %get3A_2620 : i32 to index
      %get3A_2622 = arith.constant 112 : index
      %get3A_2623 = tpu.vector_load %arg12[%get3A_2621, %get3A_2622] {strides = array<i32>} : memref<8x128xf32, #tpu.memory_space<vmem>>, vector<1x16xf32>,
      %get3A_2624 = vector.shape_cast %get3A_2623 : vector<1x16xf32> to vector<16xf32>
      %swap3A_2625 = arith.constant 63 : i32
      %swap3A_2626 = arith.index_cast %swap3A_2625 : i32 to index
      %swap3A_2627 = arith.constant 0 : index
      %swap3A_2628 = tpu.vector_load %arg13[%swap3A_2626, %swap3A_2627] {strides = array<i32>} : memref<64x128xf32, #tpu.memory_space<vmem>>, vector<1x16xf32>,
      %swap3A_2629 = vector.shape_cast %swap3A_2628 : vector<1x16xf32> to vector<16xf32>
      %swap3A_2630 = vector.shape_cast %get3A_2624 : vector<16xf32> to vector<1x16xf32>
      tpu.vector_store %arg13[%swap3A_2626, %swap3A_2627], %swap3A_2630 {strides = array<i32>} : memref<64x128xf32, #tpu.memory_space<vmem>>, vector<1x16xf32>,
      %dma_wait3A_2631 = arith.constant 0 : i32
      %dma_wait3A_2632 = arith.constant 0 : i32
      %dma_wait3A_2633 = tpu.memref_slice %arg2[%dma_wait3A_2631, %dma_wait3A_2632] : memref<10000x128xf32, #tpu.memory_space<hbm>> -> memref<10000x128xf32, #tpu.memory_space<hbm>>
      tpu.wait_indirect_dma semaphore(%arg25 : memref<!tpu.dma_semaphore, #tpu.memory_space<semaphore_mem>>) src(%dma_wait3A_2633 : memref<10000x128xf32, #tpu.memory_space<hbm>>) dst(%arg11 : memref<64x128xf32, #tpu.memory_space<vmem>>)
      %dma_start3A_2634 = arith.constant 0 : i32
      %dma_start3A_2635 = arith.constant 0 : i32
      %dma_start3A_2636 = tpu.memref_slice %arg21[%dma_start3A_2634, %dma_start3A_2635] : memref<5128x128xf32, #tpu.memory_space<vmem_shared>> -> memref<5128x128xf32, #tpu.memory_space<vmem_shared>>
      tpu.enqueue_indirect_dma source(%arg11 : memref<64x128xf32, #tpu.memory_space<vmem>>) target(%dma_start3A_2636 : memref<5128x128xf32, #tpu.memory_space<vmem_shared>>) offsets(%arg19 : memref<64xi32, #tpu.memory_space<vmem>>) semaphore(%arg27 : memref<!tpu.dma_semaphore, #tpu.memory_space<semaphore_mem>>) {add = true}
      %dma_start3A_2637 = arith.constant 0 : i32
      %dma_start3A_2638 = arith.constant 0 : i32
      %dma_start3A_2639 = tpu.memref_slice %arg22[%dma_start3A_2637, %dma_start3A_2638] : memref<5128x128xf32, #tpu.memory_space<vmem_shared>> -> memref<5128x128xf32, #tpu.memory_space<vmem_shared>>
      tpu.enqueue_indirect_dma source(%arg13 : memref<64x128xf32, #tpu.memory_space<vmem>>) target(%dma_start3A_2639 : memref<5128x128xf32, #tpu.memory_space<vmem_shared>>) offsets(%arg19 : memref<64xi32, #tpu.memory_space<vmem>>) semaphore(%arg27 : memref<!tpu.dma_semaphore, #tpu.memory_space<semaphore_mem>>) {add = true}
      %add3A_2640 = arith.constant 2 : i32
      %add3A_2641 = arith.addi %mul3A_1819, %add3A_2640 : i32
      %min3A_2642 = arith.constant 319 : i32
      %min3A_2643 = arith.minsi %add3A_2641, %min3A_2642 : i32
      %mul3A_2644 = arith.constant 20480 : i32
      %mul3A_2645 = arith.muli %arg1, %mul3A_2644 : i32
      %mul3A_2646 = arith.constant 64 : i32
      %mul3A_2647 = arith.muli %min3A_2643, %mul3A_2646 : i32
      %add3A_2648 = arith.addi %mul3A_2645, %mul3A_2647 : i32
      %multiple_of3A_2649 = tpu.assume_multiple %add3A_2648, 8 : i32
      %mul3A_2650 = arith.constant 2560 : i32
      %mul3A_2651 = arith.muli %arg1, %mul3A_2650 : i32
      %mul3A_2652 = arith.constant 8 : i32
      %mul3A_2653 = arith.muli %min3A_2643, %mul3A_2652 : i32
      %add3A_2654 = arith.addi %mul3A_2651, %mul3A_2653 : i32
      %multiple_of3A_2655 = tpu.assume_multiple %add3A_2654, 8 : i32
      %dma_start3A_2656 = tpu.memref_slice %arg3[%multiple_of3A_2649] : memref<327680xi32, #tpu.memory_space<hbm>> -> memref<64xi32, #tpu.memory_space<hbm>>
      %dma_start3A_2657 = tpu.memref_slice %arg3[%multiple_of3A_2649] : memref<327680xi32, #tpu.memory_space<hbm>> -> memref<64xi32, #tpu.memory_space<hbm>>
      tpu.enqueue_dma source(%dma_start3A_2657 : memref<64xi32, #tpu.memory_space<hbm>>) target(%arg9 : memref<64xi32, #tpu.memory_space<vmem>>) target_semaphore(%arg23 : memref<!tpu.dma_semaphore, #tpu.memory_space<semaphore_mem>>)
      %dma_start3A_2658 = tpu.memref_slice %arg4[%multiple_of3A_2649] : memref<327680xi32, #tpu.memory_space<hbm>> -> memref<64xi32, #tpu.memory_space<hbm>>
      %dma_start3A_2659 = tpu.memref_slice %arg4[%multiple_of3A_2649] : memref<327680xi32, #tpu.memory_space<hbm>> -> memref<64xi32, #tpu.memory_space<hbm>>
      tpu.enqueue_dma source(%dma_start3A_2659 : memref<64xi32, #tpu.memory_space<hbm>>) target(%arg10 : memref<64xi32, #tpu.memory_space<vmem>>) target_semaphore(%arg23 : memref<!tpu.dma_semaphore, #tpu.memory_space<semaphore_mem>>)
      %dma_start3A_2660 = arith.constant 0 : i32
      %dma_start3A_2661 = tpu.memref_slice %arg5[%multiple_of3A_2655, %dma_start3A_2660] : memref<40960x128xf32, #tpu.memory_space<hbm>> -> memref<8x128xf32, #tpu.memory_space<hbm>>
      %dma_start3A_2662 = arith.constant 0 : i32
      %dma_start3A_2663 = tpu.memref_slice %arg5[%multiple_of3A_2655, %dma_start3A_2662] : memref<40960x128xf32, #tpu.memory_space<hbm>> -> memref<8x128xf32, #tpu.memory_space<hbm>>
      tpu.enqueue_dma source(%dma_start3A_2663 : memref<8x128xf32, #tpu.memory_space<hbm>>) target(%arg12 : memref<8x128xf32, #tpu.memory_space<vmem>>) target_semaphore(%arg23 : memref<!tpu.dma_semaphore, #tpu.memory_space<semaphore_mem>>)
      %mul3A_2664 = arith.constant 2 : i32
      %mul3A_2665 = arith.muli %mul3A_2664, %scan3A_1817 : i32
      %add3A_2666 = arith.constant 1 : i32
      %add3A_2667 = arith.addi %mul3A_2665, %add3A_2666 : i32
      %min3A_2668 = arith.constant 319 : i32
      %min3A_2669 = arith.minsi %add3A_2667, %min3A_2668 : i32
      %mul3A_2670 = arith.constant 20480 : i32
      %mul3A_2671 = arith.muli %arg1, %mul3A_2670 : i32
      %mul3A_2672 = arith.constant 64 : i32
      %mul3A_2673 = arith.muli %min3A_2669, %mul3A_2672 : i32
      %add3A_2674 = arith.addi %mul3A_2671, %mul3A_2673 : i32
      %multiple_of3A_2675 = tpu.assume_multiple %add3A_2674, 8 : i32
      %mul3A_2676 = arith.constant 2560 : i32
      %mul3A_2677 = arith.muli %arg1, %mul3A_2676 : i32
      %mul3A_2678 = arith.constant 8 : i32
      %mul3A_2679 = arith.muli %min3A_2669, %mul3A_2678 : i32
      %add3A_2680 = arith.addi %mul3A_2677, %mul3A_2679 : i32
      %multiple_of3A_2681 = tpu.assume_multiple %add3A_2680, 8 : i32
      %dma_wait3A_2682 = tpu.memref_slice %arg3[%multiple_of3A_2675] : memref<327680xi32, #tpu.memory_space<hbm>> -> memref<64xi32, #tpu.memory_space<hbm>>
      %dma_wait3A_2683 = tpu.memref_slice %arg3[%multiple_of3A_2675] : memref<327680xi32, #tpu.memory_space<hbm>> -> memref<64xi32, #tpu.memory_space<hbm>>
      tpu.wait_dma2 semaphore(%arg24 : memref<!tpu.dma_semaphore, #tpu.memory_space<semaphore_mem>>) src(%dma_wait3A_2683 : memref<64xi32, #tpu.memory_space<hbm>>) dst(%arg14 : memref<64xi32, #tpu.memory_space<vmem>>)
      %dma_wait3A_2684 = tpu.memref_slice %arg4[%multiple_of3A_2675] : memref<327680xi32, #tpu.memory_space<hbm>> -> memref<64xi32, #tpu.memory_space<hbm>>
      %dma_wait3A_2685 = tpu.memref_slice %arg4[%multiple_of3A_2675] : memref<327680xi32, #tpu.memory_space<hbm>> -> memref<64xi32, #tpu.memory_space<hbm>>
      tpu.wait_dma2 semaphore(%arg24 : memref<!tpu.dma_semaphore, #tpu.memory_space<semaphore_mem>>) src(%dma_wait3A_2685 : memref<64xi32, #tpu.memory_space<hbm>>) dst(%arg15 : memref<64xi32, #tpu.memory_space<vmem>>)
      %dma_wait3A_2686 = arith.constant 0 : i32
      %dma_wait3A_2687 = tpu.memref_slice %arg5[%multiple_of3A_2681, %dma_wait3A_2686] : memref<40960x128xf32, #tpu.memory_space<hbm>> -> memref<8x128xf32, #tpu.memory_space<hbm>>
      %dma_wait3A_2688 = arith.constant 0 : i32
      %dma_wait3A_2689 = tpu.memref_slice %arg5[%multiple_of3A_2681, %dma_wait3A_2688] : memref<40960x128xf32, #tpu.memory_space<hbm>> -> memref<8x128xf32, #tpu.memory_space<hbm>>
      tpu.wait_dma2 semaphore(%arg24 : memref<!tpu.dma_semaphore, #tpu.memory_space<semaphore_mem>>) src(%dma_wait3A_2689 : memref<8x128xf32, #tpu.memory_space<hbm>>) dst(%arg17 : memref<8x128xf32, #tpu.memory_space<vmem>>)
      %dma_wait3A_2690 = arith.constant 0 : i32
      %dma_wait3A_2691 = arith.constant 0 : i32
      %dma_wait3A_2692 = tpu.memref_slice %arg21[%dma_wait3A_2690, %dma_wait3A_2691] : memref<5128x128xf32, #tpu.memory_space<vmem_shared>> -> memref<5128x128xf32, #tpu.memory_space<vmem_shared>>
      tpu.wait_indirect_dma semaphore(%arg28 : memref<!tpu.dma_semaphore, #tpu.memory_space<semaphore_mem>>) src(%arg16 : memref<64x128xf32, #tpu.memory_space<vmem>>) dst(%dma_wait3A_2692 : memref<5128x128xf32, #tpu.memory_space<vmem_shared>>)
      %dma_wait3A_2693 = arith.constant 0 : i32
      %dma_wait3A_2694 = arith.constant 0 : i32
      %dma_wait3A_2695 = tpu.memref_slice %arg22[%dma_wait3A_2693, %dma_wait3A_2694] : memref<5128x128xf32, #tpu.memory_space<vmem_shared>> -> memref<5128x128xf32, #tpu.memory_space<vmem_shared>>
      tpu.wait_indirect_dma semaphore(%arg28 : memref<!tpu.dma_semaphore, #tpu.memory_space<semaphore_mem>>) src(%arg18 : memref<64x128xf32, #tpu.memory_space<vmem>>) dst(%dma_wait3A_2695 : memref<5128x128xf32, #tpu.memory_space<vmem_shared>>)
      %dma_start3A_2696 = arith.constant 0 : i32
      %dma_start3A_2697 = arith.constant 0 : i32
      %dma_start3A_2698 = tpu.memref_slice %arg2[%dma_start3A_2696, %dma_start3A_2697] : memref<10000x128xf32, #tpu.memory_space<hbm>> -> memref<10000x128xf32, #tpu.memory_space<hbm>>
      tpu.enqueue_indirect_dma source(%dma_start3A_2698 : memref<10000x128xf32, #tpu.memory_space<hbm>>) target(%arg16 : memref<64x128xf32, #tpu.memory_space<vmem>>) offsets(%arg14 : memref<64xi32, #tpu.memory_space<vmem>>) semaphore(%arg26 : memref<!tpu.dma_semaphore, #tpu.memory_space<semaphore_mem>>)
      %get3A_2699 = arith.constant 0 : index
      %get3A_2700 = tpu.vector_load %arg15[%get3A_2699] {strides = array<i32>} : memref<64xi32, #tpu.memory_space<vmem>>, vector<16xi32>,
      %get3A_2701 = vector.shape_cast %get3A_2700 : vector<16xi32> to vector<16xi32>
      %sub3A_2702 = vector.broadcast %mul3A_21 : i32 to vector<16xi32>
      %sub3A_2703 = arith.subi %get3A_2701, %sub3A_2702 : vector<16xi32>
      %ge3A_2704 = arith.constant 0 : i32
      %ge3A_2705 = vector.broadcast %ge3A_2704 : i32 to vector<16xi32>
      %ge3A_2706 = arith.cmpi sge, %sub3A_2703, %ge3A_2705 : vector<16xi32>
      %lt3A_2707 = arith.constant 5120 : i32
      %lt3A_2708 = vector.broadcast %lt3A_2707 : i32 to vector<16xi32>
      %lt3A_2709 = arith.cmpi slt, %sub3A_2703, %lt3A_2708 : vector<16xi32>
      %and3A_2710 = arith.andi %ge3A_2706, %lt3A_2709 : vector<16xi1>
      %jit3A_2711 = arith.constant 5120 : i32
      %broadcast_in_dim3A_2712 = vector.broadcast %jit3A_2711 : i32 to vector<16xi32>
      %select_n3A_2713 = arith.select %and3A_2710, %sub3A_2703, %broadcast_in_dim3A_2712 : vector<16xi1>, vector<16xi32>
      %swap3A_2714 = arith.constant 0 : index
      %swap3A_2715 = tpu.vector_load %arg20[%swap3A_2714] {strides = array<i32>} : memref<64xi32, #tpu.memory_space<vmem>>, vector<16xi32>,
      %swap3A_2716 = vector.shape_cast %swap3A_2715 : vector<16xi32> to vector<16xi32>
      %swap3A_2717 = vector.shape_cast %select_n3A_2713 : vector<16xi32> to vector<16xi32>
      tpu.vector_store %arg20[%swap3A_2714], %swap3A_2717 {strides = array<i32>} : memref<64xi32, #tpu.memory_space<vmem>>, vector<16xi32>,
      %get3A_2718 = arith.constant 16 : index
      %get3A_2719 = tpu.vector_load %arg15[%get3A_2718] {strides = array<i32>} : memref<64xi32, #tpu.memory_space<vmem>>, vector<16xi32>,
      %get3A_2720 = vector.shape_cast %get3A_2719 : vector<16xi32> to vector<16xi32>
      %sub3A_2721 = vector.broadcast %mul3A_21 : i32 to vector<16xi32>
      %sub3A_2722 = arith.subi %get3A_2720, %sub3A_2721 : vector<16xi32>
      %ge3A_2723 = arith.constant 0 : i32
      %ge3A_2724 = vector.broadcast %ge3A_2723 : i32 to vector<16xi32>
      %ge3A_2725 = arith.cmpi sge, %sub3A_2722, %ge3A_2724 : vector<16xi32>
      %lt3A_2726 = arith.constant 5120 : i32
      %lt3A_2727 = vector.broadcast %lt3A_2726 : i32 to vector<16xi32>
      %lt3A_2728 = arith.cmpi slt, %sub3A_2722, %lt3A_2727 : vector<16xi32>
      %and3A_2729 = arith.andi %ge3A_2725, %lt3A_2728 : vector<16xi1>
      %jit3A_2730 = arith.constant 5120 : i32
      %broadcast_in_dim3A_2731 = vector.broadcast %jit3A_2730 : i32 to vector<16xi32>
      %select_n3A_2732 = arith.select %and3A_2729, %sub3A_2722, %broadcast_in_dim3A_2731 : vector<16xi1>, vector<16xi32>
      %swap3A_2733 = arith.constant 16 : index
      %swap3A_2734 = tpu.vector_load %arg20[%swap3A_2733] {strides = array<i32>} : memref<64xi32, #tpu.memory_space<vmem>>, vector<16xi32>,
      %swap3A_2735 = vector.shape_cast %swap3A_2734 : vector<16xi32> to vector<16xi32>
      %swap3A_2736 = vector.shape_cast %select_n3A_2732 : vector<16xi32> to vector<16xi32>
      tpu.vector_store %arg20[%swap3A_2733], %swap3A_2736 {strides = array<i32>} : memref<64xi32, #tpu.memory_space<vmem>>, vector<16xi32>,
      %get3A_2737 = arith.constant 32 : index
      %get3A_2738 = tpu.vector_load %arg15[%get3A_2737] {strides = array<i32>} : memref<64xi32, #tpu.memory_space<vmem>>, vector<16xi32>,
      %get3A_2739 = vector.shape_cast %get3A_2738 : vector<16xi32> to vector<16xi32>
      %sub3A_2740 = vector.broadcast %mul3A_21 : i32 to vector<16xi32>
      %sub3A_2741 = arith.subi %get3A_2739, %sub3A_2740 : vector<16xi32>
      %ge3A_2742 = arith.constant 0 : i32
      %ge3A_2743 = vector.broadcast %ge3A_2742 : i32 to vector<16xi32>
      %ge3A_2744 = arith.cmpi sge, %sub3A_2741, %ge3A_2743 : vector<16xi32>
      %lt3A_2745 = arith.constant 5120 : i32
      %lt3A_2746 = vector.broadcast %lt3A_2745 : i32 to vector<16xi32>
      %lt3A_2747 = arith.cmpi slt, %sub3A_2741, %lt3A_2746 : vector<16xi32>
      %and3A_2748 = arith.andi %ge3A_2744, %lt3A_2747 : vector<16xi1>
      %jit3A_2749 = arith.constant 5120 : i32
      %broadcast_in_dim3A_2750 = vector.broadcast %jit3A_2749 : i32 to vector<16xi32>
      %select_n3A_2751 = arith.select %and3A_2748, %sub3A_2741, %broadcast_in_dim3A_2750 : vector<16xi1>, vector<16xi32>
      %swap3A_2752 = arith.constant 32 : index
      %swap3A_2753 = tpu.vector_load %arg20[%swap3A_2752] {strides = array<i32>} : memref<64xi32, #tpu.memory_space<vmem>>, vector<16xi32>,
      %swap3A_2754 = vector.shape_cast %swap3A_2753 : vector<16xi32> to vector<16xi32>
      %swap3A_2755 = vector.shape_cast %select_n3A_2751 : vector<16xi32> to vector<16xi32>
      tpu.vector_store %arg20[%swap3A_2752], %swap3A_2755 {strides = array<i32>} : memref<64xi32, #tpu.memory_space<vmem>>, vector<16xi32>,
      %get3A_2756 = arith.constant 48 : index
      %get3A_2757 = tpu.vector_load %arg15[%get3A_2756] {strides = array<i32>} : memref<64xi32, #tpu.memory_space<vmem>>, vector<16xi32>,
      %get3A_2758 = vector.shape_cast %get3A_2757 : vector<16xi32> to vector<16xi32>
      %sub3A_2759 = vector.broadcast %mul3A_21 : i32 to vector<16xi32>
      %sub3A_2760 = arith.subi %get3A_2758, %sub3A_2759 : vector<16xi32>
      %ge3A_2761 = arith.constant 0 : i32
      %ge3A_2762 = vector.broadcast %ge3A_2761 : i32 to vector<16xi32>
      %ge3A_2763 = arith.cmpi sge, %sub3A_2760, %ge3A_2762 : vector<16xi32>
      %lt3A_2764 = arith.constant 5120 : i32
      %lt3A_2765 = vector.broadcast %lt3A_2764 : i32 to vector<16xi32>
      %lt3A_2766 = arith.cmpi slt, %sub3A_2760, %lt3A_2765 : vector<16xi32>
      %and3A_2767 = arith.andi %ge3A_2763, %lt3A_2766 : vector<16xi1>
      %jit3A_2768 = arith.constant 5120 : i32
      %broadcast_in_dim3A_2769 = vector.broadcast %jit3A_2768 : i32 to vector<16xi32>
      %select_n3A_2770 = arith.select %and3A_2767, %sub3A_2760, %broadcast_in_dim3A_2769 : vector<16xi1>, vector<16xi32>
      %swap3A_2771 = arith.constant 48 : index
      %swap3A_2772 = tpu.vector_load %arg20[%swap3A_2771] {strides = array<i32>} : memref<64xi32, #tpu.memory_space<vmem>>, vector<16xi32>,
      %swap3A_2773 = vector.shape_cast %swap3A_2772 : vector<16xi32> to vector<16xi32>
      %swap3A_2774 = vector.shape_cast %select_n3A_2770 : vector<16xi32> to vector<16xi32>
      tpu.vector_store %arg20[%swap3A_2771], %swap3A_2774 {strides = array<i32>} : memref<64xi32, #tpu.memory_space<vmem>>, vector<16xi32>,
      %get3A_2775 = arith.constant 0 : i32
      %get3A_2776 = arith.index_cast %get3A_2775 : i32 to index
      %get3A_2777 = arith.constant 0 : index
      %get3A_2778 = tpu.vector_load %arg17[%get3A_2776, %get3A_2777] {strides = array<i32>} : memref<8x128xf32, #tpu.memory_space<vmem>>, vector<1x16xf32>,
      %get3A_2779 = vector.shape_cast %get3A_2778 : vector<1x16xf32> to vector<16xf32>
      %swap3A_2780 = arith.constant 0 : i32
      %swap3A_2781 = arith.index_cast %swap3A_2780 : i32 to index
      %swap3A_2782 = arith.constant 0 : index
      %swap3A_2783 = tpu.vector_load %arg18[%swap3A_2781, %swap3A_2782] {strides = array<i32>} : memref<64x128xf32, #tpu.memory_space<vmem>>, vector<1x16xf32>,
      %swap3A_2784 = vector.shape_cast %swap3A_2783 : vector<1x16xf32> to vector<16xf32>
      %swap3A_2785 = vector.shape_cast %get3A_2779 : vector<16xf32> to vector<1x16xf32>
      tpu.vector_store %arg18[%swap3A_2781, %swap3A_2782], %swap3A_2785 {strides = array<i32>} : memref<64x128xf32, #tpu.memory_space<vmem>>, vector<1x16xf32>,
      %get3A_2786 = arith.constant 0 : i32
      %get3A_2787 = arith.index_cast %get3A_2786 : i32 to index
      %get3A_2788 = arith.constant 16 : index
      %get3A_2789 = tpu.vector_load %arg17[%get3A_2787, %get3A_2788] {strides = array<i32>} : memref<8x128xf32, #tpu.memory_space<vmem>>, vector<1x16xf32>,
      %get3A_2790 = vector.shape_cast %get3A_2789 : vector<1x16xf32> to vector<16xf32>
      %swap3A_2791 = arith.constant 1 : i32
      %swap3A_2792 = arith.index_cast %swap3A_2791 : i32 to index
      %swap3A_2793 = arith.constant 0 : index
      %swap3A_2794 = tpu.vector_load %arg18[%swap3A_2792, %swap3A_2793] {strides = array<i32>} : memref<64x128xf32, #tpu.memory_space<vmem>>, vector<1x16xf32>,
      %swap3A_2795 = vector.shape_cast %swap3A_2794 : vector<1x16xf32> to vector<16xf32>
      %swap3A_2796 = vector.shape_cast %get3A_2790 : vector<16xf32> to vector<1x16xf32>
      tpu.vector_store %arg18[%swap3A_2792, %swap3A_2793], %swap3A_2796 {strides = array<i32>} : memref<64x128xf32, #tpu.memory_space<vmem>>, vector<1x16xf32>,
      %get3A_2797 = arith.constant 0 : i32
      %get3A_2798 = arith.index_cast %get3A_2797 : i32 to index
      %get3A_2799 = arith.constant 32 : index
      %get3A_2800 = tpu.vector_load %arg17[%get3A_2798, %get3A_2799] {strides = array<i32>} : memref<8x128xf32, #tpu.memory_space<vmem>>, vector<1x16xf32>,
      %get3A_2801 = vector.shape_cast %get3A_2800 : vector<1x16xf32> to vector<16xf32>
      %swap3A_2802 = arith.constant 2 : i32
      %swap3A_2803 = arith.index_cast %swap3A_2802 : i32 to index
      %swap3A_2804 = arith.constant 0 : index
      %swap3A_2805 = tpu.vector_load %arg18[%swap3A_2803, %swap3A_2804] {strides = array<i32>} : memref<64x128xf32, #tpu.memory_space<vmem>>, vector<1x16xf32>,
      %swap3A_2806 = vector.shape_cast %swap3A_2805 : vector<1x16xf32> to vector<16xf32>
      %swap3A_2807 = vector.shape_cast %get3A_2801 : vector<16xf32> to vector<1x16xf32>
      tpu.vector_store %arg18[%swap3A_2803, %swap3A_2804], %swap3A_2807 {strides = array<i32>} : memref<64x128xf32, #tpu.memory_space<vmem>>, vector<1x16xf32>,
      %get3A_2808 = arith.constant 0 : i32
      %get3A_2809 = arith.index_cast %get3A_2808 : i32 to index
      %get3A_2810 = arith.constant 48 : index
      %get3A_2811 = tpu.vector_load %arg17[%get3A_2809, %get3A_2810] {strides = array<i32>} : memref<8x128xf32, #tpu.memory_space<vmem>>, vector<1x16xf32>,
      %get3A_2812 = vector.shape_cast %get3A_2811 : vector<1x16xf32> to vector<16xf32>
      %swap3A_2813 = arith.constant 3 : i32
      %swap3A_2814 = arith.index_cast %swap3A_2813 : i32 to index
      %swap3A_2815 = arith.constant 0 : index
      %swap3A_2816 = tpu.vector_load %arg18[%swap3A_2814, %swap3A_2815] {strides = array<i32>} : memref<64x128xf32, #tpu.memory_space<vmem>>, vector<1x16xf32>,
      %swap3A_2817 = vector.shape_cast %swap3A_2816 : vector<1x16xf32> to vector<16xf32>
      %swap3A_2818 = vector.shape_cast %get3A_2812 : vector<16xf32> to vector<1x16xf32>
      tpu.vector_store %arg18[%swap3A_2814, %swap3A_2815], %swap3A_2818 {strides = array<i32>} : memref<64x128xf32, #tpu.memory_space<vmem>>, vector<1x16xf32>,
      %get3A_2819 = arith.constant 0 : i32
      %get3A_2820 = arith.index_cast %get3A_2819 : i32 to index
      %get3A_2821 = arith.constant 64 : index
      %get3A_2822 = tpu.vector_load %arg17[%get3A_2820, %get3A_2821] {strides = array<i32>} : memref<8x128xf32, #tpu.memory_space<vmem>>, vector<1x16xf32>,
      %get3A_2823 = vector.shape_cast %get3A_2822 : vector<1x16xf32> to vector<16xf32>
      %swap3A_2824 = arith.constant 4 : i32
      %swap3A_2825 = arith.index_cast %swap3A_2824 : i32 to index
      %swap3A_2826 = arith.constant 0 : index
      %swap3A_2827 = tpu.vector_load %arg18[%swap3A_2825, %swap3A_2826] {strides = array<i32>} : memref<64x128xf32, #tpu.memory_space<vmem>>, vector<1x16xf32>,
      %swap3A_2828 = vector.shape_cast %swap3A_2827 : vector<1x16xf32> to vector<16xf32>
      %swap3A_2829 = vector.shape_cast %get3A_2823 : vector<16xf32> to vector<1x16xf32>
      tpu.vector_store %arg18[%swap3A_2825, %swap3A_2826], %swap3A_2829 {strides = array<i32>} : memref<64x128xf32, #tpu.memory_space<vmem>>, vector<1x16xf32>,
      %get3A_2830 = arith.constant 0 : i32
      %get3A_2831 = arith.index_cast %get3A_2830 : i32 to index
      %get3A_2832 = arith.constant 80 : index
      %get3A_2833 = tpu.vector_load %arg17[%get3A_2831, %get3A_2832] {strides = array<i32>} : memref<8x128xf32, #tpu.memory_space<vmem>>, vector<1x16xf32>,
      %get3A_2834 = vector.shape_cast %get3A_2833 : vector<1x16xf32> to vector<16xf32>
      %swap3A_2835 = arith.constant 5 : i32
      %swap3A_2836 = arith.index_cast %swap3A_2835 : i32 to index
      %swap3A_2837 = arith.constant 0 : index
      %swap3A_2838 = tpu.vector_load %arg18[%swap3A_2836, %swap3A_2837] {strides = array<i32>} : memref<64x128xf32, #tpu.memory_space<vmem>>, vector<1x16xf32>,
      %swap3A_2839 = vector.shape_cast %swap3A_2838 : vector<1x16xf32> to vector<16xf32>
      %swap3A_2840 = vector.shape_cast %get3A_2834 : vector<16xf32> to vector<1x16xf32>
      tpu.vector_store %arg18[%swap3A_2836, %swap3A_2837], %swap3A_2840 {strides = array<i32>} : memref<64x128xf32, #tpu.memory_space<vmem>>, vector<1x16xf32>,
      %get3A_2841 = arith.constant 0 : i32
      %get3A_2842 = arith.index_cast %get3A_2841 : i32 to index
      %get3A_2843 = arith.constant 96 : index
      %get3A_2844 = tpu.vector_load %arg17[%get3A_2842, %get3A_2843] {strides = array<i32>} : memref<8x128xf32, #tpu.memory_space<vmem>>, vector<1x16xf32>,
      %get3A_2845 = vector.shape_cast %get3A_2844 : vector<1x16xf32> to vector<16xf32>
      %swap3A_2846 = arith.constant 6 : i32
      %swap3A_2847 = arith.index_cast %swap3A_2846 : i32 to index
      %swap3A_2848 = arith.constant 0 : index
      %swap3A_2849 = tpu.vector_load %arg18[%swap3A_2847, %swap3A_2848] {strides = array<i32>} : memref<64x128xf32, #tpu.memory_space<vmem>>, vector<1x16xf32>,
      %swap3A_2850 = vector.shape_cast %swap3A_2849 : vector<1x16xf32> to vector<16xf32>
      %swap3A_2851 = vector.shape_cast %get3A_2845 : vector<16xf32> to vector<1x16xf32>
      tpu.vector_store %arg18[%swap3A_2847, %swap3A_2848], %swap3A_2851 {strides = array<i32>} : memref<64x128xf32, #tpu.memory_space<vmem>>, vector<1x16xf32>,
      %get3A_2852 = arith.constant 0 : i32
      %get3A_2853 = arith.index_cast %get3A_2852 : i32 to index
      %get3A_2854 = arith.constant 112 : index
      %get3A_2855 = tpu.vector_load %arg17[%get3A_2853, %get3A_2854] {strides = array<i32>} : memref<8x128xf32, #tpu.memory_space<vmem>>, vector<1x16xf32>,
      %get3A_2856 = vector.shape_cast %get3A_2855 : vector<1x16xf32> to vector<16xf32>
      %swap3A_2857 = arith.constant 7 : i32
      %swap3A_2858 = arith.index_cast %swap3A_2857 : i32 to index
      %swap3A_2859 = arith.constant 0 : index
      %swap3A_2860 = tpu.vector_load %arg18[%swap3A_2858, %swap3A_2859] {strides = array<i32>} : memref<64x128xf32, #tpu.memory_space<vmem>>, vector<1x16xf32>,
      %swap3A_2861 = vector.shape_cast %swap3A_2860 : vector<1x16xf32> to vector<16xf32>
      %swap3A_2862 = vector.shape_cast %get3A_2856 : vector<16xf32> to vector<1x16xf32>
      tpu.vector_store %arg18[%swap3A_2858, %swap3A_2859], %swap3A_2862 {strides = array<i32>} : memref<64x128xf32, #tpu.memory_space<vmem>>, vector<1x16xf32>,
      %get3A_2863 = arith.constant 1 : i32
      %get3A_2864 = arith.index_cast %get3A_2863 : i32 to index
      %get3A_2865 = arith.constant 0 : index
      %get3A_2866 = tpu.vector_load %arg17[%get3A_2864, %get3A_2865] {strides = array<i32>} : memref<8x128xf32, #tpu.memory_space<vmem>>, vector<1x16xf32>,
      %get3A_2867 = vector.shape_cast %get3A_2866 : vector<1x16xf32> to vector<16xf32>
      %swap3A_2868 = arith.constant 8 : i32
      %swap3A_2869 = arith.index_cast %swap3A_2868 : i32 to index
      %swap3A_2870 = arith.constant 0 : index
      %swap3A_2871 = tpu.vector_load %arg18[%swap3A_2869, %swap3A_2870] {strides = array<i32>} : memref<64x128xf32, #tpu.memory_space<vmem>>, vector<1x16xf32>,
      %swap3A_2872 = vector.shape_cast %swap3A_2871 : vector<1x16xf32> to vector<16xf32>
      %swap3A_2873 = vector.shape_cast %get3A_2867 : vector<16xf32> to vector<1x16xf32>
      tpu.vector_store %arg18[%swap3A_2869, %swap3A_2870], %swap3A_2873 {strides = array<i32>} : memref<64x128xf32, #tpu.memory_space<vmem>>, vector<1x16xf32>,
      %get3A_2874 = arith.constant 1 : i32
      %get3A_2875 = arith.index_cast %get3A_2874 : i32 to index
      %get3A_2876 = arith.constant 16 : index
      %get3A_2877 = tpu.vector_load %arg17[%get3A_2875, %get3A_2876] {strides = array<i32>} : memref<8x128xf32, #tpu.memory_space<vmem>>, vector<1x16xf32>,
      %get3A_2878 = vector.shape_cast %get3A_2877 : vector<1x16xf32> to vector<16xf32>
      %swap3A_2879 = arith.constant 9 : i32
      %swap3A_2880 = arith.index_cast %swap3A_2879 : i32 to index
      %swap3A_2881 = arith.constant 0 : index
      %swap3A_2882 = tpu.vector_load %arg18[%swap3A_2880, %swap3A_2881] {strides = array<i32>} : memref<64x128xf32, #tpu.memory_space<vmem>>, vector<1x16xf32>,
      %swap3A_2883 = vector.shape_cast %swap3A_2882 : vector<1x16xf32> to vector<16xf32>
      %swap3A_2884 = vector.shape_cast %get3A_2878 : vector<16xf32> to vector<1x16xf32>
      tpu.vector_store %arg18[%swap3A_2880, %swap3A_2881], %swap3A_2884 {strides = array<i32>} : memref<64x128xf32, #tpu.memory_space<vmem>>, vector<1x16xf32>,
      %get3A_2885 = arith.constant 1 : i32
      %get3A_2886 = arith.index_cast %get3A_2885 : i32 to index
      %get3A_2887 = arith.constant 32 : index
      %get3A_2888 = tpu.vector_load %arg17[%get3A_2886, %get3A_2887] {strides = array<i32>} : memref<8x128xf32, #tpu.memory_space<vmem>>, vector<1x16xf32>,
      %get3A_2889 = vector.shape_cast %get3A_2888 : vector<1x16xf32> to vector<16xf32>
      %swap3A_2890 = arith.constant 10 : i32
      %swap3A_2891 = arith.index_cast %swap3A_2890 : i32 to index
      %swap3A_2892 = arith.constant 0 : index
      %swap3A_2893 = tpu.vector_load %arg18[%swap3A_2891, %swap3A_2892] {strides = array<i32>} : memref<64x128xf32, #tpu.memory_space<vmem>>, vector<1x16xf32>,
      %swap3A_2894 = vector.shape_cast %swap3A_2893 : vector<1x16xf32> to vector<16xf32>
      %swap3A_2895 = vector.shape_cast %get3A_2889 : vector<16xf32> to vector<1x16xf32>
      tpu.vector_store %arg18[%swap3A_2891, %swap3A_2892], %swap3A_2895 {strides = array<i32>} : memref<64x128xf32, #tpu.memory_space<vmem>>, vector<1x16xf32>,
      %get3A_2896 = arith.constant 1 : i32
      %get3A_2897 = arith.index_cast %get3A_2896 : i32 to index
      %get3A_2898 = arith.constant 48 : index
      %get3A_2899 = tpu.vector_load %arg17[%get3A_2897, %get3A_2898] {strides = array<i32>} : memref<8x128xf32, #tpu.memory_space<vmem>>, vector<1x16xf32>,
      %get3A_2900 = vector.shape_cast %get3A_2899 : vector<1x16xf32> to vector<16xf32>
      %swap3A_2901 = arith.constant 11 : i32
      %swap3A_2902 = arith.index_cast %swap3A_2901 : i32 to index
      %swap3A_2903 = arith.constant 0 : index
      %swap3A_2904 = tpu.vector_load %arg18[%swap3A_2902, %swap3A_2903] {strides = array<i32>} : memref<64x128xf32, #tpu.memory_space<vmem>>, vector<1x16xf32>,
      %swap3A_2905 = vector.shape_cast %swap3A_2904 : vector<1x16xf32> to vector<16xf32>
      %swap3A_2906 = vector.shape_cast %get3A_2900 : vector<16xf32> to vector<1x16xf32>
      tpu.vector_store %arg18[%swap3A_2902, %swap3A_2903], %swap3A_2906 {strides = array<i32>} : memref<64x128xf32, #tpu.memory_space<vmem>>, vector<1x16xf32>,
      %get3A_2907 = arith.constant 1 : i32
      %get3A_2908 = arith.index_cast %get3A_2907 : i32 to index
      %get3A_2909 = arith.constant 64 : index
      %get3A_2910 = tpu.vector_load %arg17[%get3A_2908, %get3A_2909] {strides = array<i32>} : memref<8x128xf32, #tpu.memory_space<vmem>>, vector<1x16xf32>,
      %get3A_2911 = vector.shape_cast %get3A_2910 : vector<1x16xf32> to vector<16xf32>
      %swap3A_2912 = arith.constant 12 : i32
      %swap3A_2913 = arith.index_cast %swap3A_2912 : i32 to index
      %swap3A_2914 = arith.constant 0 : index
      %swap3A_2915 = tpu.vector_load %arg18[%swap3A_2913, %swap3A_2914] {strides = array<i32>} : memref<64x128xf32, #tpu.memory_space<vmem>>, vector<1x16xf32>,
      %swap3A_2916 = vector.shape_cast %swap3A_2915 : vector<1x16xf32> to vector<16xf32>
      %swap3A_2917 = vector.shape_cast %get3A_2911 : vector<16xf32> to vector<1x16xf32>
      tpu.vector_store %arg18[%swap3A_2913, %swap3A_2914], %swap3A_2917 {strides = array<i32>} : memref<64x128xf32, #tpu.memory_space<vmem>>, vector<1x16xf32>,
      %get3A_2918 = arith.constant 1 : i32
      %get3A_2919 = arith.index_cast %get3A_2918 : i32 to index
      %get3A_2920 = arith.constant 80 : index
      %get3A_2921 = tpu.vector_load %arg17[%get3A_2919, %get3A_2920] {strides = array<i32>} : memref<8x128xf32, #tpu.memory_space<vmem>>, vector<1x16xf32>,
      %get3A_2922 = vector.shape_cast %get3A_2921 : vector<1x16xf32> to vector<16xf32>
      %swap3A_2923 = arith.constant 13 : i32
      %swap3A_2924 = arith.index_cast %swap3A_2923 : i32 to index
      %swap3A_2925 = arith.constant 0 : index
      %swap3A_2926 = tpu.vector_load %arg18[%swap3A_2924, %swap3A_2925] {strides = array<i32>} : memref<64x128xf32, #tpu.memory_space<vmem>>, vector<1x16xf32>,
      %swap3A_2927 = vector.shape_cast %swap3A_2926 : vector<1x16xf32> to vector<16xf32>
      %swap3A_2928 = vector.shape_cast %get3A_2922 : vector<16xf32> to vector<1x16xf32>
      tpu.vector_store %arg18[%swap3A_2924, %swap3A_2925], %swap3A_2928 {strides = array<i32>} : memref<64x128xf32, #tpu.memory_space<vmem>>, vector<1x16xf32>,
      %get3A_2929 = arith.constant 1 : i32
      %get3A_2930 = arith.index_cast %get3A_2929 : i32 to index
      %get3A_2931 = arith.constant 96 : index
      %get3A_2932 = tpu.vector_load %arg17[%get3A_2930, %get3A_2931] {strides = array<i32>} : memref<8x128xf32, #tpu.memory_space<vmem>>, vector<1x16xf32>,
      %get3A_2933 = vector.shape_cast %get3A_2932 : vector<1x16xf32> to vector<16xf32>
      %swap3A_2934 = arith.constant 14 : i32
      %swap3A_2935 = arith.index_cast %swap3A_2934 : i32 to index
      %swap3A_2936 = arith.constant 0 : index
      %swap3A_2937 = tpu.vector_load %arg18[%swap3A_2935, %swap3A_2936] {strides = array<i32>} : memref<64x128xf32, #tpu.memory_space<vmem>>, vector<1x16xf32>,
      %swap3A_2938 = vector.shape_cast %swap3A_2937 : vector<1x16xf32> to vector<16xf32>
      %swap3A_2939 = vector.shape_cast %get3A_2933 : vector<16xf32> to vector<1x16xf32>
      tpu.vector_store %arg18[%swap3A_2935, %swap3A_2936], %swap3A_2939 {strides = array<i32>} : memref<64x128xf32, #tpu.memory_space<vmem>>, vector<1x16xf32>,
      %get3A_2940 = arith.constant 1 : i32
      %get3A_2941 = arith.index_cast %get3A_2940 : i32 to index
      %get3A_2942 = arith.constant 112 : index
      %get3A_2943 = tpu.vector_load %arg17[%get3A_2941, %get3A_2942] {strides = array<i32>} : memref<8x128xf32, #tpu.memory_space<vmem>>, vector<1x16xf32>,
      %get3A_2944 = vector.shape_cast %get3A_2943 : vector<1x16xf32> to vector<16xf32>
      %swap3A_2945 = arith.constant 15 : i32
      %swap3A_2946 = arith.index_cast %swap3A_2945 : i32 to index
      %swap3A_2947 = arith.constant 0 : index
      %swap3A_2948 = tpu.vector_load %arg18[%swap3A_2946, %swap3A_2947] {strides = array<i32>} : memref<64x128xf32, #tpu.memory_space<vmem>>, vector<1x16xf32>,
      %swap3A_2949 = vector.shape_cast %swap3A_2948 : vector<1x16xf32> to vector<16xf32>
      %swap3A_2950 = vector.shape_cast %get3A_2944 : vector<16xf32> to vector<1x16xf32>
      tpu.vector_store %arg18[%swap3A_2946, %swap3A_2947], %swap3A_2950 {strides = array<i32>} : memref<64x128xf32, #tpu.memory_space<vmem>>, vector<1x16xf32>,
      %get3A_2951 = arith.constant 2 : i32
      %get3A_2952 = arith.index_cast %get3A_2951 : i32 to index
      %get3A_2953 = arith.constant 0 : index
      %get3A_2954 = tpu.vector_load %arg17[%get3A_2952, %get3A_2953] {strides = array<i32>} : memref<8x128xf32, #tpu.memory_space<vmem>>, vector<1x16xf32>,
      %get3A_2955 = vector.shape_cast %get3A_2954 : vector<1x16xf32> to vector<16xf32>
      %swap3A_2956 = arith.constant 16 : i32
      %swap3A_2957 = arith.index_cast %swap3A_2956 : i32 to index
      %swap3A_2958 = arith.constant 0 : index
      %swap3A_2959 = tpu.vector_load %arg18[%swap3A_2957, %swap3A_2958] {strides = array<i32>} : memref<64x128xf32, #tpu.memory_space<vmem>>, vector<1x16xf32>,
      %swap3A_2960 = vector.shape_cast %swap3A_2959 : vector<1x16xf32> to vector<16xf32>
      %swap3A_2961 = vector.shape_cast %get3A_2955 : vector<16xf32> to vector<1x16xf32>
      tpu.vector_store %arg18[%swap3A_2957, %swap3A_2958], %swap3A_2961 {strides = array<i32>} : memref<64x128xf32, #tpu.memory_space<vmem>>, vector<1x16xf32>,
      %get3A_2962 = arith.constant 2 : i32
      %get3A_2963 = arith.index_cast %get3A_2962 : i32 to index
      %get3A_2964 = arith.constant 16 : index
      %get3A_2965 = tpu.vector_load %arg17[%get3A_2963, %get3A_2964] {strides = array<i32>} : memref<8x128xf32, #tpu.memory_space<vmem>>, vector<1x16xf32>,
      %get3A_2966 = vector.shape_cast %get3A_2965 : vector<1x16xf32> to vector<16xf32>
      %swap3A_2967 = arith.constant 17 : i32
      %swap3A_2968 = arith.index_cast %swap3A_2967 : i32 to index
      %swap3A_2969 = arith.constant 0 : index
      %swap3A_2970 = tpu.vector_load %arg18[%swap3A_2968, %swap3A_2969] {strides = array<i32>} : memref<64x128xf32, #tpu.memory_space<vmem>>, vector<1x16xf32>,
      %swap3A_2971 = vector.shape_cast %swap3A_2970 : vector<1x16xf32> to vector<16xf32>
      %swap3A_2972 = vector.shape_cast %get3A_2966 : vector<16xf32> to vector<1x16xf32>
      tpu.vector_store %arg18[%swap3A_2968, %swap3A_2969], %swap3A_2972 {strides = array<i32>} : memref<64x128xf32, #tpu.memory_space<vmem>>, vector<1x16xf32>,
      %get3A_2973 = arith.constant 2 : i32
      %get3A_2974 = arith.index_cast %get3A_2973 : i32 to index
      %get3A_2975 = arith.constant 32 : index
      %get3A_2976 = tpu.vector_load %arg17[%get3A_2974, %get3A_2975] {strides = array<i32>} : memref<8x128xf32, #tpu.memory_space<vmem>>, vector<1x16xf32>,
      %get3A_2977 = vector.shape_cast %get3A_2976 : vector<1x16xf32> to vector<16xf32>
      %swap3A_2978 = arith.constant 18 : i32
      %swap3A_2979 = arith.index_cast %swap3A_2978 : i32 to index
      %swap3A_2980 = arith.constant 0 : index
      %swap3A_2981 = tpu.vector_load %arg18[%swap3A_2979, %swap3A_2980] {strides = array<i32>} : memref<64x128xf32, #tpu.memory_space<vmem>>, vector<1x16xf32>,
      %swap3A_2982 = vector.shape_cast %swap3A_2981 : vector<1x16xf32> to vector<16xf32>
      %swap3A_2983 = vector.shape_cast %get3A_2977 : vector<16xf32> to vector<1x16xf32>
      tpu.vector_store %arg18[%swap3A_2979, %swap3A_2980], %swap3A_2983 {strides = array<i32>} : memref<64x128xf32, #tpu.memory_space<vmem>>, vector<1x16xf32>,
      %get3A_2984 = arith.constant 2 : i32
      %get3A_2985 = arith.index_cast %get3A_2984 : i32 to index
      %get3A_2986 = arith.constant 48 : index
      %get3A_2987 = tpu.vector_load %arg17[%get3A_2985, %get3A_2986] {strides = array<i32>} : memref<8x128xf32, #tpu.memory_space<vmem>>, vector<1x16xf32>,
      %get3A_2988 = vector.shape_cast %get3A_2987 : vector<1x16xf32> to vector<16xf32>
      %swap3A_2989 = arith.constant 19 : i32
      %swap3A_2990 = arith.index_cast %swap3A_2989 : i32 to index
      %swap3A_2991 = arith.constant 0 : index
      %swap3A_2992 = tpu.vector_load %arg18[%swap3A_2990, %swap3A_2991] {strides = array<i32>} : memref<64x128xf32, #tpu.memory_space<vmem>>, vector<1x16xf32>,
      %swap3A_2993 = vector.shape_cast %swap3A_2992 : vector<1x16xf32> to vector<16xf32>
      %swap3A_2994 = vector.shape_cast %get3A_2988 : vector<16xf32> to vector<1x16xf32>
      tpu.vector_store %arg18[%swap3A_2990, %swap3A_2991], %swap3A_2994 {strides = array<i32>} : memref<64x128xf32, #tpu.memory_space<vmem>>, vector<1x16xf32>,
      %get3A_2995 = arith.constant 2 : i32
      %get3A_2996 = arith.index_cast %get3A_2995 : i32 to index
      %get3A_2997 = arith.constant 64 : index
      %get3A_2998 = tpu.vector_load %arg17[%get3A_2996, %get3A_2997] {strides = array<i32>} : memref<8x128xf32, #tpu.memory_space<vmem>>, vector<1x16xf32>,
      %get3A_2999 = vector.shape_cast %get3A_2998 : vector<1x16xf32> to vector<16xf32>
      %swap3A_3000 = arith.constant 20 : i32
      %swap3A_3001 = arith.index_cast %swap3A_3000 : i32 to index
      %swap3A_3002 = arith.constant 0 : index
      %swap3A_3003 = tpu.vector_load %arg18[%swap3A_3001, %swap3A_3002] {strides = array<i32>} : memref<64x128xf32, #tpu.memory_space<vmem>>, vector<1x16xf32>,
      %swap3A_3004 = vector.shape_cast %swap3A_3003 : vector<1x16xf32> to vector<16xf32>
      %swap3A_3005 = vector.shape_cast %get3A_2999 : vector<16xf32> to vector<1x16xf32>
      tpu.vector_store %arg18[%swap3A_3001, %swap3A_3002], %swap3A_3005 {strides = array<i32>} : memref<64x128xf32, #tpu.memory_space<vmem>>, vector<1x16xf32>,
      %get3A_3006 = arith.constant 2 : i32
      %get3A_3007 = arith.index_cast %get3A_3006 : i32 to index
      %get3A_3008 = arith.constant 80 : index
      %get3A_3009 = tpu.vector_load %arg17[%get3A_3007, %get3A_3008] {strides = array<i32>} : memref<8x128xf32, #tpu.memory_space<vmem>>, vector<1x16xf32>,
      %get3A_3010 = vector.shape_cast %get3A_3009 : vector<1x16xf32> to vector<16xf32>
      %swap3A_3011 = arith.constant 21 : i32
      %swap3A_3012 = arith.index_cast %swap3A_3011 : i32 to index
      %swap3A_3013 = arith.constant 0 : index
      %swap3A_3014 = tpu.vector_load %arg18[%swap3A_3012, %swap3A_3013] {strides = array<i32>} : memref<64x128xf32, #tpu.memory_space<vmem>>, vector<1x16xf32>,
      %swap3A_3015 = vector.shape_cast %swap3A_3014 : vector<1x16xf32> to vector<16xf32>
      %swap3A_3016 = vector.shape_cast %get3A_3010 : vector<16xf32> to vector<1x16xf32>
      tpu.vector_store %arg18[%swap3A_3012, %swap3A_3013], %swap3A_3016 {strides = array<i32>} : memref<64x128xf32, #tpu.memory_space<vmem>>, vector<1x16xf32>,
      %get3A_3017 = arith.constant 2 : i32
      %get3A_3018 = arith.index_cast %get3A_3017 : i32 to index
      %get3A_3019 = arith.constant 96 : index
      %get3A_3020 = tpu.vector_load %arg17[%get3A_3018, %get3A_3019] {strides = array<i32>} : memref<8x128xf32, #tpu.memory_space<vmem>>, vector<1x16xf32>,
      %get3A_3021 = vector.shape_cast %get3A_3020 : vector<1x16xf32> to vector<16xf32>
      %swap3A_3022 = arith.constant 22 : i32
      %swap3A_3023 = arith.index_cast %swap3A_3022 : i32 to index
      %swap3A_3024 = arith.constant 0 : index
      %swap3A_3025 = tpu.vector_load %arg18[%swap3A_3023, %swap3A_3024] {strides = array<i32>} : memref<64x128xf32, #tpu.memory_space<vmem>>, vector<1x16xf32>,
      %swap3A_3026 = vector.shape_cast %swap3A_3025 : vector<1x16xf32> to vector<16xf32>
      %swap3A_3027 = vector.shape_cast %get3A_3021 : vector<16xf32> to vector<1x16xf32>
      tpu.vector_store %arg18[%swap3A_3023, %swap3A_3024], %swap3A_3027 {strides = array<i32>} : memref<64x128xf32, #tpu.memory_space<vmem>>, vector<1x16xf32>,
      %get3A_3028 = arith.constant 2 : i32
      %get3A_3029 = arith.index_cast %get3A_3028 : i32 to index
      %get3A_3030 = arith.constant 112 : index
      %get3A_3031 = tpu.vector_load %arg17[%get3A_3029, %get3A_3030] {strides = array<i32>} : memref<8x128xf32, #tpu.memory_space<vmem>>, vector<1x16xf32>,
      %get3A_3032 = vector.shape_cast %get3A_3031 : vector<1x16xf32> to vector<16xf32>
      %swap3A_3033 = arith.constant 23 : i32
      %swap3A_3034 = arith.index_cast %swap3A_3033 : i32 to index
      %swap3A_3035 = arith.constant 0 : index
      %swap3A_3036 = tpu.vector_load %arg18[%swap3A_3034, %swap3A_3035] {strides = array<i32>} : memref<64x128xf32, #tpu.memory_space<vmem>>, vector<1x16xf32>,
      %swap3A_3037 = vector.shape_cast %swap3A_3036 : vector<1x16xf32> to vector<16xf32>
      %swap3A_3038 = vector.shape_cast %get3A_3032 : vector<16xf32> to vector<1x16xf32>
      tpu.vector_store %arg18[%swap3A_3034, %swap3A_3035], %swap3A_3038 {strides = array<i32>} : memref<64x128xf32, #tpu.memory_space<vmem>>, vector<1x16xf32>,
      %get3A_3039 = arith.constant 3 : i32
      %get3A_3040 = arith.index_cast %get3A_3039 : i32 to index
      %get3A_3041 = arith.constant 0 : index
      %get3A_3042 = tpu.vector_load %arg17[%get3A_3040, %get3A_3041] {strides = array<i32>} : memref<8x128xf32, #tpu.memory_space<vmem>>, vector<1x16xf32>,
      %get3A_3043 = vector.shape_cast %get3A_3042 : vector<1x16xf32> to vector<16xf32>
      %swap3A_3044 = arith.constant 24 : i32
      %swap3A_3045 = arith.index_cast %swap3A_3044 : i32 to index
      %swap3A_3046 = arith.constant 0 : index
      %swap3A_3047 = tpu.vector_load %arg18[%swap3A_3045, %swap3A_3046] {strides = array<i32>} : memref<64x128xf32, #tpu.memory_space<vmem>>, vector<1x16xf32>,
      %swap3A_3048 = vector.shape_cast %swap3A_3047 : vector<1x16xf32> to vector<16xf32>
      %swap3A_3049 = vector.shape_cast %get3A_3043 : vector<16xf32> to vector<1x16xf32>
      tpu.vector_store %arg18[%swap3A_3045, %swap3A_3046], %swap3A_3049 {strides = array<i32>} : memref<64x128xf32, #tpu.memory_space<vmem>>, vector<1x16xf32>,
      %get3A_3050 = arith.constant 3 : i32
      %get3A_3051 = arith.index_cast %get3A_3050 : i32 to index
      %get3A_3052 = arith.constant 16 : index
      %get3A_3053 = tpu.vector_load %arg17[%get3A_3051, %get3A_3052] {strides = array<i32>} : memref<8x128xf32, #tpu.memory_space<vmem>>, vector<1x16xf32>,
      %get3A_3054 = vector.shape_cast %get3A_3053 : vector<1x16xf32> to vector<16xf32>
      %swap3A_3055 = arith.constant 25 : i32
      %swap3A_3056 = arith.index_cast %swap3A_3055 : i32 to index
      %swap3A_3057 = arith.constant 0 : index
      %swap3A_3058 = tpu.vector_load %arg18[%swap3A_3056, %swap3A_3057] {strides = array<i32>} : memref<64x128xf32, #tpu.memory_space<vmem>>, vector<1x16xf32>,
      %swap3A_3059 = vector.shape_cast %swap3A_3058 : vector<1x16xf32> to vector<16xf32>
      %swap3A_3060 = vector.shape_cast %get3A_3054 : vector<16xf32> to vector<1x16xf32>
      tpu.vector_store %arg18[%swap3A_3056, %swap3A_3057], %swap3A_3060 {strides = array<i32>} : memref<64x128xf32, #tpu.memory_space<vmem>>, vector<1x16xf32>,
      %get3A_3061 = arith.constant 3 : i32
      %get3A_3062 = arith.index_cast %get3A_3061 : i32 to index
      %get3A_3063 = arith.constant 32 : index
      %get3A_3064 = tpu.vector_load %arg17[%get3A_3062, %get3A_3063] {strides = array<i32>} : memref<8x128xf32, #tpu.memory_space<vmem>>, vector<1x16xf32>,
      %get3A_3065 = vector.shape_cast %get3A_3064 : vector<1x16xf32> to vector<16xf32>
      %swap3A_3066 = arith.constant 26 : i32
      %swap3A_3067 = arith.index_cast %swap3A_3066 : i32 to index
      %swap3A_3068 = arith.constant 0 : index
      %swap3A_3069 = tpu.vector_load %arg18[%swap3A_3067, %swap3A_3068] {strides = array<i32>} : memref<64x128xf32, #tpu.memory_space<vmem>>, vector<1x16xf32>,
      %swap3A_3070 = vector.shape_cast %swap3A_3069 : vector<1x16xf32> to vector<16xf32>
      %swap3A_3071 = vector.shape_cast %get3A_3065 : vector<16xf32> to vector<1x16xf32>
      tpu.vector_store %arg18[%swap3A_3067, %swap3A_3068], %swap3A_3071 {strides = array<i32>} : memref<64x128xf32, #tpu.memory_space<vmem>>, vector<1x16xf32>,
      %get3A_3072 = arith.constant 3 : i32
      %get3A_3073 = arith.index_cast %get3A_3072 : i32 to index
      %get3A_3074 = arith.constant 48 : index
      %get3A_3075 = tpu.vector_load %arg17[%get3A_3073, %get3A_3074] {strides = array<i32>} : memref<8x128xf32, #tpu.memory_space<vmem>>, vector<1x16xf32>,
      %get3A_3076 = vector.shape_cast %get3A_3075 : vector<1x16xf32> to vector<16xf32>
      %swap3A_3077 = arith.constant 27 : i32
      %swap3A_3078 = arith.index_cast %swap3A_3077 : i32 to index
      %swap3A_3079 = arith.constant 0 : index
      %swap3A_3080 = tpu.vector_load %arg18[%swap3A_3078, %swap3A_3079] {strides = array<i32>} : memref<64x128xf32, #tpu.memory_space<vmem>>, vector<1x16xf32>,
      %swap3A_3081 = vector.shape_cast %swap3A_3080 : vector<1x16xf32> to vector<16xf32>
      %swap3A_3082 = vector.shape_cast %get3A_3076 : vector<16xf32> to vector<1x16xf32>
      tpu.vector_store %arg18[%swap3A_3078, %swap3A_3079], %swap3A_3082 {strides = array<i32>} : memref<64x128xf32, #tpu.memory_space<vmem>>, vector<1x16xf32>,
      %get3A_3083 = arith.constant 3 : i32
      %get3A_3084 = arith.index_cast %get3A_3083 : i32 to index
      %get3A_3085 = arith.constant 64 : index
      %get3A_3086 = tpu.vector_load %arg17[%get3A_3084, %get3A_3085] {strides = array<i32>} : memref<8x128xf32, #tpu.memory_space<vmem>>, vector<1x16xf32>,
      %get3A_3087 = vector.shape_cast %get3A_3086 : vector<1x16xf32> to vector<16xf32>
      %swap3A_3088 = arith.constant 28 : i32
      %swap3A_3089 = arith.index_cast %swap3A_3088 : i32 to index
      %swap3A_3090 = arith.constant 0 : index
      %swap3A_3091 = tpu.vector_load %arg18[%swap3A_3089, %swap3A_3090] {strides = array<i32>} : memref<64x128xf32, #tpu.memory_space<vmem>>, vector<1x16xf32>,
      %swap3A_3092 = vector.shape_cast %swap3A_3091 : vector<1x16xf32> to vector<16xf32>
      %swap3A_3093 = vector.shape_cast %get3A_3087 : vector<16xf32> to vector<1x16xf32>
      tpu.vector_store %arg18[%swap3A_3089, %swap3A_3090], %swap3A_3093 {strides = array<i32>} : memref<64x128xf32, #tpu.memory_space<vmem>>, vector<1x16xf32>,
      %get3A_3094 = arith.constant 3 : i32
      %get3A_3095 = arith.index_cast %get3A_3094 : i32 to index
      %get3A_3096 = arith.constant 80 : index
      %get3A_3097 = tpu.vector_load %arg17[%get3A_3095, %get3A_3096] {strides = array<i32>} : memref<8x128xf32, #tpu.memory_space<vmem>>, vector<1x16xf32>,
      %get3A_3098 = vector.shape_cast %get3A_3097 : vector<1x16xf32> to vector<16xf32>
      %swap3A_3099 = arith.constant 29 : i32
      %swap3A_3100 = arith.index_cast %swap3A_3099 : i32 to index
      %swap3A_3101 = arith.constant 0 : index
      %swap3A_3102 = tpu.vector_load %arg18[%swap3A_3100, %swap3A_3101] {strides = array<i32>} : memref<64x128xf32, #tpu.memory_space<vmem>>, vector<1x16xf32>,
      %swap3A_3103 = vector.shape_cast %swap3A_3102 : vector<1x16xf32> to vector<16xf32>
      %swap3A_3104 = vector.shape_cast %get3A_3098 : vector<16xf32> to vector<1x16xf32>
      tpu.vector_store %arg18[%swap3A_3100, %swap3A_3101], %swap3A_3104 {strides = array<i32>} : memref<64x128xf32, #tpu.memory_space<vmem>>, vector<1x16xf32>,
      %get3A_3105 = arith.constant 3 : i32
      %get3A_3106 = arith.index_cast %get3A_3105 : i32 to index
      %get3A_3107 = arith.constant 96 : index
      %get3A_3108 = tpu.vector_load %arg17[%get3A_3106, %get3A_3107] {strides = array<i32>} : memref<8x128xf32, #tpu.memory_space<vmem>>, vector<1x16xf32>,
      %get3A_3109 = vector.shape_cast %get3A_3108 : vector<1x16xf32> to vector<16xf32>
      %swap3A_3110 = arith.constant 30 : i32
      %swap3A_3111 = arith.index_cast %swap3A_3110 : i32 to index
      %swap3A_3112 = arith.constant 0 : index
      %swap3A_3113 = tpu.vector_load %arg18[%swap3A_3111, %swap3A_3112] {strides = array<i32>} : memref<64x128xf32, #tpu.memory_space<vmem>>, vector<1x16xf32>,
      %swap3A_3114 = vector.shape_cast %swap3A_3113 : vector<1x16xf32> to vector<16xf32>
      %swap3A_3115 = vector.shape_cast %get3A_3109 : vector<16xf32> to vector<1x16xf32>
      tpu.vector_store %arg18[%swap3A_3111, %swap3A_3112], %swap3A_3115 {strides = array<i32>} : memref<64x128xf32, #tpu.memory_space<vmem>>, vector<1x16xf32>,
      %get3A_3116 = arith.constant 3 : i32
      %get3A_3117 = arith.index_cast %get3A_3116 : i32 to index
      %get3A_3118 = arith.constant 112 : index
      %get3A_3119 = tpu.vector_load %arg17[%get3A_3117, %get3A_3118] {strides = array<i32>} : memref<8x128xf32, #tpu.memory_space<vmem>>, vector<1x16xf32>,
      %get3A_3120 = vector.shape_cast %get3A_3119 : vector<1x16xf32> to vector<16xf32>
      %swap3A_3121 = arith.constant 31 : i32
      %swap3A_3122 = arith.index_cast %swap3A_3121 : i32 to index
      %swap3A_3123 = arith.constant 0 : index
      %swap3A_3124 = tpu.vector_load %arg18[%swap3A_3122, %swap3A_3123] {strides = array<i32>} : memref<64x128xf32, #tpu.memory_space<vmem>>, vector<1x16xf32>,
      %swap3A_3125 = vector.shape_cast %swap3A_3124 : vector<1x16xf32> to vector<16xf32>
      %swap3A_3126 = vector.shape_cast %get3A_3120 : vector<16xf32> to vector<1x16xf32>
      tpu.vector_store %arg18[%swap3A_3122, %swap3A_3123], %swap3A_3126 {strides = array<i32>} : memref<64x128xf32, #tpu.memory_space<vmem>>, vector<1x16xf32>,
      %get3A_3127 = arith.constant 4 : i32
      %get3A_3128 = arith.index_cast %get3A_3127 : i32 to index
      %get3A_3129 = arith.constant 0 : index
      %get3A_3130 = tpu.vector_load %arg17[%get3A_3128, %get3A_3129] {strides = array<i32>} : memref<8x128xf32, #tpu.memory_space<vmem>>, vector<1x16xf32>,
      %get3A_3131 = vector.shape_cast %get3A_3130 : vector<1x16xf32> to vector<16xf32>
      %swap3A_3132 = arith.constant 32 : i32
      %swap3A_3133 = arith.index_cast %swap3A_3132 : i32 to index
      %swap3A_3134 = arith.constant 0 : index
      %swap3A_3135 = tpu.vector_load %arg18[%swap3A_3133, %swap3A_3134] {strides = array<i32>} : memref<64x128xf32, #tpu.memory_space<vmem>>, vector<1x16xf32>,
      %swap3A_3136 = vector.shape_cast %swap3A_3135 : vector<1x16xf32> to vector<16xf32>
      %swap3A_3137 = vector.shape_cast %get3A_3131 : vector<16xf32> to vector<1x16xf32>
      tpu.vector_store %arg18[%swap3A_3133, %swap3A_3134], %swap3A_3137 {strides = array<i32>} : memref<64x128xf32, #tpu.memory_space<vmem>>, vector<1x16xf32>,
      %get3A_3138 = arith.constant 4 : i32
      %get3A_3139 = arith.index_cast %get3A_3138 : i32 to index
      %get3A_3140 = arith.constant 16 : index
      %get3A_3141 = tpu.vector_load %arg17[%get3A_3139, %get3A_3140] {strides = array<i32>} : memref<8x128xf32, #tpu.memory_space<vmem>>, vector<1x16xf32>,
      %get3A_3142 = vector.shape_cast %get3A_3141 : vector<1x16xf32> to vector<16xf32>
      %swap3A_3143 = arith.constant 33 : i32
      %swap3A_3144 = arith.index_cast %swap3A_3143 : i32 to index
      %swap3A_3145 = arith.constant 0 : index
      %swap3A_3146 = tpu.vector_load %arg18[%swap3A_3144, %swap3A_3145] {strides = array<i32>} : memref<64x128xf32, #tpu.memory_space<vmem>>, vector<1x16xf32>,
      %swap3A_3147 = vector.shape_cast %swap3A_3146 : vector<1x16xf32> to vector<16xf32>
      %swap3A_3148 = vector.shape_cast %get3A_3142 : vector<16xf32> to vector<1x16xf32>
      tpu.vector_store %arg18[%swap3A_3144, %swap3A_3145], %swap3A_3148 {strides = array<i32>} : memref<64x128xf32, #tpu.memory_space<vmem>>, vector<1x16xf32>,
      %get3A_3149 = arith.constant 4 : i32
      %get3A_3150 = arith.index_cast %get3A_3149 : i32 to index
      %get3A_3151 = arith.constant 32 : index
      %get3A_3152 = tpu.vector_load %arg17[%get3A_3150, %get3A_3151] {strides = array<i32>} : memref<8x128xf32, #tpu.memory_space<vmem>>, vector<1x16xf32>,
      %get3A_3153 = vector.shape_cast %get3A_3152 : vector<1x16xf32> to vector<16xf32>
      %swap3A_3154 = arith.constant 34 : i32
      %swap3A_3155 = arith.index_cast %swap3A_3154 : i32 to index
      %swap3A_3156 = arith.constant 0 : index
      %swap3A_3157 = tpu.vector_load %arg18[%swap3A_3155, %swap3A_3156] {strides = array<i32>} : memref<64x128xf32, #tpu.memory_space<vmem>>, vector<1x16xf32>,
      %swap3A_3158 = vector.shape_cast %swap3A_3157 : vector<1x16xf32> to vector<16xf32>
      %swap3A_3159 = vector.shape_cast %get3A_3153 : vector<16xf32> to vector<1x16xf32>
      tpu.vector_store %arg18[%swap3A_3155, %swap3A_3156], %swap3A_3159 {strides = array<i32>} : memref<64x128xf32, #tpu.memory_space<vmem>>, vector<1x16xf32>,
      %get3A_3160 = arith.constant 4 : i32
      %get3A_3161 = arith.index_cast %get3A_3160 : i32 to index
      %get3A_3162 = arith.constant 48 : index
      %get3A_3163 = tpu.vector_load %arg17[%get3A_3161, %get3A_3162] {strides = array<i32>} : memref<8x128xf32, #tpu.memory_space<vmem>>, vector<1x16xf32>,
      %get3A_3164 = vector.shape_cast %get3A_3163 : vector<1x16xf32> to vector<16xf32>
      %swap3A_3165 = arith.constant 35 : i32
      %swap3A_3166 = arith.index_cast %swap3A_3165 : i32 to index
      %swap3A_3167 = arith.constant 0 : index
      %swap3A_3168 = tpu.vector_load %arg18[%swap3A_3166, %swap3A_3167] {strides = array<i32>} : memref<64x128xf32, #tpu.memory_space<vmem>>, vector<1x16xf32>,
      %swap3A_3169 = vector.shape_cast %swap3A_3168 : vector<1x16xf32> to vector<16xf32>
      %swap3A_3170 = vector.shape_cast %get3A_3164 : vector<16xf32> to vector<1x16xf32>
      tpu.vector_store %arg18[%swap3A_3166, %swap3A_3167], %swap3A_3170 {strides = array<i32>} : memref<64x128xf32, #tpu.memory_space<vmem>>, vector<1x16xf32>,
      %get3A_3171 = arith.constant 4 : i32
      %get3A_3172 = arith.index_cast %get3A_3171 : i32 to index
      %get3A_3173 = arith.constant 64 : index
      %get3A_3174 = tpu.vector_load %arg17[%get3A_3172, %get3A_3173] {strides = array<i32>} : memref<8x128xf32, #tpu.memory_space<vmem>>, vector<1x16xf32>,
      %get3A_3175 = vector.shape_cast %get3A_3174 : vector<1x16xf32> to vector<16xf32>
      %swap3A_3176 = arith.constant 36 : i32
      %swap3A_3177 = arith.index_cast %swap3A_3176 : i32 to index
      %swap3A_3178 = arith.constant 0 : index
      %swap3A_3179 = tpu.vector_load %arg18[%swap3A_3177, %swap3A_3178] {strides = array<i32>} : memref<64x128xf32, #tpu.memory_space<vmem>>, vector<1x16xf32>,
      %swap3A_3180 = vector.shape_cast %swap3A_3179 : vector<1x16xf32> to vector<16xf32>
      %swap3A_3181 = vector.shape_cast %get3A_3175 : vector<16xf32> to vector<1x16xf32>
      tpu.vector_store %arg18[%swap3A_3177, %swap3A_3178], %swap3A_3181 {strides = array<i32>} : memref<64x128xf32, #tpu.memory_space<vmem>>, vector<1x16xf32>,
      %get3A_3182 = arith.constant 4 : i32
      %get3A_3183 = arith.index_cast %get3A_3182 : i32 to index
      %get3A_3184 = arith.constant 80 : index
      %get3A_3185 = tpu.vector_load %arg17[%get3A_3183, %get3A_3184] {strides = array<i32>} : memref<8x128xf32, #tpu.memory_space<vmem>>, vector<1x16xf32>,
      %get3A_3186 = vector.shape_cast %get3A_3185 : vector<1x16xf32> to vector<16xf32>
      %swap3A_3187 = arith.constant 37 : i32
      %swap3A_3188 = arith.index_cast %swap3A_3187 : i32 to index
      %swap3A_3189 = arith.constant 0 : index
      %swap3A_3190 = tpu.vector_load %arg18[%swap3A_3188, %swap3A_3189] {strides = array<i32>} : memref<64x128xf32, #tpu.memory_space<vmem>>, vector<1x16xf32>,
      %swap3A_3191 = vector.shape_cast %swap3A_3190 : vector<1x16xf32> to vector<16xf32>
      %swap3A_3192 = vector.shape_cast %get3A_3186 : vector<16xf32> to vector<1x16xf32>
      tpu.vector_store %arg18[%swap3A_3188, %swap3A_3189], %swap3A_3192 {strides = array<i32>} : memref<64x128xf32, #tpu.memory_space<vmem>>, vector<1x16xf32>,
      %get3A_3193 = arith.constant 4 : i32
      %get3A_3194 = arith.index_cast %get3A_3193 : i32 to index
      %get3A_3195 = arith.constant 96 : index
      %get3A_3196 = tpu.vector_load %arg17[%get3A_3194, %get3A_3195] {strides = array<i32>} : memref<8x128xf32, #tpu.memory_space<vmem>>, vector<1x16xf32>,
      %get3A_3197 = vector.shape_cast %get3A_3196 : vector<1x16xf32> to vector<16xf32>
      %swap3A_3198 = arith.constant 38 : i32
      %swap3A_3199 = arith.index_cast %swap3A_3198 : i32 to index
      %swap3A_3200 = arith.constant 0 : index
      %swap3A_3201 = tpu.vector_load %arg18[%swap3A_3199, %swap3A_3200] {strides = array<i32>} : memref<64x128xf32, #tpu.memory_space<vmem>>, vector<1x16xf32>,
      %swap3A_3202 = vector.shape_cast %swap3A_3201 : vector<1x16xf32> to vector<16xf32>
      %swap3A_3203 = vector.shape_cast %get3A_3197 : vector<16xf32> to vector<1x16xf32>
      tpu.vector_store %arg18[%swap3A_3199, %swap3A_3200], %swap3A_3203 {strides = array<i32>} : memref<64x128xf32, #tpu.memory_space<vmem>>, vector<1x16xf32>,
      %get3A_3204 = arith.constant 4 : i32
      %get3A_3205 = arith.index_cast %get3A_3204 : i32 to index
      %get3A_3206 = arith.constant 112 : index
      %get3A_3207 = tpu.vector_load %arg17[%get3A_3205, %get3A_3206] {strides = array<i32>} : memref<8x128xf32, #tpu.memory_space<vmem>>, vector<1x16xf32>,
      %get3A_3208 = vector.shape_cast %get3A_3207 : vector<1x16xf32> to vector<16xf32>
      %swap3A_3209 = arith.constant 39 : i32
      %swap3A_3210 = arith.index_cast %swap3A_3209 : i32 to index
      %swap3A_3211 = arith.constant 0 : index
      %swap3A_3212 = tpu.vector_load %arg18[%swap3A_3210, %swap3A_3211] {strides = array<i32>} : memref<64x128xf32, #tpu.memory_space<vmem>>, vector<1x16xf32>,
      %swap3A_3213 = vector.shape_cast %swap3A_3212 : vector<1x16xf32> to vector<16xf32>
      %swap3A_3214 = vector.shape_cast %get3A_3208 : vector<16xf32> to vector<1x16xf32>
      tpu.vector_store %arg18[%swap3A_3210, %swap3A_3211], %swap3A_3214 {strides = array<i32>} : memref<64x128xf32, #tpu.memory_space<vmem>>, vector<1x16xf32>,
      %get3A_3215 = arith.constant 5 : i32
      %get3A_3216 = arith.index_cast %get3A_3215 : i32 to index
      %get3A_3217 = arith.constant 0 : index
      %get3A_3218 = tpu.vector_load %arg17[%get3A_3216, %get3A_3217] {strides = array<i32>} : memref<8x128xf32, #tpu.memory_space<vmem>>, vector<1x16xf32>,
      %get3A_3219 = vector.shape_cast %get3A_3218 : vector<1x16xf32> to vector<16xf32>
      %swap3A_3220 = arith.constant 40 : i32
      %swap3A_3221 = arith.index_cast %swap3A_3220 : i32 to index
      %swap3A_3222 = arith.constant 0 : index
      %swap3A_3223 = tpu.vector_load %arg18[%swap3A_3221, %swap3A_3222] {strides = array<i32>} : memref<64x128xf32, #tpu.memory_space<vmem>>, vector<1x16xf32>,
      %swap3A_3224 = vector.shape_cast %swap3A_3223 : vector<1x16xf32> to vector<16xf32>
      %swap3A_3225 = vector.shape_cast %get3A_3219 : vector<16xf32> to vector<1x16xf32>
      tpu.vector_store %arg18[%swap3A_3221, %swap3A_3222], %swap3A_3225 {strides = array<i32>} : memref<64x128xf32, #tpu.memory_space<vmem>>, vector<1x16xf32>,
      %get3A_3226 = arith.constant 5 : i32
      %get3A_3227 = arith.index_cast %get3A_3226 : i32 to index
      %get3A_3228 = arith.constant 16 : index
      %get3A_3229 = tpu.vector_load %arg17[%get3A_3227, %get3A_3228] {strides = array<i32>} : memref<8x128xf32, #tpu.memory_space<vmem>>, vector<1x16xf32>,
      %get3A_3230 = vector.shape_cast %get3A_3229 : vector<1x16xf32> to vector<16xf32>
      %swap3A_3231 = arith.constant 41 : i32
      %swap3A_3232 = arith.index_cast %swap3A_3231 : i32 to index
      %swap3A_3233 = arith.constant 0 : index
      %swap3A_3234 = tpu.vector_load %arg18[%swap3A_3232, %swap3A_3233] {strides = array<i32>} : memref<64x128xf32, #tpu.memory_space<vmem>>, vector<1x16xf32>,
      %swap3A_3235 = vector.shape_cast %swap3A_3234 : vector<1x16xf32> to vector<16xf32>
      %swap3A_3236 = vector.shape_cast %get3A_3230 : vector<16xf32> to vector<1x16xf32>
      tpu.vector_store %arg18[%swap3A_3232, %swap3A_3233], %swap3A_3236 {strides = array<i32>} : memref<64x128xf32, #tpu.memory_space<vmem>>, vector<1x16xf32>,
      %get3A_3237 = arith.constant 5 : i32
      %get3A_3238 = arith.index_cast %get3A_3237 : i32 to index
      %get3A_3239 = arith.constant 32 : index
      %get3A_3240 = tpu.vector_load %arg17[%get3A_3238, %get3A_3239] {strides = array<i32>} : memref<8x128xf32, #tpu.memory_space<vmem>>, vector<1x16xf32>,
      %get3A_3241 = vector.shape_cast %get3A_3240 : vector<1x16xf32> to vector<16xf32>
      %swap3A_3242 = arith.constant 42 : i32
      %swap3A_3243 = arith.index_cast %swap3A_3242 : i32 to index
      %swap3A_3244 = arith.constant 0 : index
      %swap3A_3245 = tpu.vector_load %arg18[%swap3A_3243, %swap3A_3244] {strides = array<i32>} : memref<64x128xf32, #tpu.memory_space<vmem>>, vector<1x16xf32>,
      %swap3A_3246 = vector.shape_cast %swap3A_3245 : vector<1x16xf32> to vector<16xf32>
      %swap3A_3247 = vector.shape_cast %get3A_3241 : vector<16xf32> to vector<1x16xf32>
      tpu.vector_store %arg18[%swap3A_3243, %swap3A_3244], %swap3A_3247 {strides = array<i32>} : memref<64x128xf32, #tpu.memory_space<vmem>>, vector<1x16xf32>,
      %get3A_3248 = arith.constant 5 : i32
      %get3A_3249 = arith.index_cast %get3A_3248 : i32 to index
      %get3A_3250 = arith.constant 48 : index
      %get3A_3251 = tpu.vector_load %arg17[%get3A_3249, %get3A_3250] {strides = array<i32>} : memref<8x128xf32, #tpu.memory_space<vmem>>, vector<1x16xf32>,
      %get3A_3252 = vector.shape_cast %get3A_3251 : vector<1x16xf32> to vector<16xf32>
      %swap3A_3253 = arith.constant 43 : i32
      %swap3A_3254 = arith.index_cast %swap3A_3253 : i32 to index
      %swap3A_3255 = arith.constant 0 : index
      %swap3A_3256 = tpu.vector_load %arg18[%swap3A_3254, %swap3A_3255] {strides = array<i32>} : memref<64x128xf32, #tpu.memory_space<vmem>>, vector<1x16xf32>,
      %swap3A_3257 = vector.shape_cast %swap3A_3256 : vector<1x16xf32> to vector<16xf32>
      %swap3A_3258 = vector.shape_cast %get3A_3252 : vector<16xf32> to vector<1x16xf32>
      tpu.vector_store %arg18[%swap3A_3254, %swap3A_3255], %swap3A_3258 {strides = array<i32>} : memref<64x128xf32, #tpu.memory_space<vmem>>, vector<1x16xf32>,
      %get3A_3259 = arith.constant 5 : i32
      %get3A_3260 = arith.index_cast %get3A_3259 : i32 to index
      %get3A_3261 = arith.constant 64 : index
      %get3A_3262 = tpu.vector_load %arg17[%get3A_3260, %get3A_3261] {strides = array<i32>} : memref<8x128xf32, #tpu.memory_space<vmem>>, vector<1x16xf32>,
      %get3A_3263 = vector.shape_cast %get3A_3262 : vector<1x16xf32> to vector<16xf32>
      %swap3A_3264 = arith.constant 44 : i32
      %swap3A_3265 = arith.index_cast %swap3A_3264 : i32 to index
      %swap3A_3266 = arith.constant 0 : index
      %swap3A_3267 = tpu.vector_load %arg18[%swap3A_3265, %swap3A_3266] {strides = array<i32>} : memref<64x128xf32, #tpu.memory_space<vmem>>, vector<1x16xf32>,
      %swap3A_3268 = vector.shape_cast %swap3A_3267 : vector<1x16xf32> to vector<16xf32>
      %swap3A_3269 = vector.shape_cast %get3A_3263 : vector<16xf32> to vector<1x16xf32>
      tpu.vector_store %arg18[%swap3A_3265, %swap3A_3266], %swap3A_3269 {strides = array<i32>} : memref<64x128xf32, #tpu.memory_space<vmem>>, vector<1x16xf32>,
      %get3A_3270 = arith.constant 5 : i32
      %get3A_3271 = arith.index_cast %get3A_3270 : i32 to index
      %get3A_3272 = arith.constant 80 : index
      %get3A_3273 = tpu.vector_load %arg17[%get3A_3271, %get3A_3272] {strides = array<i32>} : memref<8x128xf32, #tpu.memory_space<vmem>>, vector<1x16xf32>,
      %get3A_3274 = vector.shape_cast %get3A_3273 : vector<1x16xf32> to vector<16xf32>
      %swap3A_3275 = arith.constant 45 : i32
      %swap3A_3276 = arith.index_cast %swap3A_3275 : i32 to index
      %swap3A_3277 = arith.constant 0 : index
      %swap3A_3278 = tpu.vector_load %arg18[%swap3A_3276, %swap3A_3277] {strides = array<i32>} : memref<64x128xf32, #tpu.memory_space<vmem>>, vector<1x16xf32>,
      %swap3A_3279 = vector.shape_cast %swap3A_3278 : vector<1x16xf32> to vector<16xf32>
      %swap3A_3280 = vector.shape_cast %get3A_3274 : vector<16xf32> to vector<1x16xf32>
      tpu.vector_store %arg18[%swap3A_3276, %swap3A_3277], %swap3A_3280 {strides = array<i32>} : memref<64x128xf32, #tpu.memory_space<vmem>>, vector<1x16xf32>,
      %get3A_3281 = arith.constant 5 : i32
      %get3A_3282 = arith.index_cast %get3A_3281 : i32 to index
      %get3A_3283 = arith.constant 96 : index
      %get3A_3284 = tpu.vector_load %arg17[%get3A_3282, %get3A_3283] {strides = array<i32>} : memref<8x128xf32, #tpu.memory_space<vmem>>, vector<1x16xf32>,
      %get3A_3285 = vector.shape_cast %get3A_3284 : vector<1x16xf32> to vector<16xf32>
      %swap3A_3286 = arith.constant 46 : i32
      %swap3A_3287 = arith.index_cast %swap3A_3286 : i32 to index
      %swap3A_3288 = arith.constant 0 : index
      %swap3A_3289 = tpu.vector_load %arg18[%swap3A_3287, %swap3A_3288] {strides = array<i32>} : memref<64x128xf32, #tpu.memory_space<vmem>>, vector<1x16xf32>,
      %swap3A_3290 = vector.shape_cast %swap3A_3289 : vector<1x16xf32> to vector<16xf32>
      %swap3A_3291 = vector.shape_cast %get3A_3285 : vector<16xf32> to vector<1x16xf32>
      tpu.vector_store %arg18[%swap3A_3287, %swap3A_3288], %swap3A_3291 {strides = array<i32>} : memref<64x128xf32, #tpu.memory_space<vmem>>, vector<1x16xf32>,
      %get3A_3292 = arith.constant 5 : i32
      %get3A_3293 = arith.index_cast %get3A_3292 : i32 to index
      %get3A_3294 = arith.constant 112 : index
      %get3A_3295 = tpu.vector_load %arg17[%get3A_3293, %get3A_3294] {strides = array<i32>} : memref<8x128xf32, #tpu.memory_space<vmem>>, vector<1x16xf32>,
      %get3A_3296 = vector.shape_cast %get3A_3295 : vector<1x16xf32> to vector<16xf32>
      %swap3A_3297 = arith.constant 47 : i32
      %swap3A_3298 = arith.index_cast %swap3A_3297 : i32 to index
      %swap3A_3299 = arith.constant 0 : index
      %swap3A_3300 = tpu.vector_load %arg18[%swap3A_3298, %swap3A_3299] {strides = array<i32>} : memref<64x128xf32, #tpu.memory_space<vmem>>, vector<1x16xf32>,
      %swap3A_3301 = vector.shape_cast %swap3A_3300 : vector<1x16xf32> to vector<16xf32>
      %swap3A_3302 = vector.shape_cast %get3A_3296 : vector<16xf32> to vector<1x16xf32>
      tpu.vector_store %arg18[%swap3A_3298, %swap3A_3299], %swap3A_3302 {strides = array<i32>} : memref<64x128xf32, #tpu.memory_space<vmem>>, vector<1x16xf32>,
      %get3A_3303 = arith.constant 6 : i32
      %get3A_3304 = arith.index_cast %get3A_3303 : i32 to index
      %get3A_3305 = arith.constant 0 : index
      %get3A_3306 = tpu.vector_load %arg17[%get3A_3304, %get3A_3305] {strides = array<i32>} : memref<8x128xf32, #tpu.memory_space<vmem>>, vector<1x16xf32>,
      %get3A_3307 = vector.shape_cast %get3A_3306 : vector<1x16xf32> to vector<16xf32>
      %swap3A_3308 = arith.constant 48 : i32
      %swap3A_3309 = arith.index_cast %swap3A_3308 : i32 to index
      %swap3A_3310 = arith.constant 0 : index
      %swap3A_3311 = tpu.vector_load %arg18[%swap3A_3309, %swap3A_3310] {strides = array<i32>} : memref<64x128xf32, #tpu.memory_space<vmem>>, vector<1x16xf32>,
      %swap3A_3312 = vector.shape_cast %swap3A_3311 : vector<1x16xf32> to vector<16xf32>
      %swap3A_3313 = vector.shape_cast %get3A_3307 : vector<16xf32> to vector<1x16xf32>
      tpu.vector_store %arg18[%swap3A_3309, %swap3A_3310], %swap3A_3313 {strides = array<i32>} : memref<64x128xf32, #tpu.memory_space<vmem>>, vector<1x16xf32>,
      %get3A_3314 = arith.constant 6 : i32
      %get3A_3315 = arith.index_cast %get3A_3314 : i32 to index
      %get3A_3316 = arith.constant 16 : index
      %get3A_3317 = tpu.vector_load %arg17[%get3A_3315, %get3A_3316] {strides = array<i32>} : memref<8x128xf32, #tpu.memory_space<vmem>>, vector<1x16xf32>,
      %get3A_3318 = vector.shape_cast %get3A_3317 : vector<1x16xf32> to vector<16xf32>
      %swap3A_3319 = arith.constant 49 : i32
      %swap3A_3320 = arith.index_cast %swap3A_3319 : i32 to index
      %swap3A_3321 = arith.constant 0 : index
      %swap3A_3322 = tpu.vector_load %arg18[%swap3A_3320, %swap3A_3321] {strides = array<i32>} : memref<64x128xf32, #tpu.memory_space<vmem>>, vector<1x16xf32>,
      %swap3A_3323 = vector.shape_cast %swap3A_3322 : vector<1x16xf32> to vector<16xf32>
      %swap3A_3324 = vector.shape_cast %get3A_3318 : vector<16xf32> to vector<1x16xf32>
      tpu.vector_store %arg18[%swap3A_3320, %swap3A_3321], %swap3A_3324 {strides = array<i32>} : memref<64x128xf32, #tpu.memory_space<vmem>>, vector<1x16xf32>,
      %get3A_3325 = arith.constant 6 : i32
      %get3A_3326 = arith.index_cast %get3A_3325 : i32 to index
      %get3A_3327 = arith.constant 32 : index
      %get3A_3328 = tpu.vector_load %arg17[%get3A_3326, %get3A_3327] {strides = array<i32>} : memref<8x128xf32, #tpu.memory_space<vmem>>, vector<1x16xf32>,
      %get3A_3329 = vector.shape_cast %get3A_3328 : vector<1x16xf32> to vector<16xf32>
      %swap3A_3330 = arith.constant 50 : i32
      %swap3A_3331 = arith.index_cast %swap3A_3330 : i32 to index
      %swap3A_3332 = arith.constant 0 : index
      %swap3A_3333 = tpu.vector_load %arg18[%swap3A_3331, %swap3A_3332] {strides = array<i32>} : memref<64x128xf32, #tpu.memory_space<vmem>>, vector<1x16xf32>,
      %swap3A_3334 = vector.shape_cast %swap3A_3333 : vector<1x16xf32> to vector<16xf32>
      %swap3A_3335 = vector.shape_cast %get3A_3329 : vector<16xf32> to vector<1x16xf32>
      tpu.vector_store %arg18[%swap3A_3331, %swap3A_3332], %swap3A_3335 {strides = array<i32>} : memref<64x128xf32, #tpu.memory_space<vmem>>, vector<1x16xf32>,
      %get3A_3336 = arith.constant 6 : i32
      %get3A_3337 = arith.index_cast %get3A_3336 : i32 to index
      %get3A_3338 = arith.constant 48 : index
      %get3A_3339 = tpu.vector_load %arg17[%get3A_3337, %get3A_3338] {strides = array<i32>} : memref<8x128xf32, #tpu.memory_space<vmem>>, vector<1x16xf32>,
      %get3A_3340 = vector.shape_cast %get3A_3339 : vector<1x16xf32> to vector<16xf32>
      %swap3A_3341 = arith.constant 51 : i32
      %swap3A_3342 = arith.index_cast %swap3A_3341 : i32 to index
      %swap3A_3343 = arith.constant 0 : index
      %swap3A_3344 = tpu.vector_load %arg18[%swap3A_3342, %swap3A_3343] {strides = array<i32>} : memref<64x128xf32, #tpu.memory_space<vmem>>, vector<1x16xf32>,
      %swap3A_3345 = vector.shape_cast %swap3A_3344 : vector<1x16xf32> to vector<16xf32>
      %swap3A_3346 = vector.shape_cast %get3A_3340 : vector<16xf32> to vector<1x16xf32>
      tpu.vector_store %arg18[%swap3A_3342, %swap3A_3343], %swap3A_3346 {strides = array<i32>} : memref<64x128xf32, #tpu.memory_space<vmem>>, vector<1x16xf32>,
      %get3A_3347 = arith.constant 6 : i32
      %get3A_3348 = arith.index_cast %get3A_3347 : i32 to index
      %get3A_3349 = arith.constant 64 : index
      %get3A_3350 = tpu.vector_load %arg17[%get3A_3348, %get3A_3349] {strides = array<i32>} : memref<8x128xf32, #tpu.memory_space<vmem>>, vector<1x16xf32>,
      %get3A_3351 = vector.shape_cast %get3A_3350 : vector<1x16xf32> to vector<16xf32>
      %swap3A_3352 = arith.constant 52 : i32
      %swap3A_3353 = arith.index_cast %swap3A_3352 : i32 to index
      %swap3A_3354 = arith.constant 0 : index
      %swap3A_3355 = tpu.vector_load %arg18[%swap3A_3353, %swap3A_3354] {strides = array<i32>} : memref<64x128xf32, #tpu.memory_space<vmem>>, vector<1x16xf32>,
      %swap3A_3356 = vector.shape_cast %swap3A_3355 : vector<1x16xf32> to vector<16xf32>
      %swap3A_3357 = vector.shape_cast %get3A_3351 : vector<16xf32> to vector<1x16xf32>
      tpu.vector_store %arg18[%swap3A_3353, %swap3A_3354], %swap3A_3357 {strides = array<i32>} : memref<64x128xf32, #tpu.memory_space<vmem>>, vector<1x16xf32>,
      %get3A_3358 = arith.constant 6 : i32
      %get3A_3359 = arith.index_cast %get3A_3358 : i32 to index
      %get3A_3360 = arith.constant 80 : index
      %get3A_3361 = tpu.vector_load %arg17[%get3A_3359, %get3A_3360] {strides = array<i32>} : memref<8x128xf32, #tpu.memory_space<vmem>>, vector<1x16xf32>,
      %get3A_3362 = vector.shape_cast %get3A_3361 : vector<1x16xf32> to vector<16xf32>
      %swap3A_3363 = arith.constant 53 : i32
      %swap3A_3364 = arith.index_cast %swap3A_3363 : i32 to index
      %swap3A_3365 = arith.constant 0 : index
      %swap3A_3366 = tpu.vector_load %arg18[%swap3A_3364, %swap3A_3365] {strides = array<i32>} : memref<64x128xf32, #tpu.memory_space<vmem>>, vector<1x16xf32>,
      %swap3A_3367 = vector.shape_cast %swap3A_3366 : vector<1x16xf32> to vector<16xf32>
      %swap3A_3368 = vector.shape_cast %get3A_3362 : vector<16xf32> to vector<1x16xf32>
      tpu.vector_store %arg18[%swap3A_3364, %swap3A_3365], %swap3A_3368 {strides = array<i32>} : memref<64x128xf32, #tpu.memory_space<vmem>>, vector<1x16xf32>,
      %get3A_3369 = arith.constant 6 : i32
      %get3A_3370 = arith.index_cast %get3A_3369 : i32 to index
      %get3A_3371 = arith.constant 96 : index
      %get3A_3372 = tpu.vector_load %arg17[%get3A_3370, %get3A_3371] {strides = array<i32>} : memref<8x128xf32, #tpu.memory_space<vmem>>, vector<1x16xf32>,
      %get3A_3373 = vector.shape_cast %get3A_3372 : vector<1x16xf32> to vector<16xf32>
      %swap3A_3374 = arith.constant 54 : i32
      %swap3A_3375 = arith.index_cast %swap3A_3374 : i32 to index
      %swap3A_3376 = arith.constant 0 : index
      %swap3A_3377 = tpu.vector_load %arg18[%swap3A_3375, %swap3A_3376] {strides = array<i32>} : memref<64x128xf32, #tpu.memory_space<vmem>>, vector<1x16xf32>,
      %swap3A_3378 = vector.shape_cast %swap3A_3377 : vector<1x16xf32> to vector<16xf32>
      %swap3A_3379 = vector.shape_cast %get3A_3373 : vector<16xf32> to vector<1x16xf32>
      tpu.vector_store %arg18[%swap3A_3375, %swap3A_3376], %swap3A_3379 {strides = array<i32>} : memref<64x128xf32, #tpu.memory_space<vmem>>, vector<1x16xf32>,
      %get3A_3380 = arith.constant 6 : i32
      %get3A_3381 = arith.index_cast %get3A_3380 : i32 to index
      %get3A_3382 = arith.constant 112 : index
      %get3A_3383 = tpu.vector_load %arg17[%get3A_3381, %get3A_3382] {strides = array<i32>} : memref<8x128xf32, #tpu.memory_space<vmem>>, vector<1x16xf32>,
      %get3A_3384 = vector.shape_cast %get3A_3383 : vector<1x16xf32> to vector<16xf32>
      %swap3A_3385 = arith.constant 55 : i32
      %swap3A_3386 = arith.index_cast %swap3A_3385 : i32 to index
      %swap3A_3387 = arith.constant 0 : index
      %swap3A_3388 = tpu.vector_load %arg18[%swap3A_3386, %swap3A_3387] {strides = array<i32>} : memref<64x128xf32, #tpu.memory_space<vmem>>, vector<1x16xf32>,
      %swap3A_3389 = vector.shape_cast %swap3A_3388 : vector<1x16xf32> to vector<16xf32>
      %swap3A_3390 = vector.shape_cast %get3A_3384 : vector<16xf32> to vector<1x16xf32>
      tpu.vector_store %arg18[%swap3A_3386, %swap3A_3387], %swap3A_3390 {strides = array<i32>} : memref<64x128xf32, #tpu.memory_space<vmem>>, vector<1x16xf32>,
      %get3A_3391 = arith.constant 7 : i32
      %get3A_3392 = arith.index_cast %get3A_3391 : i32 to index
      %get3A_3393 = arith.constant 0 : index
      %get3A_3394 = tpu.vector_load %arg17[%get3A_3392, %get3A_3393] {strides = array<i32>} : memref<8x128xf32, #tpu.memory_space<vmem>>, vector<1x16xf32>,
      %get3A_3395 = vector.shape_cast %get3A_3394 : vector<1x16xf32> to vector<16xf32>
      %swap3A_3396 = arith.constant 56 : i32
      %swap3A_3397 = arith.index_cast %swap3A_3396 : i32 to index
      %swap3A_3398 = arith.constant 0 : index
      %swap3A_3399 = tpu.vector_load %arg18[%swap3A_3397, %swap3A_3398] {strides = array<i32>} : memref<64x128xf32, #tpu.memory_space<vmem>>, vector<1x16xf32>,
      %swap3A_3400 = vector.shape_cast %swap3A_3399 : vector<1x16xf32> to vector<16xf32>
      %swap3A_3401 = vector.shape_cast %get3A_3395 : vector<16xf32> to vector<1x16xf32>
      tpu.vector_store %arg18[%swap3A_3397, %swap3A_3398], %swap3A_3401 {strides = array<i32>} : memref<64x128xf32, #tpu.memory_space<vmem>>, vector<1x16xf32>,
      %get3A_3402 = arith.constant 7 : i32
      %get3A_3403 = arith.index_cast %get3A_3402 : i32 to index
      %get3A_3404 = arith.constant 16 : index
      %get3A_3405 = tpu.vector_load %arg17[%get3A_3403, %get3A_3404] {strides = array<i32>} : memref<8x128xf32, #tpu.memory_space<vmem>>, vector<1x16xf32>,
      %get3A_3406 = vector.shape_cast %get3A_3405 : vector<1x16xf32> to vector<16xf32>
      %swap3A_3407 = arith.constant 57 : i32
      %swap3A_3408 = arith.index_cast %swap3A_3407 : i32 to index
      %swap3A_3409 = arith.constant 0 : index
      %swap3A_3410 = tpu.vector_load %arg18[%swap3A_3408, %swap3A_3409] {strides = array<i32>} : memref<64x128xf32, #tpu.memory_space<vmem>>, vector<1x16xf32>,
      %swap3A_3411 = vector.shape_cast %swap3A_3410 : vector<1x16xf32> to vector<16xf32>
      %swap3A_3412 = vector.shape_cast %get3A_3406 : vector<16xf32> to vector<1x16xf32>
      tpu.vector_store %arg18[%swap3A_3408, %swap3A_3409], %swap3A_3412 {strides = array<i32>} : memref<64x128xf32, #tpu.memory_space<vmem>>, vector<1x16xf32>,
      %get3A_3413 = arith.constant 7 : i32
      %get3A_3414 = arith.index_cast %get3A_3413 : i32 to index
      %get3A_3415 = arith.constant 32 : index
      %get3A_3416 = tpu.vector_load %arg17[%get3A_3414, %get3A_3415] {strides = array<i32>} : memref<8x128xf32, #tpu.memory_space<vmem>>, vector<1x16xf32>,
      %get3A_3417 = vector.shape_cast %get3A_3416 : vector<1x16xf32> to vector<16xf32>
      %swap3A_3418 = arith.constant 58 : i32
      %swap3A_3419 = arith.index_cast %swap3A_3418 : i32 to index
      %swap3A_3420 = arith.constant 0 : index
      %swap3A_3421 = tpu.vector_load %arg18[%swap3A_3419, %swap3A_3420] {strides = array<i32>} : memref<64x128xf32, #tpu.memory_space<vmem>>, vector<1x16xf32>,
      %swap3A_3422 = vector.shape_cast %swap3A_3421 : vector<1x16xf32> to vector<16xf32>
      %swap3A_3423 = vector.shape_cast %get3A_3417 : vector<16xf32> to vector<1x16xf32>
      tpu.vector_store %arg18[%swap3A_3419, %swap3A_3420], %swap3A_3423 {strides = array<i32>} : memref<64x128xf32, #tpu.memory_space<vmem>>, vector<1x16xf32>,
      %get3A_3424 = arith.constant 7 : i32
      %get3A_3425 = arith.index_cast %get3A_3424 : i32 to index
      %get3A_3426 = arith.constant 48 : index
      %get3A_3427 = tpu.vector_load %arg17[%get3A_3425, %get3A_3426] {strides = array<i32>} : memref<8x128xf32, #tpu.memory_space<vmem>>, vector<1x16xf32>,
      %get3A_3428 = vector.shape_cast %get3A_3427 : vector<1x16xf32> to vector<16xf32>
      %swap3A_3429 = arith.constant 59 : i32
      %swap3A_3430 = arith.index_cast %swap3A_3429 : i32 to index
      %swap3A_3431 = arith.constant 0 : index
      %swap3A_3432 = tpu.vector_load %arg18[%swap3A_3430, %swap3A_3431] {strides = array<i32>} : memref<64x128xf32, #tpu.memory_space<vmem>>, vector<1x16xf32>,
      %swap3A_3433 = vector.shape_cast %swap3A_3432 : vector<1x16xf32> to vector<16xf32>
      %swap3A_3434 = vector.shape_cast %get3A_3428 : vector<16xf32> to vector<1x16xf32>
      tpu.vector_store %arg18[%swap3A_3430, %swap3A_3431], %swap3A_3434 {strides = array<i32>} : memref<64x128xf32, #tpu.memory_space<vmem>>, vector<1x16xf32>,
      %get3A_3435 = arith.constant 7 : i32
      %get3A_3436 = arith.index_cast %get3A_3435 : i32 to index
      %get3A_3437 = arith.constant 64 : index
      %get3A_3438 = tpu.vector_load %arg17[%get3A_3436, %get3A_3437] {strides = array<i32>} : memref<8x128xf32, #tpu.memory_space<vmem>>, vector<1x16xf32>,
      %get3A_3439 = vector.shape_cast %get3A_3438 : vector<1x16xf32> to vector<16xf32>
      %swap3A_3440 = arith.constant 60 : i32
      %swap3A_3441 = arith.index_cast %swap3A_3440 : i32 to index
      %swap3A_3442 = arith.constant 0 : index
      %swap3A_3443 = tpu.vector_load %arg18[%swap3A_3441, %swap3A_3442] {strides = array<i32>} : memref<64x128xf32, #tpu.memory_space<vmem>>, vector<1x16xf32>,
      %swap3A_3444 = vector.shape_cast %swap3A_3443 : vector<1x16xf32> to vector<16xf32>
      %swap3A_3445 = vector.shape_cast %get3A_3439 : vector<16xf32> to vector<1x16xf32>
      tpu.vector_store %arg18[%swap3A_3441, %swap3A_3442], %swap3A_3445 {strides = array<i32>} : memref<64x128xf32, #tpu.memory_space<vmem>>, vector<1x16xf32>,
      %get3A_3446 = arith.constant 7 : i32
      %get3A_3447 = arith.index_cast %get3A_3446 : i32 to index
      %get3A_3448 = arith.constant 80 : index
      %get3A_3449 = tpu.vector_load %arg17[%get3A_3447, %get3A_3448] {strides = array<i32>} : memref<8x128xf32, #tpu.memory_space<vmem>>, vector<1x16xf32>,
      %get3A_3450 = vector.shape_cast %get3A_3449 : vector<1x16xf32> to vector<16xf32>
      %swap3A_3451 = arith.constant 61 : i32
      %swap3A_3452 = arith.index_cast %swap3A_3451 : i32 to index
      %swap3A_3453 = arith.constant 0 : index
      %swap3A_3454 = tpu.vector_load %arg18[%swap3A_3452, %swap3A_3453] {strides = array<i32>} : memref<64x128xf32, #tpu.memory_space<vmem>>, vector<1x16xf32>,
      %swap3A_3455 = vector.shape_cast %swap3A_3454 : vector<1x16xf32> to vector<16xf32>
      %swap3A_3456 = vector.shape_cast %get3A_3450 : vector<16xf32> to vector<1x16xf32>
      tpu.vector_store %arg18[%swap3A_3452, %swap3A_3453], %swap3A_3456 {strides = array<i32>} : memref<64x128xf32, #tpu.memory_space<vmem>>, vector<1x16xf32>,
      %get3A_3457 = arith.constant 7 : i32
      %get3A_3458 = arith.index_cast %get3A_3457 : i32 to index
      %get3A_3459 = arith.constant 96 : index
      %get3A_3460 = tpu.vector_load %arg17[%get3A_3458, %get3A_3459] {strides = array<i32>} : memref<8x128xf32, #tpu.memory_space<vmem>>, vector<1x16xf32>,
      %get3A_3461 = vector.shape_cast %get3A_3460 : vector<1x16xf32> to vector<16xf32>
      %swap3A_3462 = arith.constant 62 : i32
      %swap3A_3463 = arith.index_cast %swap3A_3462 : i32 to index
      %swap3A_3464 = arith.constant 0 : index
      %swap3A_3465 = tpu.vector_load %arg18[%swap3A_3463, %swap3A_3464] {strides = array<i32>} : memref<64x128xf32, #tpu.memory_space<vmem>>, vector<1x16xf32>,
      %swap3A_3466 = vector.shape_cast %swap3A_3465 : vector<1x16xf32> to vector<16xf32>
      %swap3A_3467 = vector.shape_cast %get3A_3461 : vector<16xf32> to vector<1x16xf32>
      tpu.vector_store %arg18[%swap3A_3463, %swap3A_3464], %swap3A_3467 {strides = array<i32>} : memref<64x128xf32, #tpu.memory_space<vmem>>, vector<1x16xf32>,
      %get3A_3468 = arith.constant 7 : i32
      %get3A_3469 = arith.index_cast %get3A_3468 : i32 to index
      %get3A_3470 = arith.constant 112 : index
      %get3A_3471 = tpu.vector_load %arg17[%get3A_3469, %get3A_3470] {strides = array<i32>} : memref<8x128xf32, #tpu.memory_space<vmem>>, vector<1x16xf32>,
      %get3A_3472 = vector.shape_cast %get3A_3471 : vector<1x16xf32> to vector<16xf32>
      %swap3A_3473 = arith.constant 63 : i32
      %swap3A_3474 = arith.index_cast %swap3A_3473 : i32 to index
      %swap3A_3475 = arith.constant 0 : index
      %swap3A_3476 = tpu.vector_load %arg18[%swap3A_3474, %swap3A_3475] {strides = array<i32>} : memref<64x128xf32, #tpu.memory_space<vmem>>, vector<1x16xf32>,
      %swap3A_3477 = vector.shape_cast %swap3A_3476 : vector<1x16xf32> to vector<16xf32>
      %swap3A_3478 = vector.shape_cast %get3A_3472 : vector<16xf32> to vector<1x16xf32>
      tpu.vector_store %arg18[%swap3A_3474, %swap3A_3475], %swap3A_3478 {strides = array<i32>} : memref<64x128xf32, #tpu.memory_space<vmem>>, vector<1x16xf32>,
      %dma_wait3A_3479 = arith.constant 0 : i32
      %dma_wait3A_3480 = arith.constant 0 : i32
      %dma_wait3A_3481 = tpu.memref_slice %arg2[%dma_wait3A_3479, %dma_wait3A_3480] : memref<10000x128xf32, #tpu.memory_space<hbm>> -> memref<10000x128xf32, #tpu.memory_space<hbm>>
      tpu.wait_indirect_dma semaphore(%arg26 : memref<!tpu.dma_semaphore, #tpu.memory_space<semaphore_mem>>) src(%dma_wait3A_3481 : memref<10000x128xf32, #tpu.memory_space<hbm>>) dst(%arg16 : memref<64x128xf32, #tpu.memory_space<vmem>>)
      %dma_start3A_3482 = arith.constant 0 : i32
      %dma_start3A_3483 = arith.constant 0 : i32
      %dma_start3A_3484 = tpu.memref_slice %arg21[%dma_start3A_3482, %dma_start3A_3483] : memref<5128x128xf32, #tpu.memory_space<vmem_shared>> -> memref<5128x128xf32, #tpu.memory_space<vmem_shared>>
      tpu.enqueue_indirect_dma source(%arg16 : memref<64x128xf32, #tpu.memory_space<vmem>>) target(%dma_start3A_3484 : memref<5128x128xf32, #tpu.memory_space<vmem_shared>>) offsets(%arg20 : memref<64xi32, #tpu.memory_space<vmem>>) semaphore(%arg28 : memref<!tpu.dma_semaphore, #tpu.memory_space<semaphore_mem>>) {add = true}
      %dma_start3A_3485 = arith.constant 0 : i32
      %dma_start3A_3486 = arith.constant 0 : i32
      %dma_start3A_3487 = tpu.memref_slice %arg22[%dma_start3A_3485, %dma_start3A_3486] : memref<5128x128xf32, #tpu.memory_space<vmem_shared>> -> memref<5128x128xf32, #tpu.memory_space<vmem_shared>>
      tpu.enqueue_indirect_dma source(%arg18 : memref<64x128xf32, #tpu.memory_space<vmem>>) target(%dma_start3A_3487 : memref<5128x128xf32, #tpu.memory_space<vmem_shared>>) offsets(%arg20 : memref<64xi32, #tpu.memory_space<vmem>>) semaphore(%arg28 : memref<!tpu.dma_semaphore, #tpu.memory_space<semaphore_mem>>) {add = true}
      %add3A_3488 = arith.constant 2 : i32
      %add3A_3489 = arith.addi %add3A_2667, %add3A_3488 : i32
      %min3A_3490 = arith.constant 319 : i32
      %min3A_3491 = arith.minsi %add3A_3489, %min3A_3490 : i32
      %mul3A_3492 = arith.constant 20480 : i32
      %mul3A_3493 = arith.muli %arg1, %mul3A_3492 : i32
      %mul3A_3494 = arith.constant 64 : i32
      %mul3A_3495 = arith.muli %min3A_3491, %mul3A_3494 : i32
      %add3A_3496 = arith.addi %mul3A_3493, %mul3A_3495 : i32
      %multiple_of3A_3497 = tpu.assume_multiple %add3A_3496, 8 : i32
      %mul3A_3498 = arith.constant 2560 : i32
      %mul3A_3499 = arith.muli %arg1, %mul3A_3498 : i32
      %mul3A_3500 = arith.constant 8 : i32
      %mul3A_3501 = arith.muli %min3A_3491, %mul3A_3500 : i32
      %add3A_3502 = arith.addi %mul3A_3499, %mul3A_3501 : i32
      %multiple_of3A_3503 = tpu.assume_multiple %add3A_3502, 8 : i32
      %dma_start3A_3504 = tpu.memref_slice %arg3[%multiple_of3A_3497] : memref<327680xi32, #tpu.memory_space<hbm>> -> memref<64xi32, #tpu.memory_space<hbm>>
      %dma_start3A_3505 = tpu.memref_slice %arg3[%multiple_of3A_3497] : memref<327680xi32, #tpu.memory_space<hbm>> -> memref<64xi32, #tpu.memory_space<hbm>>
      tpu.enqueue_dma source(%dma_start3A_3505 : memref<64xi32, #tpu.memory_space<hbm>>) target(%arg14 : memref<64xi32, #tpu.memory_space<vmem>>) target_semaphore(%arg24 : memref<!tpu.dma_semaphore, #tpu.memory_space<semaphore_mem>>)
      %dma_start3A_3506 = tpu.memref_slice %arg4[%multiple_of3A_3497] : memref<327680xi32, #tpu.memory_space<hbm>> -> memref<64xi32, #tpu.memory_space<hbm>>
      %dma_start3A_3507 = tpu.memref_slice %arg4[%multiple_of3A_3497] : memref<327680xi32, #tpu.memory_space<hbm>> -> memref<64xi32, #tpu.memory_space<hbm>>
      tpu.enqueue_dma source(%dma_start3A_3507 : memref<64xi32, #tpu.memory_space<hbm>>) target(%arg15 : memref<64xi32, #tpu.memory_space<vmem>>) target_semaphore(%arg24 : memref<!tpu.dma_semaphore, #tpu.memory_space<semaphore_mem>>)
      %dma_start3A_3508 = arith.constant 0 : i32
      %dma_start3A_3509 = tpu.memref_slice %arg5[%multiple_of3A_3503, %dma_start3A_3508] : memref<40960x128xf32, #tpu.memory_space<hbm>> -> memref<8x128xf32, #tpu.memory_space<hbm>>
      %dma_start3A_3510 = arith.constant 0 : i32
      %dma_start3A_3511 = tpu.memref_slice %arg5[%multiple_of3A_3503, %dma_start3A_3510] : memref<40960x128xf32, #tpu.memory_space<hbm>> -> memref<8x128xf32, #tpu.memory_space<hbm>>
      tpu.enqueue_dma source(%dma_start3A_3511 : memref<8x128xf32, #tpu.memory_space<hbm>>) target(%arg17 : memref<8x128xf32, #tpu.memory_space<vmem>>) target_semaphore(%arg24 : memref<!tpu.dma_semaphore, #tpu.memory_space<semaphore_mem>>)
    }
    %scan3A_1737 = arith.constant 159 : i32
    %min3A_1738 = arith.constant 320 : i32
    %min3A_1739 = arith.constant 319 : i32
    %min3A_1740 = arith.minsi %min3A_1738, %min3A_1739 : i32
    %mul3A_1741 = arith.constant 20480 : i32
    %mul3A_1742 = arith.muli %arg1, %mul3A_1741 : i32
    %mul3A_1743 = arith.constant 64 : i32
    %mul3A_1744 = arith.muli %min3A_1740, %mul3A_1743 : i32
    %add3A_1745 = arith.addi %mul3A_1742, %mul3A_1744 : i32
    %multiple_of3A_1746 = tpu.assume_multiple %add3A_1745, 8 : i32
    %mul3A_1747 = arith.constant 2560 : i32
    %mul3A_1748 = arith.muli %arg1, %mul3A_1747 : i32
    %mul3A_1749 = arith.constant 8 : i32
    %mul3A_1750 = arith.muli %min3A_1740, %mul3A_1749 : i32
    %add3A_1751 = arith.addi %mul3A_1748, %mul3A_1750 : i32
    %multiple_of3A_1752 = tpu.assume_multiple %add3A_1751, 8 : i32
    %dma_wait3A_1753 = arith.constant 0 : i32
    %dma_wait3A_1754 = arith.constant 0 : i32
    %dma_wait3A_1755 = tpu.memref_slice %arg21[%dma_wait3A_1753, %dma_wait3A_1754] : memref<5128x128xf32, #tpu.memory_space<vmem_shared>> -> memref<5128x128xf32, #tpu.memory_space<vmem_shared>>
    tpu.wait_indirect_dma semaphore(%arg27 : memref<!tpu.dma_semaphore, #tpu.memory_space<semaphore_mem>>) src(%arg11 : memref<64x128xf32, #tpu.memory_space<vmem>>) dst(%dma_wait3A_1755 : memref<5128x128xf32, #tpu.memory_space<vmem_shared>>)
    %dma_wait3A_1756 = arith.constant 0 : i32
    %dma_wait3A_1757 = arith.constant 0 : i32
    %dma_wait3A_1758 = tpu.memref_slice %arg22[%dma_wait3A_1756, %dma_wait3A_1757] : memref<5128x128xf32, #tpu.memory_space<vmem_shared>> -> memref<5128x128xf32, #tpu.memory_space<vmem_shared>>
    tpu.wait_indirect_dma semaphore(%arg27 : memref<!tpu.dma_semaphore, #tpu.memory_space<semaphore_mem>>) src(%arg13 : memref<64x128xf32, #tpu.memory_space<vmem>>) dst(%dma_wait3A_1758 : memref<5128x128xf32, #tpu.memory_space<vmem_shared>>)
    %dma_wait3A_1759 = tpu.memref_slice %arg3[%multiple_of3A_1746] : memref<327680xi32, #tpu.memory_space<hbm>> -> memref<64xi32, #tpu.memory_space<hbm>>
    %dma_wait3A_1760 = tpu.memref_slice %arg3[%multiple_of3A_1746] : memref<327680xi32, #tpu.memory_space<hbm>> -> memref<64xi32, #tpu.memory_space<hbm>>
    tpu.wait_dma2 semaphore(%arg23 : memref<!tpu.dma_semaphore, #tpu.memory_space<semaphore_mem>>) src(%dma_wait3A_1760 : memref<64xi32, #tpu.memory_space<hbm>>) dst(%arg9 : memref<64xi32, #tpu.memory_space<vmem>>)
    %dma_wait3A_1761 = tpu.memref_slice %arg4[%multiple_of3A_1746] : memref<327680xi32, #tpu.memory_space<hbm>> -> memref<64xi32, #tpu.memory_space<hbm>>
    %dma_wait3A_1762 = tpu.memref_slice %arg4[%multiple_of3A_1746] : memref<327680xi32, #tpu.memory_space<hbm>> -> memref<64xi32, #tpu.memory_space<hbm>>
    tpu.wait_dma2 semaphore(%arg23 : memref<!tpu.dma_semaphore, #tpu.memory_space<semaphore_mem>>) src(%dma_wait3A_1762 : memref<64xi32, #tpu.memory_space<hbm>>) dst(%arg10 : memref<64xi32, #tpu.memory_space<vmem>>)
    %dma_wait3A_1763 = arith.constant 0 : i32
    %dma_wait3A_1764 = tpu.memref_slice %arg5[%multiple_of3A_1752, %dma_wait3A_1763] : memref<40960x128xf32, #tpu.memory_space<hbm>> -> memref<8x128xf32, #tpu.memory_space<hbm>>
    %dma_wait3A_1765 = arith.constant 0 : i32
    %dma_wait3A_1766 = tpu.memref_slice %arg5[%multiple_of3A_1752, %dma_wait3A_1765] : memref<40960x128xf32, #tpu.memory_space<hbm>> -> memref<8x128xf32, #tpu.memory_space<hbm>>
    tpu.wait_dma2 semaphore(%arg23 : memref<!tpu.dma_semaphore, #tpu.memory_space<semaphore_mem>>) src(%dma_wait3A_1766 : memref<8x128xf32, #tpu.memory_space<hbm>>) dst(%arg12 : memref<8x128xf32, #tpu.memory_space<vmem>>)
    %min3A_1767 = arith.constant 320 : i32
    %min3A_1768 = arith.constant 319 : i32
    %min3A_1769 = arith.minsi %min3A_1767, %min3A_1768 : i32
    %mul3A_1770 = arith.constant 20480 : i32
    %mul3A_1771 = arith.muli %arg1, %mul3A_1770 : i32
    %mul3A_1772 = arith.constant 64 : i32
    %mul3A_1773 = arith.muli %min3A_1769, %mul3A_1772 : i32
    %add3A_1774 = arith.addi %mul3A_1771, %mul3A_1773 : i32
    %multiple_of3A_1775 = tpu.assume_multiple %add3A_1774, 8 : i32
    %mul3A_1776 = arith.constant 2560 : i32
    %mul3A_1777 = arith.muli %arg1, %mul3A_1776 : i32
    %mul3A_1778 = arith.constant 8 : i32
    %mul3A_1779 = arith.muli %min3A_1769, %mul3A_1778 : i32
    %add3A_1780 = arith.addi %mul3A_1777, %mul3A_1779 : i32
    %multiple_of3A_1781 = tpu.assume_multiple %add3A_1780, 8 : i32
    %dma_wait3A_1782 = arith.constant 0 : i32
    %dma_wait3A_1783 = arith.constant 0 : i32
    %dma_wait3A_1784 = tpu.memref_slice %arg21[%dma_wait3A_1782, %dma_wait3A_1783] : memref<5128x128xf32, #tpu.memory_space<vmem_shared>> -> memref<5128x128xf32, #tpu.memory_space<vmem_shared>>
    tpu.wait_indirect_dma semaphore(%arg28 : memref<!tpu.dma_semaphore, #tpu.memory_space<semaphore_mem>>) src(%arg16 : memref<64x128xf32, #tpu.memory_space<vmem>>) dst(%dma_wait3A_1784 : memref<5128x128xf32, #tpu.memory_space<vmem_shared>>)
    %dma_wait3A_1785 = arith.constant 0 : i32
    %dma_wait3A_1786 = arith.constant 0 : i32
    %dma_wait3A_1787 = tpu.memref_slice %arg22[%dma_wait3A_1785, %dma_wait3A_1786] : memref<5128x128xf32, #tpu.memory_space<vmem_shared>> -> memref<5128x128xf32, #tpu.memory_space<vmem_shared>>
    tpu.wait_indirect_dma semaphore(%arg28 : memref<!tpu.dma_semaphore, #tpu.memory_space<semaphore_mem>>) src(%arg18 : memref<64x128xf32, #tpu.memory_space<vmem>>) dst(%dma_wait3A_1787 : memref<5128x128xf32, #tpu.memory_space<vmem_shared>>)
    %dma_wait3A_1788 = tpu.memref_slice %arg3[%multiple_of3A_1775] : memref<327680xi32, #tpu.memory_space<hbm>> -> memref<64xi32, #tpu.memory_space<hbm>>
    %dma_wait3A_1789 = tpu.memref_slice %arg3[%multiple_of3A_1775] : memref<327680xi32, #tpu.memory_space<hbm>> -> memref<64xi32, #tpu.memory_space<hbm>>
    tpu.wait_dma2 semaphore(%arg24 : memref<!tpu.dma_semaphore, #tpu.memory_space<semaphore_mem>>) src(%dma_wait3A_1789 : memref<64xi32, #tpu.memory_space<hbm>>) dst(%arg14 : memref<64xi32, #tpu.memory_space<vmem>>)
    %dma_wait3A_1790 = tpu.memref_slice %arg4[%multiple_of3A_1775] : memref<327680xi32, #tpu.memory_space<hbm>> -> memref<64xi32, #tpu.memory_space<hbm>>
    %dma_wait3A_1791 = tpu.memref_slice %arg4[%multiple_of3A_1775] : memref<327680xi32, #tpu.memory_space<hbm>> -> memref<64xi32, #tpu.memory_space<hbm>>
    tpu.wait_dma2 semaphore(%arg24 : memref<!tpu.dma_semaphore, #tpu.memory_space<semaphore_mem>>) src(%dma_wait3A_1791 : memref<64xi32, #tpu.memory_space<hbm>>) dst(%arg15 : memref<64xi32, #tpu.memory_space<vmem>>)
    %dma_wait3A_1792 = arith.constant 0 : i32
    %dma_wait3A_1793 = tpu.memref_slice %arg5[%multiple_of3A_1781, %dma_wait3A_1792] : memref<40960x128xf32, #tpu.memory_space<hbm>> -> memref<8x128xf32, #tpu.memory_space<hbm>>
    %dma_wait3A_1794 = arith.constant 0 : i32
    %dma_wait3A_1795 = tpu.memref_slice %arg5[%multiple_of3A_1781, %dma_wait3A_1794] : memref<40960x128xf32, #tpu.memory_space<hbm>> -> memref<8x128xf32, #tpu.memory_space<hbm>>
    tpu.wait_dma2 semaphore(%arg24 : memref<!tpu.dma_semaphore, #tpu.memory_space<semaphore_mem>>) src(%dma_wait3A_1795 : memref<8x128xf32, #tpu.memory_space<hbm>>) dst(%arg17 : memref<8x128xf32, #tpu.memory_space<vmem>>)
    %barrier3A_1796 = arith.constant 0 : index
    tpu.barrier barrier_id(%barrier3A_1796)
    %add3A_1797 = arith.constant 0 : i32
    %add3A_1798 = arith.addi %mul3A_0, %add3A_1797 : i32
    "tpu.region"() ({
      %run_scoped3A = tpu.sem_alloc : memref<!tpu.dma_semaphore, #tpu.memory_space<semaphore_mem>>
      %dma_start3A_1817 = arith.constant 0 : i32
      %dma_start3A_1818 = tpu.memref_slice %arg21[%add3A_1798, %dma_start3A_1817] : memref<5128x128xf32, #tpu.memory_space<vmem_shared>> -> memref<64x128xf32, #tpu.memory_space<vmem_shared>>
      %dma_start3A_1819 = arith.constant 0 : i32
      %dma_start3A_1820 = tpu.memref_slice %arg21[%add3A_1798, %dma_start3A_1819] : memref<5128x128xf32, #tpu.memory_space<vmem_shared>> -> memref<64x128xf32, #tpu.memory_space<vmem_shared>>
      tpu.enqueue_dma source(%dma_start3A_1820 : memref<64x128xf32, #tpu.memory_space<vmem_shared>>) target(%arg11 : memref<64x128xf32, #tpu.memory_space<vmem>>) target_semaphore(%run_scoped3A : memref<!tpu.dma_semaphore, #tpu.memory_space<semaphore_mem>>)
      %dma_wait3A_1821 = arith.constant 0 : i32
      %dma_wait3A_1822 = tpu.memref_slice %arg21[%add3A_1798, %dma_wait3A_1821] : memref<5128x128xf32, #tpu.memory_space<vmem_shared>> -> memref<64x128xf32, #tpu.memory_space<vmem_shared>>
      %dma_wait3A_1823 = arith.constant 0 : i32
      %dma_wait3A_1824 = tpu.memref_slice %arg21[%add3A_1798, %dma_wait3A_1823] : memref<5128x128xf32, #tpu.memory_space<vmem_shared>> -> memref<64x128xf32, #tpu.memory_space<vmem_shared>>
      tpu.wait_dma2 semaphore(%run_scoped3A : memref<!tpu.dma_semaphore, #tpu.memory_space<semaphore_mem>>) src(%dma_wait3A_1824 : memref<64x128xf32, #tpu.memory_space<vmem_shared>>) dst(%arg11 : memref<64x128xf32, #tpu.memory_space<vmem>>)
      tpu.yield
    }) : () -> ()
    %add3A_1799 = arith.addi %mul3A_21, %add3A_1798 : i32
    "tpu.region"() ({
      %run_scoped3A = tpu.sem_alloc : memref<!tpu.dma_semaphore, #tpu.memory_space<semaphore_mem>>
      %dma_start3A_1817 = arith.constant 0 : i32
      %dma_start3A_1818 = tpu.memref_slice %arg7[%add3A_1799, %dma_start3A_1817] : memref<10240x128xf32, #tpu.memory_space<hbm>> -> memref<64x128xf32, #tpu.memory_space<hbm>>
      %dma_start3A_1819 = arith.constant 0 : i32
      %dma_start3A_1820 = tpu.memref_slice %arg7[%add3A_1799, %dma_start3A_1819] : memref<10240x128xf32, #tpu.memory_space<hbm>> -> memref<64x128xf32, #tpu.memory_space<hbm>>
      tpu.enqueue_dma source(%arg11 : memref<64x128xf32, #tpu.memory_space<vmem>>) target(%dma_start3A_1820 : memref<64x128xf32, #tpu.memory_space<hbm>>) target_semaphore(%run_scoped3A : memref<!tpu.dma_semaphore, #tpu.memory_space<semaphore_mem>>)
      %dma_wait3A_1821 = arith.constant 0 : i32
      %dma_wait3A_1822 = tpu.memref_slice %arg7[%add3A_1799, %dma_wait3A_1821] : memref<10240x128xf32, #tpu.memory_space<hbm>> -> memref<64x128xf32, #tpu.memory_space<hbm>>
      %dma_wait3A_1823 = arith.constant 0 : i32
      %dma_wait3A_1824 = tpu.memref_slice %arg7[%add3A_1799, %dma_wait3A_1823] : memref<10240x128xf32, #tpu.memory_space<hbm>> -> memref<64x128xf32, #tpu.memory_space<hbm>>
      tpu.wait_dma2 semaphore(%run_scoped3A : memref<!tpu.dma_semaphore, #tpu.memory_space<semaphore_mem>>) src(%arg11 : memref<64x128xf32, #tpu.memory_space<vmem>>) dst(%dma_wait3A_1824 : memref<64x128xf32, #tpu.memory_space<hbm>>)
      tpu.yield
    }) : () -> ()
    "tpu.region"() ({
      %run_scoped3A = tpu.sem_alloc : memref<!tpu.dma_semaphore, #tpu.memory_space<semaphore_mem>>
      %dma_start3A_1817 = arith.constant 0 : i32
      %dma_start3A_1818 = tpu.memref_slice %arg22[%add3A_1798, %dma_start3A_1817] : memref<5128x128xf32, #tpu.memory_space<vmem_shared>> -> memref<64x128xf32, #tpu.memory_space<vmem_shared>>
      %dma_start3A_1819 = arith.constant 0 : i32
      %dma_start3A_1820 = tpu.memref_slice %arg22[%add3A_1798, %dma_start3A_1819] : memref<5128x128xf32, #tpu.memory_space<vmem_shared>> -> memref<64x128xf32, #tpu.memory_space<vmem_shared>>
      tpu.enqueue_dma source(%dma_start3A_1820 : memref<64x128xf32, #tpu.memory_space<vmem_shared>>) target(%arg11 : memref<64x128xf32, #tpu.memory_space<vmem>>) target_semaphore(%run_scoped3A : memref<!tpu.dma_semaphore, #tpu.memory_space<semaphore_mem>>)
      %dma_wait3A_1821 = arith.constant 0 : i32
      %dma_wait3A_1822 = tpu.memref_slice %arg22[%add3A_1798, %dma_wait3A_1821] : memref<5128x128xf32, #tpu.memory_space<vmem_shared>> -> memref<64x128xf32, #tpu.memory_space<vmem_shared>>
      %dma_wait3A_1823 = arith.constant 0 : i32
      %dma_wait3A_1824 = tpu.memref_slice %arg22[%add3A_1798, %dma_wait3A_1823] : memref<5128x128xf32, #tpu.memory_space<vmem_shared>> -> memref<64x128xf32, #tpu.memory_space<vmem_shared>>
      tpu.wait_dma2 semaphore(%run_scoped3A : memref<!tpu.dma_semaphore, #tpu.memory_space<semaphore_mem>>) src(%dma_wait3A_1824 : memref<64x128xf32, #tpu.memory_space<vmem_shared>>) dst(%arg11 : memref<64x128xf32, #tpu.memory_space<vmem>>)
      tpu.yield
    }) : () -> ()
    %add3A_1800 = arith.addi %mul3A_21, %add3A_1798 : i32
    "tpu.region"() ({
      %run_scoped3A = tpu.sem_alloc : memref<!tpu.dma_semaphore, #tpu.memory_space<semaphore_mem>>
      %dma_start3A_1817 = arith.constant 0 : i32
      %dma_start3A_1818 = tpu.memref_slice %arg8[%add3A_1800, %dma_start3A_1817] : memref<10240x128xf32, #tpu.memory_space<hbm>> -> memref<64x128xf32, #tpu.memory_space<hbm>>
      %dma_start3A_1819 = arith.constant 0 : i32
      %dma_start3A_1820 = tpu.memref_slice %arg8[%add3A_1800, %dma_start3A_1819] : memref<10240x128xf32, #tpu.memory_space<hbm>> -> memref<64x128xf32, #tpu.memory_space<hbm>>
      tpu.enqueue_dma source(%arg11 : memref<64x128xf32, #tpu.memory_space<vmem>>) target(%dma_start3A_1820 : memref<64x128xf32, #tpu.memory_space<hbm>>) target_semaphore(%run_scoped3A : memref<!tpu.dma_semaphore, #tpu.memory_space<semaphore_mem>>)
      %dma_wait3A_1821 = arith.constant 0 : i32
      %dma_wait3A_1822 = tpu.memref_slice %arg8[%add3A_1800, %dma_wait3A_1821] : memref<10240x128xf32, #tpu.memory_space<hbm>> -> memref<64x128xf32, #tpu.memory_space<hbm>>
      %dma_wait3A_1823 = arith.constant 0 : i32
      %dma_wait3A_1824 = tpu.memref_slice %arg8[%add3A_1800, %dma_wait3A_1823] : memref<10240x128xf32, #tpu.memory_space<hbm>> -> memref<64x128xf32, #tpu.memory_space<hbm>>
      tpu.wait_dma2 semaphore(%run_scoped3A : memref<!tpu.dma_semaphore, #tpu.memory_space<semaphore_mem>>) src(%arg11 : memref<64x128xf32, #tpu.memory_space<vmem>>) dst(%dma_wait3A_1824 : memref<64x128xf32, #tpu.memory_space<hbm>>)
      tpu.yield
    }) : () -> ()
    %add3A_1801 = arith.constant 64 : i32
    %add3A_1802 = arith.addi %mul3A_0, %add3A_1801 : i32
    "tpu.region"() ({
      %run_scoped3A = tpu.sem_alloc : memref<!tpu.dma_semaphore, #tpu.memory_space<semaphore_mem>>
      %dma_start3A_1817 = arith.constant 0 : i32
      %dma_start3A_1818 = tpu.memref_slice %arg21[%add3A_1802, %dma_start3A_1817] : memref<5128x128xf32, #tpu.memory_space<vmem_shared>> -> memref<64x128xf32, #tpu.memory_space<vmem_shared>>
      %dma_start3A_1819 = arith.constant 0 : i32
      %dma_start3A_1820 = tpu.memref_slice %arg21[%add3A_1802, %dma_start3A_1819] : memref<5128x128xf32, #tpu.memory_space<vmem_shared>> -> memref<64x128xf32, #tpu.memory_space<vmem_shared>>
      tpu.enqueue_dma source(%dma_start3A_1820 : memref<64x128xf32, #tpu.memory_space<vmem_shared>>) target(%arg11 : memref<64x128xf32, #tpu.memory_space<vmem>>) target_semaphore(%run_scoped3A : memref<!tpu.dma_semaphore, #tpu.memory_space<semaphore_mem>>)
      %dma_wait3A_1821 = arith.constant 0 : i32
      %dma_wait3A_1822 = tpu.memref_slice %arg21[%add3A_1802, %dma_wait3A_1821] : memref<5128x128xf32, #tpu.memory_space<vmem_shared>> -> memref<64x128xf32, #tpu.memory_space<vmem_shared>>
      %dma_wait3A_1823 = arith.constant 0 : i32
      %dma_wait3A_1824 = tpu.memref_slice %arg21[%add3A_1802, %dma_wait3A_1823] : memref<5128x128xf32, #tpu.memory_space<vmem_shared>> -> memref<64x128xf32, #tpu.memory_space<vmem_shared>>
      tpu.wait_dma2 semaphore(%run_scoped3A : memref<!tpu.dma_semaphore, #tpu.memory_space<semaphore_mem>>) src(%dma_wait3A_1824 : memref<64x128xf32, #tpu.memory_space<vmem_shared>>) dst(%arg11 : memref<64x128xf32, #tpu.memory_space<vmem>>)
      tpu.yield
    }) : () -> ()
    %add3A_1803 = arith.addi %mul3A_21, %add3A_1802 : i32
    "tpu.region"() ({
      %run_scoped3A = tpu.sem_alloc : memref<!tpu.dma_semaphore, #tpu.memory_space<semaphore_mem>>
      %dma_start3A_1817 = arith.constant 0 : i32
      %dma_start3A_1818 = tpu.memref_slice %arg7[%add3A_1803, %dma_start3A_1817] : memref<10240x128xf32, #tpu.memory_space<hbm>> -> memref<64x128xf32, #tpu.memory_space<hbm>>
      %dma_start3A_1819 = arith.constant 0 : i32
      %dma_start3A_1820 = tpu.memref_slice %arg7[%add3A_1803, %dma_start3A_1819] : memref<10240x128xf32, #tpu.memory_space<hbm>> -> memref<64x128xf32, #tpu.memory_space<hbm>>
      tpu.enqueue_dma source(%arg11 : memref<64x128xf32, #tpu.memory_space<vmem>>) target(%dma_start3A_1820 : memref<64x128xf32, #tpu.memory_space<hbm>>) target_semaphore(%run_scoped3A : memref<!tpu.dma_semaphore, #tpu.memory_space<semaphore_mem>>)
      %dma_wait3A_1821 = arith.constant 0 : i32
      %dma_wait3A_1822 = tpu.memref_slice %arg7[%add3A_1803, %dma_wait3A_1821] : memref<10240x128xf32, #tpu.memory_space<hbm>> -> memref<64x128xf32, #tpu.memory_space<hbm>>
      %dma_wait3A_1823 = arith.constant 0 : i32
      %dma_wait3A_1824 = tpu.memref_slice %arg7[%add3A_1803, %dma_wait3A_1823] : memref<10240x128xf32, #tpu.memory_space<hbm>> -> memref<64x128xf32, #tpu.memory_space<hbm>>
      tpu.wait_dma2 semaphore(%run_scoped3A : memref<!tpu.dma_semaphore, #tpu.memory_space<semaphore_mem>>) src(%arg11 : memref<64x128xf32, #tpu.memory_space<vmem>>) dst(%dma_wait3A_1824 : memref<64x128xf32, #tpu.memory_space<hbm>>)
      tpu.yield
    }) : () -> ()
    "tpu.region"() ({
      %run_scoped3A = tpu.sem_alloc : memref<!tpu.dma_semaphore, #tpu.memory_space<semaphore_mem>>
      %dma_start3A_1817 = arith.constant 0 : i32
      %dma_start3A_1818 = tpu.memref_slice %arg22[%add3A_1802, %dma_start3A_1817] : memref<5128x128xf32, #tpu.memory_space<vmem_shared>> -> memref<64x128xf32, #tpu.memory_space<vmem_shared>>
      %dma_start3A_1819 = arith.constant 0 : i32
      %dma_start3A_1820 = tpu.memref_slice %arg22[%add3A_1802, %dma_start3A_1819] : memref<5128x128xf32, #tpu.memory_space<vmem_shared>> -> memref<64x128xf32, #tpu.memory_space<vmem_shared>>
      tpu.enqueue_dma source(%dma_start3A_1820 : memref<64x128xf32, #tpu.memory_space<vmem_shared>>) target(%arg11 : memref<64x128xf32, #tpu.memory_space<vmem>>) target_semaphore(%run_scoped3A : memref<!tpu.dma_semaphore, #tpu.memory_space<semaphore_mem>>)
      %dma_wait3A_1821 = arith.constant 0 : i32
      %dma_wait3A_1822 = tpu.memref_slice %arg22[%add3A_1802, %dma_wait3A_1821] : memref<5128x128xf32, #tpu.memory_space<vmem_shared>> -> memref<64x128xf32, #tpu.memory_space<vmem_shared>>
      %dma_wait3A_1823 = arith.constant 0 : i32
      %dma_wait3A_1824 = tpu.memref_slice %arg22[%add3A_1802, %dma_wait3A_1823] : memref<5128x128xf32, #tpu.memory_space<vmem_shared>> -> memref<64x128xf32, #tpu.memory_space<vmem_shared>>
      tpu.wait_dma2 semaphore(%run_scoped3A : memref<!tpu.dma_semaphore, #tpu.memory_space<semaphore_mem>>) src(%dma_wait3A_1824 : memref<64x128xf32, #tpu.memory_space<vmem_shared>>) dst(%arg11 : memref<64x128xf32, #tpu.memory_space<vmem>>)
      tpu.yield
    }) : () -> ()
    %add3A_1804 = arith.addi %mul3A_21, %add3A_1802 : i32
    "tpu.region"() ({
      %run_scoped3A = tpu.sem_alloc : memref<!tpu.dma_semaphore, #tpu.memory_space<semaphore_mem>>
      %dma_start3A_1817 = arith.constant 0 : i32
      %dma_start3A_1818 = tpu.memref_slice %arg8[%add3A_1804, %dma_start3A_1817] : memref<10240x128xf32, #tpu.memory_space<hbm>> -> memref<64x128xf32, #tpu.memory_space<hbm>>
      %dma_start3A_1819 = arith.constant 0 : i32
      %dma_start3A_1820 = tpu.memref_slice %arg8[%add3A_1804, %dma_start3A_1819] : memref<10240x128xf32, #tpu.memory_space<hbm>> -> memref<64x128xf32, #tpu.memory_space<hbm>>
      tpu.enqueue_dma source(%arg11 : memref<64x128xf32, #tpu.memory_space<vmem>>) target(%dma_start3A_1820 : memref<64x128xf32, #tpu.memory_space<hbm>>) target_semaphore(%run_scoped3A : memref<!tpu.dma_semaphore, #tpu.memory_space<semaphore_mem>>)
      %dma_wait3A_1821 = arith.constant 0 : i32
      %dma_wait3A_1822 = tpu.memref_slice %arg8[%add3A_1804, %dma_wait3A_1821] : memref<10240x128xf32, #tpu.memory_space<hbm>> -> memref<64x128xf32, #tpu.memory_space<hbm>>
      %dma_wait3A_1823 = arith.constant 0 : i32
      %dma_wait3A_1824 = tpu.memref_slice %arg8[%add3A_1804, %dma_wait3A_1823] : memref<10240x128xf32, #tpu.memory_space<hbm>> -> memref<64x128xf32, #tpu.memory_space<hbm>>
      tpu.wait_dma2 semaphore(%run_scoped3A : memref<!tpu.dma_semaphore, #tpu.memory_space<semaphore_mem>>) src(%arg11 : memref<64x128xf32, #tpu.memory_space<vmem>>) dst(%dma_wait3A_1824 : memref<64x128xf32, #tpu.memory_space<hbm>>)
      tpu.yield
    }) : () -> ()
    %add3A_1805 = arith.constant 128 : i32
    %add3A_1806 = arith.addi %mul3A_0, %add3A_1805 : i32
    "tpu.region"() ({
      %run_scoped3A = tpu.sem_alloc : memref<!tpu.dma_semaphore, #tpu.memory_space<semaphore_mem>>
      %dma_start3A_1817 = arith.constant 0 : i32
      %dma_start3A_1818 = tpu.memref_slice %arg21[%add3A_1806, %dma_start3A_1817] : memref<5128x128xf32, #tpu.memory_space<vmem_shared>> -> memref<64x128xf32, #tpu.memory_space<vmem_shared>>
      %dma_start3A_1819 = arith.constant 0 : i32
      %dma_start3A_1820 = tpu.memref_slice %arg21[%add3A_1806, %dma_start3A_1819] : memref<5128x128xf32, #tpu.memory_space<vmem_shared>> -> memref<64x128xf32, #tpu.memory_space<vmem_shared>>
      tpu.enqueue_dma source(%dma_start3A_1820 : memref<64x128xf32, #tpu.memory_space<vmem_shared>>) target(%arg11 : memref<64x128xf32, #tpu.memory_space<vmem>>) target_semaphore(%run_scoped3A : memref<!tpu.dma_semaphore, #tpu.memory_space<semaphore_mem>>)
      %dma_wait3A_1821 = arith.constant 0 : i32
      %dma_wait3A_1822 = tpu.memref_slice %arg21[%add3A_1806, %dma_wait3A_1821] : memref<5128x128xf32, #tpu.memory_space<vmem_shared>> -> memref<64x128xf32, #tpu.memory_space<vmem_shared>>
      %dma_wait3A_1823 = arith.constant 0 : i32
      %dma_wait3A_1824 = tpu.memref_slice %arg21[%add3A_1806, %dma_wait3A_1823] : memref<5128x128xf32, #tpu.memory_space<vmem_shared>> -> memref<64x128xf32, #tpu.memory_space<vmem_shared>>
      tpu.wait_dma2 semaphore(%run_scoped3A : memref<!tpu.dma_semaphore, #tpu.memory_space<semaphore_mem>>) src(%dma_wait3A_1824 : memref<64x128xf32, #tpu.memory_space<vmem_shared>>) dst(%arg11 : memref<64x128xf32, #tpu.memory_space<vmem>>)
      tpu.yield
    }) : () -> ()
    %add3A_1807 = arith.addi %mul3A_21, %add3A_1806 : i32
    "tpu.region"() ({
      %run_scoped3A = tpu.sem_alloc : memref<!tpu.dma_semaphore, #tpu.memory_space<semaphore_mem>>
      %dma_start3A_1817 = arith.constant 0 : i32
      %dma_start3A_1818 = tpu.memref_slice %arg7[%add3A_1807, %dma_start3A_1817] : memref<10240x128xf32, #tpu.memory_space<hbm>> -> memref<64x128xf32, #tpu.memory_space<hbm>>
      %dma_start3A_1819 = arith.constant 0 : i32
      %dma_start3A_1820 = tpu.memref_slice %arg7[%add3A_1807, %dma_start3A_1819] : memref<10240x128xf32, #tpu.memory_space<hbm>> -> memref<64x128xf32, #tpu.memory_space<hbm>>
      tpu.enqueue_dma source(%arg11 : memref<64x128xf32, #tpu.memory_space<vmem>>) target(%dma_start3A_1820 : memref<64x128xf32, #tpu.memory_space<hbm>>) target_semaphore(%run_scoped3A : memref<!tpu.dma_semaphore, #tpu.memory_space<semaphore_mem>>)
      %dma_wait3A_1821 = arith.constant 0 : i32
      %dma_wait3A_1822 = tpu.memref_slice %arg7[%add3A_1807, %dma_wait3A_1821] : memref<10240x128xf32, #tpu.memory_space<hbm>> -> memref<64x128xf32, #tpu.memory_space<hbm>>
      %dma_wait3A_1823 = arith.constant 0 : i32
      %dma_wait3A_1824 = tpu.memref_slice %arg7[%add3A_1807, %dma_wait3A_1823] : memref<10240x128xf32, #tpu.memory_space<hbm>> -> memref<64x128xf32, #tpu.memory_space<hbm>>
      tpu.wait_dma2 semaphore(%run_scoped3A : memref<!tpu.dma_semaphore, #tpu.memory_space<semaphore_mem>>) src(%arg11 : memref<64x128xf32, #tpu.memory_space<vmem>>) dst(%dma_wait3A_1824 : memref<64x128xf32, #tpu.memory_space<hbm>>)
      tpu.yield
    }) : () -> ()
    "tpu.region"() ({
      %run_scoped3A = tpu.sem_alloc : memref<!tpu.dma_semaphore, #tpu.memory_space<semaphore_mem>>
      %dma_start3A_1817 = arith.constant 0 : i32
      %dma_start3A_1818 = tpu.memref_slice %arg22[%add3A_1806, %dma_start3A_1817] : memref<5128x128xf32, #tpu.memory_space<vmem_shared>> -> memref<64x128xf32, #tpu.memory_space<vmem_shared>>
      %dma_start3A_1819 = arith.constant 0 : i32
      %dma_start3A_1820 = tpu.memref_slice %arg22[%add3A_1806, %dma_start3A_1819] : memref<5128x128xf32, #tpu.memory_space<vmem_shared>> -> memref<64x128xf32, #tpu.memory_space<vmem_shared>>
      tpu.enqueue_dma source(%dma_start3A_1820 : memref<64x128xf32, #tpu.memory_space<vmem_shared>>) target(%arg11 : memref<64x128xf32, #tpu.memory_space<vmem>>) target_semaphore(%run_scoped3A : memref<!tpu.dma_semaphore, #tpu.memory_space<semaphore_mem>>)
      %dma_wait3A_1821 = arith.constant 0 : i32
      %dma_wait3A_1822 = tpu.memref_slice %arg22[%add3A_1806, %dma_wait3A_1821] : memref<5128x128xf32, #tpu.memory_space<vmem_shared>> -> memref<64x128xf32, #tpu.memory_space<vmem_shared>>
      %dma_wait3A_1823 = arith.constant 0 : i32
      %dma_wait3A_1824 = tpu.memref_slice %arg22[%add3A_1806, %dma_wait3A_1823] : memref<5128x128xf32, #tpu.memory_space<vmem_shared>> -> memref<64x128xf32, #tpu.memory_space<vmem_shared>>
      tpu.wait_dma2 semaphore(%run_scoped3A : memref<!tpu.dma_semaphore, #tpu.memory_space<semaphore_mem>>) src(%dma_wait3A_1824 : memref<64x128xf32, #tpu.memory_space<vmem_shared>>) dst(%arg11 : memref<64x128xf32, #tpu.memory_space<vmem>>)
      tpu.yield
    }) : () -> ()
    %add3A_1808 = arith.addi %mul3A_21, %add3A_1806 : i32
    "tpu.region"() ({
      %run_scoped3A = tpu.sem_alloc : memref<!tpu.dma_semaphore, #tpu.memory_space<semaphore_mem>>
      %dma_start3A_1817 = arith.constant 0 : i32
      %dma_start3A_1818 = tpu.memref_slice %arg8[%add3A_1808, %dma_start3A_1817] : memref<10240x128xf32, #tpu.memory_space<hbm>> -> memref<64x128xf32, #tpu.memory_space<hbm>>
      %dma_start3A_1819 = arith.constant 0 : i32
      %dma_start3A_1820 = tpu.memref_slice %arg8[%add3A_1808, %dma_start3A_1819] : memref<10240x128xf32, #tpu.memory_space<hbm>> -> memref<64x128xf32, #tpu.memory_space<hbm>>
      tpu.enqueue_dma source(%arg11 : memref<64x128xf32, #tpu.memory_space<vmem>>) target(%dma_start3A_1820 : memref<64x128xf32, #tpu.memory_space<hbm>>) target_semaphore(%run_scoped3A : memref<!tpu.dma_semaphore, #tpu.memory_space<semaphore_mem>>)
      %dma_wait3A_1821 = arith.constant 0 : i32
      %dma_wait3A_1822 = tpu.memref_slice %arg8[%add3A_1808, %dma_wait3A_1821] : memref<10240x128xf32, #tpu.memory_space<hbm>> -> memref<64x128xf32, #tpu.memory_space<hbm>>
      %dma_wait3A_1823 = arith.constant 0 : i32
      %dma_wait3A_1824 = tpu.memref_slice %arg8[%add3A_1808, %dma_wait3A_1823] : memref<10240x128xf32, #tpu.memory_space<hbm>> -> memref<64x128xf32, #tpu.memory_space<hbm>>
      tpu.wait_dma2 semaphore(%run_scoped3A : memref<!tpu.dma_semaphore, #tpu.memory_space<semaphore_mem>>) src(%arg11 : memref<64x128xf32, #tpu.memory_space<vmem>>) dst(%dma_wait3A_1824 : memref<64x128xf32, #tpu.memory_space<hbm>>)
      tpu.yield
    }) : () -> ()
    %add3A_1809 = arith.constant 192 : i32
    %add3A_1810 = arith.addi %mul3A_0, %add3A_1809 : i32
    "tpu.region"() ({
      %run_scoped3A = tpu.sem_alloc : memref<!tpu.dma_semaphore, #tpu.memory_space<semaphore_mem>>
      %dma_start3A_1817 = arith.constant 0 : i32
      %dma_start3A_1818 = tpu.memref_slice %arg21[%add3A_1810, %dma_start3A_1817] : memref<5128x128xf32, #tpu.memory_space<vmem_shared>> -> memref<64x128xf32, #tpu.memory_space<vmem_shared>>
      %dma_start3A_1819 = arith.constant 0 : i32
      %dma_start3A_1820 = tpu.memref_slice %arg21[%add3A_1810, %dma_start3A_1819] : memref<5128x128xf32, #tpu.memory_space<vmem_shared>> -> memref<64x128xf32, #tpu.memory_space<vmem_shared>>
      tpu.enqueue_dma source(%dma_start3A_1820 : memref<64x128xf32, #tpu.memory_space<vmem_shared>>) target(%arg11 : memref<64x128xf32, #tpu.memory_space<vmem>>) target_semaphore(%run_scoped3A : memref<!tpu.dma_semaphore, #tpu.memory_space<semaphore_mem>>)
      %dma_wait3A_1821 = arith.constant 0 : i32
      %dma_wait3A_1822 = tpu.memref_slice %arg21[%add3A_1810, %dma_wait3A_1821] : memref<5128x128xf32, #tpu.memory_space<vmem_shared>> -> memref<64x128xf32, #tpu.memory_space<vmem_shared>>
      %dma_wait3A_1823 = arith.constant 0 : i32
      %dma_wait3A_1824 = tpu.memref_slice %arg21[%add3A_1810, %dma_wait3A_1823] : memref<5128x128xf32, #tpu.memory_space<vmem_shared>> -> memref<64x128xf32, #tpu.memory_space<vmem_shared>>
      tpu.wait_dma2 semaphore(%run_scoped3A : memref<!tpu.dma_semaphore, #tpu.memory_space<semaphore_mem>>) src(%dma_wait3A_1824 : memref<64x128xf32, #tpu.memory_space<vmem_shared>>) dst(%arg11 : memref<64x128xf32, #tpu.memory_space<vmem>>)
      tpu.yield
    }) : () -> ()
    %add3A_1811 = arith.addi %mul3A_21, %add3A_1810 : i32
    "tpu.region"() ({
      %run_scoped3A = tpu.sem_alloc : memref<!tpu.dma_semaphore, #tpu.memory_space<semaphore_mem>>
      %dma_start3A_1817 = arith.constant 0 : i32
      %dma_start3A_1818 = tpu.memref_slice %arg7[%add3A_1811, %dma_start3A_1817] : memref<10240x128xf32, #tpu.memory_space<hbm>> -> memref<64x128xf32, #tpu.memory_space<hbm>>
      %dma_start3A_1819 = arith.constant 0 : i32
      %dma_start3A_1820 = tpu.memref_slice %arg7[%add3A_1811, %dma_start3A_1819] : memref<10240x128xf32, #tpu.memory_space<hbm>> -> memref<64x128xf32, #tpu.memory_space<hbm>>
      tpu.enqueue_dma source(%arg11 : memref<64x128xf32, #tpu.memory_space<vmem>>) target(%dma_start3A_1820 : memref<64x128xf32, #tpu.memory_space<hbm>>) target_semaphore(%run_scoped3A : memref<!tpu.dma_semaphore, #tpu.memory_space<semaphore_mem>>)
      %dma_wait3A_1821 = arith.constant 0 : i32
      %dma_wait3A_1822 = tpu.memref_slice %arg7[%add3A_1811, %dma_wait3A_1821] : memref<10240x128xf32, #tpu.memory_space<hbm>> -> memref<64x128xf32, #tpu.memory_space<hbm>>
      %dma_wait3A_1823 = arith.constant 0 : i32
      %dma_wait3A_1824 = tpu.memref_slice %arg7[%add3A_1811, %dma_wait3A_1823] : memref<10240x128xf32, #tpu.memory_space<hbm>> -> memref<64x128xf32, #tpu.memory_space<hbm>>
      tpu.wait_dma2 semaphore(%run_scoped3A : memref<!tpu.dma_semaphore, #tpu.memory_space<semaphore_mem>>) src(%arg11 : memref<64x128xf32, #tpu.memory_space<vmem>>) dst(%dma_wait3A_1824 : memref<64x128xf32, #tpu.memory_space<hbm>>)
      tpu.yield
    }) : () -> ()
    "tpu.region"() ({
      %run_scoped3A = tpu.sem_alloc : memref<!tpu.dma_semaphore, #tpu.memory_space<semaphore_mem>>
      %dma_start3A_1817 = arith.constant 0 : i32
      %dma_start3A_1818 = tpu.memref_slice %arg22[%add3A_1810, %dma_start3A_1817] : memref<5128x128xf32, #tpu.memory_space<vmem_shared>> -> memref<64x128xf32, #tpu.memory_space<vmem_shared>>
      %dma_start3A_1819 = arith.constant 0 : i32
      %dma_start3A_1820 = tpu.memref_slice %arg22[%add3A_1810, %dma_start3A_1819] : memref<5128x128xf32, #tpu.memory_space<vmem_shared>> -> memref<64x128xf32, #tpu.memory_space<vmem_shared>>
      tpu.enqueue_dma source(%dma_start3A_1820 : memref<64x128xf32, #tpu.memory_space<vmem_shared>>) target(%arg11 : memref<64x128xf32, #tpu.memory_space<vmem>>) target_semaphore(%run_scoped3A : memref<!tpu.dma_semaphore, #tpu.memory_space<semaphore_mem>>)
      %dma_wait3A_1821 = arith.constant 0 : i32
      %dma_wait3A_1822 = tpu.memref_slice %arg22[%add3A_1810, %dma_wait3A_1821] : memref<5128x128xf32, #tpu.memory_space<vmem_shared>> -> memref<64x128xf32, #tpu.memory_space<vmem_shared>>
      %dma_wait3A_1823 = arith.constant 0 : i32
      %dma_wait3A_1824 = tpu.memref_slice %arg22[%add3A_1810, %dma_wait3A_1823] : memref<5128x128xf32, #tpu.memory_space<vmem_shared>> -> memref<64x128xf32, #tpu.memory_space<vmem_shared>>
      tpu.wait_dma2 semaphore(%run_scoped3A : memref<!tpu.dma_semaphore, #tpu.memory_space<semaphore_mem>>) src(%dma_wait3A_1824 : memref<64x128xf32, #tpu.memory_space<vmem_shared>>) dst(%arg11 : memref<64x128xf32, #tpu.memory_space<vmem>>)
      tpu.yield
    }) : () -> ()
    %add3A_1812 = arith.addi %mul3A_21, %add3A_1810 : i32
    "tpu.region"() ({
      %run_scoped3A = tpu.sem_alloc : memref<!tpu.dma_semaphore, #tpu.memory_space<semaphore_mem>>
      %dma_start3A_1817 = arith.constant 0 : i32
      %dma_start3A_1818 = tpu.memref_slice %arg8[%add3A_1812, %dma_start3A_1817] : memref<10240x128xf32, #tpu.memory_space<hbm>> -> memref<64x128xf32, #tpu.memory_space<hbm>>
      %dma_start3A_1819 = arith.constant 0 : i32
      %dma_start3A_1820 = tpu.memref_slice %arg8[%add3A_1812, %dma_start3A_1819] : memref<10240x128xf32, #tpu.memory_space<hbm>> -> memref<64x128xf32, #tpu.memory_space<hbm>>
      tpu.enqueue_dma source(%arg11 : memref<64x128xf32, #tpu.memory_space<vmem>>) target(%dma_start3A_1820 : memref<64x128xf32, #tpu.memory_space<hbm>>) target_semaphore(%run_scoped3A : memref<!tpu.dma_semaphore, #tpu.memory_space<semaphore_mem>>)
      %dma_wait3A_1821 = arith.constant 0 : i32
      %dma_wait3A_1822 = tpu.memref_slice %arg8[%add3A_1812, %dma_wait3A_1821] : memref<10240x128xf32, #tpu.memory_space<hbm>> -> memref<64x128xf32, #tpu.memory_space<hbm>>
      %dma_wait3A_1823 = arith.constant 0 : i32
      %dma_wait3A_1824 = tpu.memref_slice %arg8[%add3A_1812, %dma_wait3A_1823] : memref<10240x128xf32, #tpu.memory_space<hbm>> -> memref<64x128xf32, #tpu.memory_space<hbm>>
      tpu.wait_dma2 semaphore(%run_scoped3A : memref<!tpu.dma_semaphore, #tpu.memory_space<semaphore_mem>>) src(%arg11 : memref<64x128xf32, #tpu.memory_space<vmem>>) dst(%dma_wait3A_1824 : memref<64x128xf32, #tpu.memory_space<hbm>>)
      tpu.yield
    }) : () -> ()
    %add3A_1813 = arith.constant 256 : i32
    %add3A_1814 = arith.addi %mul3A_0, %add3A_1813 : i32
    "tpu.region"() ({
      %run_scoped3A = tpu.sem_alloc : memref<!tpu.dma_semaphore, #tpu.memory_space<semaphore_mem>>
      %dma_start3A_1817 = arith.constant 0 : i32
      %dma_start3A_1818 = tpu.memref_slice %arg21[%add3A_1814, %dma_start3A_1817] : memref<5128x128xf32, #tpu.memory_space<vmem_shared>> -> memref<64x128xf32, #tpu.memory_space<vmem_shared>>
      %dma_start3A_1819 = arith.constant 0 : i32
      %dma_start3A_1820 = tpu.memref_slice %arg21[%add3A_1814, %dma_start3A_1819] : memref<5128x128xf32, #tpu.memory_space<vmem_shared>> -> memref<64x128xf32, #tpu.memory_space<vmem_shared>>
      tpu.enqueue_dma source(%dma_start3A_1820 : memref<64x128xf32, #tpu.memory_space<vmem_shared>>) target(%arg11 : memref<64x128xf32, #tpu.memory_space<vmem>>) target_semaphore(%run_scoped3A : memref<!tpu.dma_semaphore, #tpu.memory_space<semaphore_mem>>)
      %dma_wait3A_1821 = arith.constant 0 : i32
      %dma_wait3A_1822 = tpu.memref_slice %arg21[%add3A_1814, %dma_wait3A_1821] : memref<5128x128xf32, #tpu.memory_space<vmem_shared>> -> memref<64x128xf32, #tpu.memory_space<vmem_shared>>
      %dma_wait3A_1823 = arith.constant 0 : i32
      %dma_wait3A_1824 = tpu.memref_slice %arg21[%add3A_1814, %dma_wait3A_1823] : memref<5128x128xf32, #tpu.memory_space<vmem_shared>> -> memref<64x128xf32, #tpu.memory_space<vmem_shared>>
      tpu.wait_dma2 semaphore(%run_scoped3A : memref<!tpu.dma_semaphore, #tpu.memory_space<semaphore_mem>>) src(%dma_wait3A_1824 : memref<64x128xf32, #tpu.memory_space<vmem_shared>>) dst(%arg11 : memref<64x128xf32, #tpu.memory_space<vmem>>)
      tpu.yield
    }) : () -> ()
    %add3A_1815 = arith.addi %mul3A_21, %add3A_1814 : i32
    "tpu.region"() ({
      %run_scoped3A = tpu.sem_alloc : memref<!tpu.dma_semaphore, #tpu.memory_space<semaphore_mem>>
      %dma_start3A_1817 = arith.constant 0 : i32
      %dma_start3A_1818 = tpu.memref_slice %arg7[%add3A_1815, %dma_start3A_1817] : memref<10240x128xf32, #tpu.memory_space<hbm>> -> memref<64x128xf32, #tpu.memory_space<hbm>>
      %dma_start3A_1819 = arith.constant 0 : i32
      %dma_start3A_1820 = tpu.memref_slice %arg7[%add3A_1815, %dma_start3A_1819] : memref<10240x128xf32, #tpu.memory_space<hbm>> -> memref<64x128xf32, #tpu.memory_space<hbm>>
      tpu.enqueue_dma source(%arg11 : memref<64x128xf32, #tpu.memory_space<vmem>>) target(%dma_start3A_1820 : memref<64x128xf32, #tpu.memory_space<hbm>>) target_semaphore(%run_scoped3A : memref<!tpu.dma_semaphore, #tpu.memory_space<semaphore_mem>>)
      %dma_wait3A_1821 = arith.constant 0 : i32
      %dma_wait3A_1822 = tpu.memref_slice %arg7[%add3A_1815, %dma_wait3A_1821] : memref<10240x128xf32, #tpu.memory_space<hbm>> -> memref<64x128xf32, #tpu.memory_space<hbm>>
      %dma_wait3A_1823 = arith.constant 0 : i32
      %dma_wait3A_1824 = tpu.memref_slice %arg7[%add3A_1815, %dma_wait3A_1823] : memref<10240x128xf32, #tpu.memory_space<hbm>> -> memref<64x128xf32, #tpu.memory_space<hbm>>
      tpu.wait_dma2 semaphore(%run_scoped3A : memref<!tpu.dma_semaphore, #tpu.memory_space<semaphore_mem>>) src(%arg11 : memref<64x128xf32, #tpu.memory_space<vmem>>) dst(%dma_wait3A_1824 : memref<64x128xf32, #tpu.memory_space<hbm>>)
      tpu.yield
    }) : () -> ()
    "tpu.region"() ({
      %run_scoped3A = tpu.sem_alloc : memref<!tpu.dma_semaphore, #tpu.memory_space<semaphore_mem>>
      %dma_start3A_1817 = arith.constant 0 : i32
      %dma_start3A_1818 = tpu.memref_slice %arg22[%add3A_1814, %dma_start3A_1817] : memref<5128x128xf32, #tpu.memory_space<vmem_shared>> -> memref<64x128xf32, #tpu.memory_space<vmem_shared>>
      %dma_start3A_1819 = arith.constant 0 : i32
      %dma_start3A_1820 = tpu.memref_slice %arg22[%add3A_1814, %dma_start3A_1819] : memref<5128x128xf32, #tpu.memory_space<vmem_shared>> -> memref<64x128xf32, #tpu.memory_space<vmem_shared>>
      tpu.enqueue_dma source(%dma_start3A_1820 : memref<64x128xf32, #tpu.memory_space<vmem_shared>>) target(%arg11 : memref<64x128xf32, #tpu.memory_space<vmem>>) target_semaphore(%run_scoped3A : memref<!tpu.dma_semaphore, #tpu.memory_space<semaphore_mem>>)
      %dma_wait3A_1821 = arith.constant 0 : i32
      %dma_wait3A_1822 = tpu.memref_slice %arg22[%add3A_1814, %dma_wait3A_1821] : memref<5128x128xf32, #tpu.memory_space<vmem_shared>> -> memref<64x128xf32, #tpu.memory_space<vmem_shared>>
      %dma_wait3A_1823 = arith.constant 0 : i32
      %dma_wait3A_1824 = tpu.memref_slice %arg22[%add3A_1814, %dma_wait3A_1823] : memref<5128x128xf32, #tpu.memory_space<vmem_shared>> -> memref<64x128xf32, #tpu.memory_space<vmem_shared>>
      tpu.wait_dma2 semaphore(%run_scoped3A : memref<!tpu.dma_semaphore, #tpu.memory_space<semaphore_mem>>) src(%dma_wait3A_1824 : memref<64x128xf32, #tpu.memory_space<vmem_shared>>) dst(%arg11 : memref<64x128xf32, #tpu.memory_space<vmem>>)
      tpu.yield
    }) : () -> ()
    %add3A_1816 = arith.addi %mul3A_21, %add3A_1814 : i32
    "tpu.region"() ({
      %run_scoped3A = tpu.sem_alloc : memref<!tpu.dma_semaphore, #tpu.memory_space<semaphore_mem>>
      %dma_start3A_1817 = arith.constant 0 : i32
      %dma_start3A_1818 = tpu.memref_slice %arg8[%add3A_1816, %dma_start3A_1817] : memref<10240x128xf32, #tpu.memory_space<hbm>> -> memref<64x128xf32, #tpu.memory_space<hbm>>
      %dma_start3A_1819 = arith.constant 0 : i32
      %dma_start3A_1820 = tpu.memref_slice %arg8[%add3A_1816, %dma_start3A_1819] : memref<10240x128xf32, #tpu.memory_space<hbm>> -> memref<64x128xf32, #tpu.memory_space<hbm>>
      tpu.enqueue_dma source(%arg11 : memref<64x128xf32, #tpu.memory_space<vmem>>) target(%dma_start3A_1820 : memref<64x128xf32, #tpu.memory_space<hbm>>) target_semaphore(%run_scoped3A : memref<!tpu.dma_semaphore, #tpu.memory_space<semaphore_mem>>)
      %dma_wait3A_1821 = arith.constant 0 : i32
      %dma_wait3A_1822 = tpu.memref_slice %arg8[%add3A_1816, %dma_wait3A_1821] : memref<10240x128xf32, #tpu.memory_space<hbm>> -> memref<64x128xf32, #tpu.memory_space<hbm>>
      %dma_wait3A_1823 = arith.constant 0 : i32
      %dma_wait3A_1824 = tpu.memref_slice %arg8[%add3A_1816, %dma_wait3A_1823] : memref<10240x128xf32, #tpu.memory_space<hbm>> -> memref<64x128xf32, #tpu.memory_space<hbm>>
      tpu.wait_dma2 semaphore(%run_scoped3A : memref<!tpu.dma_semaphore, #tpu.memory_space<semaphore_mem>>) src(%arg11 : memref<64x128xf32, #tpu.memory_space<vmem>>) dst(%dma_wait3A_1824 : memref<64x128xf32, #tpu.memory_space<hbm>>)
      tpu.yield
    }) : () -> ()
    return
  }
}

</mosaic_0001>

<sc_bundles>
// kernel: _sc_scatter.3.cloned.1.call-start
scs
__scs_entry_jumppad:
0x0: {  	(pc) =	sbr.rel $0x88, $3  }
0x1: {  	(tag) =	ssettag $0x0;
	lr =	simm.s32 $0x1  }
0x2: {  	[smem:$0x3F9C] =	sst lr;
	_ =	strace $0xD0000000  }
0x3: {  	_ = 	snop  }
0x4: {  	_ = 	snop  }
0x5: {  	_ = 	snop  }
0x6: {  	_ = 	snop  }
0x7: {  	_ = 	snop  }
__scs_overlays_trampoline_lowered:
0x8: {  	[smem:$0x3FAB] =	sst s0  }
0x9: {  	[smem:$0x3FAC] =	sst s1  }
0xa: {  	[smem:$0x3FAD] =	sst s2  }
0xb: {  	[smem:$0x3FAE] =	sst s3  }
0xc: {  	[smem:$0x3FAF] =	sst s4  }
0xd: {  	[smem:$0x3FB0] =	sst s5  }
0xe: {  	[smem:$0x3FB1] =	sst s6  }
0xf: {  	[smem:$0x3FB2] =	sst s7  }
0x10: {  	[smem:$0x3FB3] =	sst s8  }
0x11: {  	[smem:$0x3FB4] =	sst s9;
	s0 =	simm.s32 @!p0 $0x0  }
0x12: {  	s1 =	sld [smem:$0x3F9A];
	s0 =	simm.s32 @p0 $0x1  }
0x13: {  	[smem:$0x3FB5] =	sst s0;
	s0 =	simm.s32 @!p1 $0x0  }
0x14: {  	s2 =	sld [smem:$0x3F99];
	s0 =	simm.s32 @p1 $0x1  }
0x15: {  	[smem:$0x3FB6] =	sst s0;
	s0 =	simm.s32 @!p2 $0x0  }
0x16: {  	s3 =	sld [smem:$0x3FDB];
	s0 =	simm.s32 @p2 $0x1  }
0x17: {  	s4 =	simm.s32 $0x1BF5;
	[smem:$0x3FB8] =	sst s0  }
0x18: {  	s0 =	sld [smem:$0x3F9B];
	_ =	swait.ge [sflag:s4], $0x0  }
0x19: {  	s7 =	sld [smem:$0x3F9C]  }
0x1a: {  	s8 =	sadd.s32 $0xFFFFE003, lr  }
0x1b: {  	s9 =	sadd.s32 $0xFFFFFEF7, lr;
	s5 =	simm.s32 $0xFFFFFFFF;
	p2 =	slt.u32 s8, $0xFFFFF086  }
0x1c: {  	p1 =	slt.u32 s9, $0xF7A;
	s5 =	simm.s32 @!p2 $0x0  }
0x1d: {  	s5 =	simm.s32 @p1 $0x1;
	p0 =	seq.s32 s7, s2  }
0x1e: {  	s7 =	smul.u32 @!p0 $0xF7A, s2;
	p2 =	seq.s32 @!p0 s5, $0x0  }
0x1f: {  	s9 =	smul.u32 $0xF7A, s1;
	s8 =	simm.s32 @!p0 $0x1BF5;
	p2 =	por !p2, p0  }
0x20: {  	[sflag:s8] =	ssyncset.s32 @!p0 $0xFFFFF086;
	s6 =	sadd.s32 @!p0 s3, s7;
	s7 =	simm.s32 @!p0 $0x108  }
0x21: {  	s3 =	sadd.s32 s3, s9;
	s6 =	sadd.s32 @!p0 $0x88, s6;
	s7 =	simm.s32 @p2 $0x1082  }
0x22: {  	[simem:s7], [sflag:s8] =	dma.local @!p0 [hbm:s6], $0xF7A  }
0x23: {  	s9 =	sor.u32 $0xD0000000, s2;
	s6 =	simm.s32 $0x108;
	_ =	swait.ge @!p0 [sflag:s8], $0x0  }
0x24: {  	s3 =	sadd.s32 $0x88, s3;
	s6 =	simm.s32 @!p1 $0x1082;
	[sflag:s4] =	ssyncset.s32 $0xFFFFF086  }
0x25: {  	[simem:s6], [sflag:s4] =	dma.local [hbm:s3], $0xF7A  }
0x26: {  	[smem:$0x3F9C] =	sst s1;
	(tag) =	ssettag s2;
	_ =	strace s9  }
0x27: {  	s1 =	sld [smem:$0x3FAC]  }
0x28: {  	s2 =	sld [smem:$0x3FAD]  }
0x29: {  	s4 =	sld [smem:$0x3FAF]  }
0x2a: {  	p0 =	seq.s32 s5, $0x0;
	s5 =	sld [smem:$0x3FB0]  }
0x2b: {  	s6 =	sld [smem:$0x3FB1]  }
0x2c: {  	s7 =	sld [smem:$0x3FB2]  }
0x2d: {  	s3 =	simm.s32 $0x108;
	s8 =	sld [smem:$0x3FB3]  }
0x2e: {  	s3 =	simm.s32 @!p0 $0x1082;
	s9 =	sld [smem:$0x3FB4]  }
0x2f: {  	lr =	sadd.s32 s0, s3;
	s0 =	sld [smem:$0x3FAB]  }
0x30: {  	s3 =	sld [smem:$0x3FAE]  }
0x31: {  	[smem:$0x3FB7] =	sst s10  }
0x32: {  	s10 =	sld [smem:$0x3FB5];
	_ =	sdelay $0x3  }
0x33: {  	p0 =	seq.s32 s10, $0x1;
	s10 =	sld [smem:$0x3FB7];
	_ =	sdelay $0x3  }
0x34: {  	[smem:$0x3FB7] =	sst s10  }
0x35: {  	s10 =	sld [smem:$0x3FB6];
	_ =	sdelay $0x3  }
0x36: {  	p1 =	seq.s32 s10, $0x1;
	s10 =	sld [smem:$0x3FB7];
	_ =	sdelay $0x3  }
0x37: {  	[smem:$0x3FB7] =	sst s10  }
0x38: {  	s10 =	sld [smem:$0x3FB8]  }
0x39: {  	_ = 	snop;
	(pc) =	sbr.ind lr, $3  }
0x3a: {  	_ = 	snop  }
0x3b: {  	_ = 	snop  }
0x3c: {  	p2 =	seq.s32 s10, $0x1;
	s10 =	sld [smem:$0x3FB7]  }
0x3d: {  	_ =	shalt  }
0x3e: {  	_ =	shalt  }
0x3f: {  	_ =	shalt  }
0x40: {  	_ =	shalt  }
0x41: {  	_ =	shalt  }
0x42: {  	_ =	shalt  }
0x43: {  	_ =	shalt  }
0x44: {  	_ =	shalt  }
0x45: {  	_ =	shalt  }
0x46: {  	_ =	shalt  }
0x47: {  	_ =	shalt  }
0x48: {  	_ =	shalt  }
0x49: {  	_ =	shalt  }
0x4a: {  	_ =	shalt  }
0x4b: {  	_ =	shalt  }
0x4c: {  	_ =	shalt  }
0x4d: {  	_ =	shalt  }
0x4e: {  	_ =	shalt  }
0x4f: {  	_ =	shalt  }
0x50: {  	_ =	shalt  }
0x51: {  	_ =	shalt  }
0x52: {  	_ =	shalt  }
0x53: {  	_ =	shalt  }
0x54: {  	_ =	shalt  }
0x55: {  	_ =	shalt  }
0x56: {  	_ =	shalt  }
0x57: {  	_ =	shalt  }
0x58: {  	_ =	shalt  }
0x59: {  	_ =	shalt  }
0x5a: {  	_ =	shalt  }
0x5b: {  	_ =	shalt  }
0x5c: {  	_ =	shalt  }
0x5d: {  	_ =	shalt  }
0x5e: {  	_ =	shalt  }
0x5f: {  	_ =	shalt  }
0x60: {  	_ =	shalt  }
0x61: {  	_ =	shalt  }
0x62: {  	_ =	shalt  }
0x63: {  	_ =	shalt  }
0x64: {  	_ =	shalt  }
0x65: {  	_ =	shalt  }
0x66: {  	_ =	shalt  }
0x67: {  	_ =	shalt  }
0x68: {  	_ =	shalt  }
0x69: {  	_ =	shalt  }
0x6a: {  	_ =	shalt  }
0x6b: {  	_ =	shalt  }
0x6c: {  	_ =	shalt  }
0x6d: {  	_ =	shalt  }
0x6e: {  	_ =	shalt  }
0x6f: {  	_ =	shalt  }
0x70: {  	_ =	shalt  }
0x71: {  	_ =	shalt  }
0x72: {  	_ =	shalt  }
0x73: {  	_ =	shalt  }
0x74: {  	_ =	shalt  }
0x75: {  	_ =	shalt  }
0x76: {  	_ =	shalt  }
0x77: {  	_ =	shalt  }
0x78: {  	_ =	shalt  }
0x79: {  	_ =	shalt  }
0x7a: {  	_ =	shalt  }
0x7b: {  	_ =	shalt  }
0x7c: {  	_ =	shalt  }
0x7d: {  	_ =	shalt  }
0x7e: {  	_ =	shalt  }
0x7f: {  	_ =	shalt  }
0x80: {  	_ =	shalt  }
0x81: {  	_ =	shalt  }
0x82: {  	_ =	shalt  }
0x83: {  	_ =	shalt  }
0x84: {  	_ =	shalt  }
0x85: {  	_ =	shalt  }
0x86: {  	_ =	shalt  }
0x87: {  	_ =	shalt  }
.Lfunc_end0:
.L_simem_size_0:
called_computation_lowered:
.L_overlay_start_0:
0x88: {  	s2 =	sld [smem:$0x3FD9]  }
0x89: {  	s3 =	sld [smem:$0x3FFE];
	_ =	sdelay $0x1  }
0x8a: {  	s1 =	srdreg.scid  }
0x8b: {  	s0 =	sand.u32 $0x1, s1  }
0x8c: {  	s15 =	sshll.u32 s0, $0xA;
	s2 =	sadd.s32 s3, s2  }
0x8d: {  	s2 =	sadd.s32 s2, s15  }
0x8e: {  	[smem:$0x3FC3] =	sst s2  }
0x8f: {  	_ = 	snop  }
0x90: {  	s2 =	sld [smem:$0x3FC9]  }
0x91: {  	s16 =	sld [smem:$0x3FC8]  }
0x92: {  	s4 =	sld [smem:$0x3FD0]  }
0x93: {  	s5 =	sld [smem:$0x3FC7]  }
0x94: {  	s6 =	sld [smem:$0x3FC6]  }
0x95: {  	s8 =	simm.s32 $0xA;
	s9 =	simm.s32 $0x10;
	s7 =	sld [smem:$0x3FC5]  }
0x96: {  	[smem:s9], [sflag:s8] =	dma.local [hbm:s4], $0x1  }
0x97: {  	_ =	swait.eq [sflag:s8], $0x1  }
0x98: {  	[sflag:s8] =	ssyncset.done $0x0  }
0x99: {  	s17 =	sld [smem:$0x10];
	[sflag:s8] =	ssyncadd.s32 $0xFFFFFFFF  }
0x9a: {  	s18 =	sld [smem:$0x11];
	(tm) =	ssettm $0x1  }
0x9b: {  	s19 =	sld [smem:$0x3FFB];
	_ =	sdelay $0x3  }
0x9c: {  	_ =	strace s19  }
0x9d: {  	s9 =	sld [smem:$0x3FFC];
	_ =	sdelay $0x3  }
0x9e: {  	_ =	strace s9  }
0x9f: {  	s9 =	sld [smem:$0x3FFD];
	_ =	sdelay $0x3  }
0xa0: {  	_ =	strace s9  }
0xa1: {  	_ =	strace $0x8FFFFFFF  }
0xa2: {  	s20 =	sld [smem:$0x3FDB];
	_ =	sdelay $0x1  }
0xa3: {  	s10 =	simm.s32 $_scs_section_size  }
0xa4: {  	s11 =	simm.s32 $_size__tile_overlayer_lowered;
	s12 =	simm.s32 $_tile_overlayer_lowered  }
0xa5: {  	s23 =	simm.s32 $0x1BFF;
	s22 =	sshll.u32 s12, $0x1;
	s9 =	sadd.s32 s10, s20  }
0xa6: {  	s13 =	simm.s32 $0x0;
	s21 =	sshll.u32 s11, $0x1;
	s11 =	sadd.s32 s22, s9  }
0xa7: {  	[timem:s13], [sflag:s23] =	dma.local [hbm:s11], s21  }
0xa8: {  	_ =	swait.ge [sflag:s23], s21  }
0xa9: {  	s10 =	ssub.s32 $0x0, s21;
	[sflag:s23] =	ssyncset.done $0x0  }
0xaa: {  	[sflag:s23] =	ssyncadd.s32 s10;
	_ =	sdelay $0x1  }
0xab: {  	s24 =	simm.s32 $0x1B8B  }
0xac: {  	_ =	swait.ge [sflag:s24], $0x1  }
0xad: {  	[sflag:s24] =	ssyncset.done $0x0  }
0xae: {  	s25 =	simm.s32 $0x1B8E;
	[sflag:s24] =	ssyncadd.s32 $0xFFFFFFFF  }
0xaf: {  	s26 =	simm.s32 $execute0_lowered;
	[smem:$0x3FD2] =	sst s25  }
0xb0: {  	s10 =	sshll.u32 s26, $0x1;
	_ =	strace $0x80000046;
	[dreg:$0x1] =	wrdreg $0xFFFFFFFF  }
0xb1: {  	s28 =	simm.s32 $_size_execute0_lowered;
	s9 =	sadd.s32 s9, s10;
	[dreg:$0x0] =	wrdreg $0x0  }
0xb2: {  	s10 =	sshll.u32 s28, $0x1;
	[dreg:$0x2] =	wrdreg s9  }
0xb3: {  	[dreg:$0x3] =	wrdreg s10  }
0xb4: {  	[dreg:$0x4] =	wrdreg $0xC0  }
0xb5: {  	_ =	task [dreg:s13], $0x5FFFF  }
0xb6: {  	[dreg:$0x1] =	wrdreg $0xFFFFFFFF  }
0xb7: {  	[dreg:$0x0] =	wrdreg $0x60  }
0xb8: {  	[dreg:$0x2] =	wrdreg s2  }
0xb9: {  	[dreg:$0x3] =	wrdreg s16  }
0xba: {  	[dreg:$0x4] =	wrdreg s5  }
0xbb: {  	[dreg:$0x5] =	wrdreg s6  }
0xbc: {  	[dreg:$0x6] =	wrdreg s7  }
0xbd: {  	[dreg:$0x7] =	wrdreg s17  }
0xbe: {  	[dreg:$0x8] =	wrdreg s18  }
0xbf: {  	[dreg:$0x9] =	wrdreg $0x8B000  }
0xc0: {  	[dreg:$0xa] =	wrdreg $0x12B400  }
0xc1: {  	[dreg:$0xb] =	wrdreg $0x9  }
0xc2: {  	_ =	task.clear_ibuf [dreg:s13], $0xCFFFF;
	_ =	strace $0x90000046  }
0xc3: {  	s29 =	simm.s32 $0x9;
	_ =	strace $0x80000048  }
0xc4: {  	_ =	swait.ge [sflag:s29], $0x1  }
0xc5: {  	[sflag:s29] =	ssyncadd.s32 $0xFFFFFFFF  }
0xc6: {  	_ =	strace $0x90000048  }
0xc7: {  	_ =	sfence  }
0xc8: {  	s30 =	sld [smem:$0x0];
	_ =	sdelay $0x2  }
0xc9: {  	s31 =	sshll.u32 s1, $0xD;
	s1 =	sshrl.u32 s1, $0x2  }
0xca: {  	s3 =	sand.u32 $0x4000, s31;
	s1 =	sadd.s32 s1, s30  }
0xcb: {  	s0 =	sor.u32 s3, s0;
	s1 =	sshll.u32 s1, $0x11  }
0xcc: {  	s0 =	sor.u32 s1, s0  }
0xcd: {  	s0 =	sadd.s32 $0x8F2B, s0  }
0xce: {  	[sflag:s0] =	ssyncadd.remote.s32 $0x1  }
0xcf: {  	_ =	sfence.sel $0xFFFF  }
0xd0: {  	[dreg:$0x0] =	wrdreg $0xFFFFFFFF;
	(pc) =	sbr.abs _section_cstart, $3  }
0xd1: {  	[dreg:$0x1] =	wrdreg $0xFFFFFFFF  }
0xd2: {  	_ =	task.clear_ibuf [dreg:s13], $0x2FFFF;
	_ =	strace $0x9FFFFFFF  }
0xd3: {  	(tm) =	ssettm $0x7FFFFFFF  }
tec
execute0_lowered:
.L_overlay_start_1:
0x0: {  	(tag) =	ssettag $0x1  }
0x1: {  	s0 =	rddreg [dreg:$0x0]  }
0x2: {  	s1 =	rddreg [dreg:$0x1]  }
0x3: {  	s2 =	rddreg [dreg:$0x2]  }
0x4: {  	s3 =	rddreg [dreg:$0x3]  }
0x5: {  	s4 =	rddreg [dreg:$0x5]  }
0x6: {  	s8 =	rddreg [dreg:$0x6]  }
0x7: {  	s6 =	srdreg.scid;
	s9 =	stileid.u32  }
0x8: {  	s5 =	rddreg [dreg:$0x7];
	s10 =	sand.u32 $0x1, s6;
	s6 =	smul.u32 $0x140, s9  }
0x9: {  	s7 =	simm.s32 $0x0;
	s11 =	ssub.s32 $0x2, s10;
	s26 =	smul.u32 $0x1400, s10  }
0xa: {  	[smem:$0x7FF] =	sst s7;
	s16 =	sshrl.u32 s11, $0x1;
	s14 =	sadd.s32 $0xC0, s6  }
0xb: {  	s15 =	sadd.s32 $0x100, s6;
	s10 =	ssub.s32 s11, s16;
	s12 =	sadd.s32 s6, s26  }
0xc: {  	s11 =	sadd.s32 $0x40, s6;
	s20 =	sadd.s32 s26, s14;
	s12 =	sshll.u32 s12, $0x4  }
0xd: {  	s24 =	sadd.s32 s26, s15;
	s17 =	sadd.s32 s26, s11;
	s16 =	sadd.s32 s4, s12  }
0xe: {  	s22 =	sshll.u32 s20, $0x4;
	s12 =	sadd.s32 s8, s12;
	[dreg:$0xa] =	wrdreg s16  }
0xf: {  	s25 =	sshll.u32 s24, $0x4;
	s23 =	sadd.s32 s4, s22;
	[dreg:$0xb] =	wrdreg s12  }
0x10: {  	s18 =	sshll.u32 s17, $0x4;
	s31 =	sadd.s32 s8, s25;
	[dreg:$0x10] =	wrdreg s23  }
0x11: {  	s13 =	sadd.s32 $0x80, s6;
	s17 =	sadd.s32 s4, s18;
	[dreg:$0x13] =	wrdreg s31  }
0x12: {  	s19 =	sadd.s32 s26, s13;
	s12 =	sadd.s32 s8, s18;
	[dreg:$0xc] =	wrdreg s17  }
0x13: {  	s16 =	sshll.u32 s19, $0x4;
	[dreg:$0xd] =	wrdreg s12  }
0x14: {  	s21 =	sadd.s32 s4, s16;
	s17 =	rddreg [dreg:$0x8]  }
0x15: {  	s16 =	sadd.s32 s8, s16;
	[dreg:$0xe] =	wrdreg s21  }
0x16: {  	s14 =	sshll.u32 s14, $0x7;
	s12 =	sadd.s32 s8, s22;
	[dreg:$0xf] =	wrdreg s16  }
0x17: {  	s4 =	sadd.s32 s4, s25;
	s8 =	sshll.u32 s11, $0x7;
	[dreg:$0x11] =	wrdreg s12  }
0x18: {  	s11 =	sshll.u32 s13, $0x7;
	[dreg:$0x12] =	wrdreg s4;
	s4 =	sadd.s32 s8, s17  }
0x19: {  	s12 =	sadd.s32 s11, s5;
	_ =	strace $0x80000047;
	[dreg:$0x15] =	wrdreg s4  }
0x1a: {  	s24 =	smul.u32 $0x5000, s9;
	s13 =	sadd.s32 s11, s17;
	[dreg:$0x16] =	wrdreg s12  }
0x1b: {  	s18 =	sshll.u32 s15, $0x7;
	s19 =	sadd.s32 s14, s5;
	[dreg:$0x17] =	wrdreg s13  }
0x1c: {  	s20 =	sadd.s32 s18, s5;
	[dreg:$0x18] =	wrdreg s19  }
0x1d: {  	s23 =	sshrl.u32 s24, $0x3;
	s21 =	sadd.s32 s18, s17;
	[dreg:$0x1a] =	wrdreg s20  }
0x1e: {  	s15 =	sadd.s32 s2, s23;
	[dreg:$0x1b] =	wrdreg s21  }
0x1f: {  	s29 =	sadd.s32 s8, s5;
	[smem:$0x7F3] =	sst s15  }
0x20: {  	s4 =	sadd.s32 s14, s17;
	[dreg:$0x14] =	wrdreg s29  }
0x21: {  	s28 =	simm.s32 $0x6;
	s14 =	sadd.s32 s1, s23;
	[dreg:$0x19] =	wrdreg s4  }
0x22: {  	s16 =	smul.u32 $0xA000, s9;
	s20 =	smax.u32 s10, $0x1;
	[smem:$0x7F2] =	sst s14  }
0x23: {  	s30 =	simm.s32 $0x0;
	s21 =	sadd.s32 $0x9E400, s5;
	[smem:$0x7F8] =	sst s20  }
0x24: {  	p0 =	sne.s32 s9, $0x0;
	s22 =	sadd.s32 s16, s5;
	[smem:$0x7F9] =	sst s21  }
0x25: {  	s12 =	sor.u32 $0x8, s23;
	s25 =	sadd.s32 s16, s17;
	[dreg:$0x1c] =	wrdreg s22  }
0x26: {  	v0 =	vmov s26;
	s26 =	simm.s32 $0x2;
	s13 =	sadd.s32 s1, s12;
	[dreg:$0x1d] =	wrdreg s25  }
0x27: {  	s11 =	simm.s32 $0x7;
	s8 =	sadd.s32 s2, s12;
	[dreg:$0x1f] =	wrdreg s13  }
0x28: {  	s31 =	sadd.s32 s3, s16;
	s16 =	sor.u32 $0x10, s23;
	[smem:$0x7F1] =	sst s8  }
0x29: {  	s9 =	simm.s32 $0x8A00;
	s18 =	sadd.s32 s1, s16;
	[dreg:$0x1e] =	wrdreg s31  }
0x2a: {  	s4 =	sor.u32 $0x18, s23;
	s8 =	sadd.s32 s2, s16;
	[smem:$0x7F4] =	sst s18  }
0x2b: {  	s10 =	simm.s32 $0x100;
	s19 =	sadd.s32 s1, s4;
	[smem:$0x7F5] =	sst s8  }
0x2c: {  	s12 =	simm.s32 $0x80;
	s4 =	sadd.s32 s2, s4;
	[smem:$0x7F6] =	sst s19  }
0x2d: {  	s14 =	simm.s32 $0x4500;
	s22 =	sadd.s32 $0x9E400, s17;
	[smem:$0x7F7] =	sst s4  }
0x2e: {  	s20 =	simm.s32 $0x4600;
	s23 =	sadd.s32 $0x80, s31;
	[smem:$0x7FA] =	sst s22  }
0x2f: {  	s21 =	simm.s32 $0x4;
	s25 =	sadd.s32 $0x100, s31;
	[smem:$0x7FB] =	sst s23  }
0x30: {  	s31 =	sadd.s32 $0x180, s31;
	s13 =	simm.s32 $0x2100;
	[smem:$0x7FC] =	sst s25  }
0x31: {  	s16 =	simm.s32 $0x4580;
	[smem:$0x7FD] =	sst s31;
	s18 =	simm.s32 $0x6600  }
0x32: {  	s19 =	simm.s32 $0x1;
	s4 =	simm.s32 $0x40;
	s8 =	simm.s32 $0x3  }
0x33: {  	v1 =	vimm.f32 $0.0e+00;
	v2 =	vimm.f32 $1.000000000e+00;
	s22 =	simm.s32 $0x8A80;
	s23 =	simm.s32 $0x6A00;
	s25 =	simm.s32 $0x5  }
.LBB2_1:
0x34: {  	[smem:$0x7F0] =	sst s30  }
0x35: {  	s15 =	rddreg [dreg:$0x4]  }
0x36: {  	[tilespmem:s10], [sflag:$0x7] =	stream.linear.gather [hbm4b:s15+s7], $0x2000, $0x38;
	[tilespmem:$0x1CB80] =	vst v63  }
0x37: {  	_ =	swait.ge [sflag:s11], $0x2000  }
0x38: {  	[sflag:s11] =	ssyncset.done $0x0  }
0x39: {  	s30 =	simm.s32 $0x0;
	s31 =	simm.s32 $0x200;
	[sflag:s11] =	ssyncadd.s32 $0xFFFFE000  }
.LBB2_2:
0x3a: {  	p1 =	sne.s32 s31, $0x7E00;
	[tilespmem:s30+$0x6A70] =	vst v1  }
0x3b: {  	[tilespmem:s30+$0x2500] =	vst v1  }
0x3c: {  	[tilespmem:s30+$0x2510] =	vst v2  }
0x3d: {  	[tilespmem:s30+$0x2520] =	vst v1  }
0x3e: {  	[tilespmem:s30+$0x2530] =	vst v1  }
0x3f: {  	[tilespmem:s30+$0x2540] =	vst v1  }
0x40: {  	[tilespmem:s30+$0x2550] =	vst v1  }
0x41: {  	[tilespmem:s30+$0x2560] =	vst v1  }
0x42: {  	[tilespmem:s30+$0x2570] =	vst v1  }
0x43: {  	[tilespmem:s30+$0x6A00] =	vst v1  }
0x44: {  	[tilespmem:s30+$0x6A10] =	vst v2  }
.Ltmp0:
0x45: {  	[tilespmem:s30+$0x6A20] =	vst v1;
	(pc) =	sbr.rel @p1 .LBB2_2-.Ltmp0, $4  }
0x46: {  	[tilespmem:s30+$0x6A30] =	vst v1  }
0x47: {  	[tilespmem:s30+$0x6A40] =	vst v1  }
0x48: {  	[tilespmem:s30+$0x6A50] =	vst v1  }
0x49: {  	[tilespmem:s30+$0x6A60] =	vst v1;
	s30 =	sshra.s32 s31, $0x2;
	s31 =	sadd.s32 $0x200, s31  }
0x4a: {  	[tilespmem:s30+$0x6A70] =	vst v1  }
0x4b: {  	[tilespmem:s30+$0x2500] =	vst v1  }
0x4c: {  	[tilespmem:s30+$0x2510] =	vst v2  }
0x4d: {  	[tilespmem:s30+$0x2520] =	vst v1  }
0x4e: {  	[tilespmem:s30+$0x2530] =	vst v1  }
0x4f: {  	[tilespmem:s30+$0x2540] =	vst v1  }
0x50: {  	[tilespmem:s30+$0x2550] =	vst v1  }
0x51: {  	[tilespmem:s30+$0x2560] =	vst v1  }
0x52: {  	[tilespmem:s30+$0x2570] =	vst v1  }
0x53: {  	[tilespmem:s30+$0x6A00] =	vst v1  }
0x54: {  	[tilespmem:s30+$0x6A10] =	vst v2  }
0x55: {  	[tilespmem:s30+$0x6A20] =	vst v1  }
0x56: {  	[tilespmem:s30+$0x6A30] =	vst v1  }
0x57: {  	[tilespmem:s30+$0x6A40] =	vst v1  }
0x58: {  	[tilespmem:s30+$0x6A50] =	vst v1  }
0x59: {  	[tilespmem:s30+$0x6A60] =	vst v1;
	s15 =	rddreg [dreg:$0x1c]  }
0x5a: {  	[spmem:s15] =	stream.linear.scatter [tilespmem:s10], [sflag:$0x7], $0x2000, $0x38;
	[tilespmem:$0x1CB80] =	vst v63  }
0x5b: {  	_ =	swait.ge [sflag:s11], $0x2000  }
0x5c: {  	[sflag:s11] =	ssyncset.done $0x0  }
0x5d: {  	s15 =	rddreg [dreg:$0x1d];
	[sflag:s11] =	ssyncadd.s32 $0xFFFFE000  }
0x5e: {  	[spmem:s15] =	stream.linear.scatter [tilespmem:s10], [sflag:$0x7], $0x2000, $0x38;
	[tilespmem:$0x1CB80] =	vst v63  }
0x5f: {  	_ =	swait.ge [sflag:s11], $0x2000  }
0x60: {  	[sflag:s11] =	ssyncset.done $0x0  }
0x61: {  	[sflag:s11] =	ssyncadd.s32 $0xFFFFE000  }
0x62: {  	[spmem:s29] =	stream.linear.scatter [tilespmem:s10], [sflag:$0x7], $0x2000, $0x38;
	[tilespmem:$0x1CB80] =	vst v63  }
0x63: {  	_ =	swait.ge [sflag:s11], $0x2000  }
0x64: {  	[sflag:s11] =	ssyncset.done $0x0  }
0x65: {  	s29 =	rddreg [dreg:$0x15];
	[sflag:s11] =	ssyncadd.s32 $0xFFFFE000  }
0x66: {  	[spmem:s29] =	stream.linear.scatter [tilespmem:s10], [sflag:$0x7], $0x2000, $0x38;
	[tilespmem:$0x1CB80] =	vst v63  }
0x67: {  	_ =	swait.ge [sflag:s11], $0x2000  }
0x68: {  	[sflag:s11] =	ssyncset.done $0x0  }
0x69: {  	s29 =	rddreg [dreg:$0x16];
	[sflag:s11] =	ssyncadd.s32 $0xFFFFE000  }
0x6a: {  	[spmem:s29] =	stream.linear.scatter [tilespmem:s10], [sflag:$0x7], $0x2000, $0x38;
	[tilespmem:$0x1CB80] =	vst v63  }
0x6b: {  	_ =	swait.ge [sflag:s11], $0x2000  }
0x6c: {  	[sflag:s11] =	ssyncset.done $0x0  }
0x6d: {  	s29 =	rddreg [dreg:$0x17];
	[sflag:s11] =	ssyncadd.s32 $0xFFFFE000  }
0x6e: {  	[spmem:s29] =	stream.linear.scatter [tilespmem:s10], [sflag:$0x7], $0x2000, $0x38;
	[tilespmem:$0x1CB80] =	vst v63  }
0x6f: {  	_ =	swait.ge [sflag:s11], $0x2000  }
0x70: {  	[sflag:s11] =	ssyncset.done $0x0  }
0x71: {  	s29 =	rddreg [dreg:$0x18];
	[sflag:s11] =	ssyncadd.s32 $0xFFFFE000  }
0x72: {  	[spmem:s29] =	stream.linear.scatter [tilespmem:s10], [sflag:$0x7], $0x2000, $0x38;
	[tilespmem:$0x1CB80] =	vst v63  }
0x73: {  	_ =	swait.ge [sflag:s11], $0x2000  }
0x74: {  	[sflag:s11] =	ssyncset.done $0x0  }
0x75: {  	s29 =	rddreg [dreg:$0x19];
	[sflag:s11] =	ssyncadd.s32 $0xFFFFE000  }
0x76: {  	[spmem:s29] =	stream.linear.scatter [tilespmem:s10], [sflag:$0x7], $0x2000, $0x38;
	[tilespmem:$0x1CB80] =	vst v63  }
0x77: {  	_ =	swait.ge [sflag:s11], $0x2000  }
0x78: {  	[sflag:s11] =	ssyncset.done $0x0  }
0x79: {  	s29 =	rddreg [dreg:$0x1a];
	[sflag:s11] =	ssyncadd.s32 $0xFFFFE000  }
0x7a: {  	[spmem:s29] =	stream.linear.scatter [tilespmem:s10], [sflag:$0x7], $0x2000, $0x38;
	[tilespmem:$0x1CB80] =	vst v63  }
0x7b: {  	_ =	swait.ge [sflag:s11], $0x2000  }
0x7c: {  	[sflag:s11] =	ssyncset.done $0x0  }
0x7d: {  	s29 =	rddreg [dreg:$0x1b];
	[sflag:s11] =	ssyncadd.s32 $0xFFFFE000  }
0x7e: {  	[spmem:s29] =	stream.linear.scatter [tilespmem:s10], [sflag:$0x7], $0x2000, $0x38;
	[tilespmem:$0x1CB80] =	vst v63  }
0x7f: {  	_ =	swait.ge [sflag:s11], $0x2000  }
0x80: {  	s15 =	sld [smem:$0x7F9]  }
0x81: {  	[sflag:s11] =	ssyncset.done $0x0  }
0x82: {  	s30 =	simm.s32 @!p0 $0x100;
	s31 =	simm.s32 @!p0 $0x7;
	[sflag:s11] =	ssyncadd.s32 $0xFFFFE000  }
0x83: {  	[spmem:s15] =	stream.linear.scatter @!p0 [tilespmem:s30], [sflag:$0x7], $0x2000, $0x38;
	[tilespmem:$0x1CB80] =	vst v63  }
0x84: {  	_ =	swait.ge @!p0 [sflag:s31], $0x2000  }
0x85: {  	s15 =	sld [smem:$0x7FA]  }
0x86: {  	[sflag:s31] =	ssyncset.done @!p0 $0x0  }
0x87: {  	[sflag:s31] =	ssyncadd.s32 @!p0 $0xFFFFE000  }
0x88: {  	[spmem:s15] =	stream.linear.scatter @!p0 [tilespmem:s30], [sflag:$0x7], $0x2000, $0x38;
	[tilespmem:$0x1CB80] =	vst v63  }
0x89: {  	_ =	swait.ge @!p0 [sflag:s31], $0x2000  }
0x8a: {  	[sflag:s31] =	ssyncset.done @!p0 $0x0  }
0x8b: {  	[sflag:s31] =	ssyncadd.s32 @!p0 $0xFFFFE000  }
0x8c: {  	[bflag:$0x0] =	sbarrier.arrive $0xFFFF  }
0x8d: {  	s29 =	sld [smem:$0x7F2];
	_ =	sdelay $0x2  }
0x8e: {  	[tilespmem:s7], [sflag:$0x1] =	stream.linear.gather [hbm4b:s29+s7], $0x40, $0x38;
	[tilespmem:$0x1CB80] =	vst v63  }
0x8f: {  	s29 =	sld [smem:$0x7F3];
	_ =	sdelay $0x2  }
0x90: {  	[tilespmem:s12], [sflag:$0x1] =	stream.linear.gather [hbm4b:s29+s7], $0x40, $0x38;
	[tilespmem:$0x1CB80] =	vst v63  }
0x91: {  	s29 =	rddreg [dreg:$0x1e]  }
0x92: {  	[tilespmem:s13], [sflag:$0x1] =	stream.linear.gather [hbm4b:s29+s7], $0x400, $0x38;
	[tilespmem:$0x1CB80] =	vst v63  }
0x93: {  	s29 =	rddreg [dreg:$0x1f]  }
0x94: {  	[tilespmem:s14], [sflag:$0x2] =	stream.linear.gather [hbm4b:s29+s7], $0x40, $0x38;
	[tilespmem:$0x1CB80] =	vst v63  }
0x95: {  	s29 =	sld [smem:$0x7F1];
	_ =	sdelay $0x2  }
0x96: {  	[tilespmem:s16], [sflag:$0x2] =	stream.linear.gather [hbm4b:s29+s7], $0x40, $0x38;
	[tilespmem:$0x1CB80] =	vst v63  }
0x97: {  	s29 =	sld [smem:$0x7FB];
	_ =	sdelay $0x2  }
0x98: {  	[tilespmem:s18], [sflag:$0x2] =	stream.linear.gather [hbm4b:s29+s7], $0x400, $0x38;
	[tilespmem:$0x1CB80] =	vst v63  }
0x99: {  	_ =	swait.ge [sflag:s19], $0x40  }
0x9a: {  	[sflag:s19] =	ssyncset.done $0x0  }
0x9b: {  	[sflag:s19] =	ssyncadd.s32 $0xFFFFFFC0  }
0x9c: {  	_ =	swait.ge [sflag:s19], $0x40  }
0x9d: {  	[sflag:s19] =	ssyncset.done $0x0  }
0x9e: {  	[sflag:s19] =	ssyncadd.s32 $0xFFFFFFC0  }
0x9f: {  	_ =	swait.ge [sflag:s19], $0x400  }
0xa0: {  	[sflag:s19] =	ssyncset.done $0x0  }
0xa1: {  	[sflag:s19] =	ssyncadd.s32 $0xFFFFFC00  }
0xa2: {  	[tilespmem:s10], [sflag:$0x3] =	stream.indirect.gather [hbm4b:s0+s4], $0x80, s7, s4, $0xb8;
	[tilespmem:$0x1CB80] =	vst v63  }
0xa3: {  	v3 =	vld [tilespmem:$0x80]  }
0xa4: {  	v4 =	vld [tilespmem:$0x90]  }
0xa5: {  	v7 =	vld [tilespmem:$0x2100]  }
0xa6: {  	v10 =	vld [tilespmem:$0x2110]  }
0xa7: {  	v12 =	vld [tilespmem:$0x2120]  }
0xa8: {  	v13 =	vld [tilespmem:$0x2130]  }
0xa9: {  	v5 =	vld [tilespmem:$0xA0]  }
0xaa: {  	v6 =	vld [tilespmem:$0xB0];
	[tilespmem:$0x2500] =	vst v7  }
0xab: {  	[tilespmem:$0x2580] =	vst v10  }
0xac: {  	v3 =	vsub.s32 v3, v0;
	[tilespmem:$0x2600] =	vst v12  }
0xad: {  	v14 =	vld [tilespmem:$0x2150];
	v4 =	vsub.s32 v4, v0;
	[tilespmem:$0x2680] =	vst v13;
	v3 =	vmin.u32 v3, $0x1400  }
0xae: {  	v15 =	vld [tilespmem:$0x2160];
	v9 =	vsub.s32 v5, v0;
	[tilespmem:$0x8A00] =	vst v3;
	v3 =	vmin.u32 v4, $0x1400  }
0xaf: {  	v16 =	vld [tilespmem:$0x2170];
	v11 =	vsub.s32 v6, v0;
	[tilespmem:$0x8A10] =	vst v3;
	v3 =	vmin.u32 v9, $0x1400  }
0xb0: {  	v17 =	vld [tilespmem:$0x2180];
	[tilespmem:$0x8A20] =	vst v3;
	v3 =	vmin.u32 v11, $0x1400  }
0xb1: {  	[tilespmem:$0x8A30] =	vst v3;
	v3 =	vld [tilespmem:$0x2140]  }
0xb2: {  	v18 =	vld [tilespmem:$0x21A0];
	[tilespmem:$0x2780] =	vst v14  }
0xb3: {  	v19 =	vld [tilespmem:$0x21B0];
	[tilespmem:$0x2800] =	vst v15  }
0xb4: {  	v20 =	vld [tilespmem:$0x21C0];
	[tilespmem:$0x2880] =	vst v16  }
0xb5: {  	v21 =	vld [tilespmem:$0x21D0];
	[tilespmem:$0x2900] =	vst v17  }
0xb6: {  	[tilespmem:$0x2700] =	vst v3;
	v3 =	vld [tilespmem:$0x2190]  }
0xb7: {  	v22 =	vld [tilespmem:$0x21F0];
	[tilespmem:$0x2A00] =	vst v18  }
0xb8: {  	v23 =	vld [tilespmem:$0x2200];
	[tilespmem:$0x2A80] =	vst v19  }
0xb9: {  	v24 =	vld [tilespmem:$0x2210];
	[tilespmem:$0x2B00] =	vst v20  }
0xba: {  	v25 =	vld [tilespmem:$0x2220];
	[tilespmem:$0x2B80] =	vst v21  }
0xbb: {  	[tilespmem:$0x2980] =	vst v3;
	v3 =	vld [tilespmem:$0x21E0]  }
0xbc: {  	v26 =	vld [tilespmem:$0x2240];
	[tilespmem:$0x2C80] =	vst v22  }
0xbd: {  	v27 =	vld [tilespmem:$0x2250];
	[tilespmem:$0x2D00] =	vst v23  }
0xbe: {  	v28 =	vld [tilespmem:$0x2260];
	[tilespmem:$0x2D80] =	vst v24  }
0xbf: {  	v29 =	vld [tilespmem:$0x2270];
	[tilespmem:$0x2E00] =	vst v25  }
0xc0: {  	[tilespmem:$0x2C00] =	vst v3;
	v3 =	vld [tilespmem:$0x2230]  }
0xc1: {  	v30 =	vld [tilespmem:$0x2290];
	[tilespmem:$0x2F00] =	vst v26  }
0xc2: {  	v31 =	vld [tilespmem:$0x22A0];
	[tilespmem:$0x2F80] =	vst v27  }
0xc3: {  	v32 =	vld [tilespmem:$0x22B0];
	[tilespmem:$0x3000] =	vst v28  }
0xc4: {  	v33 =	vld [tilespmem:$0x22C0];
	[tilespmem:$0x3080] =	vst v29  }
0xc5: {  	[tilespmem:$0x2E80] =	vst v3;
	v3 =	vld [tilespmem:$0x2280]  }
0xc6: {  	v34 =	vld [tilespmem:$0x22E0];
	[tilespmem:$0x3180] =	vst v30  }
0xc7: {  	v35 =	vld [tilespmem:$0x22F0];
	[tilespmem:$0x3200] =	vst v31  }
0xc8: {  	v36 =	vld [tilespmem:$0x2300];
	[tilespmem:$0x3280] =	vst v32  }
0xc9: {  	v37 =	vld [tilespmem:$0x2310];
	[tilespmem:$0x3300] =	vst v33  }
0xca: {  	[tilespmem:$0x3100] =	vst v3;
	v3 =	vld [tilespmem:$0x22D0]  }
0xcb: {  	v38 =	vld [tilespmem:$0x2330];
	[tilespmem:$0x3400] =	vst v34  }
0xcc: {  	v39 =	vld [tilespmem:$0x2340];
	[tilespmem:$0x3480] =	vst v35  }
0xcd: {  	v40 =	vld [tilespmem:$0x2350];
	[tilespmem:$0x3500] =	vst v36  }
0xce: {  	v41 =	vld [tilespmem:$0x2360];
	[tilespmem:$0x3580] =	vst v37  }
0xcf: {  	[tilespmem:$0x3380] =	vst v3;
	v3 =	vld [tilespmem:$0x2320]  }
0xd0: {  	v42 =	vld [tilespmem:$0x2380];
	[tilespmem:$0x3680] =	vst v38  }
0xd1: {  	v43 =	vld [tilespmem:$0x2390];
	[tilespmem:$0x3700] =	vst v39  }
0xd2: {  	v44 =	vld [tilespmem:$0x23A0];
	[tilespmem:$0x3780] =	vst v40  }
0xd3: {  	v45 =	vld [tilespmem:$0x23B0];
	[tilespmem:$0x3800] =	vst v41  }
0xd4: {  	[tilespmem:$0x3600] =	vst v3;
	v3 =	vld [tilespmem:$0x2370]  }
0xd5: {  	v46 =	vld [tilespmem:$0x23D0];
	[tilespmem:$0x3900] =	vst v42  }
0xd6: {  	v47 =	vld [tilespmem:$0x23E0];
	[tilespmem:$0x3980] =	vst v43  }
0xd7: {  	v48 =	vld [tilespmem:$0x23F0];
	[tilespmem:$0x3A00] =	vst v44  }
0xd8: {  	v49 =	vld [tilespmem:$0x2400];
	[tilespmem:$0x3A80] =	vst v45  }
0xd9: {  	[tilespmem:$0x3880] =	vst v3;
	v3 =	vld [tilespmem:$0x23C0]  }
0xda: {  	v50 =	vld [tilespmem:$0x2420];
	[tilespmem:$0x3B80] =	vst v46  }
0xdb: {  	v51 =	vld [tilespmem:$0x2430];
	[tilespmem:$0x3C00] =	vst v47  }
0xdc: {  	v52 =	vld [tilespmem:$0x2440];
	[tilespmem:$0x3C80] =	vst v48  }
0xdd: {  	v53 =	vld [tilespmem:$0x2450];
	[tilespmem:$0x3D00] =	vst v49  }
0xde: {  	[tilespmem:$0x3B00] =	vst v3;
	v3 =	vld [tilespmem:$0x2410]  }
0xdf: {  	v54 =	vld [tilespmem:$0x2470];
	[tilespmem:$0x3E00] =	vst v50  }
0xe0: {  	v55 =	vld [tilespmem:$0x2480];
	[tilespmem:$0x3E80] =	vst v51  }
0xe1: {  	v56 =	vld [tilespmem:$0x2490];
	[tilespmem:$0x3F00] =	vst v52  }
0xe2: {  	v57 =	vld [tilespmem:$0x24A0];
	[tilespmem:$0x3F80] =	vst v53  }
0xe3: {  	[tilespmem:$0x3D80] =	vst v3;
	v3 =	vld [tilespmem:$0x2460]  }
0xe4: {  	v58 =	vld [tilespmem:$0x24C0];
	[tilespmem:$0x4080] =	vst v54  }
0xe5: {  	v59 =	vld [tilespmem:$0x24D0];
	[tilespmem:$0x4100] =	vst v55  }
0xe6: {  	v60 =	vld [tilespmem:$0x24E0];
	[tilespmem:$0x4180] =	vst v56  }
0xe7: {  	v61 =	vld [tilespmem:$0x24F0];
	[tilespmem:$0x4200] =	vst v57  }
0xe8: {  	[tilespmem:$0x4000] =	vst v3;
	v3 =	vld [tilespmem:$0x24B0]  }
0xe9: {  	[tilespmem:$0x4300] =	vst v58  }
0xea: {  	[tilespmem:$0x4380] =	vst v59  }
0xeb: {  	[tilespmem:$0x4400] =	vst v60  }
0xec: {  	[tilespmem:$0x4480] =	vst v61  }
0xed: {  	[tilespmem:$0x4280] =	vst v3  }
0xee: {  	_ =	swait.ge [sflag:s8], $0x2000  }
0xef: {  	[sflag:s8] =	ssyncset.done $0x0  }
0xf0: {  	[sflag:s8] =	ssyncadd.s32 $0xFFFFE000  }
0xf1: {  	[spmem:s5] =	stream.indirect.scatter.add.f32 [tilespmem:s10], [sflag:$0x5], $0x80, s9, s4, $0xb8;
	[tilespmem:$0x1CB80] =	vst v63  }
0xf2: {  	s31 =	simm.s32 $0x2500;
	s29 =	sld [smem:$0x7F4]  }
0xf3: {  	[spmem:s17] =	stream.indirect.scatter.add.f32 [tilespmem:s31], [sflag:$0x5], $0x80, s9, s4, $0xb8;
	[tilespmem:$0x1CB80] =	vst v63  }
0xf4: {  	_ = 	snop  }
0xf5: {  	[tilespmem:s7], [sflag:$0x1] =	stream.linear.gather [hbm4b:s29+s7], $0x40, $0x38;
	[tilespmem:$0x1CB80] =	vst v63  }
0xf6: {  	s29 =	sld [smem:$0x7F5];
	_ =	sdelay $0x2  }
0xf7: {  	[tilespmem:s12], [sflag:$0x1] =	stream.linear.gather [hbm4b:s29+s7], $0x40, $0x38;
	[tilespmem:$0x1CB80] =	vst v63  }
0xf8: {  	s29 =	sld [smem:$0x7FC];
	_ =	sdelay $0x1  }
0xf9: {  	s30 =	simm.s32 $0x2  }
0xfa: {  	[tilespmem:s13], [sflag:$0x1] =	stream.linear.gather [hbm4b:s29+s7], $0x400, $0x38;
	[tilespmem:$0x1CB80] =	vst v63  }
0xfb: {  	_ =	swait.ge [sflag:s30], $0x40  }
0xfc: {  	[sflag:s30] =	ssyncset.done $0x0  }
0xfd: {  	[sflag:s30] =	ssyncadd.s32 $0xFFFFFFC0  }
0xfe: {  	_ =	swait.ge [sflag:s30], $0x40  }
0xff: {  	[sflag:s30] =	ssyncset.done $0x0  }
0x100: {  	[sflag:s30] =	ssyncadd.s32 $0xFFFFFFC0  }
0x101: {  	_ =	swait.ge [sflag:s30], $0x400  }
0x102: {  	[sflag:s30] =	ssyncset.done $0x0  }
0x103: {  	[sflag:s30] =	ssyncadd.s32 $0xFFFFFC00  }
0x104: {  	[tilespmem:s20], [sflag:$0x4] =	stream.indirect.gather [hbm4b:s0+s4], $0x80, s14, s4, $0xb8;
	[tilespmem:$0x1CB80] =	vst v63  }
0x105: {  	v3 =	vld [tilespmem:$0x4580]  }
0x106: {  	v62 =	vld [tilespmem:$0x4590]  }
0x107: {  	v10 =	vld [tilespmem:$0x6600]  }
0x108: {  	v12 =	vld [tilespmem:$0x6610]  }
0x109: {  	v14 =	vld [tilespmem:$0x6620]  }
0x10a: {  	v15 =	vld [tilespmem:$0x6630]  }
0x10b: {  	v63 =	vld [tilespmem:$0x45A0]  }
0x10c: {  	v9 =	vld [tilespmem:$0x45B0];
	[tilespmem:$0x6A00] =	vst v10  }
0x10d: {  	[tilespmem:$0x6A80] =	vst v12  }
0x10e: {  	v3 =	vsub.s32 v3, v0;
	[tilespmem:$0x6B00] =	vst v14  }
0x10f: {  	v16 =	vld [tilespmem:$0x6650];
	v4 =	vsub.s32 v62, v0;
	[tilespmem:$0x6B80] =	vst v15;
	v3 =	vmin.u32 v3, $0x1400  }
0x110: {  	v17 =	vld [tilespmem:$0x6660];
	v11 =	vsub.s32 v63, v0;
	[tilespmem:$0x8A80] =	vst v3;
	v3 =	vmin.u32 v4, $0x1400  }
0x111: {  	v18 =	vld [tilespmem:$0x6670];
	v13 =	vsub.s32 v9, v0;
	[tilespmem:$0x8A90] =	vst v3;
	v3 =	vmin.u32 v11, $0x1400  }
0x112: {  	v19 =	vld [tilespmem:$0x6680];
	[tilespmem:$0x8AA0] =	vst v3;
	v3 =	vmin.u32 v13, $0x1400  }
0x113: {  	[tilespmem:$0x8AB0] =	vst v3;
	v3 =	vld [tilespmem:$0x6640]  }
0x114: {  	v20 =	vld [tilespmem:$0x66A0];
	[tilespmem:$0x6C80] =	vst v16  }
0x115: {  	v21 =	vld [tilespmem:$0x66B0];
	[tilespmem:$0x6D00] =	vst v17  }
0x116: {  	v22 =	vld [tilespmem:$0x66C0];
	[tilespmem:$0x6D80] =	vst v18  }
0x117: {  	v23 =	vld [tilespmem:$0x66D0];
	[tilespmem:$0x6E00] =	vst v19  }
0x118: {  	[tilespmem:$0x6C00] =	vst v3;
	v3 =	vld [tilespmem:$0x6690]  }
0x119: {  	v24 =	vld [tilespmem:$0x66F0];
	[tilespmem:$0x6F00] =	vst v20  }
0x11a: {  	v25 =	vld [tilespmem:$0x6700];
	[tilespmem:$0x6F80] =	vst v21  }
0x11b: {  	v26 =	vld [tilespmem:$0x6710];
	[tilespmem:$0x7000] =	vst v22  }
0x11c: {  	v27 =	vld [tilespmem:$0x6720];
	[tilespmem:$0x7080] =	vst v23  }
0x11d: {  	[tilespmem:$0x6E80] =	vst v3;
	v3 =	vld [tilespmem:$0x66E0]  }
0x11e: {  	v28 =	vld [tilespmem:$0x6740];
	[tilespmem:$0x7180] =	vst v24  }
0x11f: {  	v29 =	vld [tilespmem:$0x6750];
	[tilespmem:$0x7200] =	vst v25  }
0x120: {  	v30 =	vld [tilespmem:$0x6760];
	[tilespmem:$0x7280] =	vst v26  }
0x121: {  	v31 =	vld [tilespmem:$0x6770];
	[tilespmem:$0x7300] =	vst v27  }
0x122: {  	[tilespmem:$0x7100] =	vst v3;
	v3 =	vld [tilespmem:$0x6730]  }
0x123: {  	v32 =	vld [tilespmem:$0x6790];
	[tilespmem:$0x7400] =	vst v28  }
0x124: {  	v33 =	vld [tilespmem:$0x67A0];
	[tilespmem:$0x7480] =	vst v29  }
0x125: {  	v34 =	vld [tilespmem:$0x67B0];
	[tilespmem:$0x7500] =	vst v30  }
0x126: {  	v35 =	vld [tilespmem:$0x67C0];
	[tilespmem:$0x7580] =	vst v31  }
0x127: {  	[tilespmem:$0x7380] =	vst v3;
	v3 =	vld [tilespmem:$0x6780]  }
0x128: {  	v36 =	vld [tilespmem:$0x67E0];
	[tilespmem:$0x7680] =	vst v32  }
0x129: {  	v37 =	vld [tilespmem:$0x67F0];
	[tilespmem:$0x7700] =	vst v33  }
0x12a: {  	v38 =	vld [tilespmem:$0x6800];
	[tilespmem:$0x7780] =	vst v34  }
0x12b: {  	v39 =	vld [tilespmem:$0x6810];
	[tilespmem:$0x7800] =	vst v35  }
0x12c: {  	[tilespmem:$0x7600] =	vst v3;
	v3 =	vld [tilespmem:$0x67D0]  }
0x12d: {  	v40 =	vld [tilespmem:$0x6830];
	[tilespmem:$0x7900] =	vst v36  }
0x12e: {  	v41 =	vld [tilespmem:$0x6840];
	[tilespmem:$0x7980] =	vst v37  }
0x12f: {  	v42 =	vld [tilespmem:$0x6850];
	[tilespmem:$0x7A00] =	vst v38  }
0x130: {  	v43 =	vld [tilespmem:$0x6860];
	[tilespmem:$0x7A80] =	vst v39  }
0x131: {  	[tilespmem:$0x7880] =	vst v3;
	v3 =	vld [tilespmem:$0x6820]  }
0x132: {  	v44 =	vld [tilespmem:$0x6880];
	[tilespmem:$0x7B80] =	vst v40  }
0x133: {  	v45 =	vld [tilespmem:$0x6890];
	[tilespmem:$0x7C00] =	vst v41  }
0x134: {  	v46 =	vld [tilespmem:$0x68A0];
	[tilespmem:$0x7C80] =	vst v42  }
0x135: {  	v47 =	vld [tilespmem:$0x68B0];
	[tilespmem:$0x7D00] =	vst v43  }
0x136: {  	[tilespmem:$0x7B00] =	vst v3;
	v3 =	vld [tilespmem:$0x6870]  }
0x137: {  	v48 =	vld [tilespmem:$0x68D0];
	[tilespmem:$0x7E00] =	vst v44  }
0x138: {  	v49 =	vld [tilespmem:$0x68E0];
	[tilespmem:$0x7E80] =	vst v45  }
0x139: {  	v50 =	vld [tilespmem:$0x68F0];
	[tilespmem:$0x7F00] =	vst v46  }
0x13a: {  	v51 =	vld [tilespmem:$0x6900];
	[tilespmem:$0x7F80] =	vst v47  }
0x13b: {  	[tilespmem:$0x7D80] =	vst v3;
	v3 =	vld [tilespmem:$0x68C0]  }
0x13c: {  	v52 =	vld [tilespmem:$0x6920];
	[tilespmem:$0x8080] =	vst v48  }
0x13d: {  	v53 =	vld [tilespmem:$0x6930];
	[tilespmem:$0x8100] =	vst v49  }
0x13e: {  	v54 =	vld [tilespmem:$0x6940];
	[tilespmem:$0x8180] =	vst v50  }
0x13f: {  	v55 =	vld [tilespmem:$0x6950];
	[tilespmem:$0x8200] =	vst v51  }
0x140: {  	[tilespmem:$0x8000] =	vst v3;
	v3 =	vld [tilespmem:$0x6910]  }
0x141: {  	v56 =	vld [tilespmem:$0x6970];
	[tilespmem:$0x8300] =	vst v52  }
0x142: {  	v57 =	vld [tilespmem:$0x6980];
	[tilespmem:$0x8380] =	vst v53  }
0x143: {  	v58 =	vld [tilespmem:$0x6990];
	[tilespmem:$0x8400] =	vst v54  }
0x144: {  	v59 =	vld [tilespmem:$0x69A0];
	[tilespmem:$0x8480] =	vst v55  }
0x145: {  	[tilespmem:$0x8280] =	vst v3;
	v3 =	vld [tilespmem:$0x6960]  }
0x146: {  	v60 =	vld [tilespmem:$0x69C0];
	[tilespmem:$0x8580] =	vst v56  }
0x147: {  	v61 =	vld [tilespmem:$0x69D0];
	[tilespmem:$0x8600] =	vst v57  }
0x148: {  	[tilespmem:$0x8680] =	vst v58;
	v62 =	vld [tilespmem:$0x69E0]  }
0x149: {  	[tilespmem:$0x8700] =	vst v59;
	v63 =	vld [tilespmem:$0x69F0]  }
0x14a: {  	[tilespmem:$0x8500] =	vst v3;
	v3 =	vld [tilespmem:$0x69B0]  }
0x14b: {  	[tilespmem:$0x8800] =	vst v60  }
0x14c: {  	[tilespmem:$0x8880] =	vst v61  }
0x14d: {  	[tilespmem:$0x8900] =	vst v62  }
0x14e: {  	[tilespmem:$0x8980] =	vst v63  }
0x14f: {  	[tilespmem:$0x8780] =	vst v3  }
0x150: {  	_ =	swait.ge [sflag:s21], $0x2000  }
0x151: {  	[sflag:s21] =	ssyncset.done $0x0  }
0x152: {  	[sflag:s21] =	ssyncadd.s32 $0xFFFFE000  }
0x153: {  	[spmem:s5] =	stream.indirect.scatter.add.f32 [tilespmem:s20], [sflag:$0x6], $0x80, s22, s4, $0xb8;
	[tilespmem:$0x1CB80] =	vst v63  }
0x154: {  	s29 =	sld [smem:$0x7F6]  }
0x155: {  	[spmem:s17] =	stream.indirect.scatter.add.f32 [tilespmem:s23], [sflag:$0x6], $0x80, s22, s4, $0xb8;
	[tilespmem:$0x1CB80] =	vst v63  }
0x156: {  	_ = 	snop  }
0x157: {  	[tilespmem:s14], [sflag:$0x2] =	stream.linear.gather [hbm4b:s29+s7], $0x40, $0x38;
	[tilespmem:$0x1CB80] =	vst v63  }
0x158: {  	s29 =	sld [smem:$0x7F7];
	_ =	sdelay $0x2  }
0x159: {  	[tilespmem:s16], [sflag:$0x2] =	stream.linear.gather [hbm4b:s29+s7], $0x40, $0x38;
	[tilespmem:$0x1CB80] =	vst v63  }
0x15a: {  	s29 =	sld [smem:$0x7FD];
	_ =	sdelay $0x2  }
0x15b: {  	[tilespmem:s18], [sflag:$0x2] =	stream.linear.gather [hbm4b:s29+s7], $0x400, $0x38;
	[tilespmem:$0x1CB80] =	vst v63  }
.LBB2_4:
0x15c: {  	_ =	swait.ge [sflag:s19], $0x40  }
0x15d: {  	[sflag:s19] =	ssyncset.done $0x0  }
0x15e: {  	[sflag:s19] =	ssyncadd.s32 $0xFFFFFFC0  }
0x15f: {  	_ =	swait.ge [sflag:s19], $0x40  }
0x160: {  	[sflag:s19] =	ssyncset.done $0x0  }
0x161: {  	[sflag:s19] =	ssyncadd.s32 $0xFFFFFFC0  }
0x162: {  	_ =	swait.ge [sflag:s19], $0x400  }
0x163: {  	[sflag:s19] =	ssyncset.done $0x0  }
0x164: {  	[sflag:s19] =	ssyncadd.s32 $0xFFFFFC00  }
0x165: {  	_ =	swait.ge [sflag:s25], $0x2000  }
0x166: {  	[sflag:s25] =	ssyncset.done $0x0  }
0x167: {  	[sflag:s25] =	ssyncadd.s32 $0xFFFFE000  }
0x168: {  	_ =	swait.ge [sflag:s25], $0x2000  }
0x169: {  	[sflag:s25] =	ssyncset.done $0x0  }
0x16a: {  	[sflag:s25] =	ssyncadd.s32 $0xFFFFE000  }
0x16b: {  	[tilespmem:s10], [sflag:$0x3] =	stream.indirect.gather [hbm4b:s0+s4], $0x80, s7, s4, $0xb8;
	[tilespmem:$0x1CB80] =	vst v63  }
0x16c: {  	v3 =	vld [tilespmem:$0x80]  }
0x16d: {  	v4 =	vld [tilespmem:$0x90]  }
0x16e: {  	v7 =	vld [tilespmem:$0x2100]  }
0x16f: {  	v10 =	vld [tilespmem:$0x2110]  }
0x170: {  	v12 =	vld [tilespmem:$0x2120]  }
0x171: {  	v13 =	vld [tilespmem:$0x2130]  }
0x172: {  	v5 =	vld [tilespmem:$0xA0]  }
0x173: {  	v6 =	vld [tilespmem:$0xB0];
	[tilespmem:$0x2500] =	vst v7  }
0x174: {  	[tilespmem:$0x2580] =	vst v10  }
0x175: {  	v3 =	vsub.s32 v3, v0;
	[tilespmem:$0x2600] =	vst v12  }
0x176: {  	v14 =	vld [tilespmem:$0x2150];
	v4 =	vsub.s32 v4, v0;
	[tilespmem:$0x2680] =	vst v13;
	v3 =	vmin.u32 v3, $0x1400  }
0x177: {  	v15 =	vld [tilespmem:$0x2160];
	v9 =	vsub.s32 v5, v0;
	[tilespmem:$0x8A00] =	vst v3;
	v3 =	vmin.u32 v4, $0x1400  }
0x178: {  	v16 =	vld [tilespmem:$0x2170];
	v11 =	vsub.s32 v6, v0;
	[tilespmem:$0x8A10] =	vst v3;
	v3 =	vmin.u32 v9, $0x1400  }
0x179: {  	v17 =	vld [tilespmem:$0x2180];
	[tilespmem:$0x8A20] =	vst v3;
	v3 =	vmin.u32 v11, $0x1400  }
0x17a: {  	[tilespmem:$0x8A30] =	vst v3;
	v3 =	vld [tilespmem:$0x2140]  }
0x17b: {  	v18 =	vld [tilespmem:$0x21A0];
	[tilespmem:$0x2780] =	vst v14  }
0x17c: {  	v19 =	vld [tilespmem:$0x21B0];
	[tilespmem:$0x2800] =	vst v15  }
0x17d: {  	v20 =	vld [tilespmem:$0x21C0];
	[tilespmem:$0x2880] =	vst v16  }
0x17e: {  	v21 =	vld [tilespmem:$0x21D0];
	[tilespmem:$0x2900] =	vst v17  }
0x17f: {  	[tilespmem:$0x2700] =	vst v3;
	v3 =	vld [tilespmem:$0x2190]  }
0x180: {  	v22 =	vld [tilespmem:$0x21F0];
	[tilespmem:$0x2A00] =	vst v18  }
0x181: {  	v23 =	vld [tilespmem:$0x2200];
	[tilespmem:$0x2A80] =	vst v19  }
0x182: {  	v24 =	vld [tilespmem:$0x2210];
	[tilespmem:$0x2B00] =	vst v20  }
0x183: {  	v25 =	vld [tilespmem:$0x2220];
	[tilespmem:$0x2B80] =	vst v21  }
0x184: {  	[tilespmem:$0x2980] =	vst v3;
	v3 =	vld [tilespmem:$0x21E0]  }
0x185: {  	v26 =	vld [tilespmem:$0x2240];
	[tilespmem:$0x2C80] =	vst v22  }
0x186: {  	v27 =	vld [tilespmem:$0x2250];
	[tilespmem:$0x2D00] =	vst v23  }
0x187: {  	v28 =	vld [tilespmem:$0x2260];
	[tilespmem:$0x2D80] =	vst v24  }
0x188: {  	v29 =	vld [tilespmem:$0x2270];
	[tilespmem:$0x2E00] =	vst v25  }
0x189: {  	[tilespmem:$0x2C00] =	vst v3;
	v3 =	vld [tilespmem:$0x2230]  }
0x18a: {  	v30 =	vld [tilespmem:$0x2290];
	[tilespmem:$0x2F00] =	vst v26  }
0x18b: {  	v31 =	vld [tilespmem:$0x22A0];
	[tilespmem:$0x2F80] =	vst v27  }
0x18c: {  	v32 =	vld [tilespmem:$0x22B0];
	[tilespmem:$0x3000] =	vst v28  }
0x18d: {  	v33 =	vld [tilespmem:$0x22C0];
	[tilespmem:$0x3080] =	vst v29  }
0x18e: {  	[tilespmem:$0x2E80] =	vst v3;
	v3 =	vld [tilespmem:$0x2280]  }
0x18f: {  	v34 =	vld [tilespmem:$0x22E0];
	[tilespmem:$0x3180] =	vst v30  }
0x190: {  	v35 =	vld [tilespmem:$0x22F0];
	[tilespmem:$0x3200] =	vst v31  }
0x191: {  	v36 =	vld [tilespmem:$0x2300];
	[tilespmem:$0x3280] =	vst v32  }
0x192: {  	v37 =	vld [tilespmem:$0x2310];
	[tilespmem:$0x3300] =	vst v33  }
0x193: {  	[tilespmem:$0x3100] =	vst v3;
	v3 =	vld [tilespmem:$0x22D0]  }
0x194: {  	v38 =	vld [tilespmem:$0x2330];
	[tilespmem:$0x3400] =	vst v34  }
0x195: {  	v39 =	vld [tilespmem:$0x2340];
	[tilespmem:$0x3480] =	vst v35  }
0x196: {  	v40 =	vld [tilespmem:$0x2350];
	[tilespmem:$0x3500] =	vst v36  }
0x197: {  	v41 =	vld [tilespmem:$0x2360];
	[tilespmem:$0x3580] =	vst v37  }
0x198: {  	[tilespmem:$0x3380] =	vst v3;
	v3 =	vld [tilespmem:$0x2320]  }
0x199: {  	v42 =	vld [tilespmem:$0x2380];
	[tilespmem:$0x3680] =	vst v38  }
0x19a: {  	v43 =	vld [tilespmem:$0x2390];
	[tilespmem:$0x3700] =	vst v39  }
0x19b: {  	v44 =	vld [tilespmem:$0x23A0];
	[tilespmem:$0x3780] =	vst v40  }
0x19c: {  	v45 =	vld [tilespmem:$0x23B0];
	[tilespmem:$0x3800] =	vst v41  }
0x19d: {  	[tilespmem:$0x3600] =	vst v3;
	v3 =	vld [tilespmem:$0x2370]  }
0x19e: {  	v46 =	vld [tilespmem:$0x23D0];
	[tilespmem:$0x3900] =	vst v42  }
0x19f: {  	v47 =	vld [tilespmem:$0x23E0];
	[tilespmem:$0x3980] =	vst v43  }
0x1a0: {  	v48 =	vld [tilespmem:$0x23F0];
	[tilespmem:$0x3A00] =	vst v44  }
0x1a1: {  	v49 =	vld [tilespmem:$0x2400];
	[tilespmem:$0x3A80] =	vst v45  }
0x1a2: {  	[tilespmem:$0x3880] =	vst v3;
	v3 =	vld [tilespmem:$0x23C0]  }
0x1a3: {  	v50 =	vld [tilespmem:$0x2420];
	[tilespmem:$0x3B80] =	vst v46  }
0x1a4: {  	v51 =	vld [tilespmem:$0x2430];
	[tilespmem:$0x3C00] =	vst v47  }
0x1a5: {  	v52 =	vld [tilespmem:$0x2440];
	[tilespmem:$0x3C80] =	vst v48  }
0x1a6: {  	v53 =	vld [tilespmem:$0x2450];
	[tilespmem:$0x3D00] =	vst v49  }
0x1a7: {  	[tilespmem:$0x3B00] =	vst v3;
	v3 =	vld [tilespmem:$0x2410]  }
0x1a8: {  	v54 =	vld [tilespmem:$0x2470];
	[tilespmem:$0x3E00] =	vst v50  }
0x1a9: {  	v55 =	vld [tilespmem:$0x2480];
	[tilespmem:$0x3E80] =	vst v51  }
0x1aa: {  	v56 =	vld [tilespmem:$0x2490];
	[tilespmem:$0x3F00] =	vst v52  }
0x1ab: {  	v57 =	vld [tilespmem:$0x24A0];
	[tilespmem:$0x3F80] =	vst v53  }
0x1ac: {  	[tilespmem:$0x3D80] =	vst v3;
	v3 =	vld [tilespmem:$0x2460]  }
0x1ad: {  	v58 =	vld [tilespmem:$0x24C0];
	[tilespmem:$0x4080] =	vst v54  }
0x1ae: {  	v59 =	vld [tilespmem:$0x24D0];
	[tilespmem:$0x4100] =	vst v55  }
0x1af: {  	v60 =	vld [tilespmem:$0x24E0];
	[tilespmem:$0x4180] =	vst v56  }
0x1b0: {  	v61 =	vld [tilespmem:$0x24F0];
	[tilespmem:$0x4200] =	vst v57  }
0x1b1: {  	[tilespmem:$0x4000] =	vst v3;
	v3 =	vld [tilespmem:$0x24B0]  }
0x1b2: {  	[tilespmem:$0x4300] =	vst v58  }
0x1b3: {  	[tilespmem:$0x4380] =	vst v59  }
0x1b4: {  	[tilespmem:$0x4400] =	vst v60  }
0x1b5: {  	[tilespmem:$0x4480] =	vst v61  }
0x1b6: {  	[tilespmem:$0x4280] =	vst v3  }
0x1b7: {  	_ =	swait.ge [sflag:s8], $0x2000  }
0x1b8: {  	[sflag:s8] =	ssyncset.done $0x0  }
0x1b9: {  	[sflag:s8] =	ssyncadd.s32 $0xFFFFE000  }
0x1ba: {  	[spmem:s5] =	stream.indirect.scatter.add.f32 [tilespmem:s10], [sflag:$0x5], $0x80, s9, s4, $0xb8;
	[tilespmem:$0x1CB80] =	vst v63  }
0x1bb: {  	_ = 	snop  }
0x1bc: {  	[spmem:s17] =	stream.indirect.scatter.add.f32 [tilespmem:s31], [sflag:$0x5], $0x80, s9, s4, $0xb8;
	[tilespmem:$0x1CB80] =	vst v63  }
0x1bd: {  	s31 =	smin.u32 s30, $0x13D  }
0x1be: {  	s31 =	sadd.s32 $0x2, s31  }
0x1bf: {  	s29 =	sshll.u32 s31, $0x6  }
0x1c0: {  	s29 =	sadd.s32 s24, s29  }
0x1c1: {  	s29 =	sshrl.u32 s29, $0x3  }
0x1c2: {  	s15 =	sadd.s32 s1, s29  }
0x1c3: {  	[tilespmem:s7], [sflag:$0x1] =	stream.linear.gather [hbm4b:s15+s7], $0x40, $0x38;
	[tilespmem:$0x1CB80] =	vst v63  }
0x1c4: {  	s29 =	sadd.s32 s2, s29  }
0x1c5: {  	[tilespmem:s12], [sflag:$0x1] =	stream.linear.gather [hbm4b:s29+s7], $0x40, $0x38;
	[tilespmem:$0x1CB80] =	vst v63  }
0x1c6: {  	s29 =	sadd.s32 s6, s31  }
0x1c7: {  	s15 =	sshll.u32 s29, $0x7  }
0x1c8: {  	s15 =	sadd.s32 s3, s15  }
0x1c9: {  	[tilespmem:s13], [sflag:$0x1] =	stream.linear.gather [hbm4b:s15+s7], $0x400, $0x38;
	[tilespmem:$0x1CB80] =	vst v63  }
0x1ca: {  	_ =	swait.ge [sflag:s26], $0x40  }
0x1cb: {  	[sflag:s26] =	ssyncset.done $0x0  }
0x1cc: {  	[sflag:s26] =	ssyncadd.s32 $0xFFFFFFC0  }
0x1cd: {  	_ =	swait.ge [sflag:s26], $0x40  }
0x1ce: {  	[sflag:s26] =	ssyncset.done $0x0  }
0x1cf: {  	[sflag:s26] =	ssyncadd.s32 $0xFFFFFFC0  }
0x1d0: {  	_ =	swait.ge [sflag:s26], $0x400  }
0x1d1: {  	[sflag:s26] =	ssyncset.done $0x0  }
0x1d2: {  	[sflag:s26] =	ssyncadd.s32 $0xFFFFFC00  }
0x1d3: {  	_ =	swait.ge [sflag:s28], $0x2000  }
0x1d4: {  	[sflag:s28] =	ssyncset.done $0x0  }
0x1d5: {  	[sflag:s28] =	ssyncadd.s32 $0xFFFFE000  }
0x1d6: {  	_ =	swait.ge [sflag:s28], $0x2000  }
0x1d7: {  	[sflag:s28] =	ssyncset.done $0x0  }
0x1d8: {  	[sflag:s28] =	ssyncadd.s32 $0xFFFFE000  }
0x1d9: {  	[tilespmem:s20], [sflag:$0x4] =	stream.indirect.gather [hbm4b:s0+s4], $0x80, s14, s4, $0xb8;
	[tilespmem:$0x1CB80] =	vst v63  }
0x1da: {  	v3 =	vld [tilespmem:$0x4580]  }
0x1db: {  	v62 =	vld [tilespmem:$0x4590]  }
0x1dc: {  	v10 =	vld [tilespmem:$0x6600]  }
0x1dd: {  	v12 =	vld [tilespmem:$0x6610]  }
0x1de: {  	v14 =	vld [tilespmem:$0x6620]  }
0x1df: {  	v15 =	vld [tilespmem:$0x6630]  }
0x1e0: {  	v63 =	vld [tilespmem:$0x45A0]  }
0x1e1: {  	v9 =	vld [tilespmem:$0x45B0];
	[tilespmem:$0x6A00] =	vst v10  }
0x1e2: {  	[tilespmem:$0x6A80] =	vst v12  }
0x1e3: {  	v3 =	vsub.s32 v3, v0;
	[tilespmem:$0x6B00] =	vst v14  }
0x1e4: {  	v16 =	vld [tilespmem:$0x6650];
	v4 =	vsub.s32 v62, v0;
	[tilespmem:$0x6B80] =	vst v15;
	v3 =	vmin.u32 v3, $0x1400  }
0x1e5: {  	v17 =	vld [tilespmem:$0x6660];
	v11 =	vsub.s32 v63, v0;
	[tilespmem:$0x8A80] =	vst v3;
	v3 =	vmin.u32 v4, $0x1400  }
0x1e6: {  	v18 =	vld [tilespmem:$0x6670];
	v13 =	vsub.s32 v9, v0;
	[tilespmem:$0x8A90] =	vst v3;
	v3 =	vmin.u32 v11, $0x1400  }
0x1e7: {  	v19 =	vld [tilespmem:$0x6680];
	[tilespmem:$0x8AA0] =	vst v3;
	v3 =	vmin.u32 v13, $0x1400  }
0x1e8: {  	[tilespmem:$0x8AB0] =	vst v3;
	v3 =	vld [tilespmem:$0x6640]  }
0x1e9: {  	v20 =	vld [tilespmem:$0x66A0];
	[tilespmem:$0x6C80] =	vst v16  }
0x1ea: {  	v21 =	vld [tilespmem:$0x66B0];
	[tilespmem:$0x6D00] =	vst v17  }
0x1eb: {  	v22 =	vld [tilespmem:$0x66C0];
	[tilespmem:$0x6D80] =	vst v18  }
0x1ec: {  	v23 =	vld [tilespmem:$0x66D0];
	[tilespmem:$0x6E00] =	vst v19  }
0x1ed: {  	[tilespmem:$0x6C00] =	vst v3;
	v3 =	vld [tilespmem:$0x6690]  }
0x1ee: {  	v24 =	vld [tilespmem:$0x66F0];
	[tilespmem:$0x6F00] =	vst v20  }
0x1ef: {  	v25 =	vld [tilespmem:$0x6700];
	[tilespmem:$0x6F80] =	vst v21  }
0x1f0: {  	v26 =	vld [tilespmem:$0x6710];
	[tilespmem:$0x7000] =	vst v22  }
0x1f1: {  	v27 =	vld [tilespmem:$0x6720];
	[tilespmem:$0x7080] =	vst v23  }
0x1f2: {  	[tilespmem:$0x6E80] =	vst v3;
	v3 =	vld [tilespmem:$0x66E0]  }
0x1f3: {  	v28 =	vld [tilespmem:$0x6740];
	[tilespmem:$0x7180] =	vst v24  }
0x1f4: {  	v29 =	vld [tilespmem:$0x6750];
	[tilespmem:$0x7200] =	vst v25  }
0x1f5: {  	v30 =	vld [tilespmem:$0x6760];
	[tilespmem:$0x7280] =	vst v26  }
0x1f6: {  	v31 =	vld [tilespmem:$0x6770];
	[tilespmem:$0x7300] =	vst v27  }
0x1f7: {  	[tilespmem:$0x7100] =	vst v3;
	v3 =	vld [tilespmem:$0x6730]  }
0x1f8: {  	v32 =	vld [tilespmem:$0x6790];
	[tilespmem:$0x7400] =	vst v28  }
0x1f9: {  	v33 =	vld [tilespmem:$0x67A0];
	[tilespmem:$0x7480] =	vst v29  }
0x1fa: {  	v34 =	vld [tilespmem:$0x67B0];
	[tilespmem:$0x7500] =	vst v30  }
0x1fb: {  	v35 =	vld [tilespmem:$0x67C0];
	[tilespmem:$0x7580] =	vst v31  }
0x1fc: {  	[tilespmem:$0x7380] =	vst v3;
	v3 =	vld [tilespmem:$0x6780]  }
0x1fd: {  	v36 =	vld [tilespmem:$0x67E0];
	[tilespmem:$0x7680] =	vst v32  }
0x1fe: {  	v37 =	vld [tilespmem:$0x67F0];
	[tilespmem:$0x7700] =	vst v33  }
0x1ff: {  	v38 =	vld [tilespmem:$0x6800];
	[tilespmem:$0x7780] =	vst v34  }
0x200: {  	v39 =	vld [tilespmem:$0x6810];
	[tilespmem:$0x7800] =	vst v35  }
0x201: {  	[tilespmem:$0x7600] =	vst v3;
	v3 =	vld [tilespmem:$0x67D0]  }
0x202: {  	v40 =	vld [tilespmem:$0x6830];
	[tilespmem:$0x7900] =	vst v36  }
0x203: {  	v41 =	vld [tilespmem:$0x6840];
	[tilespmem:$0x7980] =	vst v37  }
0x204: {  	v42 =	vld [tilespmem:$0x6850];
	[tilespmem:$0x7A00] =	vst v38  }
0x205: {  	v43 =	vld [tilespmem:$0x6860];
	[tilespmem:$0x7A80] =	vst v39  }
0x206: {  	[tilespmem:$0x7880] =	vst v3;
	v3 =	vld [tilespmem:$0x6820]  }
0x207: {  	v44 =	vld [tilespmem:$0x6880];
	[tilespmem:$0x7B80] =	vst v40  }
0x208: {  	v45 =	vld [tilespmem:$0x6890];
	[tilespmem:$0x7C00] =	vst v41  }
0x209: {  	v46 =	vld [tilespmem:$0x68A0];
	[tilespmem:$0x7C80] =	vst v42  }
0x20a: {  	v47 =	vld [tilespmem:$0x68B0];
	[tilespmem:$0x7D00] =	vst v43  }
0x20b: {  	[tilespmem:$0x7B00] =	vst v3;
	v3 =	vld [tilespmem:$0x6870]  }
0x20c: {  	v48 =	vld [tilespmem:$0x68D0];
	[tilespmem:$0x7E00] =	vst v44  }
0x20d: {  	v49 =	vld [tilespmem:$0x68E0];
	[tilespmem:$0x7E80] =	vst v45  }
0x20e: {  	v50 =	vld [tilespmem:$0x68F0];
	[tilespmem:$0x7F00] =	vst v46  }
0x20f: {  	v51 =	vld [tilespmem:$0x6900];
	[tilespmem:$0x7F80] =	vst v47  }
0x210: {  	[tilespmem:$0x7D80] =	vst v3;
	v3 =	vld [tilespmem:$0x68C0]  }
0x211: {  	v52 =	vld [tilespmem:$0x6920];
	[tilespmem:$0x8080] =	vst v48  }
0x212: {  	v53 =	vld [tilespmem:$0x6930];
	[tilespmem:$0x8100] =	vst v49  }
0x213: {  	v54 =	vld [tilespmem:$0x6940];
	[tilespmem:$0x8180] =	vst v50  }
0x214: {  	v55 =	vld [tilespmem:$0x6950];
	[tilespmem:$0x8200] =	vst v51  }
0x215: {  	[tilespmem:$0x8000] =	vst v3;
	v3 =	vld [tilespmem:$0x6910]  }
0x216: {  	v56 =	vld [tilespmem:$0x6970];
	[tilespmem:$0x8300] =	vst v52  }
0x217: {  	v57 =	vld [tilespmem:$0x6980];
	[tilespmem:$0x8380] =	vst v53  }
0x218: {  	v58 =	vld [tilespmem:$0x6990];
	[tilespmem:$0x8400] =	vst v54  }
0x219: {  	v59 =	vld [tilespmem:$0x69A0];
	[tilespmem:$0x8480] =	vst v55  }
0x21a: {  	[tilespmem:$0x8280] =	vst v3;
	v3 =	vld [tilespmem:$0x6960]  }
0x21b: {  	v60 =	vld [tilespmem:$0x69C0];
	[tilespmem:$0x8580] =	vst v56  }
0x21c: {  	v61 =	vld [tilespmem:$0x69D0];
	[tilespmem:$0x8600] =	vst v57  }
0x21d: {  	[tilespmem:$0x8680] =	vst v58;
	v62 =	vld [tilespmem:$0x69E0]  }
0x21e: {  	[tilespmem:$0x8700] =	vst v59;
	v63 =	vld [tilespmem:$0x69F0]  }
0x21f: {  	[tilespmem:$0x8500] =	vst v3;
	v3 =	vld [tilespmem:$0x69B0]  }
0x220: {  	[tilespmem:$0x8800] =	vst v60  }
0x221: {  	[tilespmem:$0x8880] =	vst v61  }
0x222: {  	[tilespmem:$0x8900] =	vst v62  }
0x223: {  	[tilespmem:$0x8980] =	vst v63  }
0x224: {  	s29 =	smin.u32 s30, $0x13C;
	[tilespmem:$0x8780] =	vst v3  }
0x225: {  	s15 =	sadd.s32 $0x3, s29;
	_ =	swait.ge [sflag:s21], $0x2000  }
0x226: {  	s29 =	sshll.u32 s15, $0x6;
	[sflag:s21] =	ssyncset.done $0x0  }
0x227: {  	s29 =	sadd.s32 s24, s29;
	[sflag:s21] =	ssyncadd.s32 $0xFFFFE000  }
0x228: {  	[spmem:s5] =	stream.indirect.scatter.add.f32 [tilespmem:s20], [sflag:$0x6], $0x80, s22, s4, $0xb8;
	[tilespmem:$0x1CB80] =	vst v63  }
0x229: {  	s29 =	sshrl.u32 s29, $0x3  }
0x22a: {  	[spmem:s17] =	stream.indirect.scatter.add.f32 [tilespmem:s23], [sflag:$0x6], $0x80, s22, s4, $0xb8;
	[tilespmem:$0x1CB80] =	vst v63  }
0x22b: {  	p1 =	sne.s32 s30, $0x13E;
	s31 =	sadd.s32 s1, s29  }
0x22c: {  	[tilespmem:s14], [sflag:$0x2] =	stream.linear.gather [hbm4b:s31+s7], $0x40, $0x38;
	[tilespmem:$0x1CB80] =	vst v63  }
.Ltmp1:
0x22d: {  	s15 =	sadd.s32 s6, s15;
	(pc) =	sbr.rel @p1 .LBB2_4-.Ltmp1, $4  }
0x22e: {  	s15 =	sshll.u32 s15, $0x7;
	s29 =	sadd.s32 s2, s29  }
0x22f: {  	[tilespmem:s16], [sflag:$0x2] =	stream.linear.gather [hbm4b:s29+s7], $0x40, $0x38;
	[tilespmem:$0x1CB80] =	vst v63  }
0x230: {  	s30 =	sadd.s32 $0x2, s30;
	s15 =	sadd.s32 s3, s15;
	s31 =	simm.s32 $0x2500  }
0x231: {  	[tilespmem:s18], [sflag:$0x2] =	stream.linear.gather [hbm4b:s15+s7], $0x400, $0x38;
	[tilespmem:$0x1CB80] =	vst v63  }
0x232: {  	_ =	swait.ge [sflag:s25], $0x2000  }
0x233: {  	[sflag:s25] =	ssyncset.done $0x0  }
0x234: {  	[sflag:s25] =	ssyncadd.s32 $0xFFFFE000  }
0x235: {  	_ =	swait.ge [sflag:s25], $0x2000  }
0x236: {  	[sflag:s25] =	ssyncset.done $0x0  }
0x237: {  	[sflag:s25] =	ssyncadd.s32 $0xFFFFE000  }
0x238: {  	_ =	swait.ge [sflag:s19], $0x40  }
0x239: {  	[sflag:s19] =	ssyncset.done $0x0  }
0x23a: {  	[sflag:s19] =	ssyncadd.s32 $0xFFFFFFC0  }
0x23b: {  	_ =	swait.ge [sflag:s19], $0x40  }
0x23c: {  	[sflag:s19] =	ssyncset.done $0x0  }
0x23d: {  	[sflag:s19] =	ssyncadd.s32 $0xFFFFFFC0  }
0x23e: {  	_ =	swait.ge [sflag:s19], $0x400  }
0x23f: {  	[sflag:s19] =	ssyncset.done $0x0  }
0x240: {  	[sflag:s19] =	ssyncadd.s32 $0xFFFFFC00  }
0x241: {  	_ =	swait.ge [sflag:s28], $0x2000  }
0x242: {  	[sflag:s28] =	ssyncset.done $0x0  }
0x243: {  	[sflag:s28] =	ssyncadd.s32 $0xFFFFE000  }
0x244: {  	_ =	swait.ge [sflag:s28], $0x2000  }
0x245: {  	[sflag:s28] =	ssyncset.done $0x0  }
0x246: {  	[sflag:s28] =	ssyncadd.s32 $0xFFFFE000  }
0x247: {  	_ =	swait.ge [sflag:s26], $0x40  }
0x248: {  	[sflag:s26] =	ssyncset.done $0x0  }
0x249: {  	[sflag:s26] =	ssyncadd.s32 $0xFFFFFFC0  }
0x24a: {  	_ =	swait.ge [sflag:s26], $0x40  }
0x24b: {  	[sflag:s26] =	ssyncset.done $0x0  }
0x24c: {  	[sflag:s26] =	ssyncadd.s32 $0xFFFFFFC0  }
0x24d: {  	_ =	swait.ge [sflag:s26], $0x400  }
0x24e: {  	[sflag:s26] =	ssyncset.done $0x0  }
0x24f: {  	[sflag:s26] =	ssyncadd.s32 $0xFFFFFC00  }
0x250: {  	[bflag:$0x0] =	sbarrier.arrive $0xFFFF  }
0x251: {  	s15 =	rddreg [dreg:$0x1c]  }
0x252: {  	[tilespmem:s10], [sflag:$0x7] =	stream.linear.gather [spmem:s15], $0x2000, $0x38;
	[tilespmem:$0x1CB80] =	vst v63  }
0x253: {  	_ =	swait.ge [sflag:s11], $0x2000  }
0x254: {  	[sflag:s11] =	ssyncset.done $0x0  }
0x255: {  	s31 =	rddreg [dreg:$0xa];
	[sflag:s11] =	ssyncadd.s32 $0xFFFFE000  }
0x256: {  	[hbm4b:s31+s7] =	stream.linear.scatter [tilespmem:s10], [sflag:$0x7], $0x2000, $0x38;
	[tilespmem:$0x1CB80] =	vst v63  }
0x257: {  	_ =	swait.ge [sflag:s11], $0x2000  }
0x258: {  	[sflag:s11] =	ssyncset.done $0x0  }
0x259: {  	s31 =	rddreg [dreg:$0x1d];
	[sflag:s11] =	ssyncadd.s32 $0xFFFFE000  }
0x25a: {  	[tilespmem:s10], [sflag:$0x7] =	stream.linear.gather [spmem:s31], $0x2000, $0x38;
	[tilespmem:$0x1CB80] =	vst v63  }
0x25b: {  	_ =	swait.ge [sflag:s11], $0x2000  }
0x25c: {  	[sflag:s11] =	ssyncset.done $0x0  }
0x25d: {  	s31 =	rddreg [dreg:$0xb];
	[sflag:s11] =	ssyncadd.s32 $0xFFFFE000  }
0x25e: {  	[hbm4b:s31+s7] =	stream.linear.scatter [tilespmem:s10], [sflag:$0x7], $0x2000, $0x38;
	[tilespmem:$0x1CB80] =	vst v63  }
0x25f: {  	_ =	swait.ge [sflag:s11], $0x2000  }
0x260: {  	[sflag:s11] =	ssyncset.done $0x0  }
0x261: {  	s29 =	rddreg [dreg:$0x14];
	[sflag:s11] =	ssyncadd.s32 $0xFFFFE000  }
0x262: {  	[tilespmem:s10], [sflag:$0x7] =	stream.linear.gather [spmem:s29], $0x2000, $0x38;
	[tilespmem:$0x1CB80] =	vst v63  }
0x263: {  	_ =	swait.ge [sflag:s11], $0x2000  }
0x264: {  	[sflag:s11] =	ssyncset.done $0x0  }
0x265: {  	s31 =	rddreg [dreg:$0xc];
	[sflag:s11] =	ssyncadd.s32 $0xFFFFE000  }
0x266: {  	[hbm4b:s31+s7] =	stream.linear.scatter [tilespmem:s10], [sflag:$0x7], $0x2000, $0x38;
	[tilespmem:$0x1CB80] =	vst v63  }
0x267: {  	_ =	swait.ge [sflag:s11], $0x2000  }
0x268: {  	[sflag:s11] =	ssyncset.done $0x0  }
0x269: {  	s31 =	rddreg [dreg:$0x15];
	[sflag:s11] =	ssyncadd.s32 $0xFFFFE000  }
0x26a: {  	[tilespmem:s10], [sflag:$0x7] =	stream.linear.gather [spmem:s31], $0x2000, $0x38;
	[tilespmem:$0x1CB80] =	vst v63  }
0x26b: {  	_ =	swait.ge [sflag:s11], $0x2000  }
0x26c: {  	[sflag:s11] =	ssyncset.done $0x0  }
0x26d: {  	s31 =	rddreg [dreg:$0xd];
	[sflag:s11] =	ssyncadd.s32 $0xFFFFE000  }
0x26e: {  	[hbm4b:s31+s7] =	stream.linear.scatter [tilespmem:s10], [sflag:$0x7], $0x2000, $0x38;
	[tilespmem:$0x1CB80] =	vst v63  }
0x26f: {  	_ =	swait.ge [sflag:s11], $0x2000  }
0x270: {  	[sflag:s11] =	ssyncset.done $0x0  }
0x271: {  	s31 =	rddreg [dreg:$0x16];
	[sflag:s11] =	ssyncadd.s32 $0xFFFFE000  }
0x272: {  	[tilespmem:s10], [sflag:$0x7] =	stream.linear.gather [spmem:s31], $0x2000, $0x38;
	[tilespmem:$0x1CB80] =	vst v63  }
0x273: {  	_ =	swait.ge [sflag:s11], $0x2000  }
0x274: {  	[sflag:s11] =	ssyncset.done $0x0  }
0x275: {  	s31 =	rddreg [dreg:$0xe];
	[sflag:s11] =	ssyncadd.s32 $0xFFFFE000  }
0x276: {  	[hbm4b:s31+s7] =	stream.linear.scatter [tilespmem:s10], [sflag:$0x7], $0x2000, $0x38;
	[tilespmem:$0x1CB80] =	vst v63  }
0x277: {  	_ =	swait.ge [sflag:s11], $0x2000  }
0x278: {  	[sflag:s11] =	ssyncset.done $0x0  }
0x279: {  	s31 =	rddreg [dreg:$0x17];
	[sflag:s11] =	ssyncadd.s32 $0xFFFFE000  }
0x27a: {  	[tilespmem:s10], [sflag:$0x7] =	stream.linear.gather [spmem:s31], $0x2000, $0x38;
	[tilespmem:$0x1CB80] =	vst v63  }
0x27b: {  	_ =	swait.ge [sflag:s11], $0x2000  }
0x27c: {  	[sflag:s11] =	ssyncset.done $0x0  }
0x27d: {  	s31 =	rddreg [dreg:$0xf];
	[sflag:s11] =	ssyncadd.s32 $0xFFFFE000  }
0x27e: {  	[hbm4b:s31+s7] =	stream.linear.scatter [tilespmem:s10], [sflag:$0x7], $0x2000, $0x38;
	[tilespmem:$0x1CB80] =	vst v63  }
0x27f: {  	_ =	swait.ge [sflag:s11], $0x2000  }
0x280: {  	[sflag:s11] =	ssyncset.done $0x0  }
0x281: {  	s31 =	rddreg [dreg:$0x18];
	[sflag:s11] =	ssyncadd.s32 $0xFFFFE000  }
0x282: {  	[tilespmem:s10], [sflag:$0x7] =	stream.linear.gather [spmem:s31], $0x2000, $0x38;
	[tilespmem:$0x1CB80] =	vst v63  }
0x283: {  	_ =	swait.ge [sflag:s11], $0x2000  }
0x284: {  	[sflag:s11] =	ssyncset.done $0x0  }
0x285: {  	s31 =	rddreg [dreg:$0x10];
	[sflag:s11] =	ssyncadd.s32 $0xFFFFE000  }
0x286: {  	[hbm4b:s31+s7] =	stream.linear.scatter [tilespmem:s10], [sflag:$0x7], $0x2000, $0x38;
	[tilespmem:$0x1CB80] =	vst v63  }
0x287: {  	_ =	swait.ge [sflag:s11], $0x2000  }
0x288: {  	[sflag:s11] =	ssyncset.done $0x0  }
0x289: {  	s31 =	rddreg [dreg:$0x19];
	[sflag:s11] =	ssyncadd.s32 $0xFFFFE000  }
0x28a: {  	[tilespmem:s10], [sflag:$0x7] =	stream.linear.gather [spmem:s31], $0x2000, $0x38;
	[tilespmem:$0x1CB80] =	vst v63  }
0x28b: {  	_ =	swait.ge [sflag:s11], $0x2000  }
0x28c: {  	[sflag:s11] =	ssyncset.done $0x0  }
0x28d: {  	s31 =	rddreg [dreg:$0x11];
	[sflag:s11] =	ssyncadd.s32 $0xFFFFE000  }
0x28e: {  	[hbm4b:s31+s7] =	stream.linear.scatter [tilespmem:s10], [sflag:$0x7], $0x2000, $0x38;
	[tilespmem:$0x1CB80] =	vst v63  }
0x28f: {  	_ =	swait.ge [sflag:s11], $0x2000  }
0x290: {  	[sflag:s11] =	ssyncset.done $0x0  }
0x291: {  	s31 =	rddreg [dreg:$0x1a];
	[sflag:s11] =	ssyncadd.s32 $0xFFFFE000  }
0x292: {  	[tilespmem:s10], [sflag:$0x7] =	stream.linear.gather [spmem:s31], $0x2000, $0x38;
	[tilespmem:$0x1CB80] =	vst v63  }
0x293: {  	_ =	swait.ge [sflag:s11], $0x2000  }
0x294: {  	[sflag:s11] =	ssyncset.done $0x0  }
0x295: {  	s31 =	rddreg [dreg:$0x12];
	[sflag:s11] =	ssyncadd.s32 $0xFFFFE000  }
0x296: {  	[hbm4b:s31+s7] =	stream.linear.scatter [tilespmem:s10], [sflag:$0x7], $0x2000, $0x38;
	[tilespmem:$0x1CB80] =	vst v63  }
0x297: {  	_ =	swait.ge [sflag:s11], $0x2000  }
0x298: {  	[sflag:s11] =	ssyncset.done $0x0  }
0x299: {  	s31 =	rddreg [dreg:$0x1b];
	[sflag:s11] =	ssyncadd.s32 $0xFFFFE000  }
0x29a: {  	[tilespmem:s10], [sflag:$0x7] =	stream.linear.gather [spmem:s31], $0x2000, $0x38;
	[tilespmem:$0x1CB80] =	vst v63  }
0x29b: {  	_ =	swait.ge [sflag:s11], $0x2000  }
0x29c: {  	[sflag:s11] =	ssyncset.done $0x0  }
0x29d: {  	s31 =	rddreg [dreg:$0x13];
	[sflag:s11] =	ssyncadd.s32 $0xFFFFE000  }
0x29e: {  	[hbm4b:s31+s7] =	stream.linear.scatter [tilespmem:s10], [sflag:$0x7], $0x2000, $0x38;
	[tilespmem:$0x1CB80] =	vst v63  }
0x29f: {  	_ =	swait.ge [sflag:s11], $0x2000  }
0x2a0: {  	s30 =	sld [smem:$0x7F0]  }
0x2a1: {  	s31 =	sld [smem:$0x7F8];
	_ =	sdelay $0x1  }
0x2a2: {  	s30 =	sadd.s32 $0x1, s30  }
0x2a3: {  	p1 =	sne.s32 s30, s31  }
.Ltmp2:
0x2a4: {  	_ = 	snop;
	(pc) =	sbr.rel @p1 .LBB2_1-.Ltmp2, $3  }
0x2a5: {  	_ =	sdelay $0x1  }
0x2a6: {  	[sflag:s11] =	ssyncset.done $0x0  }
0x2a7: {  	[sflag:s11] =	ssyncadd.s32 $0xFFFFE000  }
0x2a8: {  	_ =	sfence.sel $0x180000  }
0x2a9: {  	[bflag:$0x0] =	sbarrier.arrive $0xFFFF  }
0x2aa: {  	_ =	strace $0x90000047  }
0x2ab: {  	[bflag:$0x2] =	sbarrier.arrive $0xFFFF  }
0x2ac: {  	s0 =	rddreg [dreg:$0x9]  }
0x2ad: {  	s0 =	sadd.s32 @!p0 $0x100000, s0  }
0x2ae: {  	[sflag:s0] =	ssyncadd.tile.s32 @!p0 $0x1;
	_ =	shalt  }
.Lfunc_end2:
_tile_overlayer_lowered:
.L_overlay_start_2:
0x2af: {  	(tag) =	ssettag $0x2  }
0x2b0: {  	s0 =	rddreg [dreg:$0x0];
	s2 =	stileid.u32  }
0x2b1: {  	s1 =	rddreg [dreg:$0x1];
	p0 =	sne.s32 s2, $0x0  }
0x2b2: {  	s3 =	rddreg [dreg:$0x2];
	[bflag:$0x3] =	sbarrier.arrive $0xFFFF;
	s2 =	simm.s32 @!p0 $0x1C07  }
0x2b3: {  	[timem:s3], [sflag:s2] =	dma.local @!p0 [hbm:s0], s1  }
0x2b4: {  	s0 =	simm.s32 @!p0 $0x7  }
0x2b5: {  	_ =	swait.ge @!p0 [sflag:s0], s1  }
0x2b6: {  	s1 =	ssub.s32 @!p0 $0x0, s1;
	[sflag:s0] =	ssyncset.done @!p0 $0x0  }
0x2b7: {  	[sflag:s0] =	ssyncadd.s32 @!p0 s1  }
0x2b8: {  	[bflag:$0x3] =	sbarrier.arrive $0xFFFF  }
0x2b9: {  	_ =	shalt  }

</sc_bundles>
